<compile_context>
chip_gen: v7x
topology: tpu7x:2x2x1
jax: 0.10.2.dev20260603
libtpu: 0.0.44.dev20260713+nightly
codegen_flags: <defaults>
</compile_context>

<pallas_src>
import functools

import jax
import jax.numpy as jnp
from jax import lax
from jax.experimental import pallas as pl
from jax.experimental.pallas import tpu as pltpu
from jax.experimental.pallas import tpu_sc as plsc

N_NODES = 10000
N_EDGES = 320000
DIM = 128
N_GRAPHS = 256

NC = 2
NS = 16
NW = NC * NS

NPAD = 10240
EPAD = 327680
EB = EPAD // 128
EB64 = EPAD // 64
CW = EB // NW
CW64 = EB64 // NW
TROWS = NPAD // NS

BR = 512
NB = NPAD // BR
CB = BR // 128

_mesh = plsc.VectorSubcoreMesh(core_axis_name="c", subcore_axis_name="s",
                               num_cores=NC, num_subcores=NS)



CW2 = EB // NS


@functools.partial(
    pl.kernel,
    out_type=jax.ShapeDtypeStruct((2, NPAD, 128), jnp.float32),
    mesh=_mesh,
    scratch_types=[
        pltpu.VMEM((CW2, 128), jnp.int32),
        pltpu.VMEM((128, 128), jnp.float32),
        pltpu.VMEM_SHARED((NPAD, 128), jnp.float32),
        pltpu.SemaphoreType.DMA,
    ],
)
def _sc_degrees(idx_hbm, ones_hbm, zeros_hbm, out_hbm,
                idx_v, ones_v, deg_sh, dsem):
    c = lax.axis_index("c")
    s = lax.axis_index("s")
    pltpu.sync_copy(zeros_hbm.at[pl.ds(s * TROWS, TROWS)],
                    deg_sh.at[pl.ds(s * TROWS, TROWS)])
    pltpu.sync_copy(ones_hbm, ones_v)
    pltpu.sync_copy(idx_hbm.at[c, pl.ds(s * CW2, CW2)], idx_v)
    plsc.subcore_barrier()

    @pl.loop(0, CW2, step=8)
    def _wave(j):
        for i in range(8):
            pltpu.async_copy(ones_v, deg_sh.at[idx_v.at[j + i]], dsem,
                             add=True)
        for i in range(8):
            pltpu.make_async_copy(ones_v, deg_sh.at[idx_v.at[j + i]],
                                  dsem).wait()

    plsc.subcore_barrier()
    pltpu.sync_copy(deg_sh.at[pl.ds(s * TROWS, TROWS)],
                    out_hbm.at[c, pl.ds(s * TROWS, TROWS)])


R0 = 120
R1 = 160 - R0
RMAX = max(R0, R1)


@functools.partial(
    pl.kernel,
    out_type=jax.ShapeDtypeStruct((NC, NPAD, DIM), jnp.float32),
    mesh=_mesh,
    scratch_types=[
        pltpu.VMEM((RMAX, 128), jnp.int32),
        pltpu.VMEM((RMAX, 128), jnp.int32),
        pltpu.VMEM((64, DIM), jnp.float32),
        pltpu.VMEM((64, DIM), jnp.float32),
        pltpu.VMEM_SHARED((NPAD, DIM), jnp.float32),
        pltpu.SemaphoreType.DMA,
        pltpu.SemaphoreType.DMA,
        pltpu.SemaphoreType.DMA,
        pltpu.SemaphoreType.DMA,
    ],
)
def _sc_scatter(m_hbm, src_hbm, dst_hbm, zeros_hbm, out_hbm,
                src_v, dst_v, r0, r1, agg_sh, g0, g1, s0, s1):
    rows = (r0, r1)
    gsem = (g0, g1)
    ssem = (s0, s1)
    c = lax.axis_index("c")
    s = lax.axis_index("s")
    pltpu.sync_copy(zeros_hbm.at[pl.ds(s * TROWS, TROWS)],
                    agg_sh.at[pl.ds(s * TROWS, TROWS)])

    def _run(base_rows, nrows):
        n64 = 2 * nrows
        pltpu.sync_copy(src_hbm.at[pl.ds(base_rows, nrows)],
                        src_v.at[pl.ds(0, nrows)])
        pltpu.sync_copy(dst_hbm.at[pl.ds(base_rows, nrows)],
                        dst_v.at[pl.ds(0, nrows)])

        def _sidx(k, b):
            return src_v.at[k // 2, pl.ds(b * 64, 64)]

        def _didx(k, b):
            return dst_v.at[k // 2, pl.ds(b * 64, 64)]

        pltpu.async_copy(m_hbm.at[_sidx(0, 0)], rows[0], gsem[0])

        @pl.loop(0, n64, step=2)
        def _blk(j):
            for b in range(2):
                k = j + b
                o = b ^ 1

                @pl.when(k >= 1)
                def _free_other():
                    pltpu.make_async_copy(
                        rows[o], agg_sh.at[_didx(k - 1, o)], ssem[o]).wait()

                @pl.when(k + 1 < n64)
                def _gather_next():
                    pltpu.async_copy(m_hbm.at[_sidx(k + 1, o)], rows[o],
                                     gsem[o])

                pltpu.make_async_copy(m_hbm.at[_sidx(k, b)], rows[b],
                                      gsem[b]).wait()
                pltpu.async_copy(rows[b], agg_sh.at[_didx(k, b)], ssem[b],
                                 add=True)

        pltpu.make_async_copy(rows[1], agg_sh.at[_didx(n64 - 1, 1)],
                              ssem[1]).wait()

    @pl.when(c == 0)
    def _core0():
        _run(s * R0, R0)

    @pl.when(c == 1)
    def _core1():
        _run(16 * R0 + s * R1, R1)

    plsc.subcore_barrier()
    pltpu.sync_copy(agg_sh.at[pl.ds(s * TROWS, TROWS)],
                    out_hbm.at[c, pl.ds(s * TROWS, TROWS)])



def _embed_body(degp_ref, x_ref, wi_ref, w1_ref,
                h0_ref, m1_ref, on_ref, in_ref):
    do = jnp.maximum(degp_ref[0, :, 0:16], 1.0)
    di = jnp.maximum(degp_ref[1, :, 0:16], 1.0)
    onb = lax.rsqrt(do)
    on_ref[...] = onb
    in_ref[...] = lax.rsqrt(di)
    h0 = jnp.dot(x_ref[...], wi_ref[...], preferred_element_type=jnp.float32)
    h0_ref[...] = h0
    m1_ref[...] = jnp.dot(h0 * onb[:, 0:1], w1_ref[...],
                          preferred_element_type=jnp.float32)


def _tc_embed(degp, x_pad, w_init, w1):
    return pl.pallas_call(
        _embed_body,
        grid=(NB,),
        in_specs=[
            pl.BlockSpec((2, BR, 128), lambda j: (0, j, 0)),
            pl.BlockSpec((BR, DIM), lambda j: (j, 0)),
            pl.BlockSpec((DIM, DIM), lambda j: (0, 0)),
            pl.BlockSpec((DIM, DIM), lambda j: (0, 0)),
        ],
        out_specs=[
            pl.BlockSpec((BR, DIM), lambda j: (j, 0)),
            pl.BlockSpec((BR, DIM), lambda j: (j, 0)),
            pl.BlockSpec((BR, 16), lambda j: (j, 0)),
            pl.BlockSpec((BR, 16), lambda j: (j, 0)),
        ],
        out_shape=[
            jax.ShapeDtypeStruct((NPAD, DIM), jnp.float32),
            jax.ShapeDtypeStruct((NPAD, DIM), jnp.float32),
            jax.ShapeDtypeStruct((NPAD, 16), jnp.float32),
            jax.ShapeDtypeStruct((NPAD, 16), jnp.float32),
        ],
    )(degp, x_pad, w_init, w1)


def _layer_body(p_ref, in_ref, b_ref, h_ref, wr_ref, br_ref, on_ref, w_ref,
                hout_ref, mout_ref):
    agg = p_ref[0] + p_ref[1]
    new = jnp.maximum(agg * in_ref[:, 0:1] + b_ref[...], 0.0)
    res = jnp.maximum(
        jnp.dot(h_ref[...], wr_ref[...], preferred_element_type=jnp.float32)
        + br_ref[...], 0.0)
    h = new + res
    hout_ref[...] = h
    mout_ref[...] = jnp.dot(h * on_ref[:, 0:1], w_ref[...],
                            preferred_element_type=jnp.float32)


def _tc_layer(aggp, inorm, b, h_prev, wr, br, onorm, w_next):
    return pl.pallas_call(
        _layer_body,
        grid=(NB,),
        in_specs=[
            pl.BlockSpec((NC, BR, DIM), lambda j: (0, j, 0)),
            pl.BlockSpec((BR, 16), lambda j: (j, 0)),
            pl.BlockSpec((1, DIM), lambda j: (0, 0)),
            pl.BlockSpec((BR, DIM), lambda j: (j, 0)),
            pl.BlockSpec((DIM, DIM), lambda j: (0, 0)),
            pl.BlockSpec((1, DIM), lambda j: (0, 0)),
            pl.BlockSpec((BR, 16), lambda j: (j, 0)),
            pl.BlockSpec((DIM, DIM), lambda j: (0, 0)),
        ],
        out_specs=[
            pl.BlockSpec((BR, DIM), lambda j: (j, 0)),
            pl.BlockSpec((BR, DIM), lambda j: (j, 0)),
        ],
        out_shape=[
            jax.ShapeDtypeStruct((NPAD, DIM), jnp.float32),
            jax.ShapeDtypeStruct((NPAD, DIM), jnp.float32),
        ],
    )(aggp, inorm, b, h_prev, wr, br, onorm, w_next)


def _final_body(p_ref, in_ref, b_ref, h_ref, wr_ref, br_ref, gid_ref,
                out_ref, acc_ref, cnt_ref):
    j = pl.program_id(0)

    @pl.when(j == 0)
    def _init():
        acc_ref[...] = jnp.zeros_like(acc_ref)
        cnt_ref[...] = jnp.zeros_like(cnt_ref)

    agg = p_ref[0] + p_ref[1]
    new = jnp.maximum(agg * in_ref[:, 0:1] + b_ref[...], 0.0)
    res = jnp.maximum(
        jnp.dot(h_ref[...], wr_ref[...], preferred_element_type=jnp.float32)
        + br_ref[...], 0.0)
    h = new + res
    gids = gid_ref[:, 0:1]
    oh = (gids == lax.broadcasted_iota(jnp.int32, (BR, N_GRAPHS), 1)
          ).astype(jnp.float32)
    acc_ref[...] += lax.dot_general(
        oh, h, (((0,), (0,)), ((), ())),
        precision=lax.Precision.HIGHEST,
        preferred_element_type=jnp.float32)
    cnt_ref[...] += lax.dot_general(
        oh, jnp.ones((BR, DIM), jnp.float32), (((0,), (0,)), ((), ())),
        precision=lax.Precision.HIGHEST,
        preferred_element_type=jnp.float32)

    @pl.when(j == NB - 1)
    def _fin():
        out_ref[...] = acc_ref[...] / jnp.maximum(cnt_ref[...], 1.0)


def _tc_final(aggp, inorm, b, h_prev, wr, br, gid2):
    return pl.pallas_call(
        _final_body,
        grid=(NB,),
        in_specs=[
            pl.BlockSpec((NC, BR, DIM), lambda j: (0, j, 0)),
            pl.BlockSpec((BR, 16), lambda j: (j, 0)),
            pl.BlockSpec((1, DIM), lambda j: (0, 0)),
            pl.BlockSpec((BR, DIM), lambda j: (j, 0)),
            pl.BlockSpec((DIM, DIM), lambda j: (0, 0)),
            pl.BlockSpec((1, DIM), lambda j: (0, 0)),
            pl.BlockSpec((BR, 16), lambda j: (j, 0)),
        ],
        out_specs=pl.BlockSpec((N_GRAPHS, DIM), lambda j: (0, 0)),
        out_shape=jax.ShapeDtypeStruct((N_GRAPHS, DIM), jnp.float32),
        scratch_shapes=[
            pltpu.VMEM((N_GRAPHS, DIM), jnp.float32),
            pltpu.VMEM((N_GRAPHS, DIM), jnp.float32),
        ],
        compiler_params=pltpu.CompilerParams(
            dimension_semantics=("arbitrary",)),
    )(aggp, inorm, b, h_prev, wr, br, gid2)



def kernel(x, edge_index, graph_ids, W_init,
           W1, b1, Wr1, br1, W2, b2, Wr2, br2, W3, b3, Wr3, br3):
    src = edge_index[0]
    dst = edge_index[1]
    pad_e = jnp.full((EPAD - N_EDGES,), NPAD - 1, jnp.int32)
    src_pad = jnp.concatenate([src, pad_e])
    dst_pad = jnp.concatenate([dst, pad_e])
    src2d = src_pad.reshape(EB, 128)
    dst2d = dst_pad.reshape(EB, 128)
    src64 = src_pad.reshape(EB64, 64)
    dst64 = dst_pad.reshape(EB64, 64)
    x_pad = jnp.pad(x, ((0, NPAD - N_NODES), (0, 0)))
    gid_pad = jnp.concatenate(
        [graph_ids, jnp.full((NPAD - N_NODES,), -1, jnp.int32)])
    gid2 = jnp.broadcast_to(gid_pad[:, None], (NPAD, 16))
    ones128 = jnp.ones((128, 128), jnp.float32)
    zeros_nd = jnp.zeros((NPAD, DIM), jnp.float32)
    b1r = b1.reshape(1, DIM)
    br1r = br1.reshape(1, DIM)
    b2r = b2.reshape(1, DIM)
    br2r = br2.reshape(1, DIM)
    b3r = b3.reshape(1, DIM)
    br3r = br3.reshape(1, DIM)

    idx_all = jnp.stack([src2d, dst2d])
    degp = _sc_degrees(idx_all, ones128, zeros_nd)
    h0, m1, onorm, inorm = _tc_embed(degp, x_pad, W_init, W1)
    aggp = _sc_scatter(m1, src2d, dst2d, zeros_nd)
    h1, m2 = _tc_layer(aggp, inorm, b1r, h0, Wr1, br1r, onorm, W2)
    aggp = _sc_scatter(m2, src2d, dst2d, zeros_nd)
    h2, m3 = _tc_layer(aggp, inorm, b2r, h1, Wr2, br2r, onorm, W3)
    aggp = _sc_scatter(m3, src2d, dst2d, zeros_nd)
    return _tc_final(aggp, inorm, b3r, h2, Wr3, br3r, gid2)

# --- scband reference (transcript-rebuilt; emitter-appended) ---
"""Pipeline reference for scband-molecular-gcn-2972117368877 (READ-ONLY COPY).

The authoritative reference and input builder live on the scoring server;
editing this copy changes nothing except your own understanding.
"""

import jax, jax.numpy as jnp
import numpy as np

N_NODES = 10000
N_EDGES = 320000
IN_FEATS = 128
DIM = 128
N_GRAPHS = 256


def setup_inputs(seed: int = 0):
    key = jax.random.key(seed)
    ks = jax.random.split(key, 16)
    x = jax.random.normal(ks[0], (N_NODES, IN_FEATS), dtype=jnp.float32)
    edge_index = jax.random.randint(ks[1], (2, N_EDGES), 0, N_NODES, dtype=jnp.int32)
    graph_ids = jnp.sort(jax.random.randint(ks[2], (N_NODES,), 0, N_GRAPHS, dtype=jnp.int32))
    s = 0.05
    W_init = jax.random.normal(ks[3], (IN_FEATS, DIM), dtype=jnp.float32) * s
    # torch: init_transform.weight[-1].fill_(0) zeroes the last output unit (padding)
    W_init = W_init.at[:, -1].set(0.0)
    inp = {"x": x, "edge_index": edge_index, "graph_ids": graph_ids, "W_init": W_init}
    kidx = 4
    for i in (1, 2, 3):
        inp["W%d" % i] = jax.random.normal(ks[kidx], (DIM, DIM), dtype=jnp.float32) * s
        kidx += 1
        inp["b%d" % i] = jnp.zeros((DIM,), dtype=jnp.float32)
        inp["Wr%d" % i] = jax.random.normal(ks[kidx], (DIM, DIM), dtype=jnp.float32) * s
        kidx += 1
        inp["br%d" % i] = jnp.zeros((DIM,), dtype=jnp.float32)
    return inp


def _gcn_layer(h, src, dst, onorm, inorm, W, b, Wr, br):
    # dgl GraphConv with norm='both': D_out^{-1/2} A D_in^{-1/2} h W + b, then relu
    m = (h * onorm) @ W
    agg = jnp.zeros_like(m).at[dst].add(m[src])
    agg = agg * inorm + b
    new = jax.nn.relu(agg)
    # dgllife GCNLayer residual connection: activation(res_linear(h))
    res = jax.nn.relu(h @ Wr + br)
    return new + res


def reference(x, edge_index, graph_ids, W_init, W1, b1, Wr1, br1, W2, b2, Wr2, br2, W3, b3, Wr3, br3):
    src = edge_index[0]
    dst = edge_index[1]
    n = x.shape[0]
    e_ones = jnp.ones((src.shape[0],), dtype=jnp.float32)
    out_deg = jnp.clip(jnp.zeros((n,), jnp.float32).at[src].add(e_ones), 1.0, None)
    in_deg = jnp.clip(jnp.zeros((n,), jnp.float32).at[dst].add(e_ones), 1.0, None)
    onorm = (out_deg ** -0.5)[:, None]
    inorm = (in_deg ** -0.5)[:, None]
    h = x @ W_init
    for (W, b, Wr, br) in ((W1, b1, Wr1, br1), (W2, b2, Wr2, br2), (W3, b3, Wr3, br3)):
        h = _gcn_layer(h, src, dst, onorm, inorm, W, b, Wr, br)
    # dgl.mean_nodes over the batched graph
    sums = jax.ops.segment_sum(h, graph_ids, num_segments=N_GRAPHS)
    counts = jax.ops.segment_sum(jnp.ones((n,), jnp.float32), graph_ids, num_segments=N_GRAPHS)
    return sums / jnp.clip(counts, 1.0, None)[:, None]

if __name__ == "__main__":
    import jax
    _d = setup_inputs()
    print(jax.jit(kernel)(*tuple(_d.values())))

</pallas_src>

<mosaic_0001>
#map = affine_map<(d0, d1) -> (0, 0)>
#map1 = affine_map<(d0, d1) -> (0, 0, 0)>
module attributes {stable_mosaic.version = 14 : i64} {
  func.func @_sc_scatter(%arg0: i32, %arg1: i32, %arg2: memref<10240x128xf32, #tpu.memory_space<hbm>>, %arg3: memref<2560x128xi32, #tpu.memory_space<hbm>>, %arg4: memref<2560x128xi32, #tpu.memory_space<hbm>>, %arg5: memref<10240x128xf32, #tpu.memory_space<hbm>>, %arg6: memref<2x10240x128xf32, #tpu.memory_space<hbm>>, %arg7: memref<120x128xi32, #tpu.memory_space<vmem>>, %arg8: memref<120x128xi32, #tpu.memory_space<vmem>>, %arg9: memref<64x128xf32, #tpu.memory_space<vmem>>, %arg10: memref<64x128xf32, #tpu.memory_space<vmem>>, %arg11: memref<10240x128xf32, #tpu.memory_space<vmem_shared>>, %arg12: memref<!tpu.dma_semaphore, #tpu.memory_space<semaphore_mem>>, %arg13: memref<!tpu.dma_semaphore, #tpu.memory_space<semaphore_mem>>, %arg14: memref<!tpu.dma_semaphore, #tpu.memory_space<semaphore_mem>>, %arg15: memref<!tpu.dma_semaphore, #tpu.memory_space<semaphore_mem>>) attributes {dimension_semantics = [#tpu.dimension_semantics<core_parallel>, #tpu.dimension_semantics<subcore_parallel>], iteration_bounds = array<i64: 2, 16>, scalar_prefetch = 0 : i64, scratch_operands = 9 : i64, tpu.core_type = #tpu.core_type<sc_vector_subcore>, window_params = [{transform_indices = #map}, {transform_indices = #map}, {transform_indices = #map}, {transform_indices = #map}, {transform_indices = #map1}]} {
    %mul3A = arith.constant 640 : i32
    %mul3A_0 = arith.muli %arg1, %mul3A : i32
    %mul3A_1 = arith.constant 640 : i32
    %mul3A_2 = arith.muli %arg1, %mul3A_1 : i32
    "tpu.region"() ({
      %run_scoped3A = tpu.sem_alloc : memref<!tpu.dma_semaphore, #tpu.memory_space<semaphore_mem>>
      %dma_start3A = arith.constant 0 : i32
      %dma_start3A_14 = tpu.memref_slice %arg11[%mul3A_2, %dma_start3A] : memref<10240x128xf32, #tpu.memory_space<vmem_shared>> -> memref<640x128xf32, #tpu.memory_space<vmem_shared>>
      %dma_start3A_15 = arith.constant 0 : i32
      %dma_start3A_16 = tpu.memref_slice %arg5[%mul3A_0, %dma_start3A_15] : memref<10240x128xf32, #tpu.memory_space<hbm>> -> memref<640x128xf32, #tpu.memory_space<hbm>>
      tpu.enqueue_dma source(%dma_start3A_16 : memref<640x128xf32, #tpu.memory_space<hbm>>) target(%dma_start3A_14 : memref<640x128xf32, #tpu.memory_space<vmem_shared>>) target_semaphore(%run_scoped3A : memref<!tpu.dma_semaphore, #tpu.memory_space<semaphore_mem>>)
      %dma_wait3A = arith.constant 0 : i32
      %dma_wait3A_17 = tpu.memref_slice %arg11[%mul3A_2, %dma_wait3A] : memref<10240x128xf32, #tpu.memory_space<vmem_shared>> -> memref<640x128xf32, #tpu.memory_space<vmem_shared>>
      %dma_wait3A_18 = arith.constant 0 : i32
      %dma_wait3A_19 = tpu.memref_slice %arg5[%mul3A_0, %dma_wait3A_18] : memref<10240x128xf32, #tpu.memory_space<hbm>> -> memref<640x128xf32, #tpu.memory_space<hbm>>
      tpu.wait_dma2 semaphore(%run_scoped3A : memref<!tpu.dma_semaphore, #tpu.memory_space<semaphore_mem>>) src(%dma_wait3A_19 : memref<640x128xf32, #tpu.memory_space<hbm>>) dst(%dma_wait3A_17 : memref<640x128xf32, #tpu.memory_space<vmem_shared>>)
      tpu.yield
    }) : () -> ()
    %eq3A = arith.constant 0 : i32
    %eq3A_3 = arith.cmpi eq, %arg0, %eq3A : i32
    %convert_element_type3A = arith.extui %eq3A_3 : i1 to i32
    %cond3A = arith.constant 0 : i32
    %cond3A_4 = arith.cmpi ne, %convert_element_type3A, %cond3A : i32
    scf.if %cond3A_4 {
      %mul3A_14 = arith.constant 120 : i32
      %mul3A_15 = arith.muli %arg1, %mul3A_14 : i32
      "tpu.region"() ({
        %run_scoped3A = tpu.sem_alloc : memref<!tpu.dma_semaphore, #tpu.memory_space<semaphore_mem>>
        %dma_start3A_32 = arith.constant 0 : i32
        %dma_start3A_33 = arith.constant 0 : i32
        %dma_start3A_34 = tpu.memref_slice %arg7[%dma_start3A_32, %dma_start3A_33] : memref<120x128xi32, #tpu.memory_space<vmem>> -> memref<120x128xi32, #tpu.memory_space<vmem>>
        %dma_start3A_35 = arith.constant 0 : i32
        %dma_start3A_36 = tpu.memref_slice %arg3[%mul3A_15, %dma_start3A_35] : memref<2560x128xi32, #tpu.memory_space<hbm>> -> memref<120x128xi32, #tpu.memory_space<hbm>>
        %dma_start3A_37 = arith.constant 0 : i32
        %dma_start3A_38 = arith.constant 0 : i32
        %dma_start3A_39 = tpu.memref_slice %arg7[%dma_start3A_37, %dma_start3A_38] : memref<120x128xi32, #tpu.memory_space<vmem>> -> memref<120x128xi32, #tpu.memory_space<vmem>>
        %dma_start3A_40 = arith.constant 0 : i32
        %dma_start3A_41 = tpu.memref_slice %arg3[%mul3A_15, %dma_start3A_40] : memref<2560x128xi32, #tpu.memory_space<hbm>> -> memref<120x128xi32, #tpu.memory_space<hbm>>
        tpu.enqueue_dma source(%dma_start3A_41 : memref<120x128xi32, #tpu.memory_space<hbm>>) target(%dma_start3A_39 : memref<120x128xi32, #tpu.memory_space<vmem>>) target_semaphore(%run_scoped3A : memref<!tpu.dma_semaphore, #tpu.memory_space<semaphore_mem>>)
        %dma_wait3A_42 = arith.constant 0 : i32
        %dma_wait3A_43 = arith.constant 0 : i32
        %dma_wait3A_44 = tpu.memref_slice %arg7[%dma_wait3A_42, %dma_wait3A_43] : memref<120x128xi32, #tpu.memory_space<vmem>> -> memref<120x128xi32, #tpu.memory_space<vmem>>
        %dma_wait3A_45 = arith.constant 0 : i32
        %dma_wait3A_46 = tpu.memref_slice %arg3[%mul3A_15, %dma_wait3A_45] : memref<2560x128xi32, #tpu.memory_space<hbm>> -> memref<120x128xi32, #tpu.memory_space<hbm>>
        %dma_wait3A_47 = arith.constant 0 : i32
        %dma_wait3A_48 = arith.constant 0 : i32
        %dma_wait3A_49 = tpu.memref_slice %arg7[%dma_wait3A_47, %dma_wait3A_48] : memref<120x128xi32, #tpu.memory_space<vmem>> -> memref<120x128xi32, #tpu.memory_space<vmem>>
        %dma_wait3A_50 = arith.constant 0 : i32
        %dma_wait3A_51 = tpu.memref_slice %arg3[%mul3A_15, %dma_wait3A_50] : memref<2560x128xi32, #tpu.memory_space<hbm>> -> memref<120x128xi32, #tpu.memory_space<hbm>>
        tpu.wait_dma2 semaphore(%run_scoped3A : memref<!tpu.dma_semaphore, #tpu.memory_space<semaphore_mem>>) src(%dma_wait3A_51 : memref<120x128xi32, #tpu.memory_space<hbm>>) dst(%dma_wait3A_49 : memref<120x128xi32, #tpu.memory_space<vmem>>)
        tpu.yield
      }) : () -> ()
      "tpu.region"() ({
        %run_scoped3A = tpu.sem_alloc : memref<!tpu.dma_semaphore, #tpu.memory_space<semaphore_mem>>
        %dma_start3A_32 = arith.constant 0 : i32
        %dma_start3A_33 = arith.constant 0 : i32
        %dma_start3A_34 = tpu.memref_slice %arg8[%dma_start3A_32, %dma_start3A_33] : memref<120x128xi32, #tpu.memory_space<vmem>> -> memref<120x128xi32, #tpu.memory_space<vmem>>
        %dma_start3A_35 = arith.constant 0 : i32
        %dma_start3A_36 = tpu.memref_slice %arg4[%mul3A_15, %dma_start3A_35] : memref<2560x128xi32, #tpu.memory_space<hbm>> -> memref<120x128xi32, #tpu.memory_space<hbm>>
        %dma_start3A_37 = arith.constant 0 : i32
        %dma_start3A_38 = arith.constant 0 : i32
        %dma_start3A_39 = tpu.memref_slice %arg8[%dma_start3A_37, %dma_start3A_38] : memref<120x128xi32, #tpu.memory_space<vmem>> -> memref<120x128xi32, #tpu.memory_space<vmem>>
        %dma_start3A_40 = arith.constant 0 : i32
        %dma_start3A_41 = tpu.memref_slice %arg4[%mul3A_15, %dma_start3A_40] : memref<2560x128xi32, #tpu.memory_space<hbm>> -> memref<120x128xi32, #tpu.memory_space<hbm>>
        tpu.enqueue_dma source(%dma_start3A_41 : memref<120x128xi32, #tpu.memory_space<hbm>>) target(%dma_start3A_39 : memref<120x128xi32, #tpu.memory_space<vmem>>) target_semaphore(%run_scoped3A : memref<!tpu.dma_semaphore, #tpu.memory_space<semaphore_mem>>)
        %dma_wait3A_42 = arith.constant 0 : i32
        %dma_wait3A_43 = arith.constant 0 : i32
        %dma_wait3A_44 = tpu.memref_slice %arg8[%dma_wait3A_42, %dma_wait3A_43] : memref<120x128xi32, #tpu.memory_space<vmem>> -> memref<120x128xi32, #tpu.memory_space<vmem>>
        %dma_wait3A_45 = arith.constant 0 : i32
        %dma_wait3A_46 = tpu.memref_slice %arg4[%mul3A_15, %dma_wait3A_45] : memref<2560x128xi32, #tpu.memory_space<hbm>> -> memref<120x128xi32, #tpu.memory_space<hbm>>
        %dma_wait3A_47 = arith.constant 0 : i32
        %dma_wait3A_48 = arith.constant 0 : i32
        %dma_wait3A_49 = tpu.memref_slice %arg8[%dma_wait3A_47, %dma_wait3A_48] : memref<120x128xi32, #tpu.memory_space<vmem>> -> memref<120x128xi32, #tpu.memory_space<vmem>>
        %dma_wait3A_50 = arith.constant 0 : i32
        %dma_wait3A_51 = tpu.memref_slice %arg4[%mul3A_15, %dma_wait3A_50] : memref<2560x128xi32, #tpu.memory_space<hbm>> -> memref<120x128xi32, #tpu.memory_space<hbm>>
        tpu.wait_dma2 semaphore(%run_scoped3A : memref<!tpu.dma_semaphore, #tpu.memory_space<semaphore_mem>>) src(%dma_wait3A_51 : memref<120x128xi32, #tpu.memory_space<hbm>>) dst(%dma_wait3A_49 : memref<120x128xi32, #tpu.memory_space<vmem>>)
        tpu.yield
      }) : () -> ()
      %dma_start3A = arith.constant 0 : i32
      %dma_start3A_16 = arith.constant 0 : i32
      %dma_start3A_17 = tpu.memref_slice %arg7[%dma_start3A, %dma_start3A_16] : memref<120x128xi32, #tpu.memory_space<vmem>> -> memref<1x64xi32, #tpu.memory_space<vmem>>
      %dma_start3A_18 = tpu.memref_squeeze %dma_start3A_17 : memref<1x64xi32, #tpu.memory_space<vmem>> -> memref<64xi32, #tpu.memory_space<vmem>>
      %dma_start3A_19 = arith.constant 0 : i32
      %dma_start3A_20 = arith.constant 0 : i32
      %dma_start3A_21 = tpu.memref_slice %arg2[%dma_start3A_19, %dma_start3A_20] : memref<10240x128xf32, #tpu.memory_space<hbm>> -> memref<10240x128xf32, #tpu.memory_space<hbm>>
      tpu.enqueue_indirect_dma source(%dma_start3A_21 : memref<10240x128xf32, #tpu.memory_space<hbm>>) target(%arg9 : memref<64x128xf32, #tpu.memory_space<vmem>>) offsets(%dma_start3A_18 : memref<64xi32, #tpu.memory_space<vmem>>) semaphore(%arg12 : memref<!tpu.dma_semaphore, #tpu.memory_space<semaphore_mem>>)
      %scan3A = arith.constant 0 : i32
      %scan3A_22 = arith.constant 120 : i32
      %scan3A_23 = arith.addi %scan3A, %scan3A_22 : i32
      %scan3A_24 = arith.constant 1 : i32
      scf.for %scan3A_32 = %scan3A to %scan3A_23 step %scan3A_24  : i32 {
        %mul3A_33 = arith.constant 2 : i32
        %mul3A_34 = arith.muli %scan3A_32, %mul3A_33 : i32
        %add3A = arith.constant 0 : i32
        %add3A_35 = arith.addi %add3A, %mul3A_34 : i32
        %add3A_36 = arith.constant 0 : i32
        %add3A_37 = arith.addi %add3A_35, %add3A_36 : i32
        %ge3A = arith.constant 1 : i32
        %ge3A_38 = arith.cmpi sge, %add3A_37, %ge3A : i32
        %convert_element_type3A_39 = arith.extui %ge3A_38 : i1 to i32
        %cond3A_40 = arith.constant 0 : i32
        %cond3A_41 = arith.cmpi ne, %convert_element_type3A_39, %cond3A_40 : i32
        scf.if %cond3A_41 {
          %sub3A_174 = arith.constant 1 : i32
          %sub3A_175 = arith.subi %add3A_37, %sub3A_174 : i32
          %jit3A_176 = arith.constant 2 : i32
          %div3A_177 = arith.divsi %sub3A_175, %jit3A_176 : i32
          %sign3A_178 = arith.constant 0 : i32
          %sign3A_179 = arith.cmpi sgt, %sub3A_175, %sign3A_178 : i32
          %sign3A_180 = arith.extui %sign3A_179 : i1 to i32
          %sign3A_181 = arith.constant 0 : i32
          %sign3A_182 = arith.cmpi slt, %sub3A_175, %sign3A_181 : i32
          %sign3A_183 = arith.extui %sign3A_182 : i1 to i32
          %sign3A_184 = arith.subi %sign3A_180, %sign3A_183 : i32
          %sign3A_185 = arith.constant 0 : i32
          %sign3A_186 = arith.cmpi sgt, %jit3A_176, %sign3A_185 : i32
          %sign3A_187 = arith.extui %sign3A_186 : i1 to i32
          %sign3A_188 = arith.constant 0 : i32
          %sign3A_189 = arith.cmpi slt, %jit3A_176, %sign3A_188 : i32
          %sign3A_190 = arith.extui %sign3A_189 : i1 to i32
          %sign3A_191 = arith.subi %sign3A_187, %sign3A_190 : i32
          %ne3A_192 = arith.cmpi ne, %sign3A_184, %sign3A_191 : i32
          %rem3A_193 = arith.remsi %sub3A_175, %jit3A_176 : i32
          %ne3A_194 = arith.constant 0 : i32
          %ne3A_195 = arith.cmpi ne, %rem3A_193, %ne3A_194 : i32
          %and3A_196 = arith.andi %ne3A_192, %ne3A_195 : i1
          %sub3A_197 = arith.constant 1 : i32
          %sub3A_198 = arith.subi %div3A_177, %sub3A_197 : i32
          %select_n3A_199 = arith.select %and3A_196, %sub3A_198, %div3A_177 : i32
          %dma_wait3A_200 = arith.constant 64 : i32
          %dma_wait3A_201 = tpu.memref_slice %arg8[%select_n3A_199, %dma_wait3A_200] : memref<120x128xi32, #tpu.memory_space<vmem>> -> memref<1x64xi32, #tpu.memory_space<vmem>>
          %dma_wait3A_202 = tpu.memref_squeeze %dma_wait3A_201 : memref<1x64xi32, #tpu.memory_space<vmem>> -> memref<64xi32, #tpu.memory_space<vmem>>
          %dma_wait3A_203 = arith.constant 0 : i32
          %dma_wait3A_204 = arith.constant 0 : i32
          %dma_wait3A_205 = tpu.memref_slice %arg11[%dma_wait3A_203, %dma_wait3A_204] : memref<10240x128xf32, #tpu.memory_space<vmem_shared>> -> memref<10240x128xf32, #tpu.memory_space<vmem_shared>>
          tpu.wait_indirect_dma semaphore(%arg15 : memref<!tpu.dma_semaphore, #tpu.memory_space<semaphore_mem>>) src(%arg10 : memref<64x128xf32, #tpu.memory_space<vmem>>) dst(%dma_wait3A_205 : memref<10240x128xf32, #tpu.memory_space<vmem_shared>>)
        } else {
        }
        %add3A_42 = arith.constant 1 : i32
        %add3A_43 = arith.addi %add3A_37, %add3A_42 : i32
        %lt3A = arith.constant 240 : i32
        %lt3A_44 = arith.cmpi slt, %add3A_43, %lt3A : i32
        %convert_element_type3A_45 = arith.extui %lt3A_44 : i1 to i32
        %cond3A_46 = arith.constant 0 : i32
        %cond3A_47 = arith.cmpi ne, %convert_element_type3A_45, %cond3A_46 : i32
        scf.if %cond3A_47 {
          %add3A_174 = arith.constant 1 : i32
          %add3A_175 = arith.addi %add3A_37, %add3A_174 : i32
          %jit3A_176 = arith.constant 2 : i32
          %div3A_177 = arith.divsi %add3A_175, %jit3A_176 : i32
          %sign3A_178 = arith.constant 0 : i32
          %sign3A_179 = arith.cmpi sgt, %add3A_175, %sign3A_178 : i32
          %sign3A_180 = arith.extui %sign3A_179 : i1 to i32
          %sign3A_181 = arith.constant 0 : i32
          %sign3A_182 = arith.cmpi slt, %add3A_175, %sign3A_181 : i32
          %sign3A_183 = arith.extui %sign3A_182 : i1 to i32
          %sign3A_184 = arith.subi %sign3A_180, %sign3A_183 : i32
          %sign3A_185 = arith.constant 0 : i32
          %sign3A_186 = arith.cmpi sgt, %jit3A_176, %sign3A_185 : i32
          %sign3A_187 = arith.extui %sign3A_186 : i1 to i32
          %sign3A_188 = arith.constant 0 : i32
          %sign3A_189 = arith.cmpi slt, %jit3A_176, %sign3A_188 : i32
          %sign3A_190 = arith.extui %sign3A_189 : i1 to i32
          %sign3A_191 = arith.subi %sign3A_187, %sign3A_190 : i32
          %ne3A_192 = arith.cmpi ne, %sign3A_184, %sign3A_191 : i32
          %rem3A_193 = arith.remsi %add3A_175, %jit3A_176 : i32
          %ne3A_194 = arith.constant 0 : i32
          %ne3A_195 = arith.cmpi ne, %rem3A_193, %ne3A_194 : i32
          %and3A_196 = arith.andi %ne3A_192, %ne3A_195 : i1
          %sub3A_197 = arith.constant 1 : i32
          %sub3A_198 = arith.subi %div3A_177, %sub3A_197 : i32
          %select_n3A_199 = arith.select %and3A_196, %sub3A_198, %div3A_177 : i32
          %dma_start3A_200 = arith.constant 64 : i32
          %dma_start3A_201 = tpu.memref_slice %arg7[%select_n3A_199, %dma_start3A_200] : memref<120x128xi32, #tpu.memory_space<vmem>> -> memref<1x64xi32, #tpu.memory_space<vmem>>
          %dma_start3A_202 = tpu.memref_squeeze %dma_start3A_201 : memref<1x64xi32, #tpu.memory_space<vmem>> -> memref<64xi32, #tpu.memory_space<vmem>>
          %dma_start3A_203 = arith.constant 0 : i32
          %dma_start3A_204 = arith.constant 0 : i32
          %dma_start3A_205 = tpu.memref_slice %arg2[%dma_start3A_203, %dma_start3A_204] : memref<10240x128xf32, #tpu.memory_space<hbm>> -> memref<10240x128xf32, #tpu.memory_space<hbm>>
          tpu.enqueue_indirect_dma source(%dma_start3A_205 : memref<10240x128xf32, #tpu.memory_space<hbm>>) target(%arg10 : memref<64x128xf32, #tpu.memory_space<vmem>>) offsets(%dma_start3A_202 : memref<64xi32, #tpu.memory_space<vmem>>) semaphore(%arg13 : memref<!tpu.dma_semaphore, #tpu.memory_space<semaphore_mem>>)
        } else {
        }
        %jit3A = arith.constant 2 : i32
        %div3A = arith.divsi %add3A_37, %jit3A : i32
        %sign3A = arith.constant 0 : i32
        %sign3A_48 = arith.cmpi sgt, %add3A_37, %sign3A : i32
        %sign3A_49 = arith.extui %sign3A_48 : i1 to i32
        %sign3A_50 = arith.constant 0 : i32
        %sign3A_51 = arith.cmpi slt, %add3A_37, %sign3A_50 : i32
        %sign3A_52 = arith.extui %sign3A_51 : i1 to i32
        %sign3A_53 = arith.subi %sign3A_49, %sign3A_52 : i32
        %sign3A_54 = arith.constant 0 : i32
        %sign3A_55 = arith.cmpi sgt, %jit3A, %sign3A_54 : i32
        %sign3A_56 = arith.extui %sign3A_55 : i1 to i32
        %sign3A_57 = arith.constant 0 : i32
        %sign3A_58 = arith.cmpi slt, %jit3A, %sign3A_57 : i32
        %sign3A_59 = arith.extui %sign3A_58 : i1 to i32
        %sign3A_60 = arith.subi %sign3A_56, %sign3A_59 : i32
        %ne3A = arith.cmpi ne, %sign3A_53, %sign3A_60 : i32
        %rem3A = arith.remsi %add3A_37, %jit3A : i32
        %ne3A_61 = arith.constant 0 : i32
        %ne3A_62 = arith.cmpi ne, %rem3A, %ne3A_61 : i32
        %and3A = arith.andi %ne3A, %ne3A_62 : i1
        %sub3A = arith.constant 1 : i32
        %sub3A_63 = arith.subi %div3A, %sub3A : i32
        %select_n3A = arith.select %and3A, %sub3A_63, %div3A : i32
        %dma_wait3A_64 = arith.constant 0 : i32
        %dma_wait3A_65 = tpu.memref_slice %arg7[%select_n3A, %dma_wait3A_64] : memref<120x128xi32, #tpu.memory_space<vmem>> -> memref<1x64xi32, #tpu.memory_space<vmem>>
        %dma_wait3A_66 = tpu.memref_squeeze %dma_wait3A_65 : memref<1x64xi32, #tpu.memory_space<vmem>> -> memref<64xi32, #tpu.memory_space<vmem>>
        %dma_wait3A_67 = arith.constant 0 : i32
        %dma_wait3A_68 = arith.constant 0 : i32
        %dma_wait3A_69 = tpu.memref_slice %arg2[%dma_wait3A_67, %dma_wait3A_68] : memref<10240x128xf32, #tpu.memory_space<hbm>> -> memref<10240x128xf32, #tpu.memory_space<hbm>>
        tpu.wait_indirect_dma semaphore(%arg12 : memref<!tpu.dma_semaphore, #tpu.memory_space<semaphore_mem>>) src(%dma_wait3A_69 : memref<10240x128xf32, #tpu.memory_space<hbm>>) dst(%arg9 : memref<64x128xf32, #tpu.memory_space<vmem>>)
        %jit3A_70 = arith.constant 2 : i32
        %div3A_71 = arith.divsi %add3A_37, %jit3A_70 : i32
        %sign3A_72 = arith.constant 0 : i32
        %sign3A_73 = arith.cmpi sgt, %add3A_37, %sign3A_72 : i32
        %sign3A_74 = arith.extui %sign3A_73 : i1 to i32
        %sign3A_75 = arith.constant 0 : i32
        %sign3A_76 = arith.cmpi slt, %add3A_37, %sign3A_75 : i32
        %sign3A_77 = arith.extui %sign3A_76 : i1 to i32
        %sign3A_78 = arith.subi %sign3A_74, %sign3A_77 : i32
        %sign3A_79 = arith.constant 0 : i32
        %sign3A_80 = arith.cmpi sgt, %jit3A_70, %sign3A_79 : i32
        %sign3A_81 = arith.extui %sign3A_80 : i1 to i32
        %sign3A_82 = arith.constant 0 : i32
        %sign3A_83 = arith.cmpi slt, %jit3A_70, %sign3A_82 : i32
        %sign3A_84 = arith.extui %sign3A_83 : i1 to i32
        %sign3A_85 = arith.subi %sign3A_81, %sign3A_84 : i32
        %ne3A_86 = arith.cmpi ne, %sign3A_78, %sign3A_85 : i32
        %rem3A_87 = arith.remsi %add3A_37, %jit3A_70 : i32
        %ne3A_88 = arith.constant 0 : i32
        %ne3A_89 = arith.cmpi ne, %rem3A_87, %ne3A_88 : i32
        %and3A_90 = arith.andi %ne3A_86, %ne3A_89 : i1
        %sub3A_91 = arith.constant 1 : i32
        %sub3A_92 = arith.subi %div3A_71, %sub3A_91 : i32
        %select_n3A_93 = arith.select %and3A_90, %sub3A_92, %div3A_71 : i32
        %dma_start3A_94 = arith.constant 0 : i32
        %dma_start3A_95 = tpu.memref_slice %arg8[%select_n3A_93, %dma_start3A_94] : memref<120x128xi32, #tpu.memory_space<vmem>> -> memref<1x64xi32, #tpu.memory_space<vmem>>
        %dma_start3A_96 = tpu.memref_squeeze %dma_start3A_95 : memref<1x64xi32, #tpu.memory_space<vmem>> -> memref<64xi32, #tpu.memory_space<vmem>>
        %dma_start3A_97 = arith.constant 0 : i32
        %dma_start3A_98 = arith.constant 0 : i32
        %dma_start3A_99 = tpu.memref_slice %arg11[%dma_start3A_97, %dma_start3A_98] : memref<10240x128xf32, #tpu.memory_space<vmem_shared>> -> memref<10240x128xf32, #tpu.memory_space<vmem_shared>>
        tpu.enqueue_indirect_dma source(%arg9 : memref<64x128xf32, #tpu.memory_space<vmem>>) target(%dma_start3A_99 : memref<10240x128xf32, #tpu.memory_space<vmem_shared>>) offsets(%dma_start3A_96 : memref<64xi32, #tpu.memory_space<vmem>>) semaphore(%arg14 : memref<!tpu.dma_semaphore, #tpu.memory_space<semaphore_mem>>) {add = true}
        %add3A_100 = arith.constant 1 : i32
        %add3A_101 = arith.addi %add3A_35, %add3A_100 : i32
        %ge3A_102 = arith.constant 1 : i32
        %ge3A_103 = arith.cmpi sge, %add3A_101, %ge3A_102 : i32
        %convert_element_type3A_104 = arith.extui %ge3A_103 : i1 to i32
        %cond3A_105 = arith.constant 0 : i32
        %cond3A_106 = arith.cmpi ne, %convert_element_type3A_104, %cond3A_105 : i32
        scf.if %cond3A_106 {
          %sub3A_174 = arith.constant 1 : i32
          %sub3A_175 = arith.subi %add3A_101, %sub3A_174 : i32
          %jit3A_176 = arith.constant 2 : i32
          %div3A_177 = arith.divsi %sub3A_175, %jit3A_176 : i32
          %sign3A_178 = arith.constant 0 : i32
          %sign3A_179 = arith.cmpi sgt, %sub3A_175, %sign3A_178 : i32
          %sign3A_180 = arith.extui %sign3A_179 : i1 to i32
          %sign3A_181 = arith.constant 0 : i32
          %sign3A_182 = arith.cmpi slt, %sub3A_175, %sign3A_181 : i32
          %sign3A_183 = arith.extui %sign3A_182 : i1 to i32
          %sign3A_184 = arith.subi %sign3A_180, %sign3A_183 : i32
          %sign3A_185 = arith.constant 0 : i32
          %sign3A_186 = arith.cmpi sgt, %jit3A_176, %sign3A_185 : i32
          %sign3A_187 = arith.extui %sign3A_186 : i1 to i32
          %sign3A_188 = arith.constant 0 : i32
          %sign3A_189 = arith.cmpi slt, %jit3A_176, %sign3A_188 : i32
          %sign3A_190 = arith.extui %sign3A_189 : i1 to i32
          %sign3A_191 = arith.subi %sign3A_187, %sign3A_190 : i32
          %ne3A_192 = arith.cmpi ne, %sign3A_184, %sign3A_191 : i32
          %rem3A_193 = arith.remsi %sub3A_175, %jit3A_176 : i32
          %ne3A_194 = arith.constant 0 : i32
          %ne3A_195 = arith.cmpi ne, %rem3A_193, %ne3A_194 : i32
          %and3A_196 = arith.andi %ne3A_192, %ne3A_195 : i1
          %sub3A_197 = arith.constant 1 : i32
          %sub3A_198 = arith.subi %div3A_177, %sub3A_197 : i32
          %select_n3A_199 = arith.select %and3A_196, %sub3A_198, %div3A_177 : i32
          %dma_wait3A_200 = arith.constant 0 : i32
          %dma_wait3A_201 = tpu.memref_slice %arg8[%select_n3A_199, %dma_wait3A_200] : memref<120x128xi32, #tpu.memory_space<vmem>> -> memref<1x64xi32, #tpu.memory_space<vmem>>
          %dma_wait3A_202 = tpu.memref_squeeze %dma_wait3A_201 : memref<1x64xi32, #tpu.memory_space<vmem>> -> memref<64xi32, #tpu.memory_space<vmem>>
          %dma_wait3A_203 = arith.constant 0 : i32
          %dma_wait3A_204 = arith.constant 0 : i32
          %dma_wait3A_205 = tpu.memref_slice %arg11[%dma_wait3A_203, %dma_wait3A_204] : memref<10240x128xf32, #tpu.memory_space<vmem_shared>> -> memref<10240x128xf32, #tpu.memory_space<vmem_shared>>
          tpu.wait_indirect_dma semaphore(%arg14 : memref<!tpu.dma_semaphore, #tpu.memory_space<semaphore_mem>>) src(%arg9 : memref<64x128xf32, #tpu.memory_space<vmem>>) dst(%dma_wait3A_205 : memref<10240x128xf32, #tpu.memory_space<vmem_shared>>)
        } else {
        }
        %add3A_107 = arith.constant 1 : i32
        %add3A_108 = arith.addi %add3A_101, %add3A_107 : i32
        %lt3A_109 = arith.constant 240 : i32
        %lt3A_110 = arith.cmpi slt, %add3A_108, %lt3A_109 : i32
        %convert_element_type3A_111 = arith.extui %lt3A_110 : i1 to i32
        %cond3A_112 = arith.constant 0 : i32
        %cond3A_113 = arith.cmpi ne, %convert_element_type3A_111, %cond3A_112 : i32
        scf.if %cond3A_113 {
          %add3A_174 = arith.constant 1 : i32
          %add3A_175 = arith.addi %add3A_101, %add3A_174 : i32
          %jit3A_176 = arith.constant 2 : i32
          %div3A_177 = arith.divsi %add3A_175, %jit3A_176 : i32
          %sign3A_178 = arith.constant 0 : i32
          %sign3A_179 = arith.cmpi sgt, %add3A_175, %sign3A_178 : i32
          %sign3A_180 = arith.extui %sign3A_179 : i1 to i32
          %sign3A_181 = arith.constant 0 : i32
          %sign3A_182 = arith.cmpi slt, %add3A_175, %sign3A_181 : i32
          %sign3A_183 = arith.extui %sign3A_182 : i1 to i32
          %sign3A_184 = arith.subi %sign3A_180, %sign3A_183 : i32
          %sign3A_185 = arith.constant 0 : i32
          %sign3A_186 = arith.cmpi sgt, %jit3A_176, %sign3A_185 : i32
          %sign3A_187 = arith.extui %sign3A_186 : i1 to i32
          %sign3A_188 = arith.constant 0 : i32
          %sign3A_189 = arith.cmpi slt, %jit3A_176, %sign3A_188 : i32
          %sign3A_190 = arith.extui %sign3A_189 : i1 to i32
          %sign3A_191 = arith.subi %sign3A_187, %sign3A_190 : i32
          %ne3A_192 = arith.cmpi ne, %sign3A_184, %sign3A_191 : i32
          %rem3A_193 = arith.remsi %add3A_175, %jit3A_176 : i32
          %ne3A_194 = arith.constant 0 : i32
          %ne3A_195 = arith.cmpi ne, %rem3A_193, %ne3A_194 : i32
          %and3A_196 = arith.andi %ne3A_192, %ne3A_195 : i1
          %sub3A_197 = arith.constant 1 : i32
          %sub3A_198 = arith.subi %div3A_177, %sub3A_197 : i32
          %select_n3A_199 = arith.select %and3A_196, %sub3A_198, %div3A_177 : i32
          %dma_start3A_200 = arith.constant 0 : i32
          %dma_start3A_201 = tpu.memref_slice %arg7[%select_n3A_199, %dma_start3A_200] : memref<120x128xi32, #tpu.memory_space<vmem>> -> memref<1x64xi32, #tpu.memory_space<vmem>>
          %dma_start3A_202 = tpu.memref_squeeze %dma_start3A_201 : memref<1x64xi32, #tpu.memory_space<vmem>> -> memref<64xi32, #tpu.memory_space<vmem>>
          %dma_start3A_203 = arith.constant 0 : i32
          %dma_start3A_204 = arith.constant 0 : i32
          %dma_start3A_205 = tpu.memref_slice %arg2[%dma_start3A_203, %dma_start3A_204] : memref<10240x128xf32, #tpu.memory_space<hbm>> -> memref<10240x128xf32, #tpu.memory_space<hbm>>
          tpu.enqueue_indirect_dma source(%dma_start3A_205 : memref<10240x128xf32, #tpu.memory_space<hbm>>) target(%arg9 : memref<64x128xf32, #tpu.memory_space<vmem>>) offsets(%dma_start3A_202 : memref<64xi32, #tpu.memory_space<vmem>>) semaphore(%arg12 : memref<!tpu.dma_semaphore, #tpu.memory_space<semaphore_mem>>)
        } else {
        }
        %jit3A_114 = arith.constant 2 : i32
        %div3A_115 = arith.divsi %add3A_101, %jit3A_114 : i32
        %sign3A_116 = arith.constant 0 : i32
        %sign3A_117 = arith.cmpi sgt, %add3A_101, %sign3A_116 : i32
        %sign3A_118 = arith.extui %sign3A_117 : i1 to i32
        %sign3A_119 = arith.constant 0 : i32
        %sign3A_120 = arith.cmpi slt, %add3A_101, %sign3A_119 : i32
        %sign3A_121 = arith.extui %sign3A_120 : i1 to i32
        %sign3A_122 = arith.subi %sign3A_118, %sign3A_121 : i32
        %sign3A_123 = arith.constant 0 : i32
        %sign3A_124 = arith.cmpi sgt, %jit3A_114, %sign3A_123 : i32
        %sign3A_125 = arith.extui %sign3A_124 : i1 to i32
        %sign3A_126 = arith.constant 0 : i32
        %sign3A_127 = arith.cmpi slt, %jit3A_114, %sign3A_126 : i32
        %sign3A_128 = arith.extui %sign3A_127 : i1 to i32
        %sign3A_129 = arith.subi %sign3A_125, %sign3A_128 : i32
        %ne3A_130 = arith.cmpi ne, %sign3A_122, %sign3A_129 : i32
        %rem3A_131 = arith.remsi %add3A_101, %jit3A_114 : i32
        %ne3A_132 = arith.constant 0 : i32
        %ne3A_133 = arith.cmpi ne, %rem3A_131, %ne3A_132 : i32
        %and3A_134 = arith.andi %ne3A_130, %ne3A_133 : i1
        %sub3A_135 = arith.constant 1 : i32
        %sub3A_136 = arith.subi %div3A_115, %sub3A_135 : i32
        %select_n3A_137 = arith.select %and3A_134, %sub3A_136, %div3A_115 : i32
        %dma_wait3A_138 = arith.constant 64 : i32
        %dma_wait3A_139 = tpu.memref_slice %arg7[%select_n3A_137, %dma_wait3A_138] : memref<120x128xi32, #tpu.memory_space<vmem>> -> memref<1x64xi32, #tpu.memory_space<vmem>>
        %dma_wait3A_140 = tpu.memref_squeeze %dma_wait3A_139 : memref<1x64xi32, #tpu.memory_space<vmem>> -> memref<64xi32, #tpu.memory_space<vmem>>
        %dma_wait3A_141 = arith.constant 0 : i32
        %dma_wait3A_142 = arith.constant 0 : i32
        %dma_wait3A_143 = tpu.memref_slice %arg2[%dma_wait3A_141, %dma_wait3A_142] : memref<10240x128xf32, #tpu.memory_space<hbm>> -> memref<10240x128xf32, #tpu.memory_space<hbm>>
        tpu.wait_indirect_dma semaphore(%arg13 : memref<!tpu.dma_semaphore, #tpu.memory_space<semaphore_mem>>) src(%dma_wait3A_143 : memref<10240x128xf32, #tpu.memory_space<hbm>>) dst(%arg10 : memref<64x128xf32, #tpu.memory_space<vmem>>)
        %jit3A_144 = arith.constant 2 : i32
        %div3A_145 = arith.divsi %add3A_101, %jit3A_144 : i32
        %sign3A_146 = arith.constant 0 : i32
        %sign3A_147 = arith.cmpi sgt, %add3A_101, %sign3A_146 : i32
        %sign3A_148 = arith.extui %sign3A_147 : i1 to i32
        %sign3A_149 = arith.constant 0 : i32
        %sign3A_150 = arith.cmpi slt, %add3A_101, %sign3A_149 : i32
        %sign3A_151 = arith.extui %sign3A_150 : i1 to i32
        %sign3A_152 = arith.subi %sign3A_148, %sign3A_151 : i32
        %sign3A_153 = arith.constant 0 : i32
        %sign3A_154 = arith.cmpi sgt, %jit3A_144, %sign3A_153 : i32
        %sign3A_155 = arith.extui %sign3A_154 : i1 to i32
        %sign3A_156 = arith.constant 0 : i32
        %sign3A_157 = arith.cmpi slt, %jit3A_144, %sign3A_156 : i32
        %sign3A_158 = arith.extui %sign3A_157 : i1 to i32
        %sign3A_159 = arith.subi %sign3A_155, %sign3A_158 : i32
        %ne3A_160 = arith.cmpi ne, %sign3A_152, %sign3A_159 : i32
        %rem3A_161 = arith.remsi %add3A_101, %jit3A_144 : i32
        %ne3A_162 = arith.constant 0 : i32
        %ne3A_163 = arith.cmpi ne, %rem3A_161, %ne3A_162 : i32
        %and3A_164 = arith.andi %ne3A_160, %ne3A_163 : i1
        %sub3A_165 = arith.constant 1 : i32
        %sub3A_166 = arith.subi %div3A_145, %sub3A_165 : i32
        %select_n3A_167 = arith.select %and3A_164, %sub3A_166, %div3A_145 : i32
        %dma_start3A_168 = arith.constant 64 : i32
        %dma_start3A_169 = tpu.memref_slice %arg8[%select_n3A_167, %dma_start3A_168] : memref<120x128xi32, #tpu.memory_space<vmem>> -> memref<1x64xi32, #tpu.memory_space<vmem>>
        %dma_start3A_170 = tpu.memref_squeeze %dma_start3A_169 : memref<1x64xi32, #tpu.memory_space<vmem>> -> memref<64xi32, #tpu.memory_space<vmem>>
        %dma_start3A_171 = arith.constant 0 : i32
        %dma_start3A_172 = arith.constant 0 : i32
        %dma_start3A_173 = tpu.memref_slice %arg11[%dma_start3A_171, %dma_start3A_172] : memref<10240x128xf32, #tpu.memory_space<vmem_shared>> -> memref<10240x128xf32, #tpu.memory_space<vmem_shared>>
        tpu.enqueue_indirect_dma source(%arg10 : memref<64x128xf32, #tpu.memory_space<vmem>>) target(%dma_start3A_173 : memref<10240x128xf32, #tpu.memory_space<vmem_shared>>) offsets(%dma_start3A_170 : memref<64xi32, #tpu.memory_space<vmem>>) semaphore(%arg15 : memref<!tpu.dma_semaphore, #tpu.memory_space<semaphore_mem>>) {add = true}
      }
      %scan3A_25 = arith.constant 120 : i32
      %dma_wait3A = arith.constant 119 : i32
      %dma_wait3A_26 = arith.constant 64 : i32
      %dma_wait3A_27 = tpu.memref_slice %arg8[%dma_wait3A, %dma_wait3A_26] : memref<120x128xi32, #tpu.memory_space<vmem>> -> memref<1x64xi32, #tpu.memory_space<vmem>>
      %dma_wait3A_28 = tpu.memref_squeeze %dma_wait3A_27 : memref<1x64xi32, #tpu.memory_space<vmem>> -> memref<64xi32, #tpu.memory_space<vmem>>
      %dma_wait3A_29 = arith.constant 0 : i32
      %dma_wait3A_30 = arith.constant 0 : i32
      %dma_wait3A_31 = tpu.memref_slice %arg11[%dma_wait3A_29, %dma_wait3A_30] : memref<10240x128xf32, #tpu.memory_space<vmem_shared>> -> memref<10240x128xf32, #tpu.memory_space<vmem_shared>>
      tpu.wait_indirect_dma semaphore(%arg15 : memref<!tpu.dma_semaphore, #tpu.memory_space<semaphore_mem>>) src(%arg10 : memref<64x128xf32, #tpu.memory_space<vmem>>) dst(%dma_wait3A_31 : memref<10240x128xf32, #tpu.memory_space<vmem_shared>>)
    } else {
    }
    %eq3A_5 = arith.constant 1 : i32
    %eq3A_6 = arith.cmpi eq, %arg0, %eq3A_5 : i32
    %convert_element_type3A_7 = arith.extui %eq3A_6 : i1 to i32
    %cond3A_8 = arith.constant 0 : i32
    %cond3A_9 = arith.cmpi ne, %convert_element_type3A_7, %cond3A_8 : i32
    scf.if %cond3A_9 {
      %mul3A_14 = arith.constant 40 : i32
      %mul3A_15 = arith.muli %arg1, %mul3A_14 : i32
      %add3A = arith.constant 1920 : i32
      %add3A_16 = arith.addi %add3A, %mul3A_15 : i32
      "tpu.region"() ({
        %run_scoped3A = tpu.sem_alloc : memref<!tpu.dma_semaphore, #tpu.memory_space<semaphore_mem>>
        %dma_start3A_33 = arith.constant 0 : i32
        %dma_start3A_34 = arith.constant 0 : i32
        %dma_start3A_35 = tpu.memref_slice %arg7[%dma_start3A_33, %dma_start3A_34] : memref<120x128xi32, #tpu.memory_space<vmem>> -> memref<40x128xi32, #tpu.memory_space<vmem>>
        %dma_start3A_36 = arith.constant 0 : i32
        %dma_start3A_37 = tpu.memref_slice %arg3[%add3A_16, %dma_start3A_36] : memref<2560x128xi32, #tpu.memory_space<hbm>> -> memref<40x128xi32, #tpu.memory_space<hbm>>
        %dma_start3A_38 = arith.constant 0 : i32
        %dma_start3A_39 = arith.constant 0 : i32
        %dma_start3A_40 = tpu.memref_slice %arg7[%dma_start3A_38, %dma_start3A_39] : memref<120x128xi32, #tpu.memory_space<vmem>> -> memref<40x128xi32, #tpu.memory_space<vmem>>
        %dma_start3A_41 = arith.constant 0 : i32
        %dma_start3A_42 = tpu.memref_slice %arg3[%add3A_16, %dma_start3A_41] : memref<2560x128xi32, #tpu.memory_space<hbm>> -> memref<40x128xi32, #tpu.memory_space<hbm>>
        tpu.enqueue_dma source(%dma_start3A_42 : memref<40x128xi32, #tpu.memory_space<hbm>>) target(%dma_start3A_40 : memref<40x128xi32, #tpu.memory_space<vmem>>) target_semaphore(%run_scoped3A : memref<!tpu.dma_semaphore, #tpu.memory_space<semaphore_mem>>)
        %dma_wait3A_43 = arith.constant 0 : i32
        %dma_wait3A_44 = arith.constant 0 : i32
        %dma_wait3A_45 = tpu.memref_slice %arg7[%dma_wait3A_43, %dma_wait3A_44] : memref<120x128xi32, #tpu.memory_space<vmem>> -> memref<40x128xi32, #tpu.memory_space<vmem>>
        %dma_wait3A_46 = arith.constant 0 : i32
        %dma_wait3A_47 = tpu.memref_slice %arg3[%add3A_16, %dma_wait3A_46] : memref<2560x128xi32, #tpu.memory_space<hbm>> -> memref<40x128xi32, #tpu.memory_space<hbm>>
        %dma_wait3A_48 = arith.constant 0 : i32
        %dma_wait3A_49 = arith.constant 0 : i32
        %dma_wait3A_50 = tpu.memref_slice %arg7[%dma_wait3A_48, %dma_wait3A_49] : memref<120x128xi32, #tpu.memory_space<vmem>> -> memref<40x128xi32, #tpu.memory_space<vmem>>
        %dma_wait3A_51 = arith.constant 0 : i32
        %dma_wait3A_52 = tpu.memref_slice %arg3[%add3A_16, %dma_wait3A_51] : memref<2560x128xi32, #tpu.memory_space<hbm>> -> memref<40x128xi32, #tpu.memory_space<hbm>>
        tpu.wait_dma2 semaphore(%run_scoped3A : memref<!tpu.dma_semaphore, #tpu.memory_space<semaphore_mem>>) src(%dma_wait3A_52 : memref<40x128xi32, #tpu.memory_space<hbm>>) dst(%dma_wait3A_50 : memref<40x128xi32, #tpu.memory_space<vmem>>)
        tpu.yield
      }) : () -> ()
      "tpu.region"() ({
        %run_scoped3A = tpu.sem_alloc : memref<!tpu.dma_semaphore, #tpu.memory_space<semaphore_mem>>
        %dma_start3A_33 = arith.constant 0 : i32
        %dma_start3A_34 = arith.constant 0 : i32
        %dma_start3A_35 = tpu.memref_slice %arg8[%dma_start3A_33, %dma_start3A_34] : memref<120x128xi32, #tpu.memory_space<vmem>> -> memref<40x128xi32, #tpu.memory_space<vmem>>
        %dma_start3A_36 = arith.constant 0 : i32
        %dma_start3A_37 = tpu.memref_slice %arg4[%add3A_16, %dma_start3A_36] : memref<2560x128xi32, #tpu.memory_space<hbm>> -> memref<40x128xi32, #tpu.memory_space<hbm>>
        %dma_start3A_38 = arith.constant 0 : i32
        %dma_start3A_39 = arith.constant 0 : i32
        %dma_start3A_40 = tpu.memref_slice %arg8[%dma_start3A_38, %dma_start3A_39] : memref<120x128xi32, #tpu.memory_space<vmem>> -> memref<40x128xi32, #tpu.memory_space<vmem>>
        %dma_start3A_41 = arith.constant 0 : i32
        %dma_start3A_42 = tpu.memref_slice %arg4[%add3A_16, %dma_start3A_41] : memref<2560x128xi32, #tpu.memory_space<hbm>> -> memref<40x128xi32, #tpu.memory_space<hbm>>
        tpu.enqueue_dma source(%dma_start3A_42 : memref<40x128xi32, #tpu.memory_space<hbm>>) target(%dma_start3A_40 : memref<40x128xi32, #tpu.memory_space<vmem>>) target_semaphore(%run_scoped3A : memref<!tpu.dma_semaphore, #tpu.memory_space<semaphore_mem>>)
        %dma_wait3A_43 = arith.constant 0 : i32
        %dma_wait3A_44 = arith.constant 0 : i32
        %dma_wait3A_45 = tpu.memref_slice %arg8[%dma_wait3A_43, %dma_wait3A_44] : memref<120x128xi32, #tpu.memory_space<vmem>> -> memref<40x128xi32, #tpu.memory_space<vmem>>
        %dma_wait3A_46 = arith.constant 0 : i32
        %dma_wait3A_47 = tpu.memref_slice %arg4[%add3A_16, %dma_wait3A_46] : memref<2560x128xi32, #tpu.memory_space<hbm>> -> memref<40x128xi32, #tpu.memory_space<hbm>>
        %dma_wait3A_48 = arith.constant 0 : i32
        %dma_wait3A_49 = arith.constant 0 : i32
        %dma_wait3A_50 = tpu.memref_slice %arg8[%dma_wait3A_48, %dma_wait3A_49] : memref<120x128xi32, #tpu.memory_space<vmem>> -> memref<40x128xi32, #tpu.memory_space<vmem>>
        %dma_wait3A_51 = arith.constant 0 : i32
        %dma_wait3A_52 = tpu.memref_slice %arg4[%add3A_16, %dma_wait3A_51] : memref<2560x128xi32, #tpu.memory_space<hbm>> -> memref<40x128xi32, #tpu.memory_space<hbm>>
        tpu.wait_dma2 semaphore(%run_scoped3A : memref<!tpu.dma_semaphore, #tpu.memory_space<semaphore_mem>>) src(%dma_wait3A_52 : memref<40x128xi32, #tpu.memory_space<hbm>>) dst(%dma_wait3A_50 : memref<40x128xi32, #tpu.memory_space<vmem>>)
        tpu.yield
      }) : () -> ()
      %dma_start3A = arith.constant 0 : i32
      %dma_start3A_17 = arith.constant 0 : i32
      %dma_start3A_18 = tpu.memref_slice %arg7[%dma_start3A, %dma_start3A_17] : memref<120x128xi32, #tpu.memory_space<vmem>> -> memref<1x64xi32, #tpu.memory_space<vmem>>
      %dma_start3A_19 = tpu.memref_squeeze %dma_start3A_18 : memref<1x64xi32, #tpu.memory_space<vmem>> -> memref<64xi32, #tpu.memory_space<vmem>>
      %dma_start3A_20 = arith.constant 0 : i32
      %dma_start3A_21 = arith.constant 0 : i32
      %dma_start3A_22 = tpu.memref_slice %arg2[%dma_start3A_20, %dma_start3A_21] : memref<10240x128xf32, #tpu.memory_space<hbm>> -> memref<10240x128xf32, #tpu.memory_space<hbm>>
      tpu.enqueue_indirect_dma source(%dma_start3A_22 : memref<10240x128xf32, #tpu.memory_space<hbm>>) target(%arg9 : memref<64x128xf32, #tpu.memory_space<vmem>>) offsets(%dma_start3A_19 : memref<64xi32, #tpu.memory_space<vmem>>) semaphore(%arg12 : memref<!tpu.dma_semaphore, #tpu.memory_space<semaphore_mem>>)
      %scan3A = arith.constant 0 : i32
      %scan3A_23 = arith.constant 40 : i32
      %scan3A_24 = arith.addi %scan3A, %scan3A_23 : i32
      %scan3A_25 = arith.constant 1 : i32
      scf.for %scan3A_33 = %scan3A to %scan3A_24 step %scan3A_25  : i32 {
        %mul3A_34 = arith.constant 2 : i32
        %mul3A_35 = arith.muli %scan3A_33, %mul3A_34 : i32
        %add3A_36 = arith.constant 0 : i32
        %add3A_37 = arith.addi %add3A_36, %mul3A_35 : i32
        %add3A_38 = arith.constant 0 : i32
        %add3A_39 = arith.addi %add3A_37, %add3A_38 : i32
        %ge3A = arith.constant 1 : i32
        %ge3A_40 = arith.cmpi sge, %add3A_39, %ge3A : i32
        %convert_element_type3A_41 = arith.extui %ge3A_40 : i1 to i32
        %cond3A_42 = arith.constant 0 : i32
        %cond3A_43 = arith.cmpi ne, %convert_element_type3A_41, %cond3A_42 : i32
        scf.if %cond3A_43 {
          %sub3A_176 = arith.constant 1 : i32
          %sub3A_177 = arith.subi %add3A_39, %sub3A_176 : i32
          %jit3A_178 = arith.constant 2 : i32
          %div3A_179 = arith.divsi %sub3A_177, %jit3A_178 : i32
          %sign3A_180 = arith.constant 0 : i32
          %sign3A_181 = arith.cmpi sgt, %sub3A_177, %sign3A_180 : i32
          %sign3A_182 = arith.extui %sign3A_181 : i1 to i32
          %sign3A_183 = arith.constant 0 : i32
          %sign3A_184 = arith.cmpi slt, %sub3A_177, %sign3A_183 : i32
          %sign3A_185 = arith.extui %sign3A_184 : i1 to i32
          %sign3A_186 = arith.subi %sign3A_182, %sign3A_185 : i32
          %sign3A_187 = arith.constant 0 : i32
          %sign3A_188 = arith.cmpi sgt, %jit3A_178, %sign3A_187 : i32
          %sign3A_189 = arith.extui %sign3A_188 : i1 to i32
          %sign3A_190 = arith.constant 0 : i32
          %sign3A_191 = arith.cmpi slt, %jit3A_178, %sign3A_190 : i32
          %sign3A_192 = arith.extui %sign3A_191 : i1 to i32
          %sign3A_193 = arith.subi %sign3A_189, %sign3A_192 : i32
          %ne3A_194 = arith.cmpi ne, %sign3A_186, %sign3A_193 : i32
          %rem3A_195 = arith.remsi %sub3A_177, %jit3A_178 : i32
          %ne3A_196 = arith.constant 0 : i32
          %ne3A_197 = arith.cmpi ne, %rem3A_195, %ne3A_196 : i32
          %and3A_198 = arith.andi %ne3A_194, %ne3A_197 : i1
          %sub3A_199 = arith.constant 1 : i32
          %sub3A_200 = arith.subi %div3A_179, %sub3A_199 : i32
          %select_n3A_201 = arith.select %and3A_198, %sub3A_200, %div3A_179 : i32
          %dma_wait3A_202 = arith.constant 64 : i32
          %dma_wait3A_203 = tpu.memref_slice %arg8[%select_n3A_201, %dma_wait3A_202] : memref<120x128xi32, #tpu.memory_space<vmem>> -> memref<1x64xi32, #tpu.memory_space<vmem>>
          %dma_wait3A_204 = tpu.memref_squeeze %dma_wait3A_203 : memref<1x64xi32, #tpu.memory_space<vmem>> -> memref<64xi32, #tpu.memory_space<vmem>>
          %dma_wait3A_205 = arith.constant 0 : i32
          %dma_wait3A_206 = arith.constant 0 : i32
          %dma_wait3A_207 = tpu.memref_slice %arg11[%dma_wait3A_205, %dma_wait3A_206] : memref<10240x128xf32, #tpu.memory_space<vmem_shared>> -> memref<10240x128xf32, #tpu.memory_space<vmem_shared>>
          tpu.wait_indirect_dma semaphore(%arg15 : memref<!tpu.dma_semaphore, #tpu.memory_space<semaphore_mem>>) src(%arg10 : memref<64x128xf32, #tpu.memory_space<vmem>>) dst(%dma_wait3A_207 : memref<10240x128xf32, #tpu.memory_space<vmem_shared>>)
        } else {
        }
        %add3A_44 = arith.constant 1 : i32
        %add3A_45 = arith.addi %add3A_39, %add3A_44 : i32
        %lt3A = arith.constant 80 : i32
        %lt3A_46 = arith.cmpi slt, %add3A_45, %lt3A : i32
        %convert_element_type3A_47 = arith.extui %lt3A_46 : i1 to i32
        %cond3A_48 = arith.constant 0 : i32
        %cond3A_49 = arith.cmpi ne, %convert_element_type3A_47, %cond3A_48 : i32
        scf.if %cond3A_49 {
          %add3A_176 = arith.constant 1 : i32
          %add3A_177 = arith.addi %add3A_39, %add3A_176 : i32
          %jit3A_178 = arith.constant 2 : i32
          %div3A_179 = arith.divsi %add3A_177, %jit3A_178 : i32
          %sign3A_180 = arith.constant 0 : i32
          %sign3A_181 = arith.cmpi sgt, %add3A_177, %sign3A_180 : i32
          %sign3A_182 = arith.extui %sign3A_181 : i1 to i32
          %sign3A_183 = arith.constant 0 : i32
          %sign3A_184 = arith.cmpi slt, %add3A_177, %sign3A_183 : i32
          %sign3A_185 = arith.extui %sign3A_184 : i1 to i32
          %sign3A_186 = arith.subi %sign3A_182, %sign3A_185 : i32
          %sign3A_187 = arith.constant 0 : i32
          %sign3A_188 = arith.cmpi sgt, %jit3A_178, %sign3A_187 : i32
          %sign3A_189 = arith.extui %sign3A_188 : i1 to i32
          %sign3A_190 = arith.constant 0 : i32
          %sign3A_191 = arith.cmpi slt, %jit3A_178, %sign3A_190 : i32
          %sign3A_192 = arith.extui %sign3A_191 : i1 to i32
          %sign3A_193 = arith.subi %sign3A_189, %sign3A_192 : i32
          %ne3A_194 = arith.cmpi ne, %sign3A_186, %sign3A_193 : i32
          %rem3A_195 = arith.remsi %add3A_177, %jit3A_178 : i32
          %ne3A_196 = arith.constant 0 : i32
          %ne3A_197 = arith.cmpi ne, %rem3A_195, %ne3A_196 : i32
          %and3A_198 = arith.andi %ne3A_194, %ne3A_197 : i1
          %sub3A_199 = arith.constant 1 : i32
          %sub3A_200 = arith.subi %div3A_179, %sub3A_199 : i32
          %select_n3A_201 = arith.select %and3A_198, %sub3A_200, %div3A_179 : i32
          %dma_start3A_202 = arith.constant 64 : i32
          %dma_start3A_203 = tpu.memref_slice %arg7[%select_n3A_201, %dma_start3A_202] : memref<120x128xi32, #tpu.memory_space<vmem>> -> memref<1x64xi32, #tpu.memory_space<vmem>>
          %dma_start3A_204 = tpu.memref_squeeze %dma_start3A_203 : memref<1x64xi32, #tpu.memory_space<vmem>> -> memref<64xi32, #tpu.memory_space<vmem>>
          %dma_start3A_205 = arith.constant 0 : i32
          %dma_start3A_206 = arith.constant 0 : i32
          %dma_start3A_207 = tpu.memref_slice %arg2[%dma_start3A_205, %dma_start3A_206] : memref<10240x128xf32, #tpu.memory_space<hbm>> -> memref<10240x128xf32, #tpu.memory_space<hbm>>
          tpu.enqueue_indirect_dma source(%dma_start3A_207 : memref<10240x128xf32, #tpu.memory_space<hbm>>) target(%arg10 : memref<64x128xf32, #tpu.memory_space<vmem>>) offsets(%dma_start3A_204 : memref<64xi32, #tpu.memory_space<vmem>>) semaphore(%arg13 : memref<!tpu.dma_semaphore, #tpu.memory_space<semaphore_mem>>)
        } else {
        }
        %jit3A = arith.constant 2 : i32
        %div3A = arith.divsi %add3A_39, %jit3A : i32
        %sign3A = arith.constant 0 : i32
        %sign3A_50 = arith.cmpi sgt, %add3A_39, %sign3A : i32
        %sign3A_51 = arith.extui %sign3A_50 : i1 to i32
        %sign3A_52 = arith.constant 0 : i32
        %sign3A_53 = arith.cmpi slt, %add3A_39, %sign3A_52 : i32
        %sign3A_54 = arith.extui %sign3A_53 : i1 to i32
        %sign3A_55 = arith.subi %sign3A_51, %sign3A_54 : i32
        %sign3A_56 = arith.constant 0 : i32
        %sign3A_57 = arith.cmpi sgt, %jit3A, %sign3A_56 : i32
        %sign3A_58 = arith.extui %sign3A_57 : i1 to i32
        %sign3A_59 = arith.constant 0 : i32
        %sign3A_60 = arith.cmpi slt, %jit3A, %sign3A_59 : i32
        %sign3A_61 = arith.extui %sign3A_60 : i1 to i32
        %sign3A_62 = arith.subi %sign3A_58, %sign3A_61 : i32
        %ne3A = arith.cmpi ne, %sign3A_55, %sign3A_62 : i32
        %rem3A = arith.remsi %add3A_39, %jit3A : i32
        %ne3A_63 = arith.constant 0 : i32
        %ne3A_64 = arith.cmpi ne, %rem3A, %ne3A_63 : i32
        %and3A = arith.andi %ne3A, %ne3A_64 : i1
        %sub3A = arith.constant 1 : i32
        %sub3A_65 = arith.subi %div3A, %sub3A : i32
        %select_n3A = arith.select %and3A, %sub3A_65, %div3A : i32
        %dma_wait3A_66 = arith.constant 0 : i32
        %dma_wait3A_67 = tpu.memref_slice %arg7[%select_n3A, %dma_wait3A_66] : memref<120x128xi32, #tpu.memory_space<vmem>> -> memref<1x64xi32, #tpu.memory_space<vmem>>
        %dma_wait3A_68 = tpu.memref_squeeze %dma_wait3A_67 : memref<1x64xi32, #tpu.memory_space<vmem>> -> memref<64xi32, #tpu.memory_space<vmem>>
        %dma_wait3A_69 = arith.constant 0 : i32
        %dma_wait3A_70 = arith.constant 0 : i32
        %dma_wait3A_71 = tpu.memref_slice %arg2[%dma_wait3A_69, %dma_wait3A_70] : memref<10240x128xf32, #tpu.memory_space<hbm>> -> memref<10240x128xf32, #tpu.memory_space<hbm>>
        tpu.wait_indirect_dma semaphore(%arg12 : memref<!tpu.dma_semaphore, #tpu.memory_space<semaphore_mem>>) src(%dma_wait3A_71 : memref<10240x128xf32, #tpu.memory_space<hbm>>) dst(%arg9 : memref<64x128xf32, #tpu.memory_space<vmem>>)
        %jit3A_72 = arith.constant 2 : i32
        %div3A_73 = arith.divsi %add3A_39, %jit3A_72 : i32
        %sign3A_74 = arith.constant 0 : i32
        %sign3A_75 = arith.cmpi sgt, %add3A_39, %sign3A_74 : i32
        %sign3A_76 = arith.extui %sign3A_75 : i1 to i32
        %sign3A_77 = arith.constant 0 : i32
        %sign3A_78 = arith.cmpi slt, %add3A_39, %sign3A_77 : i32
        %sign3A_79 = arith.extui %sign3A_78 : i1 to i32
        %sign3A_80 = arith.subi %sign3A_76, %sign3A_79 : i32
        %sign3A_81 = arith.constant 0 : i32
        %sign3A_82 = arith.cmpi sgt, %jit3A_72, %sign3A_81 : i32
        %sign3A_83 = arith.extui %sign3A_82 : i1 to i32
        %sign3A_84 = arith.constant 0 : i32
        %sign3A_85 = arith.cmpi slt, %jit3A_72, %sign3A_84 : i32
        %sign3A_86 = arith.extui %sign3A_85 : i1 to i32
        %sign3A_87 = arith.subi %sign3A_83, %sign3A_86 : i32
        %ne3A_88 = arith.cmpi ne, %sign3A_80, %sign3A_87 : i32
        %rem3A_89 = arith.remsi %add3A_39, %jit3A_72 : i32
        %ne3A_90 = arith.constant 0 : i32
        %ne3A_91 = arith.cmpi ne, %rem3A_89, %ne3A_90 : i32
        %and3A_92 = arith.andi %ne3A_88, %ne3A_91 : i1
        %sub3A_93 = arith.constant 1 : i32
        %sub3A_94 = arith.subi %div3A_73, %sub3A_93 : i32
        %select_n3A_95 = arith.select %and3A_92, %sub3A_94, %div3A_73 : i32
        %dma_start3A_96 = arith.constant 0 : i32
        %dma_start3A_97 = tpu.memref_slice %arg8[%select_n3A_95, %dma_start3A_96] : memref<120x128xi32, #tpu.memory_space<vmem>> -> memref<1x64xi32, #tpu.memory_space<vmem>>
        %dma_start3A_98 = tpu.memref_squeeze %dma_start3A_97 : memref<1x64xi32, #tpu.memory_space<vmem>> -> memref<64xi32, #tpu.memory_space<vmem>>
        %dma_start3A_99 = arith.constant 0 : i32
        %dma_start3A_100 = arith.constant 0 : i32
        %dma_start3A_101 = tpu.memref_slice %arg11[%dma_start3A_99, %dma_start3A_100] : memref<10240x128xf32, #tpu.memory_space<vmem_shared>> -> memref<10240x128xf32, #tpu.memory_space<vmem_shared>>
        tpu.enqueue_indirect_dma source(%arg9 : memref<64x128xf32, #tpu.memory_space<vmem>>) target(%dma_start3A_101 : memref<10240x128xf32, #tpu.memory_space<vmem_shared>>) offsets(%dma_start3A_98 : memref<64xi32, #tpu.memory_space<vmem>>) semaphore(%arg14 : memref<!tpu.dma_semaphore, #tpu.memory_space<semaphore_mem>>) {add = true}
        %add3A_102 = arith.constant 1 : i32
        %add3A_103 = arith.addi %add3A_37, %add3A_102 : i32
        %ge3A_104 = arith.constant 1 : i32
        %ge3A_105 = arith.cmpi sge, %add3A_103, %ge3A_104 : i32
        %convert_element_type3A_106 = arith.extui %ge3A_105 : i1 to i32
        %cond3A_107 = arith.constant 0 : i32
        %cond3A_108 = arith.cmpi ne, %convert_element_type3A_106, %cond3A_107 : i32
        scf.if %cond3A_108 {
          %sub3A_176 = arith.constant 1 : i32
          %sub3A_177 = arith.subi %add3A_103, %sub3A_176 : i32
          %jit3A_178 = arith.constant 2 : i32
          %div3A_179 = arith.divsi %sub3A_177, %jit3A_178 : i32
          %sign3A_180 = arith.constant 0 : i32
          %sign3A_181 = arith.cmpi sgt, %sub3A_177, %sign3A_180 : i32
          %sign3A_182 = arith.extui %sign3A_181 : i1 to i32
          %sign3A_183 = arith.constant 0 : i32
          %sign3A_184 = arith.cmpi slt, %sub3A_177, %sign3A_183 : i32
          %sign3A_185 = arith.extui %sign3A_184 : i1 to i32
          %sign3A_186 = arith.subi %sign3A_182, %sign3A_185 : i32
          %sign3A_187 = arith.constant 0 : i32
          %sign3A_188 = arith.cmpi sgt, %jit3A_178, %sign3A_187 : i32
          %sign3A_189 = arith.extui %sign3A_188 : i1 to i32
          %sign3A_190 = arith.constant 0 : i32
          %sign3A_191 = arith.cmpi slt, %jit3A_178, %sign3A_190 : i32
          %sign3A_192 = arith.extui %sign3A_191 : i1 to i32
          %sign3A_193 = arith.subi %sign3A_189, %sign3A_192 : i32
          %ne3A_194 = arith.cmpi ne, %sign3A_186, %sign3A_193 : i32
          %rem3A_195 = arith.remsi %sub3A_177, %jit3A_178 : i32
          %ne3A_196 = arith.constant 0 : i32
          %ne3A_197 = arith.cmpi ne, %rem3A_195, %ne3A_196 : i32
          %and3A_198 = arith.andi %ne3A_194, %ne3A_197 : i1
          %sub3A_199 = arith.constant 1 : i32
          %sub3A_200 = arith.subi %div3A_179, %sub3A_199 : i32
          %select_n3A_201 = arith.select %and3A_198, %sub3A_200, %div3A_179 : i32
          %dma_wait3A_202 = arith.constant 0 : i32
          %dma_wait3A_203 = tpu.memref_slice %arg8[%select_n3A_201, %dma_wait3A_202] : memref<120x128xi32, #tpu.memory_space<vmem>> -> memref<1x64xi32, #tpu.memory_space<vmem>>
          %dma_wait3A_204 = tpu.memref_squeeze %dma_wait3A_203 : memref<1x64xi32, #tpu.memory_space<vmem>> -> memref<64xi32, #tpu.memory_space<vmem>>
          %dma_wait3A_205 = arith.constant 0 : i32
          %dma_wait3A_206 = arith.constant 0 : i32
          %dma_wait3A_207 = tpu.memref_slice %arg11[%dma_wait3A_205, %dma_wait3A_206] : memref<10240x128xf32, #tpu.memory_space<vmem_shared>> -> memref<10240x128xf32, #tpu.memory_space<vmem_shared>>
          tpu.wait_indirect_dma semaphore(%arg14 : memref<!tpu.dma_semaphore, #tpu.memory_space<semaphore_mem>>) src(%arg9 : memref<64x128xf32, #tpu.memory_space<vmem>>) dst(%dma_wait3A_207 : memref<10240x128xf32, #tpu.memory_space<vmem_shared>>)
        } else {
        }
        %add3A_109 = arith.constant 1 : i32
        %add3A_110 = arith.addi %add3A_103, %add3A_109 : i32
        %lt3A_111 = arith.constant 80 : i32
        %lt3A_112 = arith.cmpi slt, %add3A_110, %lt3A_111 : i32
        %convert_element_type3A_113 = arith.extui %lt3A_112 : i1 to i32
        %cond3A_114 = arith.constant 0 : i32
        %cond3A_115 = arith.cmpi ne, %convert_element_type3A_113, %cond3A_114 : i32
        scf.if %cond3A_115 {
          %add3A_176 = arith.constant 1 : i32
          %add3A_177 = arith.addi %add3A_103, %add3A_176 : i32
          %jit3A_178 = arith.constant 2 : i32
          %div3A_179 = arith.divsi %add3A_177, %jit3A_178 : i32
          %sign3A_180 = arith.constant 0 : i32
          %sign3A_181 = arith.cmpi sgt, %add3A_177, %sign3A_180 : i32
          %sign3A_182 = arith.extui %sign3A_181 : i1 to i32
          %sign3A_183 = arith.constant 0 : i32
          %sign3A_184 = arith.cmpi slt, %add3A_177, %sign3A_183 : i32
          %sign3A_185 = arith.extui %sign3A_184 : i1 to i32
          %sign3A_186 = arith.subi %sign3A_182, %sign3A_185 : i32
          %sign3A_187 = arith.constant 0 : i32
          %sign3A_188 = arith.cmpi sgt, %jit3A_178, %sign3A_187 : i32
          %sign3A_189 = arith.extui %sign3A_188 : i1 to i32
          %sign3A_190 = arith.constant 0 : i32
          %sign3A_191 = arith.cmpi slt, %jit3A_178, %sign3A_190 : i32
          %sign3A_192 = arith.extui %sign3A_191 : i1 to i32
          %sign3A_193 = arith.subi %sign3A_189, %sign3A_192 : i32
          %ne3A_194 = arith.cmpi ne, %sign3A_186, %sign3A_193 : i32
          %rem3A_195 = arith.remsi %add3A_177, %jit3A_178 : i32
          %ne3A_196 = arith.constant 0 : i32
          %ne3A_197 = arith.cmpi ne, %rem3A_195, %ne3A_196 : i32
          %and3A_198 = arith.andi %ne3A_194, %ne3A_197 : i1
          %sub3A_199 = arith.constant 1 : i32
          %sub3A_200 = arith.subi %div3A_179, %sub3A_199 : i32
          %select_n3A_201 = arith.select %and3A_198, %sub3A_200, %div3A_179 : i32
          %dma_start3A_202 = arith.constant 0 : i32
          %dma_start3A_203 = tpu.memref_slice %arg7[%select_n3A_201, %dma_start3A_202] : memref<120x128xi32, #tpu.memory_space<vmem>> -> memref<1x64xi32, #tpu.memory_space<vmem>>
          %dma_start3A_204 = tpu.memref_squeeze %dma_start3A_203 : memref<1x64xi32, #tpu.memory_space<vmem>> -> memref<64xi32, #tpu.memory_space<vmem>>
          %dma_start3A_205 = arith.constant 0 : i32
          %dma_start3A_206 = arith.constant 0 : i32
          %dma_start3A_207 = tpu.memref_slice %arg2[%dma_start3A_205, %dma_start3A_206] : memref<10240x128xf32, #tpu.memory_space<hbm>> -> memref<10240x128xf32, #tpu.memory_space<hbm>>
          tpu.enqueue_indirect_dma source(%dma_start3A_207 : memref<10240x128xf32, #tpu.memory_space<hbm>>) target(%arg9 : memref<64x128xf32, #tpu.memory_space<vmem>>) offsets(%dma_start3A_204 : memref<64xi32, #tpu.memory_space<vmem>>) semaphore(%arg12 : memref<!tpu.dma_semaphore, #tpu.memory_space<semaphore_mem>>)
        } else {
        }
        %jit3A_116 = arith.constant 2 : i32
        %div3A_117 = arith.divsi %add3A_103, %jit3A_116 : i32
        %sign3A_118 = arith.constant 0 : i32
        %sign3A_119 = arith.cmpi sgt, %add3A_103, %sign3A_118 : i32
        %sign3A_120 = arith.extui %sign3A_119 : i1 to i32
        %sign3A_121 = arith.constant 0 : i32
        %sign3A_122 = arith.cmpi slt, %add3A_103, %sign3A_121 : i32
        %sign3A_123 = arith.extui %sign3A_122 : i1 to i32
        %sign3A_124 = arith.subi %sign3A_120, %sign3A_123 : i32
        %sign3A_125 = arith.constant 0 : i32
        %sign3A_126 = arith.cmpi sgt, %jit3A_116, %sign3A_125 : i32
        %sign3A_127 = arith.extui %sign3A_126 : i1 to i32
        %sign3A_128 = arith.constant 0 : i32
        %sign3A_129 = arith.cmpi slt, %jit3A_116, %sign3A_128 : i32
        %sign3A_130 = arith.extui %sign3A_129 : i1 to i32
        %sign3A_131 = arith.subi %sign3A_127, %sign3A_130 : i32
        %ne3A_132 = arith.cmpi ne, %sign3A_124, %sign3A_131 : i32
        %rem3A_133 = arith.remsi %add3A_103, %jit3A_116 : i32
        %ne3A_134 = arith.constant 0 : i32
        %ne3A_135 = arith.cmpi ne, %rem3A_133, %ne3A_134 : i32
        %and3A_136 = arith.andi %ne3A_132, %ne3A_135 : i1
        %sub3A_137 = arith.constant 1 : i32
        %sub3A_138 = arith.subi %div3A_117, %sub3A_137 : i32
        %select_n3A_139 = arith.select %and3A_136, %sub3A_138, %div3A_117 : i32
        %dma_wait3A_140 = arith.constant 64 : i32
        %dma_wait3A_141 = tpu.memref_slice %arg7[%select_n3A_139, %dma_wait3A_140] : memref<120x128xi32, #tpu.memory_space<vmem>> -> memref<1x64xi32, #tpu.memory_space<vmem>>
        %dma_wait3A_142 = tpu.memref_squeeze %dma_wait3A_141 : memref<1x64xi32, #tpu.memory_space<vmem>> -> memref<64xi32, #tpu.memory_space<vmem>>
        %dma_wait3A_143 = arith.constant 0 : i32
        %dma_wait3A_144 = arith.constant 0 : i32
        %dma_wait3A_145 = tpu.memref_slice %arg2[%dma_wait3A_143, %dma_wait3A_144] : memref<10240x128xf32, #tpu.memory_space<hbm>> -> memref<10240x128xf32, #tpu.memory_space<hbm>>
        tpu.wait_indirect_dma semaphore(%arg13 : memref<!tpu.dma_semaphore, #tpu.memory_space<semaphore_mem>>) src(%dma_wait3A_145 : memref<10240x128xf32, #tpu.memory_space<hbm>>) dst(%arg10 : memref<64x128xf32, #tpu.memory_space<vmem>>)
        %jit3A_146 = arith.constant 2 : i32
        %div3A_147 = arith.divsi %add3A_103, %jit3A_146 : i32
        %sign3A_148 = arith.constant 0 : i32
        %sign3A_149 = arith.cmpi sgt, %add3A_103, %sign3A_148 : i32
        %sign3A_150 = arith.extui %sign3A_149 : i1 to i32
        %sign3A_151 = arith.constant 0 : i32
        %sign3A_152 = arith.cmpi slt, %add3A_103, %sign3A_151 : i32
        %sign3A_153 = arith.extui %sign3A_152 : i1 to i32
        %sign3A_154 = arith.subi %sign3A_150, %sign3A_153 : i32
        %sign3A_155 = arith.constant 0 : i32
        %sign3A_156 = arith.cmpi sgt, %jit3A_146, %sign3A_155 : i32
        %sign3A_157 = arith.extui %sign3A_156 : i1 to i32
        %sign3A_158 = arith.constant 0 : i32
        %sign3A_159 = arith.cmpi slt, %jit3A_146, %sign3A_158 : i32
        %sign3A_160 = arith.extui %sign3A_159 : i1 to i32
        %sign3A_161 = arith.subi %sign3A_157, %sign3A_160 : i32
        %ne3A_162 = arith.cmpi ne, %sign3A_154, %sign3A_161 : i32
        %rem3A_163 = arith.remsi %add3A_103, %jit3A_146 : i32
        %ne3A_164 = arith.constant 0 : i32
        %ne3A_165 = arith.cmpi ne, %rem3A_163, %ne3A_164 : i32
        %and3A_166 = arith.andi %ne3A_162, %ne3A_165 : i1
        %sub3A_167 = arith.constant 1 : i32
        %sub3A_168 = arith.subi %div3A_147, %sub3A_167 : i32
        %select_n3A_169 = arith.select %and3A_166, %sub3A_168, %div3A_147 : i32
        %dma_start3A_170 = arith.constant 64 : i32
        %dma_start3A_171 = tpu.memref_slice %arg8[%select_n3A_169, %dma_start3A_170] : memref<120x128xi32, #tpu.memory_space<vmem>> -> memref<1x64xi32, #tpu.memory_space<vmem>>
        %dma_start3A_172 = tpu.memref_squeeze %dma_start3A_171 : memref<1x64xi32, #tpu.memory_space<vmem>> -> memref<64xi32, #tpu.memory_space<vmem>>
        %dma_start3A_173 = arith.constant 0 : i32
        %dma_start3A_174 = arith.constant 0 : i32
        %dma_start3A_175 = tpu.memref_slice %arg11[%dma_start3A_173, %dma_start3A_174] : memref<10240x128xf32, #tpu.memory_space<vmem_shared>> -> memref<10240x128xf32, #tpu.memory_space<vmem_shared>>
        tpu.enqueue_indirect_dma source(%arg10 : memref<64x128xf32, #tpu.memory_space<vmem>>) target(%dma_start3A_175 : memref<10240x128xf32, #tpu.memory_space<vmem_shared>>) offsets(%dma_start3A_172 : memref<64xi32, #tpu.memory_space<vmem>>) semaphore(%arg15 : memref<!tpu.dma_semaphore, #tpu.memory_space<semaphore_mem>>) {add = true}
      }
      %scan3A_26 = arith.constant 40 : i32
      %dma_wait3A = arith.constant 39 : i32
      %dma_wait3A_27 = arith.constant 64 : i32
      %dma_wait3A_28 = tpu.memref_slice %arg8[%dma_wait3A, %dma_wait3A_27] : memref<120x128xi32, #tpu.memory_space<vmem>> -> memref<1x64xi32, #tpu.memory_space<vmem>>
      %dma_wait3A_29 = tpu.memref_squeeze %dma_wait3A_28 : memref<1x64xi32, #tpu.memory_space<vmem>> -> memref<64xi32, #tpu.memory_space<vmem>>
      %dma_wait3A_30 = arith.constant 0 : i32
      %dma_wait3A_31 = arith.constant 0 : i32
      %dma_wait3A_32 = tpu.memref_slice %arg11[%dma_wait3A_30, %dma_wait3A_31] : memref<10240x128xf32, #tpu.memory_space<vmem_shared>> -> memref<10240x128xf32, #tpu.memory_space<vmem_shared>>
      tpu.wait_indirect_dma semaphore(%arg15 : memref<!tpu.dma_semaphore, #tpu.memory_space<semaphore_mem>>) src(%arg10 : memref<64x128xf32, #tpu.memory_space<vmem>>) dst(%dma_wait3A_32 : memref<10240x128xf32, #tpu.memory_space<vmem_shared>>)
    } else {
    }
    %barrier3A = arith.constant 0 : index
    tpu.barrier barrier_id(%barrier3A)
    %mul3A_10 = arith.constant 640 : i32
    %mul3A_11 = arith.muli %arg1, %mul3A_10 : i32
    %mul3A_12 = arith.constant 640 : i32
    %mul3A_13 = arith.muli %arg1, %mul3A_12 : i32
    "tpu.region"() ({
      %run_scoped3A = tpu.sem_alloc : memref<!tpu.dma_semaphore, #tpu.memory_space<semaphore_mem>>
      %dma_start3A = arith.constant 0 : i32
      %dma_start3A_14 = tpu.memref_slice %arg6[%arg0, %mul3A_13, %dma_start3A] : memref<2x10240x128xf32, #tpu.memory_space<hbm>> -> memref<1x640x128xf32, #tpu.memory_space<hbm>>
      %dma_start3A_15 = tpu.memref_squeeze %dma_start3A_14 : memref<1x640x128xf32, #tpu.memory_space<hbm>> -> memref<640x128xf32, #tpu.memory_space<hbm>>
      %dma_start3A_16 = arith.constant 0 : i32
      %dma_start3A_17 = tpu.memref_slice %arg11[%mul3A_11, %dma_start3A_16] : memref<10240x128xf32, #tpu.memory_space<vmem_shared>> -> memref<640x128xf32, #tpu.memory_space<vmem_shared>>
      tpu.enqueue_dma source(%dma_start3A_17 : memref<640x128xf32, #tpu.memory_space<vmem_shared>>) target(%dma_start3A_15 : memref<640x128xf32, #tpu.memory_space<hbm>>) target_semaphore(%run_scoped3A : memref<!tpu.dma_semaphore, #tpu.memory_space<semaphore_mem>>)
      %dma_wait3A = arith.constant 0 : i32
      %dma_wait3A_18 = tpu.memref_slice %arg6[%arg0, %mul3A_13, %dma_wait3A] : memref<2x10240x128xf32, #tpu.memory_space<hbm>> -> memref<1x640x128xf32, #tpu.memory_space<hbm>>
      %dma_wait3A_19 = tpu.memref_squeeze %dma_wait3A_18 : memref<1x640x128xf32, #tpu.memory_space<hbm>> -> memref<640x128xf32, #tpu.memory_space<hbm>>
      %dma_wait3A_20 = arith.constant 0 : i32
      %dma_wait3A_21 = tpu.memref_slice %arg11[%mul3A_11, %dma_wait3A_20] : memref<10240x128xf32, #tpu.memory_space<vmem_shared>> -> memref<640x128xf32, #tpu.memory_space<vmem_shared>>
      tpu.wait_dma2 semaphore(%run_scoped3A : memref<!tpu.dma_semaphore, #tpu.memory_space<semaphore_mem>>) src(%dma_wait3A_21 : memref<640x128xf32, #tpu.memory_space<vmem_shared>>) dst(%dma_wait3A_19 : memref<640x128xf32, #tpu.memory_space<hbm>>)
      tpu.yield
    }) : () -> ()
    return
  }
}

#map = affine_map<(d0, d1) -> (0, 0, 0)>
#map1 = affine_map<(d0, d1) -> (0, 0)>
module attributes {stable_mosaic.version = 14 : i64} {
  func.func @_sc_degrees(%arg0: i32, %arg1: i32, %arg2: memref<2x2560x128xi32, #tpu.memory_space<hbm>>, %arg3: memref<128x128xf32, #tpu.memory_space<hbm>>, %arg4: memref<10240x128xf32, #tpu.memory_space<hbm>>, %arg5: memref<2x10240x128xf32, #tpu.memory_space<hbm>>, %arg6: memref<160x128xi32, #tpu.memory_space<vmem>>, %arg7: memref<128x128xf32, #tpu.memory_space<vmem>>, %arg8: memref<10240x128xf32, #tpu.memory_space<vmem_shared>>, %arg9: memref<!tpu.dma_semaphore, #tpu.memory_space<semaphore_mem>>) attributes {dimension_semantics = [#tpu.dimension_semantics<core_parallel>, #tpu.dimension_semantics<subcore_parallel>], iteration_bounds = array<i64: 2, 16>, scalar_prefetch = 0 : i64, scratch_operands = 4 : i64, tpu.core_type = #tpu.core_type<sc_vector_subcore>, window_params = [{transform_indices = #map}, {transform_indices = #map1}, {transform_indices = #map1}, {transform_indices = #map}]} {
    %mul3A = arith.constant 640 : i32
    %mul3A_0 = arith.muli %arg1, %mul3A : i32
    %mul3A_1 = arith.constant 640 : i32
    %mul3A_2 = arith.muli %arg1, %mul3A_1 : i32
    "tpu.region"() ({
      %run_scoped3A = tpu.sem_alloc : memref<!tpu.dma_semaphore, #tpu.memory_space<semaphore_mem>>
      %dma_start3A = arith.constant 0 : i32
      %dma_start3A_14 = tpu.memref_slice %arg8[%mul3A_2, %dma_start3A] : memref<10240x128xf32, #tpu.memory_space<vmem_shared>> -> memref<640x128xf32, #tpu.memory_space<vmem_shared>>
      %dma_start3A_15 = arith.constant 0 : i32
      %dma_start3A_16 = tpu.memref_slice %arg4[%mul3A_0, %dma_start3A_15] : memref<10240x128xf32, #tpu.memory_space<hbm>> -> memref<640x128xf32, #tpu.memory_space<hbm>>
      tpu.enqueue_dma source(%dma_start3A_16 : memref<640x128xf32, #tpu.memory_space<hbm>>) target(%dma_start3A_14 : memref<640x128xf32, #tpu.memory_space<vmem_shared>>) target_semaphore(%run_scoped3A : memref<!tpu.dma_semaphore, #tpu.memory_space<semaphore_mem>>)
      %dma_wait3A = arith.constant 0 : i32
      %dma_wait3A_17 = tpu.memref_slice %arg8[%mul3A_2, %dma_wait3A] : memref<10240x128xf32, #tpu.memory_space<vmem_shared>> -> memref<640x128xf32, #tpu.memory_space<vmem_shared>>
      %dma_wait3A_18 = arith.constant 0 : i32
      %dma_wait3A_19 = tpu.memref_slice %arg4[%mul3A_0, %dma_wait3A_18] : memref<10240x128xf32, #tpu.memory_space<hbm>> -> memref<640x128xf32, #tpu.memory_space<hbm>>
      tpu.wait_dma2 semaphore(%run_scoped3A : memref<!tpu.dma_semaphore, #tpu.memory_space<semaphore_mem>>) src(%dma_wait3A_19 : memref<640x128xf32, #tpu.memory_space<hbm>>) dst(%dma_wait3A_17 : memref<640x128xf32, #tpu.memory_space<vmem_shared>>)
      tpu.yield
    }) : () -> ()
    "tpu.region"() ({
      %run_scoped3A = tpu.sem_alloc : memref<!tpu.dma_semaphore, #tpu.memory_space<semaphore_mem>>
      tpu.enqueue_dma source(%arg3 : memref<128x128xf32, #tpu.memory_space<hbm>>) target(%arg7 : memref<128x128xf32, #tpu.memory_space<vmem>>) target_semaphore(%run_scoped3A : memref<!tpu.dma_semaphore, #tpu.memory_space<semaphore_mem>>)
      tpu.wait_dma2 semaphore(%run_scoped3A : memref<!tpu.dma_semaphore, #tpu.memory_space<semaphore_mem>>) src(%arg3 : memref<128x128xf32, #tpu.memory_space<hbm>>) dst(%arg7 : memref<128x128xf32, #tpu.memory_space<vmem>>)
      tpu.yield
    }) : () -> ()
    %mul3A_3 = arith.constant 160 : i32
    %mul3A_4 = arith.muli %arg1, %mul3A_3 : i32
    "tpu.region"() ({
      %run_scoped3A = tpu.sem_alloc : memref<!tpu.dma_semaphore, #tpu.memory_space<semaphore_mem>>
      %dma_start3A = arith.constant 0 : i32
      %dma_start3A_14 = tpu.memref_slice %arg2[%arg0, %mul3A_4, %dma_start3A] : memref<2x2560x128xi32, #tpu.memory_space<hbm>> -> memref<1x160x128xi32, #tpu.memory_space<hbm>>
      %dma_start3A_15 = tpu.memref_squeeze %dma_start3A_14 : memref<1x160x128xi32, #tpu.memory_space<hbm>> -> memref<160x128xi32, #tpu.memory_space<hbm>>
      %dma_start3A_16 = arith.constant 0 : i32
      %dma_start3A_17 = tpu.memref_slice %arg2[%arg0, %mul3A_4, %dma_start3A_16] : memref<2x2560x128xi32, #tpu.memory_space<hbm>> -> memref<1x160x128xi32, #tpu.memory_space<hbm>>
      %dma_start3A_18 = tpu.memref_squeeze %dma_start3A_17 : memref<1x160x128xi32, #tpu.memory_space<hbm>> -> memref<160x128xi32, #tpu.memory_space<hbm>>
      tpu.enqueue_dma source(%dma_start3A_18 : memref<160x128xi32, #tpu.memory_space<hbm>>) target(%arg6 : memref<160x128xi32, #tpu.memory_space<vmem>>) target_semaphore(%run_scoped3A : memref<!tpu.dma_semaphore, #tpu.memory_space<semaphore_mem>>)
      %dma_wait3A = arith.constant 0 : i32
      %dma_wait3A_19 = tpu.memref_slice %arg2[%arg0, %mul3A_4, %dma_wait3A] : memref<2x2560x128xi32, #tpu.memory_space<hbm>> -> memref<1x160x128xi32, #tpu.memory_space<hbm>>
      %dma_wait3A_20 = tpu.memref_squeeze %dma_wait3A_19 : memref<1x160x128xi32, #tpu.memory_space<hbm>> -> memref<160x128xi32, #tpu.memory_space<hbm>>
      %dma_wait3A_21 = arith.constant 0 : i32
      %dma_wait3A_22 = tpu.memref_slice %arg2[%arg0, %mul3A_4, %dma_wait3A_21] : memref<2x2560x128xi32, #tpu.memory_space<hbm>> -> memref<1x160x128xi32, #tpu.memory_space<hbm>>
      %dma_wait3A_23 = tpu.memref_squeeze %dma_wait3A_22 : memref<1x160x128xi32, #tpu.memory_space<hbm>> -> memref<160x128xi32, #tpu.memory_space<hbm>>
      tpu.wait_dma2 semaphore(%run_scoped3A : memref<!tpu.dma_semaphore, #tpu.memory_space<semaphore_mem>>) src(%dma_wait3A_23 : memref<160x128xi32, #tpu.memory_space<hbm>>) dst(%arg6 : memref<160x128xi32, #tpu.memory_space<vmem>>)
      tpu.yield
    }) : () -> ()
    %barrier3A = arith.constant 0 : index
    tpu.barrier barrier_id(%barrier3A)
    %scan3A = arith.constant 0 : i32
    %scan3A_5 = arith.constant 20 : i32
    %scan3A_6 = arith.addi %scan3A, %scan3A_5 : i32
    %scan3A_7 = arith.constant 1 : i32
    scf.for %scan3A_14 = %scan3A to %scan3A_6 step %scan3A_7  : i32 {
      %mul3A_15 = arith.constant 8 : i32
      %mul3A_16 = arith.muli %scan3A_14, %mul3A_15 : i32
      %add3A = arith.constant 0 : i32
      %add3A_17 = arith.addi %add3A, %mul3A_16 : i32
      %add3A_18 = arith.constant 0 : i32
      %add3A_19 = arith.addi %add3A_17, %add3A_18 : i32
      %dma_start3A = arith.constant 0 : i32
      %dma_start3A_20 = tpu.memref_slice %arg6[%add3A_19, %dma_start3A] : memref<160x128xi32, #tpu.memory_space<vmem>> -> memref<1x128xi32, #tpu.memory_space<vmem>>
      %dma_start3A_21 = tpu.memref_squeeze %dma_start3A_20 : memref<1x128xi32, #tpu.memory_space<vmem>> -> memref<128xi32, #tpu.memory_space<vmem>>
      %dma_start3A_22 = arith.constant 0 : i32
      %dma_start3A_23 = arith.constant 0 : i32
      %dma_start3A_24 = tpu.memref_slice %arg8[%dma_start3A_22, %dma_start3A_23] : memref<10240x128xf32, #tpu.memory_space<vmem_shared>> -> memref<10240x128xf32, #tpu.memory_space<vmem_shared>>
      tpu.enqueue_indirect_dma source(%arg7 : memref<128x128xf32, #tpu.memory_space<vmem>>) target(%dma_start3A_24 : memref<10240x128xf32, #tpu.memory_space<vmem_shared>>) offsets(%dma_start3A_21 : memref<128xi32, #tpu.memory_space<vmem>>) semaphore(%arg9 : memref<!tpu.dma_semaphore, #tpu.memory_space<semaphore_mem>>) {add = true}
      %add3A_25 = arith.constant 1 : i32
      %add3A_26 = arith.addi %add3A_17, %add3A_25 : i32
      %dma_start3A_27 = arith.constant 0 : i32
      %dma_start3A_28 = tpu.memref_slice %arg6[%add3A_26, %dma_start3A_27] : memref<160x128xi32, #tpu.memory_space<vmem>> -> memref<1x128xi32, #tpu.memory_space<vmem>>
      %dma_start3A_29 = tpu.memref_squeeze %dma_start3A_28 : memref<1x128xi32, #tpu.memory_space<vmem>> -> memref<128xi32, #tpu.memory_space<vmem>>
      %dma_start3A_30 = arith.constant 0 : i32
      %dma_start3A_31 = arith.constant 0 : i32
      %dma_start3A_32 = tpu.memref_slice %arg8[%dma_start3A_30, %dma_start3A_31] : memref<10240x128xf32, #tpu.memory_space<vmem_shared>> -> memref<10240x128xf32, #tpu.memory_space<vmem_shared>>
      tpu.enqueue_indirect_dma source(%arg7 : memref<128x128xf32, #tpu.memory_space<vmem>>) target(%dma_start3A_32 : memref<10240x128xf32, #tpu.memory_space<vmem_shared>>) offsets(%dma_start3A_29 : memref<128xi32, #tpu.memory_space<vmem>>) semaphore(%arg9 : memref<!tpu.dma_semaphore, #tpu.memory_space<semaphore_mem>>) {add = true}
      %add3A_33 = arith.constant 2 : i32
      %add3A_34 = arith.addi %add3A_17, %add3A_33 : i32
      %dma_start3A_35 = arith.constant 0 : i32
      %dma_start3A_36 = tpu.memref_slice %arg6[%add3A_34, %dma_start3A_35] : memref<160x128xi32, #tpu.memory_space<vmem>> -> memref<1x128xi32, #tpu.memory_space<vmem>>
      %dma_start3A_37 = tpu.memref_squeeze %dma_start3A_36 : memref<1x128xi32, #tpu.memory_space<vmem>> -> memref<128xi32, #tpu.memory_space<vmem>>
      %dma_start3A_38 = arith.constant 0 : i32
      %dma_start3A_39 = arith.constant 0 : i32
      %dma_start3A_40 = tpu.memref_slice %arg8[%dma_start3A_38, %dma_start3A_39] : memref<10240x128xf32, #tpu.memory_space<vmem_shared>> -> memref<10240x128xf32, #tpu.memory_space<vmem_shared>>
      tpu.enqueue_indirect_dma source(%arg7 : memref<128x128xf32, #tpu.memory_space<vmem>>) target(%dma_start3A_40 : memref<10240x128xf32, #tpu.memory_space<vmem_shared>>) offsets(%dma_start3A_37 : memref<128xi32, #tpu.memory_space<vmem>>) semaphore(%arg9 : memref<!tpu.dma_semaphore, #tpu.memory_space<semaphore_mem>>) {add = true}
      %add3A_41 = arith.constant 3 : i32
      %add3A_42 = arith.addi %add3A_17, %add3A_41 : i32
      %dma_start3A_43 = arith.constant 0 : i32
      %dma_start3A_44 = tpu.memref_slice %arg6[%add3A_42, %dma_start3A_43] : memref<160x128xi32, #tpu.memory_space<vmem>> -> memref<1x128xi32, #tpu.memory_space<vmem>>
      %dma_start3A_45 = tpu.memref_squeeze %dma_start3A_44 : memref<1x128xi32, #tpu.memory_space<vmem>> -> memref<128xi32, #tpu.memory_space<vmem>>
      %dma_start3A_46 = arith.constant 0 : i32
      %dma_start3A_47 = arith.constant 0 : i32
      %dma_start3A_48 = tpu.memref_slice %arg8[%dma_start3A_46, %dma_start3A_47] : memref<10240x128xf32, #tpu.memory_space<vmem_shared>> -> memref<10240x128xf32, #tpu.memory_space<vmem_shared>>
      tpu.enqueue_indirect_dma source(%arg7 : memref<128x128xf32, #tpu.memory_space<vmem>>) target(%dma_start3A_48 : memref<10240x128xf32, #tpu.memory_space<vmem_shared>>) offsets(%dma_start3A_45 : memref<128xi32, #tpu.memory_space<vmem>>) semaphore(%arg9 : memref<!tpu.dma_semaphore, #tpu.memory_space<semaphore_mem>>) {add = true}
      %add3A_49 = arith.constant 4 : i32
      %add3A_50 = arith.addi %add3A_17, %add3A_49 : i32
      %dma_start3A_51 = arith.constant 0 : i32
      %dma_start3A_52 = tpu.memref_slice %arg6[%add3A_50, %dma_start3A_51] : memref<160x128xi32, #tpu.memory_space<vmem>> -> memref<1x128xi32, #tpu.memory_space<vmem>>
      %dma_start3A_53 = tpu.memref_squeeze %dma_start3A_52 : memref<1x128xi32, #tpu.memory_space<vmem>> -> memref<128xi32, #tpu.memory_space<vmem>>
      %dma_start3A_54 = arith.constant 0 : i32
      %dma_start3A_55 = arith.constant 0 : i32
      %dma_start3A_56 = tpu.memref_slice %arg8[%dma_start3A_54, %dma_start3A_55] : memref<10240x128xf32, #tpu.memory_space<vmem_shared>> -> memref<10240x128xf32, #tpu.memory_space<vmem_shared>>
      tpu.enqueue_indirect_dma source(%arg7 : memref<128x128xf32, #tpu.memory_space<vmem>>) target(%dma_start3A_56 : memref<10240x128xf32, #tpu.memory_space<vmem_shared>>) offsets(%dma_start3A_53 : memref<128xi32, #tpu.memory_space<vmem>>) semaphore(%arg9 : memref<!tpu.dma_semaphore, #tpu.memory_space<semaphore_mem>>) {add = true}
      %add3A_57 = arith.constant 5 : i32
      %add3A_58 = arith.addi %add3A_17, %add3A_57 : i32
      %dma_start3A_59 = arith.constant 0 : i32
      %dma_start3A_60 = tpu.memref_slice %arg6[%add3A_58, %dma_start3A_59] : memref<160x128xi32, #tpu.memory_space<vmem>> -> memref<1x128xi32, #tpu.memory_space<vmem>>
      %dma_start3A_61 = tpu.memref_squeeze %dma_start3A_60 : memref<1x128xi32, #tpu.memory_space<vmem>> -> memref<128xi32, #tpu.memory_space<vmem>>
      %dma_start3A_62 = arith.constant 0 : i32
      %dma_start3A_63 = arith.constant 0 : i32
      %dma_start3A_64 = tpu.memref_slice %arg8[%dma_start3A_62, %dma_start3A_63] : memref<10240x128xf32, #tpu.memory_space<vmem_shared>> -> memref<10240x128xf32, #tpu.memory_space<vmem_shared>>
      tpu.enqueue_indirect_dma source(%arg7 : memref<128x128xf32, #tpu.memory_space<vmem>>) target(%dma_start3A_64 : memref<10240x128xf32, #tpu.memory_space<vmem_shared>>) offsets(%dma_start3A_61 : memref<128xi32, #tpu.memory_space<vmem>>) semaphore(%arg9 : memref<!tpu.dma_semaphore, #tpu.memory_space<semaphore_mem>>) {add = true}
      %add3A_65 = arith.constant 6 : i32
      %add3A_66 = arith.addi %add3A_17, %add3A_65 : i32
      %dma_start3A_67 = arith.constant 0 : i32
      %dma_start3A_68 = tpu.memref_slice %arg6[%add3A_66, %dma_start3A_67] : memref<160x128xi32, #tpu.memory_space<vmem>> -> memref<1x128xi32, #tpu.memory_space<vmem>>
      %dma_start3A_69 = tpu.memref_squeeze %dma_start3A_68 : memref<1x128xi32, #tpu.memory_space<vmem>> -> memref<128xi32, #tpu.memory_space<vmem>>
      %dma_start3A_70 = arith.constant 0 : i32
      %dma_start3A_71 = arith.constant 0 : i32
      %dma_start3A_72 = tpu.memref_slice %arg8[%dma_start3A_70, %dma_start3A_71] : memref<10240x128xf32, #tpu.memory_space<vmem_shared>> -> memref<10240x128xf32, #tpu.memory_space<vmem_shared>>
      tpu.enqueue_indirect_dma source(%arg7 : memref<128x128xf32, #tpu.memory_space<vmem>>) target(%dma_start3A_72 : memref<10240x128xf32, #tpu.memory_space<vmem_shared>>) offsets(%dma_start3A_69 : memref<128xi32, #tpu.memory_space<vmem>>) semaphore(%arg9 : memref<!tpu.dma_semaphore, #tpu.memory_space<semaphore_mem>>) {add = true}
      %add3A_73 = arith.constant 7 : i32
      %add3A_74 = arith.addi %add3A_17, %add3A_73 : i32
      %dma_start3A_75 = arith.constant 0 : i32
      %dma_start3A_76 = tpu.memref_slice %arg6[%add3A_74, %dma_start3A_75] : memref<160x128xi32, #tpu.memory_space<vmem>> -> memref<1x128xi32, #tpu.memory_space<vmem>>
      %dma_start3A_77 = tpu.memref_squeeze %dma_start3A_76 : memref<1x128xi32, #tpu.memory_space<vmem>> -> memref<128xi32, #tpu.memory_space<vmem>>
      %dma_start3A_78 = arith.constant 0 : i32
      %dma_start3A_79 = arith.constant 0 : i32
      %dma_start3A_80 = tpu.memref_slice %arg8[%dma_start3A_78, %dma_start3A_79] : memref<10240x128xf32, #tpu.memory_space<vmem_shared>> -> memref<10240x128xf32, #tpu.memory_space<vmem_shared>>
      tpu.enqueue_indirect_dma source(%arg7 : memref<128x128xf32, #tpu.memory_space<vmem>>) target(%dma_start3A_80 : memref<10240x128xf32, #tpu.memory_space<vmem_shared>>) offsets(%dma_start3A_77 : memref<128xi32, #tpu.memory_space<vmem>>) semaphore(%arg9 : memref<!tpu.dma_semaphore, #tpu.memory_space<semaphore_mem>>) {add = true}
      %add3A_81 = arith.constant 0 : i32
      %add3A_82 = arith.addi %add3A_17, %add3A_81 : i32
      %dma_wait3A = arith.constant 0 : i32
      %dma_wait3A_83 = tpu.memref_slice %arg6[%add3A_82, %dma_wait3A] : memref<160x128xi32, #tpu.memory_space<vmem>> -> memref<1x128xi32, #tpu.memory_space<vmem>>
      %dma_wait3A_84 = tpu.memref_squeeze %dma_wait3A_83 : memref<1x128xi32, #tpu.memory_space<vmem>> -> memref<128xi32, #tpu.memory_space<vmem>>
      %dma_wait3A_85 = arith.constant 0 : i32
      %dma_wait3A_86 = arith.constant 0 : i32
      %dma_wait3A_87 = tpu.memref_slice %arg8[%dma_wait3A_85, %dma_wait3A_86] : memref<10240x128xf32, #tpu.memory_space<vmem_shared>> -> memref<10240x128xf32, #tpu.memory_space<vmem_shared>>
      tpu.wait_indirect_dma semaphore(%arg9 : memref<!tpu.dma_semaphore, #tpu.memory_space<semaphore_mem>>) src(%arg7 : memref<128x128xf32, #tpu.memory_space<vmem>>) dst(%dma_wait3A_87 : memref<10240x128xf32, #tpu.memory_space<vmem_shared>>)
      %add3A_88 = arith.constant 1 : i32
      %add3A_89 = arith.addi %add3A_17, %add3A_88 : i32
      %dma_wait3A_90 = arith.constant 0 : i32
      %dma_wait3A_91 = tpu.memref_slice %arg6[%add3A_89, %dma_wait3A_90] : memref<160x128xi32, #tpu.memory_space<vmem>> -> memref<1x128xi32, #tpu.memory_space<vmem>>
      %dma_wait3A_92 = tpu.memref_squeeze %dma_wait3A_91 : memref<1x128xi32, #tpu.memory_space<vmem>> -> memref<128xi32, #tpu.memory_space<vmem>>
      %dma_wait3A_93 = arith.constant 0 : i32
      %dma_wait3A_94 = arith.constant 0 : i32
      %dma_wait3A_95 = tpu.memref_slice %arg8[%dma_wait3A_93, %dma_wait3A_94] : memref<10240x128xf32, #tpu.memory_space<vmem_shared>> -> memref<10240x128xf32, #tpu.memory_space<vmem_shared>>
      tpu.wait_indirect_dma semaphore(%arg9 : memref<!tpu.dma_semaphore, #tpu.memory_space<semaphore_mem>>) src(%arg7 : memref<128x128xf32, #tpu.memory_space<vmem>>) dst(%dma_wait3A_95 : memref<10240x128xf32, #tpu.memory_space<vmem_shared>>)
      %add3A_96 = arith.constant 2 : i32
      %add3A_97 = arith.addi %add3A_17, %add3A_96 : i32
      %dma_wait3A_98 = arith.constant 0 : i32
      %dma_wait3A_99 = tpu.memref_slice %arg6[%add3A_97, %dma_wait3A_98] : memref<160x128xi32, #tpu.memory_space<vmem>> -> memref<1x128xi32, #tpu.memory_space<vmem>>
      %dma_wait3A_100 = tpu.memref_squeeze %dma_wait3A_99 : memref<1x128xi32, #tpu.memory_space<vmem>> -> memref<128xi32, #tpu.memory_space<vmem>>
      %dma_wait3A_101 = arith.constant 0 : i32
      %dma_wait3A_102 = arith.constant 0 : i32
      %dma_wait3A_103 = tpu.memref_slice %arg8[%dma_wait3A_101, %dma_wait3A_102] : memref<10240x128xf32, #tpu.memory_space<vmem_shared>> -> memref<10240x128xf32, #tpu.memory_space<vmem_shared>>
      tpu.wait_indirect_dma semaphore(%arg9 : memref<!tpu.dma_semaphore, #tpu.memory_space<semaphore_mem>>) src(%arg7 : memref<128x128xf32, #tpu.memory_space<vmem>>) dst(%dma_wait3A_103 : memref<10240x128xf32, #tpu.memory_space<vmem_shared>>)
      %add3A_104 = arith.constant 3 : i32
      %add3A_105 = arith.addi %add3A_17, %add3A_104 : i32
      %dma_wait3A_106 = arith.constant 0 : i32
      %dma_wait3A_107 = tpu.memref_slice %arg6[%add3A_105, %dma_wait3A_106] : memref<160x128xi32, #tpu.memory_space<vmem>> -> memref<1x128xi32, #tpu.memory_space<vmem>>
      %dma_wait3A_108 = tpu.memref_squeeze %dma_wait3A_107 : memref<1x128xi32, #tpu.memory_space<vmem>> -> memref<128xi32, #tpu.memory_space<vmem>>
      %dma_wait3A_109 = arith.constant 0 : i32
      %dma_wait3A_110 = arith.constant 0 : i32
      %dma_wait3A_111 = tpu.memref_slice %arg8[%dma_wait3A_109, %dma_wait3A_110] : memref<10240x128xf32, #tpu.memory_space<vmem_shared>> -> memref<10240x128xf32, #tpu.memory_space<vmem_shared>>
      tpu.wait_indirect_dma semaphore(%arg9 : memref<!tpu.dma_semaphore, #tpu.memory_space<semaphore_mem>>) src(%arg7 : memref<128x128xf32, #tpu.memory_space<vmem>>) dst(%dma_wait3A_111 : memref<10240x128xf32, #tpu.memory_space<vmem_shared>>)
      %add3A_112 = arith.constant 4 : i32
      %add3A_113 = arith.addi %add3A_17, %add3A_112 : i32
      %dma_wait3A_114 = arith.constant 0 : i32
      %dma_wait3A_115 = tpu.memref_slice %arg6[%add3A_113, %dma_wait3A_114] : memref<160x128xi32, #tpu.memory_space<vmem>> -> memref<1x128xi32, #tpu.memory_space<vmem>>
      %dma_wait3A_116 = tpu.memref_squeeze %dma_wait3A_115 : memref<1x128xi32, #tpu.memory_space<vmem>> -> memref<128xi32, #tpu.memory_space<vmem>>
      %dma_wait3A_117 = arith.constant 0 : i32
      %dma_wait3A_118 = arith.constant 0 : i32
      %dma_wait3A_119 = tpu.memref_slice %arg8[%dma_wait3A_117, %dma_wait3A_118] : memref<10240x128xf32, #tpu.memory_space<vmem_shared>> -> memref<10240x128xf32, #tpu.memory_space<vmem_shared>>
      tpu.wait_indirect_dma semaphore(%arg9 : memref<!tpu.dma_semaphore, #tpu.memory_space<semaphore_mem>>) src(%arg7 : memref<128x128xf32, #tpu.memory_space<vmem>>) dst(%dma_wait3A_119 : memref<10240x128xf32, #tpu.memory_space<vmem_shared>>)
      %add3A_120 = arith.constant 5 : i32
      %add3A_121 = arith.addi %add3A_17, %add3A_120 : i32
      %dma_wait3A_122 = arith.constant 0 : i32
      %dma_wait3A_123 = tpu.memref_slice %arg6[%add3A_121, %dma_wait3A_122] : memref<160x128xi32, #tpu.memory_space<vmem>> -> memref<1x128xi32, #tpu.memory_space<vmem>>
      %dma_wait3A_124 = tpu.memref_squeeze %dma_wait3A_123 : memref<1x128xi32, #tpu.memory_space<vmem>> -> memref<128xi32, #tpu.memory_space<vmem>>
      %dma_wait3A_125 = arith.constant 0 : i32
      %dma_wait3A_126 = arith.constant 0 : i32
      %dma_wait3A_127 = tpu.memref_slice %arg8[%dma_wait3A_125, %dma_wait3A_126] : memref<10240x128xf32, #tpu.memory_space<vmem_shared>> -> memref<10240x128xf32, #tpu.memory_space<vmem_shared>>
      tpu.wait_indirect_dma semaphore(%arg9 : memref<!tpu.dma_semaphore, #tpu.memory_space<semaphore_mem>>) src(%arg7 : memref<128x128xf32, #tpu.memory_space<vmem>>) dst(%dma_wait3A_127 : memref<10240x128xf32, #tpu.memory_space<vmem_shared>>)
      %add3A_128 = arith.constant 6 : i32
      %add3A_129 = arith.addi %add3A_17, %add3A_128 : i32
      %dma_wait3A_130 = arith.constant 0 : i32
      %dma_wait3A_131 = tpu.memref_slice %arg6[%add3A_129, %dma_wait3A_130] : memref<160x128xi32, #tpu.memory_space<vmem>> -> memref<1x128xi32, #tpu.memory_space<vmem>>
      %dma_wait3A_132 = tpu.memref_squeeze %dma_wait3A_131 : memref<1x128xi32, #tpu.memory_space<vmem>> -> memref<128xi32, #tpu.memory_space<vmem>>
      %dma_wait3A_133 = arith.constant 0 : i32
      %dma_wait3A_134 = arith.constant 0 : i32
      %dma_wait3A_135 = tpu.memref_slice %arg8[%dma_wait3A_133, %dma_wait3A_134] : memref<10240x128xf32, #tpu.memory_space<vmem_shared>> -> memref<10240x128xf32, #tpu.memory_space<vmem_shared>>
      tpu.wait_indirect_dma semaphore(%arg9 : memref<!tpu.dma_semaphore, #tpu.memory_space<semaphore_mem>>) src(%arg7 : memref<128x128xf32, #tpu.memory_space<vmem>>) dst(%dma_wait3A_135 : memref<10240x128xf32, #tpu.memory_space<vmem_shared>>)
      %add3A_136 = arith.constant 7 : i32
      %add3A_137 = arith.addi %add3A_17, %add3A_136 : i32
      %dma_wait3A_138 = arith.constant 0 : i32
      %dma_wait3A_139 = tpu.memref_slice %arg6[%add3A_137, %dma_wait3A_138] : memref<160x128xi32, #tpu.memory_space<vmem>> -> memref<1x128xi32, #tpu.memory_space<vmem>>
      %dma_wait3A_140 = tpu.memref_squeeze %dma_wait3A_139 : memref<1x128xi32, #tpu.memory_space<vmem>> -> memref<128xi32, #tpu.memory_space<vmem>>
      %dma_wait3A_141 = arith.constant 0 : i32
      %dma_wait3A_142 = arith.constant 0 : i32
      %dma_wait3A_143 = tpu.memref_slice %arg8[%dma_wait3A_141, %dma_wait3A_142] : memref<10240x128xf32, #tpu.memory_space<vmem_shared>> -> memref<10240x128xf32, #tpu.memory_space<vmem_shared>>
      tpu.wait_indirect_dma semaphore(%arg9 : memref<!tpu.dma_semaphore, #tpu.memory_space<semaphore_mem>>) src(%arg7 : memref<128x128xf32, #tpu.memory_space<vmem>>) dst(%dma_wait3A_143 : memref<10240x128xf32, #tpu.memory_space<vmem_shared>>)
    }
    %scan3A_8 = arith.constant 20 : i32
    %barrier3A_9 = arith.constant 0 : index
    tpu.barrier barrier_id(%barrier3A_9)
    %mul3A_10 = arith.constant 640 : i32
    %mul3A_11 = arith.muli %arg1, %mul3A_10 : i32
    %mul3A_12 = arith.constant 640 : i32
    %mul3A_13 = arith.muli %arg1, %mul3A_12 : i32
    "tpu.region"() ({
      %run_scoped3A = tpu.sem_alloc : memref<!tpu.dma_semaphore, #tpu.memory_space<semaphore_mem>>
      %dma_start3A = arith.constant 0 : i32
      %dma_start3A_14 = tpu.memref_slice %arg5[%arg0, %mul3A_13, %dma_start3A] : memref<2x10240x128xf32, #tpu.memory_space<hbm>> -> memref<1x640x128xf32, #tpu.memory_space<hbm>>
      %dma_start3A_15 = tpu.memref_squeeze %dma_start3A_14 : memref<1x640x128xf32, #tpu.memory_space<hbm>> -> memref<640x128xf32, #tpu.memory_space<hbm>>
      %dma_start3A_16 = arith.constant 0 : i32
      %dma_start3A_17 = tpu.memref_slice %arg8[%mul3A_11, %dma_start3A_16] : memref<10240x128xf32, #tpu.memory_space<vmem_shared>> -> memref<640x128xf32, #tpu.memory_space<vmem_shared>>
      tpu.enqueue_dma source(%dma_start3A_17 : memref<640x128xf32, #tpu.memory_space<vmem_shared>>) target(%dma_start3A_15 : memref<640x128xf32, #tpu.memory_space<hbm>>) target_semaphore(%run_scoped3A : memref<!tpu.dma_semaphore, #tpu.memory_space<semaphore_mem>>)
      %dma_wait3A = arith.constant 0 : i32
      %dma_wait3A_18 = tpu.memref_slice %arg5[%arg0, %mul3A_13, %dma_wait3A] : memref<2x10240x128xf32, #tpu.memory_space<hbm>> -> memref<1x640x128xf32, #tpu.memory_space<hbm>>
      %dma_wait3A_19 = tpu.memref_squeeze %dma_wait3A_18 : memref<1x640x128xf32, #tpu.memory_space<hbm>> -> memref<640x128xf32, #tpu.memory_space<hbm>>
      %dma_wait3A_20 = arith.constant 0 : i32
      %dma_wait3A_21 = tpu.memref_slice %arg8[%mul3A_11, %dma_wait3A_20] : memref<10240x128xf32, #tpu.memory_space<vmem_shared>> -> memref<640x128xf32, #tpu.memory_space<vmem_shared>>
      tpu.wait_dma2 semaphore(%run_scoped3A : memref<!tpu.dma_semaphore, #tpu.memory_space<semaphore_mem>>) src(%dma_wait3A_21 : memref<640x128xf32, #tpu.memory_space<vmem_shared>>) dst(%dma_wait3A_19 : memref<640x128xf32, #tpu.memory_space<hbm>>)
      tpu.yield
    }) : () -> ()
    return
  }
}

#map = affine_map<(d0, d1) -> (0, 0)>
#map1 = affine_map<(d0, d1) -> (0, 0, 0)>
module attributes {stable_mosaic.version = 14 : i64} {
  func.func @_sc_scatter(%arg0: i32, %arg1: i32, %arg2: memref<10240x128xf32, #tpu.memory_space<hbm>>, %arg3: memref<2560x128xi32, #tpu.memory_space<hbm>>, %arg4: memref<2560x128xi32, #tpu.memory_space<hbm>>, %arg5: memref<10240x128xf32, #tpu.memory_space<hbm>>, %arg6: memref<2x10240x128xf32, #tpu.memory_space<hbm>>, %arg7: memref<120x128xi32, #tpu.memory_space<vmem>>, %arg8: memref<120x128xi32, #tpu.memory_space<vmem>>, %arg9: memref<64x128xf32, #tpu.memory_space<vmem>>, %arg10: memref<64x128xf32, #tpu.memory_space<vmem>>, %arg11: memref<10240x128xf32, #tpu.memory_space<vmem_shared>>, %arg12: memref<!tpu.dma_semaphore, #tpu.memory_space<semaphore_mem>>, %arg13: memref<!tpu.dma_semaphore, #tpu.memory_space<semaphore_mem>>, %arg14: memref<!tpu.dma_semaphore, #tpu.memory_space<semaphore_mem>>, %arg15: memref<!tpu.dma_semaphore, #tpu.memory_space<semaphore_mem>>) attributes {dimension_semantics = [#tpu.dimension_semantics<core_parallel>, #tpu.dimension_semantics<subcore_parallel>], iteration_bounds = array<i64: 2, 16>, scalar_prefetch = 0 : i64, scratch_operands = 9 : i64, tpu.core_type = #tpu.core_type<sc_vector_subcore>, window_params = [{transform_indices = #map}, {transform_indices = #map}, {transform_indices = #map}, {transform_indices = #map}, {transform_indices = #map1}]} {
    %mul3A = arith.constant 640 : i32
    %mul3A_0 = arith.muli %arg1, %mul3A : i32
    %mul3A_1 = arith.constant 640 : i32
    %mul3A_2 = arith.muli %arg1, %mul3A_1 : i32
    "tpu.region"() ({
      %run_scoped3A = tpu.sem_alloc : memref<!tpu.dma_semaphore, #tpu.memory_space<semaphore_mem>>
      %dma_start3A = arith.constant 0 : i32
      %dma_start3A_14 = tpu.memref_slice %arg11[%mul3A_2, %dma_start3A] : memref<10240x128xf32, #tpu.memory_space<vmem_shared>> -> memref<640x128xf32, #tpu.memory_space<vmem_shared>>
      %dma_start3A_15 = arith.constant 0 : i32
      %dma_start3A_16 = tpu.memref_slice %arg5[%mul3A_0, %dma_start3A_15] : memref<10240x128xf32, #tpu.memory_space<hbm>> -> memref<640x128xf32, #tpu.memory_space<hbm>>
      tpu.enqueue_dma source(%dma_start3A_16 : memref<640x128xf32, #tpu.memory_space<hbm>>) target(%dma_start3A_14 : memref<640x128xf32, #tpu.memory_space<vmem_shared>>) target_semaphore(%run_scoped3A : memref<!tpu.dma_semaphore, #tpu.memory_space<semaphore_mem>>)
      %dma_wait3A = arith.constant 0 : i32
      %dma_wait3A_17 = tpu.memref_slice %arg11[%mul3A_2, %dma_wait3A] : memref<10240x128xf32, #tpu.memory_space<vmem_shared>> -> memref<640x128xf32, #tpu.memory_space<vmem_shared>>
      %dma_wait3A_18 = arith.constant 0 : i32
      %dma_wait3A_19 = tpu.memref_slice %arg5[%mul3A_0, %dma_wait3A_18] : memref<10240x128xf32, #tpu.memory_space<hbm>> -> memref<640x128xf32, #tpu.memory_space<hbm>>
      tpu.wait_dma2 semaphore(%run_scoped3A : memref<!tpu.dma_semaphore, #tpu.memory_space<semaphore_mem>>) src(%dma_wait3A_19 : memref<640x128xf32, #tpu.memory_space<hbm>>) dst(%dma_wait3A_17 : memref<640x128xf32, #tpu.memory_space<vmem_shared>>)
      tpu.yield
    }) : () -> ()
    %eq3A = arith.constant 0 : i32
    %eq3A_3 = arith.cmpi eq, %arg0, %eq3A : i32
    %convert_element_type3A = arith.extui %eq3A_3 : i1 to i32
    %cond3A = arith.constant 0 : i32
    %cond3A_4 = arith.cmpi ne, %convert_element_type3A, %cond3A : i32
    scf.if %cond3A_4 {
      %mul3A_14 = arith.constant 120 : i32
      %mul3A_15 = arith.muli %arg1, %mul3A_14 : i32
      "tpu.region"() ({
        %run_scoped3A = tpu.sem_alloc : memref<!tpu.dma_semaphore, #tpu.memory_space<semaphore_mem>>
        %dma_start3A_32 = arith.constant 0 : i32
        %dma_start3A_33 = arith.constant 0 : i32
        %dma_start3A_34 = tpu.memref_slice %arg7[%dma_start3A_32, %dma_start3A_33] : memref<120x128xi32, #tpu.memory_space<vmem>> -> memref<120x128xi32, #tpu.memory_space<vmem>>
        %dma_start3A_35 = arith.constant 0 : i32
        %dma_start3A_36 = tpu.memref_slice %arg3[%mul3A_15, %dma_start3A_35] : memref<2560x128xi32, #tpu.memory_space<hbm>> -> memref<120x128xi32, #tpu.memory_space<hbm>>
        %dma_start3A_37 = arith.constant 0 : i32
        %dma_start3A_38 = arith.constant 0 : i32
        %dma_start3A_39 = tpu.memref_slice %arg7[%dma_start3A_37, %dma_start3A_38] : memref<120x128xi32, #tpu.memory_space<vmem>> -> memref<120x128xi32, #tpu.memory_space<vmem>>
        %dma_start3A_40 = arith.constant 0 : i32
        %dma_start3A_41 = tpu.memref_slice %arg3[%mul3A_15, %dma_start3A_40] : memref<2560x128xi32, #tpu.memory_space<hbm>> -> memref<120x128xi32, #tpu.memory_space<hbm>>
        tpu.enqueue_dma source(%dma_start3A_41 : memref<120x128xi32, #tpu.memory_space<hbm>>) target(%dma_start3A_39 : memref<120x128xi32, #tpu.memory_space<vmem>>) target_semaphore(%run_scoped3A : memref<!tpu.dma_semaphore, #tpu.memory_space<semaphore_mem>>)
        %dma_wait3A_42 = arith.constant 0 : i32
        %dma_wait3A_43 = arith.constant 0 : i32
        %dma_wait3A_44 = tpu.memref_slice %arg7[%dma_wait3A_42, %dma_wait3A_43] : memref<120x128xi32, #tpu.memory_space<vmem>> -> memref<120x128xi32, #tpu.memory_space<vmem>>
        %dma_wait3A_45 = arith.constant 0 : i32
        %dma_wait3A_46 = tpu.memref_slice %arg3[%mul3A_15, %dma_wait3A_45] : memref<2560x128xi32, #tpu.memory_space<hbm>> -> memref<120x128xi32, #tpu.memory_space<hbm>>
        %dma_wait3A_47 = arith.constant 0 : i32
        %dma_wait3A_48 = arith.constant 0 : i32
        %dma_wait3A_49 = tpu.memref_slice %arg7[%dma_wait3A_47, %dma_wait3A_48] : memref<120x128xi32, #tpu.memory_space<vmem>> -> memref<120x128xi32, #tpu.memory_space<vmem>>
        %dma_wait3A_50 = arith.constant 0 : i32
        %dma_wait3A_51 = tpu.memref_slice %arg3[%mul3A_15, %dma_wait3A_50] : memref<2560x128xi32, #tpu.memory_space<hbm>> -> memref<120x128xi32, #tpu.memory_space<hbm>>
        tpu.wait_dma2 semaphore(%run_scoped3A : memref<!tpu.dma_semaphore, #tpu.memory_space<semaphore_mem>>) src(%dma_wait3A_51 : memref<120x128xi32, #tpu.memory_space<hbm>>) dst(%dma_wait3A_49 : memref<120x128xi32, #tpu.memory_space<vmem>>)
        tpu.yield
      }) : () -> ()
      "tpu.region"() ({
        %run_scoped3A = tpu.sem_alloc : memref<!tpu.dma_semaphore, #tpu.memory_space<semaphore_mem>>
        %dma_start3A_32 = arith.constant 0 : i32
        %dma_start3A_33 = arith.constant 0 : i32
        %dma_start3A_34 = tpu.memref_slice %arg8[%dma_start3A_32, %dma_start3A_33] : memref<120x128xi32, #tpu.memory_space<vmem>> -> memref<120x128xi32, #tpu.memory_space<vmem>>
        %dma_start3A_35 = arith.constant 0 : i32
        %dma_start3A_36 = tpu.memref_slice %arg4[%mul3A_15, %dma_start3A_35] : memref<2560x128xi32, #tpu.memory_space<hbm>> -> memref<120x128xi32, #tpu.memory_space<hbm>>
        %dma_start3A_37 = arith.constant 0 : i32
        %dma_start3A_38 = arith.constant 0 : i32
        %dma_start3A_39 = tpu.memref_slice %arg8[%dma_start3A_37, %dma_start3A_38] : memref<120x128xi32, #tpu.memory_space<vmem>> -> memref<120x128xi32, #tpu.memory_space<vmem>>
        %dma_start3A_40 = arith.constant 0 : i32
        %dma_start3A_41 = tpu.memref_slice %arg4[%mul3A_15, %dma_start3A_40] : memref<2560x128xi32, #tpu.memory_space<hbm>> -> memref<120x128xi32, #tpu.memory_space<hbm>>
        tpu.enqueue_dma source(%dma_start3A_41 : memref<120x128xi32, #tpu.memory_space<hbm>>) target(%dma_start3A_39 : memref<120x128xi32, #tpu.memory_space<vmem>>) target_semaphore(%run_scoped3A : memref<!tpu.dma_semaphore, #tpu.memory_space<semaphore_mem>>)
        %dma_wait3A_42 = arith.constant 0 : i32
        %dma_wait3A_43 = arith.constant 0 : i32
        %dma_wait3A_44 = tpu.memref_slice %arg8[%dma_wait3A_42, %dma_wait3A_43] : memref<120x128xi32, #tpu.memory_space<vmem>> -> memref<120x128xi32, #tpu.memory_space<vmem>>
        %dma_wait3A_45 = arith.constant 0 : i32
        %dma_wait3A_46 = tpu.memref_slice %arg4[%mul3A_15, %dma_wait3A_45] : memref<2560x128xi32, #tpu.memory_space<hbm>> -> memref<120x128xi32, #tpu.memory_space<hbm>>
        %dma_wait3A_47 = arith.constant 0 : i32
        %dma_wait3A_48 = arith.constant 0 : i32
        %dma_wait3A_49 = tpu.memref_slice %arg8[%dma_wait3A_47, %dma_wait3A_48] : memref<120x128xi32, #tpu.memory_space<vmem>> -> memref<120x128xi32, #tpu.memory_space<vmem>>
        %dma_wait3A_50 = arith.constant 0 : i32
        %dma_wait3A_51 = tpu.memref_slice %arg4[%mul3A_15, %dma_wait3A_50] : memref<2560x128xi32, #tpu.memory_space<hbm>> -> memref<120x128xi32, #tpu.memory_space<hbm>>
        tpu.wait_dma2 semaphore(%run_scoped3A : memref<!tpu.dma_semaphore, #tpu.memory_space<semaphore_mem>>) src(%dma_wait3A_51 : memref<120x128xi32, #tpu.memory_space<hbm>>) dst(%dma_wait3A_49 : memref<120x128xi32, #tpu.memory_space<vmem>>)
        tpu.yield
      }) : () -> ()
      %dma_start3A = arith.constant 0 : i32
      %dma_start3A_16 = arith.constant 0 : i32
      %dma_start3A_17 = tpu.memref_slice %arg7[%dma_start3A, %dma_start3A_16] : memref<120x128xi32, #tpu.memory_space<vmem>> -> memref<1x64xi32, #tpu.memory_space<vmem>>
      %dma_start3A_18 = tpu.memref_squeeze %dma_start3A_17 : memref<1x64xi32, #tpu.memory_space<vmem>> -> memref<64xi32, #tpu.memory_space<vmem>>
      %dma_start3A_19 = arith.constant 0 : i32
      %dma_start3A_20 = arith.constant 0 : i32
      %dma_start3A_21 = tpu.memref_slice %arg2[%dma_start3A_19, %dma_start3A_20] : memref<10240x128xf32, #tpu.memory_space<hbm>> -> memref<10240x128xf32, #tpu.memory_space<hbm>>
      tpu.enqueue_indirect_dma source(%dma_start3A_21 : memref<10240x128xf32, #tpu.memory_space<hbm>>) target(%arg9 : memref<64x128xf32, #tpu.memory_space<vmem>>) offsets(%dma_start3A_18 : memref<64xi32, #tpu.memory_space<vmem>>) semaphore(%arg12 : memref<!tpu.dma_semaphore, #tpu.memory_space<semaphore_mem>>)
      %scan3A = arith.constant 0 : i32
      %scan3A_22 = arith.constant 120 : i32
      %scan3A_23 = arith.addi %scan3A, %scan3A_22 : i32
      %scan3A_24 = arith.constant 1 : i32
      scf.for %scan3A_32 = %scan3A to %scan3A_23 step %scan3A_24  : i32 {
        %mul3A_33 = arith.constant 2 : i32
        %mul3A_34 = arith.muli %scan3A_32, %mul3A_33 : i32
        %add3A = arith.constant 0 : i32
        %add3A_35 = arith.addi %add3A, %mul3A_34 : i32
        %add3A_36 = arith.constant 0 : i32
        %add3A_37 = arith.addi %add3A_35, %add3A_36 : i32
        %ge3A = arith.constant 1 : i32
        %ge3A_38 = arith.cmpi sge, %add3A_37, %ge3A : i32
        %convert_element_type3A_39 = arith.extui %ge3A_38 : i1 to i32
        %cond3A_40 = arith.constant 0 : i32
        %cond3A_41 = arith.cmpi ne, %convert_element_type3A_39, %cond3A_40 : i32
        scf.if %cond3A_41 {
          %sub3A_174 = arith.constant 1 : i32
          %sub3A_175 = arith.subi %add3A_37, %sub3A_174 : i32
          %jit3A_176 = arith.constant 2 : i32
          %div3A_177 = arith.divsi %sub3A_175, %jit3A_176 : i32
          %sign3A_178 = arith.constant 0 : i32
          %sign3A_179 = arith.cmpi sgt, %sub3A_175, %sign3A_178 : i32
          %sign3A_180 = arith.extui %sign3A_179 : i1 to i32
          %sign3A_181 = arith.constant 0 : i32
          %sign3A_182 = arith.cmpi slt, %sub3A_175, %sign3A_181 : i32
          %sign3A_183 = arith.extui %sign3A_182 : i1 to i32
          %sign3A_184 = arith.subi %sign3A_180, %sign3A_183 : i32
          %sign3A_185 = arith.constant 0 : i32
          %sign3A_186 = arith.cmpi sgt, %jit3A_176, %sign3A_185 : i32
          %sign3A_187 = arith.extui %sign3A_186 : i1 to i32
          %sign3A_188 = arith.constant 0 : i32
          %sign3A_189 = arith.cmpi slt, %jit3A_176, %sign3A_188 : i32
          %sign3A_190 = arith.extui %sign3A_189 : i1 to i32
          %sign3A_191 = arith.subi %sign3A_187, %sign3A_190 : i32
          %ne3A_192 = arith.cmpi ne, %sign3A_184, %sign3A_191 : i32
          %rem3A_193 = arith.remsi %sub3A_175, %jit3A_176 : i32
          %ne3A_194 = arith.constant 0 : i32
          %ne3A_195 = arith.cmpi ne, %rem3A_193, %ne3A_194 : i32
          %and3A_196 = arith.andi %ne3A_192, %ne3A_195 : i1
          %sub3A_197 = arith.constant 1 : i32
          %sub3A_198 = arith.subi %div3A_177, %sub3A_197 : i32
          %select_n3A_199 = arith.select %and3A_196, %sub3A_198, %div3A_177 : i32
          %dma_wait3A_200 = arith.constant 64 : i32
          %dma_wait3A_201 = tpu.memref_slice %arg8[%select_n3A_199, %dma_wait3A_200] : memref<120x128xi32, #tpu.memory_space<vmem>> -> memref<1x64xi32, #tpu.memory_space<vmem>>
          %dma_wait3A_202 = tpu.memref_squeeze %dma_wait3A_201 : memref<1x64xi32, #tpu.memory_space<vmem>> -> memref<64xi32, #tpu.memory_space<vmem>>
          %dma_wait3A_203 = arith.constant 0 : i32
          %dma_wait3A_204 = arith.constant 0 : i32
          %dma_wait3A_205 = tpu.memref_slice %arg11[%dma_wait3A_203, %dma_wait3A_204] : memref<10240x128xf32, #tpu.memory_space<vmem_shared>> -> memref<10240x128xf32, #tpu.memory_space<vmem_shared>>
          tpu.wait_indirect_dma semaphore(%arg15 : memref<!tpu.dma_semaphore, #tpu.memory_space<semaphore_mem>>) src(%arg10 : memref<64x128xf32, #tpu.memory_space<vmem>>) dst(%dma_wait3A_205 : memref<10240x128xf32, #tpu.memory_space<vmem_shared>>)
        } else {
        }
        %add3A_42 = arith.constant 1 : i32
        %add3A_43 = arith.addi %add3A_37, %add3A_42 : i32
        %lt3A = arith.constant 240 : i32
        %lt3A_44 = arith.cmpi slt, %add3A_43, %lt3A : i32
        %convert_element_type3A_45 = arith.extui %lt3A_44 : i1 to i32
        %cond3A_46 = arith.constant 0 : i32
        %cond3A_47 = arith.cmpi ne, %convert_element_type3A_45, %cond3A_46 : i32
        scf.if %cond3A_47 {
          %add3A_174 = arith.constant 1 : i32
          %add3A_175 = arith.addi %add3A_37, %add3A_174 : i32
          %jit3A_176 = arith.constant 2 : i32
          %div3A_177 = arith.divsi %add3A_175, %jit3A_176 : i32
          %sign3A_178 = arith.constant 0 : i32
          %sign3A_179 = arith.cmpi sgt, %add3A_175, %sign3A_178 : i32
          %sign3A_180 = arith.extui %sign3A_179 : i1 to i32
          %sign3A_181 = arith.constant 0 : i32
          %sign3A_182 = arith.cmpi slt, %add3A_175, %sign3A_181 : i32
          %sign3A_183 = arith.extui %sign3A_182 : i1 to i32
          %sign3A_184 = arith.subi %sign3A_180, %sign3A_183 : i32
          %sign3A_185 = arith.constant 0 : i32
          %sign3A_186 = arith.cmpi sgt, %jit3A_176, %sign3A_185 : i32
          %sign3A_187 = arith.extui %sign3A_186 : i1 to i32
          %sign3A_188 = arith.constant 0 : i32
          %sign3A_189 = arith.cmpi slt, %jit3A_176, %sign3A_188 : i32
          %sign3A_190 = arith.extui %sign3A_189 : i1 to i32
          %sign3A_191 = arith.subi %sign3A_187, %sign3A_190 : i32
          %ne3A_192 = arith.cmpi ne, %sign3A_184, %sign3A_191 : i32
          %rem3A_193 = arith.remsi %add3A_175, %jit3A_176 : i32
          %ne3A_194 = arith.constant 0 : i32
          %ne3A_195 = arith.cmpi ne, %rem3A_193, %ne3A_194 : i32
          %and3A_196 = arith.andi %ne3A_192, %ne3A_195 : i1
          %sub3A_197 = arith.constant 1 : i32
          %sub3A_198 = arith.subi %div3A_177, %sub3A_197 : i32
          %select_n3A_199 = arith.select %and3A_196, %sub3A_198, %div3A_177 : i32
          %dma_start3A_200 = arith.constant 64 : i32
          %dma_start3A_201 = tpu.memref_slice %arg7[%select_n3A_199, %dma_start3A_200] : memref<120x128xi32, #tpu.memory_space<vmem>> -> memref<1x64xi32, #tpu.memory_space<vmem>>
          %dma_start3A_202 = tpu.memref_squeeze %dma_start3A_201 : memref<1x64xi32, #tpu.memory_space<vmem>> -> memref<64xi32, #tpu.memory_space<vmem>>
          %dma_start3A_203 = arith.constant 0 : i32
          %dma_start3A_204 = arith.constant 0 : i32
          %dma_start3A_205 = tpu.memref_slice %arg2[%dma_start3A_203, %dma_start3A_204] : memref<10240x128xf32, #tpu.memory_space<hbm>> -> memref<10240x128xf32, #tpu.memory_space<hbm>>
          tpu.enqueue_indirect_dma source(%dma_start3A_205 : memref<10240x128xf32, #tpu.memory_space<hbm>>) target(%arg10 : memref<64x128xf32, #tpu.memory_space<vmem>>) offsets(%dma_start3A_202 : memref<64xi32, #tpu.memory_space<vmem>>) semaphore(%arg13 : memref<!tpu.dma_semaphore, #tpu.memory_space<semaphore_mem>>)
        } else {
        }
        %jit3A = arith.constant 2 : i32
        %div3A = arith.divsi %add3A_37, %jit3A : i32
        %sign3A = arith.constant 0 : i32
        %sign3A_48 = arith.cmpi sgt, %add3A_37, %sign3A : i32
        %sign3A_49 = arith.extui %sign3A_48 : i1 to i32
        %sign3A_50 = arith.constant 0 : i32
        %sign3A_51 = arith.cmpi slt, %add3A_37, %sign3A_50 : i32
        %sign3A_52 = arith.extui %sign3A_51 : i1 to i32
        %sign3A_53 = arith.subi %sign3A_49, %sign3A_52 : i32
        %sign3A_54 = arith.constant 0 : i32
        %sign3A_55 = arith.cmpi sgt, %jit3A, %sign3A_54 : i32
        %sign3A_56 = arith.extui %sign3A_55 : i1 to i32
        %sign3A_57 = arith.constant 0 : i32
        %sign3A_58 = arith.cmpi slt, %jit3A, %sign3A_57 : i32
        %sign3A_59 = arith.extui %sign3A_58 : i1 to i32
        %sign3A_60 = arith.subi %sign3A_56, %sign3A_59 : i32
        %ne3A = arith.cmpi ne, %sign3A_53, %sign3A_60 : i32
        %rem3A = arith.remsi %add3A_37, %jit3A : i32
        %ne3A_61 = arith.constant 0 : i32
        %ne3A_62 = arith.cmpi ne, %rem3A, %ne3A_61 : i32
        %and3A = arith.andi %ne3A, %ne3A_62 : i1
        %sub3A = arith.constant 1 : i32
        %sub3A_63 = arith.subi %div3A, %sub3A : i32
        %select_n3A = arith.select %and3A, %sub3A_63, %div3A : i32
        %dma_wait3A_64 = arith.constant 0 : i32
        %dma_wait3A_65 = tpu.memref_slice %arg7[%select_n3A, %dma_wait3A_64] : memref<120x128xi32, #tpu.memory_space<vmem>> -> memref<1x64xi32, #tpu.memory_space<vmem>>
        %dma_wait3A_66 = tpu.memref_squeeze %dma_wait3A_65 : memref<1x64xi32, #tpu.memory_space<vmem>> -> memref<64xi32, #tpu.memory_space<vmem>>
        %dma_wait3A_67 = arith.constant 0 : i32
        %dma_wait3A_68 = arith.constant 0 : i32
        %dma_wait3A_69 = tpu.memref_slice %arg2[%dma_wait3A_67, %dma_wait3A_68] : memref<10240x128xf32, #tpu.memory_space<hbm>> -> memref<10240x128xf32, #tpu.memory_space<hbm>>
        tpu.wait_indirect_dma semaphore(%arg12 : memref<!tpu.dma_semaphore, #tpu.memory_space<semaphore_mem>>) src(%dma_wait3A_69 : memref<10240x128xf32, #tpu.memory_space<hbm>>) dst(%arg9 : memref<64x128xf32, #tpu.memory_space<vmem>>)
        %jit3A_70 = arith.constant 2 : i32
        %div3A_71 = arith.divsi %add3A_37, %jit3A_70 : i32
        %sign3A_72 = arith.constant 0 : i32
        %sign3A_73 = arith.cmpi sgt, %add3A_37, %sign3A_72 : i32
        %sign3A_74 = arith.extui %sign3A_73 : i1 to i32
        %sign3A_75 = arith.constant 0 : i32
        %sign3A_76 = arith.cmpi slt, %add3A_37, %sign3A_75 : i32
        %sign3A_77 = arith.extui %sign3A_76 : i1 to i32
        %sign3A_78 = arith.subi %sign3A_74, %sign3A_77 : i32
        %sign3A_79 = arith.constant 0 : i32
        %sign3A_80 = arith.cmpi sgt, %jit3A_70, %sign3A_79 : i32
        %sign3A_81 = arith.extui %sign3A_80 : i1 to i32
        %sign3A_82 = arith.constant 0 : i32
        %sign3A_83 = arith.cmpi slt, %jit3A_70, %sign3A_82 : i32
        %sign3A_84 = arith.extui %sign3A_83 : i1 to i32
        %sign3A_85 = arith.subi %sign3A_81, %sign3A_84 : i32
        %ne3A_86 = arith.cmpi ne, %sign3A_78, %sign3A_85 : i32
        %rem3A_87 = arith.remsi %add3A_37, %jit3A_70 : i32
        %ne3A_88 = arith.constant 0 : i32
        %ne3A_89 = arith.cmpi ne, %rem3A_87, %ne3A_88 : i32
        %and3A_90 = arith.andi %ne3A_86, %ne3A_89 : i1
        %sub3A_91 = arith.constant 1 : i32
        %sub3A_92 = arith.subi %div3A_71, %sub3A_91 : i32
        %select_n3A_93 = arith.select %and3A_90, %sub3A_92, %div3A_71 : i32
        %dma_start3A_94 = arith.constant 0 : i32
        %dma_start3A_95 = tpu.memref_slice %arg8[%select_n3A_93, %dma_start3A_94] : memref<120x128xi32, #tpu.memory_space<vmem>> -> memref<1x64xi32, #tpu.memory_space<vmem>>
        %dma_start3A_96 = tpu.memref_squeeze %dma_start3A_95 : memref<1x64xi32, #tpu.memory_space<vmem>> -> memref<64xi32, #tpu.memory_space<vmem>>
        %dma_start3A_97 = arith.constant 0 : i32
        %dma_start3A_98 = arith.constant 0 : i32
        %dma_start3A_99 = tpu.memref_slice %arg11[%dma_start3A_97, %dma_start3A_98] : memref<10240x128xf32, #tpu.memory_space<vmem_shared>> -> memref<10240x128xf32, #tpu.memory_space<vmem_shared>>
        tpu.enqueue_indirect_dma source(%arg9 : memref<64x128xf32, #tpu.memory_space<vmem>>) target(%dma_start3A_99 : memref<10240x128xf32, #tpu.memory_space<vmem_shared>>) offsets(%dma_start3A_96 : memref<64xi32, #tpu.memory_space<vmem>>) semaphore(%arg14 : memref<!tpu.dma_semaphore, #tpu.memory_space<semaphore_mem>>) {add = true}
        %add3A_100 = arith.constant 1 : i32
        %add3A_101 = arith.addi %add3A_35, %add3A_100 : i32
        %ge3A_102 = arith.constant 1 : i32
        %ge3A_103 = arith.cmpi sge, %add3A_101, %ge3A_102 : i32
        %convert_element_type3A_104 = arith.extui %ge3A_103 : i1 to i32
        %cond3A_105 = arith.constant 0 : i32
        %cond3A_106 = arith.cmpi ne, %convert_element_type3A_104, %cond3A_105 : i32
        scf.if %cond3A_106 {
          %sub3A_174 = arith.constant 1 : i32
          %sub3A_175 = arith.subi %add3A_101, %sub3A_174 : i32
          %jit3A_176 = arith.constant 2 : i32
          %div3A_177 = arith.divsi %sub3A_175, %jit3A_176 : i32
          %sign3A_178 = arith.constant 0 : i32
          %sign3A_179 = arith.cmpi sgt, %sub3A_175, %sign3A_178 : i32
          %sign3A_180 = arith.extui %sign3A_179 : i1 to i32
          %sign3A_181 = arith.constant 0 : i32
          %sign3A_182 = arith.cmpi slt, %sub3A_175, %sign3A_181 : i32
          %sign3A_183 = arith.extui %sign3A_182 : i1 to i32
          %sign3A_184 = arith.subi %sign3A_180, %sign3A_183 : i32
          %sign3A_185 = arith.constant 0 : i32
          %sign3A_186 = arith.cmpi sgt, %jit3A_176, %sign3A_185 : i32
          %sign3A_187 = arith.extui %sign3A_186 : i1 to i32
          %sign3A_188 = arith.constant 0 : i32
          %sign3A_189 = arith.cmpi slt, %jit3A_176, %sign3A_188 : i32
          %sign3A_190 = arith.extui %sign3A_189 : i1 to i32
          %sign3A_191 = arith.subi %sign3A_187, %sign3A_190 : i32
          %ne3A_192 = arith.cmpi ne, %sign3A_184, %sign3A_191 : i32
          %rem3A_193 = arith.remsi %sub3A_175, %jit3A_176 : i32
          %ne3A_194 = arith.constant 0 : i32
          %ne3A_195 = arith.cmpi ne, %rem3A_193, %ne3A_194 : i32
          %and3A_196 = arith.andi %ne3A_192, %ne3A_195 : i1
          %sub3A_197 = arith.constant 1 : i32
          %sub3A_198 = arith.subi %div3A_177, %sub3A_197 : i32
          %select_n3A_199 = arith.select %and3A_196, %sub3A_198, %div3A_177 : i32
          %dma_wait3A_200 = arith.constant 0 : i32
          %dma_wait3A_201 = tpu.memref_slice %arg8[%select_n3A_199, %dma_wait3A_200] : memref<120x128xi32, #tpu.memory_space<vmem>> -> memref<1x64xi32, #tpu.memory_space<vmem>>
          %dma_wait3A_202 = tpu.memref_squeeze %dma_wait3A_201 : memref<1x64xi32, #tpu.memory_space<vmem>> -> memref<64xi32, #tpu.memory_space<vmem>>
          %dma_wait3A_203 = arith.constant 0 : i32
          %dma_wait3A_204 = arith.constant 0 : i32
          %dma_wait3A_205 = tpu.memref_slice %arg11[%dma_wait3A_203, %dma_wait3A_204] : memref<10240x128xf32, #tpu.memory_space<vmem_shared>> -> memref<10240x128xf32, #tpu.memory_space<vmem_shared>>
          tpu.wait_indirect_dma semaphore(%arg14 : memref<!tpu.dma_semaphore, #tpu.memory_space<semaphore_mem>>) src(%arg9 : memref<64x128xf32, #tpu.memory_space<vmem>>) dst(%dma_wait3A_205 : memref<10240x128xf32, #tpu.memory_space<vmem_shared>>)
        } else {
        }
        %add3A_107 = arith.constant 1 : i32
        %add3A_108 = arith.addi %add3A_101, %add3A_107 : i32
        %lt3A_109 = arith.constant 240 : i32
        %lt3A_110 = arith.cmpi slt, %add3A_108, %lt3A_109 : i32
        %convert_element_type3A_111 = arith.extui %lt3A_110 : i1 to i32
        %cond3A_112 = arith.constant 0 : i32
        %cond3A_113 = arith.cmpi ne, %convert_element_type3A_111, %cond3A_112 : i32
        scf.if %cond3A_113 {
          %add3A_174 = arith.constant 1 : i32
          %add3A_175 = arith.addi %add3A_101, %add3A_174 : i32
          %jit3A_176 = arith.constant 2 : i32
          %div3A_177 = arith.divsi %add3A_175, %jit3A_176 : i32
          %sign3A_178 = arith.constant 0 : i32
          %sign3A_179 = arith.cmpi sgt, %add3A_175, %sign3A_178 : i32
          %sign3A_180 = arith.extui %sign3A_179 : i1 to i32
          %sign3A_181 = arith.constant 0 : i32
          %sign3A_182 = arith.cmpi slt, %add3A_175, %sign3A_181 : i32
          %sign3A_183 = arith.extui %sign3A_182 : i1 to i32
          %sign3A_184 = arith.subi %sign3A_180, %sign3A_183 : i32
          %sign3A_185 = arith.constant 0 : i32
          %sign3A_186 = arith.cmpi sgt, %jit3A_176, %sign3A_185 : i32
          %sign3A_187 = arith.extui %sign3A_186 : i1 to i32
          %sign3A_188 = arith.constant 0 : i32
          %sign3A_189 = arith.cmpi slt, %jit3A_176, %sign3A_188 : i32
          %sign3A_190 = arith.extui %sign3A_189 : i1 to i32
          %sign3A_191 = arith.subi %sign3A_187, %sign3A_190 : i32
          %ne3A_192 = arith.cmpi ne, %sign3A_184, %sign3A_191 : i32
          %rem3A_193 = arith.remsi %add3A_175, %jit3A_176 : i32
          %ne3A_194 = arith.constant 0 : i32
          %ne3A_195 = arith.cmpi ne, %rem3A_193, %ne3A_194 : i32
          %and3A_196 = arith.andi %ne3A_192, %ne3A_195 : i1
          %sub3A_197 = arith.constant 1 : i32
          %sub3A_198 = arith.subi %div3A_177, %sub3A_197 : i32
          %select_n3A_199 = arith.select %and3A_196, %sub3A_198, %div3A_177 : i32
          %dma_start3A_200 = arith.constant 0 : i32
          %dma_start3A_201 = tpu.memref_slice %arg7[%select_n3A_199, %dma_start3A_200] : memref<120x128xi32, #tpu.memory_space<vmem>> -> memref<1x64xi32, #tpu.memory_space<vmem>>
          %dma_start3A_202 = tpu.memref_squeeze %dma_start3A_201 : memref<1x64xi32, #tpu.memory_space<vmem>> -> memref<64xi32, #tpu.memory_space<vmem>>
          %dma_start3A_203 = arith.constant 0 : i32
          %dma_start3A_204 = arith.constant 0 : i32
          %dma_start3A_205 = tpu.memref_slice %arg2[%dma_start3A_203, %dma_start3A_204] : memref<10240x128xf32, #tpu.memory_space<hbm>> -> memref<10240x128xf32, #tpu.memory_space<hbm>>
          tpu.enqueue_indirect_dma source(%dma_start3A_205 : memref<10240x128xf32, #tpu.memory_space<hbm>>) target(%arg9 : memref<64x128xf32, #tpu.memory_space<vmem>>) offsets(%dma_start3A_202 : memref<64xi32, #tpu.memory_space<vmem>>) semaphore(%arg12 : memref<!tpu.dma_semaphore, #tpu.memory_space<semaphore_mem>>)
        } else {
        }
        %jit3A_114 = arith.constant 2 : i32
        %div3A_115 = arith.divsi %add3A_101, %jit3A_114 : i32
        %sign3A_116 = arith.constant 0 : i32
        %sign3A_117 = arith.cmpi sgt, %add3A_101, %sign3A_116 : i32
        %sign3A_118 = arith.extui %sign3A_117 : i1 to i32
        %sign3A_119 = arith.constant 0 : i32
        %sign3A_120 = arith.cmpi slt, %add3A_101, %sign3A_119 : i32
        %sign3A_121 = arith.extui %sign3A_120 : i1 to i32
        %sign3A_122 = arith.subi %sign3A_118, %sign3A_121 : i32
        %sign3A_123 = arith.constant 0 : i32
        %sign3A_124 = arith.cmpi sgt, %jit3A_114, %sign3A_123 : i32
        %sign3A_125 = arith.extui %sign3A_124 : i1 to i32
        %sign3A_126 = arith.constant 0 : i32
        %sign3A_127 = arith.cmpi slt, %jit3A_114, %sign3A_126 : i32
        %sign3A_128 = arith.extui %sign3A_127 : i1 to i32
        %sign3A_129 = arith.subi %sign3A_125, %sign3A_128 : i32
        %ne3A_130 = arith.cmpi ne, %sign3A_122, %sign3A_129 : i32
        %rem3A_131 = arith.remsi %add3A_101, %jit3A_114 : i32
        %ne3A_132 = arith.constant 0 : i32
        %ne3A_133 = arith.cmpi ne, %rem3A_131, %ne3A_132 : i32
        %and3A_134 = arith.andi %ne3A_130, %ne3A_133 : i1
        %sub3A_135 = arith.constant 1 : i32
        %sub3A_136 = arith.subi %div3A_115, %sub3A_135 : i32
        %select_n3A_137 = arith.select %and3A_134, %sub3A_136, %div3A_115 : i32
        %dma_wait3A_138 = arith.constant 64 : i32
        %dma_wait3A_139 = tpu.memref_slice %arg7[%select_n3A_137, %dma_wait3A_138] : memref<120x128xi32, #tpu.memory_space<vmem>> -> memref<1x64xi32, #tpu.memory_space<vmem>>
        %dma_wait3A_140 = tpu.memref_squeeze %dma_wait3A_139 : memref<1x64xi32, #tpu.memory_space<vmem>> -> memref<64xi32, #tpu.memory_space<vmem>>
        %dma_wait3A_141 = arith.constant 0 : i32
        %dma_wait3A_142 = arith.constant 0 : i32
        %dma_wait3A_143 = tpu.memref_slice %arg2[%dma_wait3A_141, %dma_wait3A_142] : memref<10240x128xf32, #tpu.memory_space<hbm>> -> memref<10240x128xf32, #tpu.memory_space<hbm>>
        tpu.wait_indirect_dma semaphore(%arg13 : memref<!tpu.dma_semaphore, #tpu.memory_space<semaphore_mem>>) src(%dma_wait3A_143 : memref<10240x128xf32, #tpu.memory_space<hbm>>) dst(%arg10 : memref<64x128xf32, #tpu.memory_space<vmem>>)
        %jit3A_144 = arith.constant 2 : i32
        %div3A_145 = arith.divsi %add3A_101, %jit3A_144 : i32
        %sign3A_146 = arith.constant 0 : i32
        %sign3A_147 = arith.cmpi sgt, %add3A_101, %sign3A_146 : i32
        %sign3A_148 = arith.extui %sign3A_147 : i1 to i32
        %sign3A_149 = arith.constant 0 : i32
        %sign3A_150 = arith.cmpi slt, %add3A_101, %sign3A_149 : i32
        %sign3A_151 = arith.extui %sign3A_150 : i1 to i32
        %sign3A_152 = arith.subi %sign3A_148, %sign3A_151 : i32
        %sign3A_153 = arith.constant 0 : i32
        %sign3A_154 = arith.cmpi sgt, %jit3A_144, %sign3A_153 : i32
        %sign3A_155 = arith.extui %sign3A_154 : i1 to i32
        %sign3A_156 = arith.constant 0 : i32
        %sign3A_157 = arith.cmpi slt, %jit3A_144, %sign3A_156 : i32
        %sign3A_158 = arith.extui %sign3A_157 : i1 to i32
        %sign3A_159 = arith.subi %sign3A_155, %sign3A_158 : i32
        %ne3A_160 = arith.cmpi ne, %sign3A_152, %sign3A_159 : i32
        %rem3A_161 = arith.remsi %add3A_101, %jit3A_144 : i32
        %ne3A_162 = arith.constant 0 : i32
        %ne3A_163 = arith.cmpi ne, %rem3A_161, %ne3A_162 : i32
        %and3A_164 = arith.andi %ne3A_160, %ne3A_163 : i1
        %sub3A_165 = arith.constant 1 : i32
        %sub3A_166 = arith.subi %div3A_145, %sub3A_165 : i32
        %select_n3A_167 = arith.select %and3A_164, %sub3A_166, %div3A_145 : i32
        %dma_start3A_168 = arith.constant 64 : i32
        %dma_start3A_169 = tpu.memref_slice %arg8[%select_n3A_167, %dma_start3A_168] : memref<120x128xi32, #tpu.memory_space<vmem>> -> memref<1x64xi32, #tpu.memory_space<vmem>>
        %dma_start3A_170 = tpu.memref_squeeze %dma_start3A_169 : memref<1x64xi32, #tpu.memory_space<vmem>> -> memref<64xi32, #tpu.memory_space<vmem>>
        %dma_start3A_171 = arith.constant 0 : i32
        %dma_start3A_172 = arith.constant 0 : i32
        %dma_start3A_173 = tpu.memref_slice %arg11[%dma_start3A_171, %dma_start3A_172] : memref<10240x128xf32, #tpu.memory_space<vmem_shared>> -> memref<10240x128xf32, #tpu.memory_space<vmem_shared>>
        tpu.enqueue_indirect_dma source(%arg10 : memref<64x128xf32, #tpu.memory_space<vmem>>) target(%dma_start3A_173 : memref<10240x128xf32, #tpu.memory_space<vmem_shared>>) offsets(%dma_start3A_170 : memref<64xi32, #tpu.memory_space<vmem>>) semaphore(%arg15 : memref<!tpu.dma_semaphore, #tpu.memory_space<semaphore_mem>>) {add = true}
      }
      %scan3A_25 = arith.constant 120 : i32
      %dma_wait3A = arith.constant 119 : i32
      %dma_wait3A_26 = arith.constant 64 : i32
      %dma_wait3A_27 = tpu.memref_slice %arg8[%dma_wait3A, %dma_wait3A_26] : memref<120x128xi32, #tpu.memory_space<vmem>> -> memref<1x64xi32, #tpu.memory_space<vmem>>
      %dma_wait3A_28 = tpu.memref_squeeze %dma_wait3A_27 : memref<1x64xi32, #tpu.memory_space<vmem>> -> memref<64xi32, #tpu.memory_space<vmem>>
      %dma_wait3A_29 = arith.constant 0 : i32
      %dma_wait3A_30 = arith.constant 0 : i32
      %dma_wait3A_31 = tpu.memref_slice %arg11[%dma_wait3A_29, %dma_wait3A_30] : memref<10240x128xf32, #tpu.memory_space<vmem_shared>> -> memref<10240x128xf32, #tpu.memory_space<vmem_shared>>
      tpu.wait_indirect_dma semaphore(%arg15 : memref<!tpu.dma_semaphore, #tpu.memory_space<semaphore_mem>>) src(%arg10 : memref<64x128xf32, #tpu.memory_space<vmem>>) dst(%dma_wait3A_31 : memref<10240x128xf32, #tpu.memory_space<vmem_shared>>)
    } else {
    }
    %eq3A_5 = arith.constant 1 : i32
    %eq3A_6 = arith.cmpi eq, %arg0, %eq3A_5 : i32
    %convert_element_type3A_7 = arith.extui %eq3A_6 : i1 to i32
    %cond3A_8 = arith.constant 0 : i32
    %cond3A_9 = arith.cmpi ne, %convert_element_type3A_7, %cond3A_8 : i32
    scf.if %cond3A_9 {
      %mul3A_14 = arith.constant 40 : i32
      %mul3A_15 = arith.muli %arg1, %mul3A_14 : i32
      %add3A = arith.constant 1920 : i32
      %add3A_16 = arith.addi %add3A, %mul3A_15 : i32
      "tpu.region"() ({
        %run_scoped3A = tpu.sem_alloc : memref<!tpu.dma_semaphore, #tpu.memory_space<semaphore_mem>>
        %dma_start3A_33 = arith.constant 0 : i32
        %dma_start3A_34 = arith.constant 0 : i32
        %dma_start3A_35 = tpu.memref_slice %arg7[%dma_start3A_33, %dma_start3A_34] : memref<120x128xi32, #tpu.memory_space<vmem>> -> memref<40x128xi32, #tpu.memory_space<vmem>>
        %dma_start3A_36 = arith.constant 0 : i32
        %dma_start3A_37 = tpu.memref_slice %arg3[%add3A_16, %dma_start3A_36] : memref<2560x128xi32, #tpu.memory_space<hbm>> -> memref<40x128xi32, #tpu.memory_space<hbm>>
        %dma_start3A_38 = arith.constant 0 : i32
        %dma_start3A_39 = arith.constant 0 : i32
        %dma_start3A_40 = tpu.memref_slice %arg7[%dma_start3A_38, %dma_start3A_39] : memref<120x128xi32, #tpu.memory_space<vmem>> -> memref<40x128xi32, #tpu.memory_space<vmem>>
        %dma_start3A_41 = arith.constant 0 : i32
        %dma_start3A_42 = tpu.memref_slice %arg3[%add3A_16, %dma_start3A_41] : memref<2560x128xi32, #tpu.memory_space<hbm>> -> memref<40x128xi32, #tpu.memory_space<hbm>>
        tpu.enqueue_dma source(%dma_start3A_42 : memref<40x128xi32, #tpu.memory_space<hbm>>) target(%dma_start3A_40 : memref<40x128xi32, #tpu.memory_space<vmem>>) target_semaphore(%run_scoped3A : memref<!tpu.dma_semaphore, #tpu.memory_space<semaphore_mem>>)
        %dma_wait3A_43 = arith.constant 0 : i32
        %dma_wait3A_44 = arith.constant 0 : i32
        %dma_wait3A_45 = tpu.memref_slice %arg7[%dma_wait3A_43, %dma_wait3A_44] : memref<120x128xi32, #tpu.memory_space<vmem>> -> memref<40x128xi32, #tpu.memory_space<vmem>>
        %dma_wait3A_46 = arith.constant 0 : i32
        %dma_wait3A_47 = tpu.memref_slice %arg3[%add3A_16, %dma_wait3A_46] : memref<2560x128xi32, #tpu.memory_space<hbm>> -> memref<40x128xi32, #tpu.memory_space<hbm>>
        %dma_wait3A_48 = arith.constant 0 : i32
        %dma_wait3A_49 = arith.constant 0 : i32
        %dma_wait3A_50 = tpu.memref_slice %arg7[%dma_wait3A_48, %dma_wait3A_49] : memref<120x128xi32, #tpu.memory_space<vmem>> -> memref<40x128xi32, #tpu.memory_space<vmem>>
        %dma_wait3A_51 = arith.constant 0 : i32
        %dma_wait3A_52 = tpu.memref_slice %arg3[%add3A_16, %dma_wait3A_51] : memref<2560x128xi32, #tpu.memory_space<hbm>> -> memref<40x128xi32, #tpu.memory_space<hbm>>
        tpu.wait_dma2 semaphore(%run_scoped3A : memref<!tpu.dma_semaphore, #tpu.memory_space<semaphore_mem>>) src(%dma_wait3A_52 : memref<40x128xi32, #tpu.memory_space<hbm>>) dst(%dma_wait3A_50 : memref<40x128xi32, #tpu.memory_space<vmem>>)
        tpu.yield
      }) : () -> ()
      "tpu.region"() ({
        %run_scoped3A = tpu.sem_alloc : memref<!tpu.dma_semaphore, #tpu.memory_space<semaphore_mem>>
        %dma_start3A_33 = arith.constant 0 : i32
        %dma_start3A_34 = arith.constant 0 : i32
        %dma_start3A_35 = tpu.memref_slice %arg8[%dma_start3A_33, %dma_start3A_34] : memref<120x128xi32, #tpu.memory_space<vmem>> -> memref<40x128xi32, #tpu.memory_space<vmem>>
        %dma_start3A_36 = arith.constant 0 : i32
        %dma_start3A_37 = tpu.memref_slice %arg4[%add3A_16, %dma_start3A_36] : memref<2560x128xi32, #tpu.memory_space<hbm>> -> memref<40x128xi32, #tpu.memory_space<hbm>>
        %dma_start3A_38 = arith.constant 0 : i32
        %dma_start3A_39 = arith.constant 0 : i32
        %dma_start3A_40 = tpu.memref_slice %arg8[%dma_start3A_38, %dma_start3A_39] : memref<120x128xi32, #tpu.memory_space<vmem>> -> memref<40x128xi32, #tpu.memory_space<vmem>>
        %dma_start3A_41 = arith.constant 0 : i32
        %dma_start3A_42 = tpu.memref_slice %arg4[%add3A_16, %dma_start3A_41] : memref<2560x128xi32, #tpu.memory_space<hbm>> -> memref<40x128xi32, #tpu.memory_space<hbm>>
        tpu.enqueue_dma source(%dma_start3A_42 : memref<40x128xi32, #tpu.memory_space<hbm>>) target(%dma_start3A_40 : memref<40x128xi32, #tpu.memory_space<vmem>>) target_semaphore(%run_scoped3A : memref<!tpu.dma_semaphore, #tpu.memory_space<semaphore_mem>>)
        %dma_wait3A_43 = arith.constant 0 : i32
        %dma_wait3A_44 = arith.constant 0 : i32
        %dma_wait3A_45 = tpu.memref_slice %arg8[%dma_wait3A_43, %dma_wait3A_44] : memref<120x128xi32, #tpu.memory_space<vmem>> -> memref<40x128xi32, #tpu.memory_space<vmem>>
        %dma_wait3A_46 = arith.constant 0 : i32
        %dma_wait3A_47 = tpu.memref_slice %arg4[%add3A_16, %dma_wait3A_46] : memref<2560x128xi32, #tpu.memory_space<hbm>> -> memref<40x128xi32, #tpu.memory_space<hbm>>
        %dma_wait3A_48 = arith.constant 0 : i32
        %dma_wait3A_49 = arith.constant 0 : i32
        %dma_wait3A_50 = tpu.memref_slice %arg8[%dma_wait3A_48, %dma_wait3A_49] : memref<120x128xi32, #tpu.memory_space<vmem>> -> memref<40x128xi32, #tpu.memory_space<vmem>>
        %dma_wait3A_51 = arith.constant 0 : i32
        %dma_wait3A_52 = tpu.memref_slice %arg4[%add3A_16, %dma_wait3A_51] : memref<2560x128xi32, #tpu.memory_space<hbm>> -> memref<40x128xi32, #tpu.memory_space<hbm>>
        tpu.wait_dma2 semaphore(%run_scoped3A : memref<!tpu.dma_semaphore, #tpu.memory_space<semaphore_mem>>) src(%dma_wait3A_52 : memref<40x128xi32, #tpu.memory_space<hbm>>) dst(%dma_wait3A_50 : memref<40x128xi32, #tpu.memory_space<vmem>>)
        tpu.yield
      }) : () -> ()
      %dma_start3A = arith.constant 0 : i32
      %dma_start3A_17 = arith.constant 0 : i32
      %dma_start3A_18 = tpu.memref_slice %arg7[%dma_start3A, %dma_start3A_17] : memref<120x128xi32, #tpu.memory_space<vmem>> -> memref<1x64xi32, #tpu.memory_space<vmem>>
      %dma_start3A_19 = tpu.memref_squeeze %dma_start3A_18 : memref<1x64xi32, #tpu.memory_space<vmem>> -> memref<64xi32, #tpu.memory_space<vmem>>
      %dma_start3A_20 = arith.constant 0 : i32
      %dma_start3A_21 = arith.constant 0 : i32
      %dma_start3A_22 = tpu.memref_slice %arg2[%dma_start3A_20, %dma_start3A_21] : memref<10240x128xf32, #tpu.memory_space<hbm>> -> memref<10240x128xf32, #tpu.memory_space<hbm>>
      tpu.enqueue_indirect_dma source(%dma_start3A_22 : memref<10240x128xf32, #tpu.memory_space<hbm>>) target(%arg9 : memref<64x128xf32, #tpu.memory_space<vmem>>) offsets(%dma_start3A_19 : memref<64xi32, #tpu.memory_space<vmem>>) semaphore(%arg12 : memref<!tpu.dma_semaphore, #tpu.memory_space<semaphore_mem>>)
      %scan3A = arith.constant 0 : i32
      %scan3A_23 = arith.constant 40 : i32
      %scan3A_24 = arith.addi %scan3A, %scan3A_23 : i32
      %scan3A_25 = arith.constant 1 : i32
      scf.for %scan3A_33 = %scan3A to %scan3A_24 step %scan3A_25  : i32 {
        %mul3A_34 = arith.constant 2 : i32
        %mul3A_35 = arith.muli %scan3A_33, %mul3A_34 : i32
        %add3A_36 = arith.constant 0 : i32
        %add3A_37 = arith.addi %add3A_36, %mul3A_35 : i32
        %add3A_38 = arith.constant 0 : i32
        %add3A_39 = arith.addi %add3A_37, %add3A_38 : i32
        %ge3A = arith.constant 1 : i32
        %ge3A_40 = arith.cmpi sge, %add3A_39, %ge3A : i32
        %convert_element_type3A_41 = arith.extui %ge3A_40 : i1 to i32
        %cond3A_42 = arith.constant 0 : i32
        %cond3A_43 = arith.cmpi ne, %convert_element_type3A_41, %cond3A_42 : i32
        scf.if %cond3A_43 {
          %sub3A_176 = arith.constant 1 : i32
          %sub3A_177 = arith.subi %add3A_39, %sub3A_176 : i32
          %jit3A_178 = arith.constant 2 : i32
          %div3A_179 = arith.divsi %sub3A_177, %jit3A_178 : i32
          %sign3A_180 = arith.constant 0 : i32
          %sign3A_181 = arith.cmpi sgt, %sub3A_177, %sign3A_180 : i32
          %sign3A_182 = arith.extui %sign3A_181 : i1 to i32
          %sign3A_183 = arith.constant 0 : i32
          %sign3A_184 = arith.cmpi slt, %sub3A_177, %sign3A_183 : i32
          %sign3A_185 = arith.extui %sign3A_184 : i1 to i32
          %sign3A_186 = arith.subi %sign3A_182, %sign3A_185 : i32
          %sign3A_187 = arith.constant 0 : i32
          %sign3A_188 = arith.cmpi sgt, %jit3A_178, %sign3A_187 : i32
          %sign3A_189 = arith.extui %sign3A_188 : i1 to i32
          %sign3A_190 = arith.constant 0 : i32
          %sign3A_191 = arith.cmpi slt, %jit3A_178, %sign3A_190 : i32
          %sign3A_192 = arith.extui %sign3A_191 : i1 to i32
          %sign3A_193 = arith.subi %sign3A_189, %sign3A_192 : i32
          %ne3A_194 = arith.cmpi ne, %sign3A_186, %sign3A_193 : i32
          %rem3A_195 = arith.remsi %sub3A_177, %jit3A_178 : i32
          %ne3A_196 = arith.constant 0 : i32
          %ne3A_197 = arith.cmpi ne, %rem3A_195, %ne3A_196 : i32
          %and3A_198 = arith.andi %ne3A_194, %ne3A_197 : i1
          %sub3A_199 = arith.constant 1 : i32
          %sub3A_200 = arith.subi %div3A_179, %sub3A_199 : i32
          %select_n3A_201 = arith.select %and3A_198, %sub3A_200, %div3A_179 : i32
          %dma_wait3A_202 = arith.constant 64 : i32
          %dma_wait3A_203 = tpu.memref_slice %arg8[%select_n3A_201, %dma_wait3A_202] : memref<120x128xi32, #tpu.memory_space<vmem>> -> memref<1x64xi32, #tpu.memory_space<vmem>>
          %dma_wait3A_204 = tpu.memref_squeeze %dma_wait3A_203 : memref<1x64xi32, #tpu.memory_space<vmem>> -> memref<64xi32, #tpu.memory_space<vmem>>
          %dma_wait3A_205 = arith.constant 0 : i32
          %dma_wait3A_206 = arith.constant 0 : i32
          %dma_wait3A_207 = tpu.memref_slice %arg11[%dma_wait3A_205, %dma_wait3A_206] : memref<10240x128xf32, #tpu.memory_space<vmem_shared>> -> memref<10240x128xf32, #tpu.memory_space<vmem_shared>>
          tpu.wait_indirect_dma semaphore(%arg15 : memref<!tpu.dma_semaphore, #tpu.memory_space<semaphore_mem>>) src(%arg10 : memref<64x128xf32, #tpu.memory_space<vmem>>) dst(%dma_wait3A_207 : memref<10240x128xf32, #tpu.memory_space<vmem_shared>>)
        } else {
        }
        %add3A_44 = arith.constant 1 : i32
        %add3A_45 = arith.addi %add3A_39, %add3A_44 : i32
        %lt3A = arith.constant 80 : i32
        %lt3A_46 = arith.cmpi slt, %add3A_45, %lt3A : i32
        %convert_element_type3A_47 = arith.extui %lt3A_46 : i1 to i32
        %cond3A_48 = arith.constant 0 : i32
        %cond3A_49 = arith.cmpi ne, %convert_element_type3A_47, %cond3A_48 : i32
        scf.if %cond3A_49 {
          %add3A_176 = arith.constant 1 : i32
          %add3A_177 = arith.addi %add3A_39, %add3A_176 : i32
          %jit3A_178 = arith.constant 2 : i32
          %div3A_179 = arith.divsi %add3A_177, %jit3A_178 : i32
          %sign3A_180 = arith.constant 0 : i32
          %sign3A_181 = arith.cmpi sgt, %add3A_177, %sign3A_180 : i32
          %sign3A_182 = arith.extui %sign3A_181 : i1 to i32
          %sign3A_183 = arith.constant 0 : i32
          %sign3A_184 = arith.cmpi slt, %add3A_177, %sign3A_183 : i32
          %sign3A_185 = arith.extui %sign3A_184 : i1 to i32
          %sign3A_186 = arith.subi %sign3A_182, %sign3A_185 : i32
          %sign3A_187 = arith.constant 0 : i32
          %sign3A_188 = arith.cmpi sgt, %jit3A_178, %sign3A_187 : i32
          %sign3A_189 = arith.extui %sign3A_188 : i1 to i32
          %sign3A_190 = arith.constant 0 : i32
          %sign3A_191 = arith.cmpi slt, %jit3A_178, %sign3A_190 : i32
          %sign3A_192 = arith.extui %sign3A_191 : i1 to i32
          %sign3A_193 = arith.subi %sign3A_189, %sign3A_192 : i32
          %ne3A_194 = arith.cmpi ne, %sign3A_186, %sign3A_193 : i32
          %rem3A_195 = arith.remsi %add3A_177, %jit3A_178 : i32
          %ne3A_196 = arith.constant 0 : i32
          %ne3A_197 = arith.cmpi ne, %rem3A_195, %ne3A_196 : i32
          %and3A_198 = arith.andi %ne3A_194, %ne3A_197 : i1
          %sub3A_199 = arith.constant 1 : i32
          %sub3A_200 = arith.subi %div3A_179, %sub3A_199 : i32
          %select_n3A_201 = arith.select %and3A_198, %sub3A_200, %div3A_179 : i32
          %dma_start3A_202 = arith.constant 64 : i32
          %dma_start3A_203 = tpu.memref_slice %arg7[%select_n3A_201, %dma_start3A_202] : memref<120x128xi32, #tpu.memory_space<vmem>> -> memref<1x64xi32, #tpu.memory_space<vmem>>
          %dma_start3A_204 = tpu.memref_squeeze %dma_start3A_203 : memref<1x64xi32, #tpu.memory_space<vmem>> -> memref<64xi32, #tpu.memory_space<vmem>>
          %dma_start3A_205 = arith.constant 0 : i32
          %dma_start3A_206 = arith.constant 0 : i32
          %dma_start3A_207 = tpu.memref_slice %arg2[%dma_start3A_205, %dma_start3A_206] : memref<10240x128xf32, #tpu.memory_space<hbm>> -> memref<10240x128xf32, #tpu.memory_space<hbm>>
          tpu.enqueue_indirect_dma source(%dma_start3A_207 : memref<10240x128xf32, #tpu.memory_space<hbm>>) target(%arg10 : memref<64x128xf32, #tpu.memory_space<vmem>>) offsets(%dma_start3A_204 : memref<64xi32, #tpu.memory_space<vmem>>) semaphore(%arg13 : memref<!tpu.dma_semaphore, #tpu.memory_space<semaphore_mem>>)
        } else {
        }
        %jit3A = arith.constant 2 : i32
        %div3A = arith.divsi %add3A_39, %jit3A : i32
        %sign3A = arith.constant 0 : i32
        %sign3A_50 = arith.cmpi sgt, %add3A_39, %sign3A : i32
        %sign3A_51 = arith.extui %sign3A_50 : i1 to i32
        %sign3A_52 = arith.constant 0 : i32
        %sign3A_53 = arith.cmpi slt, %add3A_39, %sign3A_52 : i32
        %sign3A_54 = arith.extui %sign3A_53 : i1 to i32
        %sign3A_55 = arith.subi %sign3A_51, %sign3A_54 : i32
        %sign3A_56 = arith.constant 0 : i32
        %sign3A_57 = arith.cmpi sgt, %jit3A, %sign3A_56 : i32
        %sign3A_58 = arith.extui %sign3A_57 : i1 to i32
        %sign3A_59 = arith.constant 0 : i32
        %sign3A_60 = arith.cmpi slt, %jit3A, %sign3A_59 : i32
        %sign3A_61 = arith.extui %sign3A_60 : i1 to i32
        %sign3A_62 = arith.subi %sign3A_58, %sign3A_61 : i32
        %ne3A = arith.cmpi ne, %sign3A_55, %sign3A_62 : i32
        %rem3A = arith.remsi %add3A_39, %jit3A : i32
        %ne3A_63 = arith.constant 0 : i32
        %ne3A_64 = arith.cmpi ne, %rem3A, %ne3A_63 : i32
        %and3A = arith.andi %ne3A, %ne3A_64 : i1
        %sub3A = arith.constant 1 : i32
        %sub3A_65 = arith.subi %div3A, %sub3A : i32
        %select_n3A = arith.select %and3A, %sub3A_65, %div3A : i32
        %dma_wait3A_66 = arith.constant 0 : i32
        %dma_wait3A_67 = tpu.memref_slice %arg7[%select_n3A, %dma_wait3A_66] : memref<120x128xi32, #tpu.memory_space<vmem>> -> memref<1x64xi32, #tpu.memory_space<vmem>>
        %dma_wait3A_68 = tpu.memref_squeeze %dma_wait3A_67 : memref<1x64xi32, #tpu.memory_space<vmem>> -> memref<64xi32, #tpu.memory_space<vmem>>
        %dma_wait3A_69 = arith.constant 0 : i32
        %dma_wait3A_70 = arith.constant 0 : i32
        %dma_wait3A_71 = tpu.memref_slice %arg2[%dma_wait3A_69, %dma_wait3A_70] : memref<10240x128xf32, #tpu.memory_space<hbm>> -> memref<10240x128xf32, #tpu.memory_space<hbm>>
        tpu.wait_indirect_dma semaphore(%arg12 : memref<!tpu.dma_semaphore, #tpu.memory_space<semaphore_mem>>) src(%dma_wait3A_71 : memref<10240x128xf32, #tpu.memory_space<hbm>>) dst(%arg9 : memref<64x128xf32, #tpu.memory_space<vmem>>)
        %jit3A_72 = arith.constant 2 : i32
        %div3A_73 = arith.divsi %add3A_39, %jit3A_72 : i32
        %sign3A_74 = arith.constant 0 : i32
        %sign3A_75 = arith.cmpi sgt, %add3A_39, %sign3A_74 : i32
        %sign3A_76 = arith.extui %sign3A_75 : i1 to i32
        %sign3A_77 = arith.constant 0 : i32
        %sign3A_78 = arith.cmpi slt, %add3A_39, %sign3A_77 : i32
        %sign3A_79 = arith.extui %sign3A_78 : i1 to i32
        %sign3A_80 = arith.subi %sign3A_76, %sign3A_79 : i32
        %sign3A_81 = arith.constant 0 : i32
        %sign3A_82 = arith.cmpi sgt, %jit3A_72, %sign3A_81 : i32
        %sign3A_83 = arith.extui %sign3A_82 : i1 to i32
        %sign3A_84 = arith.constant 0 : i32
        %sign3A_85 = arith.cmpi slt, %jit3A_72, %sign3A_84 : i32
        %sign3A_86 = arith.extui %sign3A_85 : i1 to i32
        %sign3A_87 = arith.subi %sign3A_83, %sign3A_86 : i32
        %ne3A_88 = arith.cmpi ne, %sign3A_80, %sign3A_87 : i32
        %rem3A_89 = arith.remsi %add3A_39, %jit3A_72 : i32
        %ne3A_90 = arith.constant 0 : i32
        %ne3A_91 = arith.cmpi ne, %rem3A_89, %ne3A_90 : i32
        %and3A_92 = arith.andi %ne3A_88, %ne3A_91 : i1
        %sub3A_93 = arith.constant 1 : i32
        %sub3A_94 = arith.subi %div3A_73, %sub3A_93 : i32
        %select_n3A_95 = arith.select %and3A_92, %sub3A_94, %div3A_73 : i32
        %dma_start3A_96 = arith.constant 0 : i32
        %dma_start3A_97 = tpu.memref_slice %arg8[%select_n3A_95, %dma_start3A_96] : memref<120x128xi32, #tpu.memory_space<vmem>> -> memref<1x64xi32, #tpu.memory_space<vmem>>
        %dma_start3A_98 = tpu.memref_squeeze %dma_start3A_97 : memref<1x64xi32, #tpu.memory_space<vmem>> -> memref<64xi32, #tpu.memory_space<vmem>>
        %dma_start3A_99 = arith.constant 0 : i32
        %dma_start3A_100 = arith.constant 0 : i32
        %dma_start3A_101 = tpu.memref_slice %arg11[%dma_start3A_99, %dma_start3A_100] : memref<10240x128xf32, #tpu.memory_space<vmem_shared>> -> memref<10240x128xf32, #tpu.memory_space<vmem_shared>>
        tpu.enqueue_indirect_dma source(%arg9 : memref<64x128xf32, #tpu.memory_space<vmem>>) target(%dma_start3A_101 : memref<10240x128xf32, #tpu.memory_space<vmem_shared>>) offsets(%dma_start3A_98 : memref<64xi32, #tpu.memory_space<vmem>>) semaphore(%arg14 : memref<!tpu.dma_semaphore, #tpu.memory_space<semaphore_mem>>) {add = true}
        %add3A_102 = arith.constant 1 : i32
        %add3A_103 = arith.addi %add3A_37, %add3A_102 : i32
        %ge3A_104 = arith.constant 1 : i32
        %ge3A_105 = arith.cmpi sge, %add3A_103, %ge3A_104 : i32
        %convert_element_type3A_106 = arith.extui %ge3A_105 : i1 to i32
        %cond3A_107 = arith.constant 0 : i32
        %cond3A_108 = arith.cmpi ne, %convert_element_type3A_106, %cond3A_107 : i32
        scf.if %cond3A_108 {
          %sub3A_176 = arith.constant 1 : i32
          %sub3A_177 = arith.subi %add3A_103, %sub3A_176 : i32
          %jit3A_178 = arith.constant 2 : i32
          %div3A_179 = arith.divsi %sub3A_177, %jit3A_178 : i32
          %sign3A_180 = arith.constant 0 : i32
          %sign3A_181 = arith.cmpi sgt, %sub3A_177, %sign3A_180 : i32
          %sign3A_182 = arith.extui %sign3A_181 : i1 to i32
          %sign3A_183 = arith.constant 0 : i32
          %sign3A_184 = arith.cmpi slt, %sub3A_177, %sign3A_183 : i32
          %sign3A_185 = arith.extui %sign3A_184 : i1 to i32
          %sign3A_186 = arith.subi %sign3A_182, %sign3A_185 : i32
          %sign3A_187 = arith.constant 0 : i32
          %sign3A_188 = arith.cmpi sgt, %jit3A_178, %sign3A_187 : i32
          %sign3A_189 = arith.extui %sign3A_188 : i1 to i32
          %sign3A_190 = arith.constant 0 : i32
          %sign3A_191 = arith.cmpi slt, %jit3A_178, %sign3A_190 : i32
          %sign3A_192 = arith.extui %sign3A_191 : i1 to i32
          %sign3A_193 = arith.subi %sign3A_189, %sign3A_192 : i32
          %ne3A_194 = arith.cmpi ne, %sign3A_186, %sign3A_193 : i32
          %rem3A_195 = arith.remsi %sub3A_177, %jit3A_178 : i32
          %ne3A_196 = arith.constant 0 : i32
          %ne3A_197 = arith.cmpi ne, %rem3A_195, %ne3A_196 : i32
          %and3A_198 = arith.andi %ne3A_194, %ne3A_197 : i1
          %sub3A_199 = arith.constant 1 : i32
          %sub3A_200 = arith.subi %div3A_179, %sub3A_199 : i32
          %select_n3A_201 = arith.select %and3A_198, %sub3A_200, %div3A_179 : i32
          %dma_wait3A_202 = arith.constant 0 : i32
          %dma_wait3A_203 = tpu.memref_slice %arg8[%select_n3A_201, %dma_wait3A_202] : memref<120x128xi32, #tpu.memory_space<vmem>> -> memref<1x64xi32, #tpu.memory_space<vmem>>
          %dma_wait3A_204 = tpu.memref_squeeze %dma_wait3A_203 : memref<1x64xi32, #tpu.memory_space<vmem>> -> memref<64xi32, #tpu.memory_space<vmem>>
          %dma_wait3A_205 = arith.constant 0 : i32
          %dma_wait3A_206 = arith.constant 0 : i32
          %dma_wait3A_207 = tpu.memref_slice %arg11[%dma_wait3A_205, %dma_wait3A_206] : memref<10240x128xf32, #tpu.memory_space<vmem_shared>> -> memref<10240x128xf32, #tpu.memory_space<vmem_shared>>
          tpu.wait_indirect_dma semaphore(%arg14 : memref<!tpu.dma_semaphore, #tpu.memory_space<semaphore_mem>>) src(%arg9 : memref<64x128xf32, #tpu.memory_space<vmem>>) dst(%dma_wait3A_207 : memref<10240x128xf32, #tpu.memory_space<vmem_shared>>)
        } else {
        }
        %add3A_109 = arith.constant 1 : i32
        %add3A_110 = arith.addi %add3A_103, %add3A_109 : i32
        %lt3A_111 = arith.constant 80 : i32
        %lt3A_112 = arith.cmpi slt, %add3A_110, %lt3A_111 : i32
        %convert_element_type3A_113 = arith.extui %lt3A_112 : i1 to i32
        %cond3A_114 = arith.constant 0 : i32
        %cond3A_115 = arith.cmpi ne, %convert_element_type3A_113, %cond3A_114 : i32
        scf.if %cond3A_115 {
          %add3A_176 = arith.constant 1 : i32
          %add3A_177 = arith.addi %add3A_103, %add3A_176 : i32
          %jit3A_178 = arith.constant 2 : i32
          %div3A_179 = arith.divsi %add3A_177, %jit3A_178 : i32
          %sign3A_180 = arith.constant 0 : i32
          %sign3A_181 = arith.cmpi sgt, %add3A_177, %sign3A_180 : i32
          %sign3A_182 = arith.extui %sign3A_181 : i1 to i32
          %sign3A_183 = arith.constant 0 : i32
          %sign3A_184 = arith.cmpi slt, %add3A_177, %sign3A_183 : i32
          %sign3A_185 = arith.extui %sign3A_184 : i1 to i32
          %sign3A_186 = arith.subi %sign3A_182, %sign3A_185 : i32
          %sign3A_187 = arith.constant 0 : i32
          %sign3A_188 = arith.cmpi sgt, %jit3A_178, %sign3A_187 : i32
          %sign3A_189 = arith.extui %sign3A_188 : i1 to i32
          %sign3A_190 = arith.constant 0 : i32
          %sign3A_191 = arith.cmpi slt, %jit3A_178, %sign3A_190 : i32
          %sign3A_192 = arith.extui %sign3A_191 : i1 to i32
          %sign3A_193 = arith.subi %sign3A_189, %sign3A_192 : i32
          %ne3A_194 = arith.cmpi ne, %sign3A_186, %sign3A_193 : i32
          %rem3A_195 = arith.remsi %add3A_177, %jit3A_178 : i32
          %ne3A_196 = arith.constant 0 : i32
          %ne3A_197 = arith.cmpi ne, %rem3A_195, %ne3A_196 : i32
          %and3A_198 = arith.andi %ne3A_194, %ne3A_197 : i1
          %sub3A_199 = arith.constant 1 : i32
          %sub3A_200 = arith.subi %div3A_179, %sub3A_199 : i32
          %select_n3A_201 = arith.select %and3A_198, %sub3A_200, %div3A_179 : i32
          %dma_start3A_202 = arith.constant 0 : i32
          %dma_start3A_203 = tpu.memref_slice %arg7[%select_n3A_201, %dma_start3A_202] : memref<120x128xi32, #tpu.memory_space<vmem>> -> memref<1x64xi32, #tpu.memory_space<vmem>>
          %dma_start3A_204 = tpu.memref_squeeze %dma_start3A_203 : memref<1x64xi32, #tpu.memory_space<vmem>> -> memref<64xi32, #tpu.memory_space<vmem>>
          %dma_start3A_205 = arith.constant 0 : i32
          %dma_start3A_206 = arith.constant 0 : i32
          %dma_start3A_207 = tpu.memref_slice %arg2[%dma_start3A_205, %dma_start3A_206] : memref<10240x128xf32, #tpu.memory_space<hbm>> -> memref<10240x128xf32, #tpu.memory_space<hbm>>
          tpu.enqueue_indirect_dma source(%dma_start3A_207 : memref<10240x128xf32, #tpu.memory_space<hbm>>) target(%arg9 : memref<64x128xf32, #tpu.memory_space<vmem>>) offsets(%dma_start3A_204 : memref<64xi32, #tpu.memory_space<vmem>>) semaphore(%arg12 : memref<!tpu.dma_semaphore, #tpu.memory_space<semaphore_mem>>)
        } else {
        }
        %jit3A_116 = arith.constant 2 : i32
        %div3A_117 = arith.divsi %add3A_103, %jit3A_116 : i32
        %sign3A_118 = arith.constant 0 : i32
        %sign3A_119 = arith.cmpi sgt, %add3A_103, %sign3A_118 : i32
        %sign3A_120 = arith.extui %sign3A_119 : i1 to i32
        %sign3A_121 = arith.constant 0 : i32
        %sign3A_122 = arith.cmpi slt, %add3A_103, %sign3A_121 : i32
        %sign3A_123 = arith.extui %sign3A_122 : i1 to i32
        %sign3A_124 = arith.subi %sign3A_120, %sign3A_123 : i32
        %sign3A_125 = arith.constant 0 : i32
        %sign3A_126 = arith.cmpi sgt, %jit3A_116, %sign3A_125 : i32
        %sign3A_127 = arith.extui %sign3A_126 : i1 to i32
        %sign3A_128 = arith.constant 0 : i32
        %sign3A_129 = arith.cmpi slt, %jit3A_116, %sign3A_128 : i32
        %sign3A_130 = arith.extui %sign3A_129 : i1 to i32
        %sign3A_131 = arith.subi %sign3A_127, %sign3A_130 : i32
        %ne3A_132 = arith.cmpi ne, %sign3A_124, %sign3A_131 : i32
        %rem3A_133 = arith.remsi %add3A_103, %jit3A_116 : i32
        %ne3A_134 = arith.constant 0 : i32
        %ne3A_135 = arith.cmpi ne, %rem3A_133, %ne3A_134 : i32
        %and3A_136 = arith.andi %ne3A_132, %ne3A_135 : i1
        %sub3A_137 = arith.constant 1 : i32
        %sub3A_138 = arith.subi %div3A_117, %sub3A_137 : i32
        %select_n3A_139 = arith.select %and3A_136, %sub3A_138, %div3A_117 : i32
        %dma_wait3A_140 = arith.constant 64 : i32
        %dma_wait3A_141 = tpu.memref_slice %arg7[%select_n3A_139, %dma_wait3A_140] : memref<120x128xi32, #tpu.memory_space<vmem>> -> memref<1x64xi32, #tpu.memory_space<vmem>>
        %dma_wait3A_142 = tpu.memref_squeeze %dma_wait3A_141 : memref<1x64xi32, #tpu.memory_space<vmem>> -> memref<64xi32, #tpu.memory_space<vmem>>
        %dma_wait3A_143 = arith.constant 0 : i32
        %dma_wait3A_144 = arith.constant 0 : i32
        %dma_wait3A_145 = tpu.memref_slice %arg2[%dma_wait3A_143, %dma_wait3A_144] : memref<10240x128xf32, #tpu.memory_space<hbm>> -> memref<10240x128xf32, #tpu.memory_space<hbm>>
        tpu.wait_indirect_dma semaphore(%arg13 : memref<!tpu.dma_semaphore, #tpu.memory_space<semaphore_mem>>) src(%dma_wait3A_145 : memref<10240x128xf32, #tpu.memory_space<hbm>>) dst(%arg10 : memref<64x128xf32, #tpu.memory_space<vmem>>)
        %jit3A_146 = arith.constant 2 : i32
        %div3A_147 = arith.divsi %add3A_103, %jit3A_146 : i32
        %sign3A_148 = arith.constant 0 : i32
        %sign3A_149 = arith.cmpi sgt, %add3A_103, %sign3A_148 : i32
        %sign3A_150 = arith.extui %sign3A_149 : i1 to i32
        %sign3A_151 = arith.constant 0 : i32
        %sign3A_152 = arith.cmpi slt, %add3A_103, %sign3A_151 : i32
        %sign3A_153 = arith.extui %sign3A_152 : i1 to i32
        %sign3A_154 = arith.subi %sign3A_150, %sign3A_153 : i32
        %sign3A_155 = arith.constant 0 : i32
        %sign3A_156 = arith.cmpi sgt, %jit3A_146, %sign3A_155 : i32
        %sign3A_157 = arith.extui %sign3A_156 : i1 to i32
        %sign3A_158 = arith.constant 0 : i32
        %sign3A_159 = arith.cmpi slt, %jit3A_146, %sign3A_158 : i32
        %sign3A_160 = arith.extui %sign3A_159 : i1 to i32
        %sign3A_161 = arith.subi %sign3A_157, %sign3A_160 : i32
        %ne3A_162 = arith.cmpi ne, %sign3A_154, %sign3A_161 : i32
        %rem3A_163 = arith.remsi %add3A_103, %jit3A_146 : i32
        %ne3A_164 = arith.constant 0 : i32
        %ne3A_165 = arith.cmpi ne, %rem3A_163, %ne3A_164 : i32
        %and3A_166 = arith.andi %ne3A_162, %ne3A_165 : i1
        %sub3A_167 = arith.constant 1 : i32
        %sub3A_168 = arith.subi %div3A_147, %sub3A_167 : i32
        %select_n3A_169 = arith.select %and3A_166, %sub3A_168, %div3A_147 : i32
        %dma_start3A_170 = arith.constant 64 : i32
        %dma_start3A_171 = tpu.memref_slice %arg8[%select_n3A_169, %dma_start3A_170] : memref<120x128xi32, #tpu.memory_space<vmem>> -> memref<1x64xi32, #tpu.memory_space<vmem>>
        %dma_start3A_172 = tpu.memref_squeeze %dma_start3A_171 : memref<1x64xi32, #tpu.memory_space<vmem>> -> memref<64xi32, #tpu.memory_space<vmem>>
        %dma_start3A_173 = arith.constant 0 : i32
        %dma_start3A_174 = arith.constant 0 : i32
        %dma_start3A_175 = tpu.memref_slice %arg11[%dma_start3A_173, %dma_start3A_174] : memref<10240x128xf32, #tpu.memory_space<vmem_shared>> -> memref<10240x128xf32, #tpu.memory_space<vmem_shared>>
        tpu.enqueue_indirect_dma source(%arg10 : memref<64x128xf32, #tpu.memory_space<vmem>>) target(%dma_start3A_175 : memref<10240x128xf32, #tpu.memory_space<vmem_shared>>) offsets(%dma_start3A_172 : memref<64xi32, #tpu.memory_space<vmem>>) semaphore(%arg15 : memref<!tpu.dma_semaphore, #tpu.memory_space<semaphore_mem>>) {add = true}
      }
      %scan3A_26 = arith.constant 40 : i32
      %dma_wait3A = arith.constant 39 : i32
      %dma_wait3A_27 = arith.constant 64 : i32
      %dma_wait3A_28 = tpu.memref_slice %arg8[%dma_wait3A, %dma_wait3A_27] : memref<120x128xi32, #tpu.memory_space<vmem>> -> memref<1x64xi32, #tpu.memory_space<vmem>>
      %dma_wait3A_29 = tpu.memref_squeeze %dma_wait3A_28 : memref<1x64xi32, #tpu.memory_space<vmem>> -> memref<64xi32, #tpu.memory_space<vmem>>
      %dma_wait3A_30 = arith.constant 0 : i32
      %dma_wait3A_31 = arith.constant 0 : i32
      %dma_wait3A_32 = tpu.memref_slice %arg11[%dma_wait3A_30, %dma_wait3A_31] : memref<10240x128xf32, #tpu.memory_space<vmem_shared>> -> memref<10240x128xf32, #tpu.memory_space<vmem_shared>>
      tpu.wait_indirect_dma semaphore(%arg15 : memref<!tpu.dma_semaphore, #tpu.memory_space<semaphore_mem>>) src(%arg10 : memref<64x128xf32, #tpu.memory_space<vmem>>) dst(%dma_wait3A_32 : memref<10240x128xf32, #tpu.memory_space<vmem_shared>>)
    } else {
    }
    %barrier3A = arith.constant 0 : index
    tpu.barrier barrier_id(%barrier3A)
    %mul3A_10 = arith.constant 640 : i32
    %mul3A_11 = arith.muli %arg1, %mul3A_10 : i32
    %mul3A_12 = arith.constant 640 : i32
    %mul3A_13 = arith.muli %arg1, %mul3A_12 : i32
    "tpu.region"() ({
      %run_scoped3A = tpu.sem_alloc : memref<!tpu.dma_semaphore, #tpu.memory_space<semaphore_mem>>
      %dma_start3A = arith.constant 0 : i32
      %dma_start3A_14 = tpu.memref_slice %arg6[%arg0, %mul3A_13, %dma_start3A] : memref<2x10240x128xf32, #tpu.memory_space<hbm>> -> memref<1x640x128xf32, #tpu.memory_space<hbm>>
      %dma_start3A_15 = tpu.memref_squeeze %dma_start3A_14 : memref<1x640x128xf32, #tpu.memory_space<hbm>> -> memref<640x128xf32, #tpu.memory_space<hbm>>
      %dma_start3A_16 = arith.constant 0 : i32
      %dma_start3A_17 = tpu.memref_slice %arg11[%mul3A_11, %dma_start3A_16] : memref<10240x128xf32, #tpu.memory_space<vmem_shared>> -> memref<640x128xf32, #tpu.memory_space<vmem_shared>>
      tpu.enqueue_dma source(%dma_start3A_17 : memref<640x128xf32, #tpu.memory_space<vmem_shared>>) target(%dma_start3A_15 : memref<640x128xf32, #tpu.memory_space<hbm>>) target_semaphore(%run_scoped3A : memref<!tpu.dma_semaphore, #tpu.memory_space<semaphore_mem>>)
      %dma_wait3A = arith.constant 0 : i32
      %dma_wait3A_18 = tpu.memref_slice %arg6[%arg0, %mul3A_13, %dma_wait3A] : memref<2x10240x128xf32, #tpu.memory_space<hbm>> -> memref<1x640x128xf32, #tpu.memory_space<hbm>>
      %dma_wait3A_19 = tpu.memref_squeeze %dma_wait3A_18 : memref<1x640x128xf32, #tpu.memory_space<hbm>> -> memref<640x128xf32, #tpu.memory_space<hbm>>
      %dma_wait3A_20 = arith.constant 0 : i32
      %dma_wait3A_21 = tpu.memref_slice %arg11[%mul3A_11, %dma_wait3A_20] : memref<10240x128xf32, #tpu.memory_space<vmem_shared>> -> memref<640x128xf32, #tpu.memory_space<vmem_shared>>
      tpu.wait_dma2 semaphore(%run_scoped3A : memref<!tpu.dma_semaphore, #tpu.memory_space<semaphore_mem>>) src(%dma_wait3A_21 : memref<640x128xf32, #tpu.memory_space<vmem_shared>>) dst(%dma_wait3A_19 : memref<640x128xf32, #tpu.memory_space<hbm>>)
      tpu.yield
    }) : () -> ()
    return
  }
}

#map = affine_map<(d0, d1) -> (0, 0)>
#map1 = affine_map<(d0, d1) -> (0, 0, 0)>
module attributes {stable_mosaic.version = 14 : i64} {
  func.func @_sc_scatter(%arg0: i32, %arg1: i32, %arg2: memref<10240x128xf32, #tpu.memory_space<hbm>>, %arg3: memref<2560x128xi32, #tpu.memory_space<hbm>>, %arg4: memref<2560x128xi32, #tpu.memory_space<hbm>>, %arg5: memref<10240x128xf32, #tpu.memory_space<hbm>>, %arg6: memref<2x10240x128xf32, #tpu.memory_space<hbm>>, %arg7: memref<120x128xi32, #tpu.memory_space<vmem>>, %arg8: memref<120x128xi32, #tpu.memory_space<vmem>>, %arg9: memref<64x128xf32, #tpu.memory_space<vmem>>, %arg10: memref<64x128xf32, #tpu.memory_space<vmem>>, %arg11: memref<10240x128xf32, #tpu.memory_space<vmem_shared>>, %arg12: memref<!tpu.dma_semaphore, #tpu.memory_space<semaphore_mem>>, %arg13: memref<!tpu.dma_semaphore, #tpu.memory_space<semaphore_mem>>, %arg14: memref<!tpu.dma_semaphore, #tpu.memory_space<semaphore_mem>>, %arg15: memref<!tpu.dma_semaphore, #tpu.memory_space<semaphore_mem>>) attributes {dimension_semantics = [#tpu.dimension_semantics<core_parallel>, #tpu.dimension_semantics<subcore_parallel>], iteration_bounds = array<i64: 2, 16>, scalar_prefetch = 0 : i64, scratch_operands = 9 : i64, tpu.core_type = #tpu.core_type<sc_vector_subcore>, window_params = [{transform_indices = #map}, {transform_indices = #map}, {transform_indices = #map}, {transform_indices = #map}, {transform_indices = #map1}]} {
    %mul3A = arith.constant 640 : i32
    %mul3A_0 = arith.muli %arg1, %mul3A : i32
    %mul3A_1 = arith.constant 640 : i32
    %mul3A_2 = arith.muli %arg1, %mul3A_1 : i32
    "tpu.region"() ({
      %run_scoped3A = tpu.sem_alloc : memref<!tpu.dma_semaphore, #tpu.memory_space<semaphore_mem>>
      %dma_start3A = arith.constant 0 : i32
      %dma_start3A_14 = tpu.memref_slice %arg11[%mul3A_2, %dma_start3A] : memref<10240x128xf32, #tpu.memory_space<vmem_shared>> -> memref<640x128xf32, #tpu.memory_space<vmem_shared>>
      %dma_start3A_15 = arith.constant 0 : i32
      %dma_start3A_16 = tpu.memref_slice %arg5[%mul3A_0, %dma_start3A_15] : memref<10240x128xf32, #tpu.memory_space<hbm>> -> memref<640x128xf32, #tpu.memory_space<hbm>>
      tpu.enqueue_dma source(%dma_start3A_16 : memref<640x128xf32, #tpu.memory_space<hbm>>) target(%dma_start3A_14 : memref<640x128xf32, #tpu.memory_space<vmem_shared>>) target_semaphore(%run_scoped3A : memref<!tpu.dma_semaphore, #tpu.memory_space<semaphore_mem>>)
      %dma_wait3A = arith.constant 0 : i32
      %dma_wait3A_17 = tpu.memref_slice %arg11[%mul3A_2, %dma_wait3A] : memref<10240x128xf32, #tpu.memory_space<vmem_shared>> -> memref<640x128xf32, #tpu.memory_space<vmem_shared>>
      %dma_wait3A_18 = arith.constant 0 : i32
      %dma_wait3A_19 = tpu.memref_slice %arg5[%mul3A_0, %dma_wait3A_18] : memref<10240x128xf32, #tpu.memory_space<hbm>> -> memref<640x128xf32, #tpu.memory_space<hbm>>
      tpu.wait_dma2 semaphore(%run_scoped3A : memref<!tpu.dma_semaphore, #tpu.memory_space<semaphore_mem>>) src(%dma_wait3A_19 : memref<640x128xf32, #tpu.memory_space<hbm>>) dst(%dma_wait3A_17 : memref<640x128xf32, #tpu.memory_space<vmem_shared>>)
      tpu.yield
    }) : () -> ()
    %eq3A = arith.constant 0 : i32
    %eq3A_3 = arith.cmpi eq, %arg0, %eq3A : i32
    %convert_element_type3A = arith.extui %eq3A_3 : i1 to i32
    %cond3A = arith.constant 0 : i32
    %cond3A_4 = arith.cmpi ne, %convert_element_type3A, %cond3A : i32
    scf.if %cond3A_4 {
      %mul3A_14 = arith.constant 120 : i32
      %mul3A_15 = arith.muli %arg1, %mul3A_14 : i32
      "tpu.region"() ({
        %run_scoped3A = tpu.sem_alloc : memref<!tpu.dma_semaphore, #tpu.memory_space<semaphore_mem>>
        %dma_start3A_32 = arith.constant 0 : i32
        %dma_start3A_33 = arith.constant 0 : i32
        %dma_start3A_34 = tpu.memref_slice %arg7[%dma_start3A_32, %dma_start3A_33] : memref<120x128xi32, #tpu.memory_space<vmem>> -> memref<120x128xi32, #tpu.memory_space<vmem>>
        %dma_start3A_35 = arith.constant 0 : i32
        %dma_start3A_36 = tpu.memref_slice %arg3[%mul3A_15, %dma_start3A_35] : memref<2560x128xi32, #tpu.memory_space<hbm>> -> memref<120x128xi32, #tpu.memory_space<hbm>>
        %dma_start3A_37 = arith.constant 0 : i32
        %dma_start3A_38 = arith.constant 0 : i32
        %dma_start3A_39 = tpu.memref_slice %arg7[%dma_start3A_37, %dma_start3A_38] : memref<120x128xi32, #tpu.memory_space<vmem>> -> memref<120x128xi32, #tpu.memory_space<vmem>>
        %dma_start3A_40 = arith.constant 0 : i32
        %dma_start3A_41 = tpu.memref_slice %arg3[%mul3A_15, %dma_start3A_40] : memref<2560x128xi32, #tpu.memory_space<hbm>> -> memref<120x128xi32, #tpu.memory_space<hbm>>
        tpu.enqueue_dma source(%dma_start3A_41 : memref<120x128xi32, #tpu.memory_space<hbm>>) target(%dma_start3A_39 : memref<120x128xi32, #tpu.memory_space<vmem>>) target_semaphore(%run_scoped3A : memref<!tpu.dma_semaphore, #tpu.memory_space<semaphore_mem>>)
        %dma_wait3A_42 = arith.constant 0 : i32
        %dma_wait3A_43 = arith.constant 0 : i32
        %dma_wait3A_44 = tpu.memref_slice %arg7[%dma_wait3A_42, %dma_wait3A_43] : memref<120x128xi32, #tpu.memory_space<vmem>> -> memref<120x128xi32, #tpu.memory_space<vmem>>
        %dma_wait3A_45 = arith.constant 0 : i32
        %dma_wait3A_46 = tpu.memref_slice %arg3[%mul3A_15, %dma_wait3A_45] : memref<2560x128xi32, #tpu.memory_space<hbm>> -> memref<120x128xi32, #tpu.memory_space<hbm>>
        %dma_wait3A_47 = arith.constant 0 : i32
        %dma_wait3A_48 = arith.constant 0 : i32
        %dma_wait3A_49 = tpu.memref_slice %arg7[%dma_wait3A_47, %dma_wait3A_48] : memref<120x128xi32, #tpu.memory_space<vmem>> -> memref<120x128xi32, #tpu.memory_space<vmem>>
        %dma_wait3A_50 = arith.constant 0 : i32
        %dma_wait3A_51 = tpu.memref_slice %arg3[%mul3A_15, %dma_wait3A_50] : memref<2560x128xi32, #tpu.memory_space<hbm>> -> memref<120x128xi32, #tpu.memory_space<hbm>>
        tpu.wait_dma2 semaphore(%run_scoped3A : memref<!tpu.dma_semaphore, #tpu.memory_space<semaphore_mem>>) src(%dma_wait3A_51 : memref<120x128xi32, #tpu.memory_space<hbm>>) dst(%dma_wait3A_49 : memref<120x128xi32, #tpu.memory_space<vmem>>)
        tpu.yield
      }) : () -> ()
      "tpu.region"() ({
        %run_scoped3A = tpu.sem_alloc : memref<!tpu.dma_semaphore, #tpu.memory_space<semaphore_mem>>
        %dma_start3A_32 = arith.constant 0 : i32
        %dma_start3A_33 = arith.constant 0 : i32
        %dma_start3A_34 = tpu.memref_slice %arg8[%dma_start3A_32, %dma_start3A_33] : memref<120x128xi32, #tpu.memory_space<vmem>> -> memref<120x128xi32, #tpu.memory_space<vmem>>
        %dma_start3A_35 = arith.constant 0 : i32
        %dma_start3A_36 = tpu.memref_slice %arg4[%mul3A_15, %dma_start3A_35] : memref<2560x128xi32, #tpu.memory_space<hbm>> -> memref<120x128xi32, #tpu.memory_space<hbm>>
        %dma_start3A_37 = arith.constant 0 : i32
        %dma_start3A_38 = arith.constant 0 : i32
        %dma_start3A_39 = tpu.memref_slice %arg8[%dma_start3A_37, %dma_start3A_38] : memref<120x128xi32, #tpu.memory_space<vmem>> -> memref<120x128xi32, #tpu.memory_space<vmem>>
        %dma_start3A_40 = arith.constant 0 : i32
        %dma_start3A_41 = tpu.memref_slice %arg4[%mul3A_15, %dma_start3A_40] : memref<2560x128xi32, #tpu.memory_space<hbm>> -> memref<120x128xi32, #tpu.memory_space<hbm>>
        tpu.enqueue_dma source(%dma_start3A_41 : memref<120x128xi32, #tpu.memory_space<hbm>>) target(%dma_start3A_39 : memref<120x128xi32, #tpu.memory_space<vmem>>) target_semaphore(%run_scoped3A : memref<!tpu.dma_semaphore, #tpu.memory_space<semaphore_mem>>)
        %dma_wait3A_42 = arith.constant 0 : i32
        %dma_wait3A_43 = arith.constant 0 : i32
        %dma_wait3A_44 = tpu.memref_slice %arg8[%dma_wait3A_42, %dma_wait3A_43] : memref<120x128xi32, #tpu.memory_space<vmem>> -> memref<120x128xi32, #tpu.memory_space<vmem>>
        %dma_wait3A_45 = arith.constant 0 : i32
        %dma_wait3A_46 = tpu.memref_slice %arg4[%mul3A_15, %dma_wait3A_45] : memref<2560x128xi32, #tpu.memory_space<hbm>> -> memref<120x128xi32, #tpu.memory_space<hbm>>
        %dma_wait3A_47 = arith.constant 0 : i32
        %dma_wait3A_48 = arith.constant 0 : i32
        %dma_wait3A_49 = tpu.memref_slice %arg8[%dma_wait3A_47, %dma_wait3A_48] : memref<120x128xi32, #tpu.memory_space<vmem>> -> memref<120x128xi32, #tpu.memory_space<vmem>>
        %dma_wait3A_50 = arith.constant 0 : i32
        %dma_wait3A_51 = tpu.memref_slice %arg4[%mul3A_15, %dma_wait3A_50] : memref<2560x128xi32, #tpu.memory_space<hbm>> -> memref<120x128xi32, #tpu.memory_space<hbm>>
        tpu.wait_dma2 semaphore(%run_scoped3A : memref<!tpu.dma_semaphore, #tpu.memory_space<semaphore_mem>>) src(%dma_wait3A_51 : memref<120x128xi32, #tpu.memory_space<hbm>>) dst(%dma_wait3A_49 : memref<120x128xi32, #tpu.memory_space<vmem>>)
        tpu.yield
      }) : () -> ()
      %dma_start3A = arith.constant 0 : i32
      %dma_start3A_16 = arith.constant 0 : i32
      %dma_start3A_17 = tpu.memref_slice %arg7[%dma_start3A, %dma_start3A_16] : memref<120x128xi32, #tpu.memory_space<vmem>> -> memref<1x64xi32, #tpu.memory_space<vmem>>
      %dma_start3A_18 = tpu.memref_squeeze %dma_start3A_17 : memref<1x64xi32, #tpu.memory_space<vmem>> -> memref<64xi32, #tpu.memory_space<vmem>>
      %dma_start3A_19 = arith.constant 0 : i32
      %dma_start3A_20 = arith.constant 0 : i32
      %dma_start3A_21 = tpu.memref_slice %arg2[%dma_start3A_19, %dma_start3A_20] : memref<10240x128xf32, #tpu.memory_space<hbm>> -> memref<10240x128xf32, #tpu.memory_space<hbm>>
      tpu.enqueue_indirect_dma source(%dma_start3A_21 : memref<10240x128xf32, #tpu.memory_space<hbm>>) target(%arg9 : memref<64x128xf32, #tpu.memory_space<vmem>>) offsets(%dma_start3A_18 : memref<64xi32, #tpu.memory_space<vmem>>) semaphore(%arg12 : memref<!tpu.dma_semaphore, #tpu.memory_space<semaphore_mem>>)
      %scan3A = arith.constant 0 : i32
      %scan3A_22 = arith.constant 120 : i32
      %scan3A_23 = arith.addi %scan3A, %scan3A_22 : i32
      %scan3A_24 = arith.constant 1 : i32
      scf.for %scan3A_32 = %scan3A to %scan3A_23 step %scan3A_24  : i32 {
        %mul3A_33 = arith.constant 2 : i32
        %mul3A_34 = arith.muli %scan3A_32, %mul3A_33 : i32
        %add3A = arith.constant 0 : i32
        %add3A_35 = arith.addi %add3A, %mul3A_34 : i32
        %add3A_36 = arith.constant 0 : i32
        %add3A_37 = arith.addi %add3A_35, %add3A_36 : i32
        %ge3A = arith.constant 1 : i32
        %ge3A_38 = arith.cmpi sge, %add3A_37, %ge3A : i32
        %convert_element_type3A_39 = arith.extui %ge3A_38 : i1 to i32
        %cond3A_40 = arith.constant 0 : i32
        %cond3A_41 = arith.cmpi ne, %convert_element_type3A_39, %cond3A_40 : i32
        scf.if %cond3A_41 {
          %sub3A_174 = arith.constant 1 : i32
          %sub3A_175 = arith.subi %add3A_37, %sub3A_174 : i32
          %jit3A_176 = arith.constant 2 : i32
          %div3A_177 = arith.divsi %sub3A_175, %jit3A_176 : i32
          %sign3A_178 = arith.constant 0 : i32
          %sign3A_179 = arith.cmpi sgt, %sub3A_175, %sign3A_178 : i32
          %sign3A_180 = arith.extui %sign3A_179 : i1 to i32
          %sign3A_181 = arith.constant 0 : i32
          %sign3A_182 = arith.cmpi slt, %sub3A_175, %sign3A_181 : i32
          %sign3A_183 = arith.extui %sign3A_182 : i1 to i32
          %sign3A_184 = arith.subi %sign3A_180, %sign3A_183 : i32
          %sign3A_185 = arith.constant 0 : i32
          %sign3A_186 = arith.cmpi sgt, %jit3A_176, %sign3A_185 : i32
          %sign3A_187 = arith.extui %sign3A_186 : i1 to i32
          %sign3A_188 = arith.constant 0 : i32
          %sign3A_189 = arith.cmpi slt, %jit3A_176, %sign3A_188 : i32
          %sign3A_190 = arith.extui %sign3A_189 : i1 to i32
          %sign3A_191 = arith.subi %sign3A_187, %sign3A_190 : i32
          %ne3A_192 = arith.cmpi ne, %sign3A_184, %sign3A_191 : i32
          %rem3A_193 = arith.remsi %sub3A_175, %jit3A_176 : i32
          %ne3A_194 = arith.constant 0 : i32
          %ne3A_195 = arith.cmpi ne, %rem3A_193, %ne3A_194 : i32
          %and3A_196 = arith.andi %ne3A_192, %ne3A_195 : i1
          %sub3A_197 = arith.constant 1 : i32
          %sub3A_198 = arith.subi %div3A_177, %sub3A_197 : i32
          %select_n3A_199 = arith.select %and3A_196, %sub3A_198, %div3A_177 : i32
          %dma_wait3A_200 = arith.constant 64 : i32
          %dma_wait3A_201 = tpu.memref_slice %arg8[%select_n3A_199, %dma_wait3A_200] : memref<120x128xi32, #tpu.memory_space<vmem>> -> memref<1x64xi32, #tpu.memory_space<vmem>>
          %dma_wait3A_202 = tpu.memref_squeeze %dma_wait3A_201 : memref<1x64xi32, #tpu.memory_space<vmem>> -> memref<64xi32, #tpu.memory_space<vmem>>
          %dma_wait3A_203 = arith.constant 0 : i32
          %dma_wait3A_204 = arith.constant 0 : i32
          %dma_wait3A_205 = tpu.memref_slice %arg11[%dma_wait3A_203, %dma_wait3A_204] : memref<10240x128xf32, #tpu.memory_space<vmem_shared>> -> memref<10240x128xf32, #tpu.memory_space<vmem_shared>>
          tpu.wait_indirect_dma semaphore(%arg15 : memref<!tpu.dma_semaphore, #tpu.memory_space<semaphore_mem>>) src(%arg10 : memref<64x128xf32, #tpu.memory_space<vmem>>) dst(%dma_wait3A_205 : memref<10240x128xf32, #tpu.memory_space<vmem_shared>>)
        } else {
        }
        %add3A_42 = arith.constant 1 : i32
        %add3A_43 = arith.addi %add3A_37, %add3A_42 : i32
        %lt3A = arith.constant 240 : i32
        %lt3A_44 = arith.cmpi slt, %add3A_43, %lt3A : i32
        %convert_element_type3A_45 = arith.extui %lt3A_44 : i1 to i32
        %cond3A_46 = arith.constant 0 : i32
        %cond3A_47 = arith.cmpi ne, %convert_element_type3A_45, %cond3A_46 : i32
        scf.if %cond3A_47 {
          %add3A_174 = arith.constant 1 : i32
          %add3A_175 = arith.addi %add3A_37, %add3A_174 : i32
          %jit3A_176 = arith.constant 2 : i32
          %div3A_177 = arith.divsi %add3A_175, %jit3A_176 : i32
          %sign3A_178 = arith.constant 0 : i32
          %sign3A_179 = arith.cmpi sgt, %add3A_175, %sign3A_178 : i32
          %sign3A_180 = arith.extui %sign3A_179 : i1 to i32
          %sign3A_181 = arith.constant 0 : i32
          %sign3A_182 = arith.cmpi slt, %add3A_175, %sign3A_181 : i32
          %sign3A_183 = arith.extui %sign3A_182 : i1 to i32
          %sign3A_184 = arith.subi %sign3A_180, %sign3A_183 : i32
          %sign3A_185 = arith.constant 0 : i32
          %sign3A_186 = arith.cmpi sgt, %jit3A_176, %sign3A_185 : i32
          %sign3A_187 = arith.extui %sign3A_186 : i1 to i32
          %sign3A_188 = arith.constant 0 : i32
          %sign3A_189 = arith.cmpi slt, %jit3A_176, %sign3A_188 : i32
          %sign3A_190 = arith.extui %sign3A_189 : i1 to i32
          %sign3A_191 = arith.subi %sign3A_187, %sign3A_190 : i32
          %ne3A_192 = arith.cmpi ne, %sign3A_184, %sign3A_191 : i32
          %rem3A_193 = arith.remsi %add3A_175, %jit3A_176 : i32
          %ne3A_194 = arith.constant 0 : i32
          %ne3A_195 = arith.cmpi ne, %rem3A_193, %ne3A_194 : i32
          %and3A_196 = arith.andi %ne3A_192, %ne3A_195 : i1
          %sub3A_197 = arith.constant 1 : i32
          %sub3A_198 = arith.subi %div3A_177, %sub3A_197 : i32
          %select_n3A_199 = arith.select %and3A_196, %sub3A_198, %div3A_177 : i32
          %dma_start3A_200 = arith.constant 64 : i32
          %dma_start3A_201 = tpu.memref_slice %arg7[%select_n3A_199, %dma_start3A_200] : memref<120x128xi32, #tpu.memory_space<vmem>> -> memref<1x64xi32, #tpu.memory_space<vmem>>
          %dma_start3A_202 = tpu.memref_squeeze %dma_start3A_201 : memref<1x64xi32, #tpu.memory_space<vmem>> -> memref<64xi32, #tpu.memory_space<vmem>>
          %dma_start3A_203 = arith.constant 0 : i32
          %dma_start3A_204 = arith.constant 0 : i32
          %dma_start3A_205 = tpu.memref_slice %arg2[%dma_start3A_203, %dma_start3A_204] : memref<10240x128xf32, #tpu.memory_space<hbm>> -> memref<10240x128xf32, #tpu.memory_space<hbm>>
          tpu.enqueue_indirect_dma source(%dma_start3A_205 : memref<10240x128xf32, #tpu.memory_space<hbm>>) target(%arg10 : memref<64x128xf32, #tpu.memory_space<vmem>>) offsets(%dma_start3A_202 : memref<64xi32, #tpu.memory_space<vmem>>) semaphore(%arg13 : memref<!tpu.dma_semaphore, #tpu.memory_space<semaphore_mem>>)
        } else {
        }
        %jit3A = arith.constant 2 : i32
        %div3A = arith.divsi %add3A_37, %jit3A : i32
        %sign3A = arith.constant 0 : i32
        %sign3A_48 = arith.cmpi sgt, %add3A_37, %sign3A : i32
        %sign3A_49 = arith.extui %sign3A_48 : i1 to i32
        %sign3A_50 = arith.constant 0 : i32
        %sign3A_51 = arith.cmpi slt, %add3A_37, %sign3A_50 : i32
        %sign3A_52 = arith.extui %sign3A_51 : i1 to i32
        %sign3A_53 = arith.subi %sign3A_49, %sign3A_52 : i32
        %sign3A_54 = arith.constant 0 : i32
        %sign3A_55 = arith.cmpi sgt, %jit3A, %sign3A_54 : i32
        %sign3A_56 = arith.extui %sign3A_55 : i1 to i32
        %sign3A_57 = arith.constant 0 : i32
        %sign3A_58 = arith.cmpi slt, %jit3A, %sign3A_57 : i32
        %sign3A_59 = arith.extui %sign3A_58 : i1 to i32
        %sign3A_60 = arith.subi %sign3A_56, %sign3A_59 : i32
        %ne3A = arith.cmpi ne, %sign3A_53, %sign3A_60 : i32
        %rem3A = arith.remsi %add3A_37, %jit3A : i32
        %ne3A_61 = arith.constant 0 : i32
        %ne3A_62 = arith.cmpi ne, %rem3A, %ne3A_61 : i32
        %and3A = arith.andi %ne3A, %ne3A_62 : i1
        %sub3A = arith.constant 1 : i32
        %sub3A_63 = arith.subi %div3A, %sub3A : i32
        %select_n3A = arith.select %and3A, %sub3A_63, %div3A : i32
        %dma_wait3A_64 = arith.constant 0 : i32
        %dma_wait3A_65 = tpu.memref_slice %arg7[%select_n3A, %dma_wait3A_64] : memref<120x128xi32, #tpu.memory_space<vmem>> -> memref<1x64xi32, #tpu.memory_space<vmem>>
        %dma_wait3A_66 = tpu.memref_squeeze %dma_wait3A_65 : memref<1x64xi32, #tpu.memory_space<vmem>> -> memref<64xi32, #tpu.memory_space<vmem>>
        %dma_wait3A_67 = arith.constant 0 : i32
        %dma_wait3A_68 = arith.constant 0 : i32
        %dma_wait3A_69 = tpu.memref_slice %arg2[%dma_wait3A_67, %dma_wait3A_68] : memref<10240x128xf32, #tpu.memory_space<hbm>> -> memref<10240x128xf32, #tpu.memory_space<hbm>>
        tpu.wait_indirect_dma semaphore(%arg12 : memref<!tpu.dma_semaphore, #tpu.memory_space<semaphore_mem>>) src(%dma_wait3A_69 : memref<10240x128xf32, #tpu.memory_space<hbm>>) dst(%arg9 : memref<64x128xf32, #tpu.memory_space<vmem>>)
        %jit3A_70 = arith.constant 2 : i32
        %div3A_71 = arith.divsi %add3A_37, %jit3A_70 : i32
        %sign3A_72 = arith.constant 0 : i32
        %sign3A_73 = arith.cmpi sgt, %add3A_37, %sign3A_72 : i32
        %sign3A_74 = arith.extui %sign3A_73 : i1 to i32
        %sign3A_75 = arith.constant 0 : i32
        %sign3A_76 = arith.cmpi slt, %add3A_37, %sign3A_75 : i32
        %sign3A_77 = arith.extui %sign3A_76 : i1 to i32
        %sign3A_78 = arith.subi %sign3A_74, %sign3A_77 : i32
        %sign3A_79 = arith.constant 0 : i32
        %sign3A_80 = arith.cmpi sgt, %jit3A_70, %sign3A_79 : i32
        %sign3A_81 = arith.extui %sign3A_80 : i1 to i32
        %sign3A_82 = arith.constant 0 : i32
        %sign3A_83 = arith.cmpi slt, %jit3A_70, %sign3A_82 : i32
        %sign3A_84 = arith.extui %sign3A_83 : i1 to i32
        %sign3A_85 = arith.subi %sign3A_81, %sign3A_84 : i32
        %ne3A_86 = arith.cmpi ne, %sign3A_78, %sign3A_85 : i32
        %rem3A_87 = arith.remsi %add3A_37, %jit3A_70 : i32
        %ne3A_88 = arith.constant 0 : i32
        %ne3A_89 = arith.cmpi ne, %rem3A_87, %ne3A_88 : i32
        %and3A_90 = arith.andi %ne3A_86, %ne3A_89 : i1
        %sub3A_91 = arith.constant 1 : i32
        %sub3A_92 = arith.subi %div3A_71, %sub3A_91 : i32
        %select_n3A_93 = arith.select %and3A_90, %sub3A_92, %div3A_71 : i32
        %dma_start3A_94 = arith.constant 0 : i32
        %dma_start3A_95 = tpu.memref_slice %arg8[%select_n3A_93, %dma_start3A_94] : memref<120x128xi32, #tpu.memory_space<vmem>> -> memref<1x64xi32, #tpu.memory_space<vmem>>
        %dma_start3A_96 = tpu.memref_squeeze %dma_start3A_95 : memref<1x64xi32, #tpu.memory_space<vmem>> -> memref<64xi32, #tpu.memory_space<vmem>>
        %dma_start3A_97 = arith.constant 0 : i32
        %dma_start3A_98 = arith.constant 0 : i32
        %dma_start3A_99 = tpu.memref_slice %arg11[%dma_start3A_97, %dma_start3A_98] : memref<10240x128xf32, #tpu.memory_space<vmem_shared>> -> memref<10240x128xf32, #tpu.memory_space<vmem_shared>>
        tpu.enqueue_indirect_dma source(%arg9 : memref<64x128xf32, #tpu.memory_space<vmem>>) target(%dma_start3A_99 : memref<10240x128xf32, #tpu.memory_space<vmem_shared>>) offsets(%dma_start3A_96 : memref<64xi32, #tpu.memory_space<vmem>>) semaphore(%arg14 : memref<!tpu.dma_semaphore, #tpu.memory_space<semaphore_mem>>) {add = true}
        %add3A_100 = arith.constant 1 : i32
        %add3A_101 = arith.addi %add3A_35, %add3A_100 : i32
        %ge3A_102 = arith.constant 1 : i32
        %ge3A_103 = arith.cmpi sge, %add3A_101, %ge3A_102 : i32
        %convert_element_type3A_104 = arith.extui %ge3A_103 : i1 to i32
        %cond3A_105 = arith.constant 0 : i32
        %cond3A_106 = arith.cmpi ne, %convert_element_type3A_104, %cond3A_105 : i32
        scf.if %cond3A_106 {
          %sub3A_174 = arith.constant 1 : i32
          %sub3A_175 = arith.subi %add3A_101, %sub3A_174 : i32
          %jit3A_176 = arith.constant 2 : i32
          %div3A_177 = arith.divsi %sub3A_175, %jit3A_176 : i32
          %sign3A_178 = arith.constant 0 : i32
          %sign3A_179 = arith.cmpi sgt, %sub3A_175, %sign3A_178 : i32
          %sign3A_180 = arith.extui %sign3A_179 : i1 to i32
          %sign3A_181 = arith.constant 0 : i32
          %sign3A_182 = arith.cmpi slt, %sub3A_175, %sign3A_181 : i32
          %sign3A_183 = arith.extui %sign3A_182 : i1 to i32
          %sign3A_184 = arith.subi %sign3A_180, %sign3A_183 : i32
          %sign3A_185 = arith.constant 0 : i32
          %sign3A_186 = arith.cmpi sgt, %jit3A_176, %sign3A_185 : i32
          %sign3A_187 = arith.extui %sign3A_186 : i1 to i32
          %sign3A_188 = arith.constant 0 : i32
          %sign3A_189 = arith.cmpi slt, %jit3A_176, %sign3A_188 : i32
          %sign3A_190 = arith.extui %sign3A_189 : i1 to i32
          %sign3A_191 = arith.subi %sign3A_187, %sign3A_190 : i32
          %ne3A_192 = arith.cmpi ne, %sign3A_184, %sign3A_191 : i32
          %rem3A_193 = arith.remsi %sub3A_175, %jit3A_176 : i32
          %ne3A_194 = arith.constant 0 : i32
          %ne3A_195 = arith.cmpi ne, %rem3A_193, %ne3A_194 : i32
          %and3A_196 = arith.andi %ne3A_192, %ne3A_195 : i1
          %sub3A_197 = arith.constant 1 : i32
          %sub3A_198 = arith.subi %div3A_177, %sub3A_197 : i32
          %select_n3A_199 = arith.select %and3A_196, %sub3A_198, %div3A_177 : i32
          %dma_wait3A_200 = arith.constant 0 : i32
          %dma_wait3A_201 = tpu.memref_slice %arg8[%select_n3A_199, %dma_wait3A_200] : memref<120x128xi32, #tpu.memory_space<vmem>> -> memref<1x64xi32, #tpu.memory_space<vmem>>
          %dma_wait3A_202 = tpu.memref_squeeze %dma_wait3A_201 : memref<1x64xi32, #tpu.memory_space<vmem>> -> memref<64xi32, #tpu.memory_space<vmem>>
          %dma_wait3A_203 = arith.constant 0 : i32
          %dma_wait3A_204 = arith.constant 0 : i32
          %dma_wait3A_205 = tpu.memref_slice %arg11[%dma_wait3A_203, %dma_wait3A_204] : memref<10240x128xf32, #tpu.memory_space<vmem_shared>> -> memref<10240x128xf32, #tpu.memory_space<vmem_shared>>
          tpu.wait_indirect_dma semaphore(%arg14 : memref<!tpu.dma_semaphore, #tpu.memory_space<semaphore_mem>>) src(%arg9 : memref<64x128xf32, #tpu.memory_space<vmem>>) dst(%dma_wait3A_205 : memref<10240x128xf32, #tpu.memory_space<vmem_shared>>)
        } else {
        }
        %add3A_107 = arith.constant 1 : i32
        %add3A_108 = arith.addi %add3A_101, %add3A_107 : i32
        %lt3A_109 = arith.constant 240 : i32
        %lt3A_110 = arith.cmpi slt, %add3A_108, %lt3A_109 : i32
        %convert_element_type3A_111 = arith.extui %lt3A_110 : i1 to i32
        %cond3A_112 = arith.constant 0 : i32
        %cond3A_113 = arith.cmpi ne, %convert_element_type3A_111, %cond3A_112 : i32
        scf.if %cond3A_113 {
          %add3A_174 = arith.constant 1 : i32
          %add3A_175 = arith.addi %add3A_101, %add3A_174 : i32
          %jit3A_176 = arith.constant 2 : i32
          %div3A_177 = arith.divsi %add3A_175, %jit3A_176 : i32
          %sign3A_178 = arith.constant 0 : i32
          %sign3A_179 = arith.cmpi sgt, %add3A_175, %sign3A_178 : i32
          %sign3A_180 = arith.extui %sign3A_179 : i1 to i32
          %sign3A_181 = arith.constant 0 : i32
          %sign3A_182 = arith.cmpi slt, %add3A_175, %sign3A_181 : i32
          %sign3A_183 = arith.extui %sign3A_182 : i1 to i32
          %sign3A_184 = arith.subi %sign3A_180, %sign3A_183 : i32
          %sign3A_185 = arith.constant 0 : i32
          %sign3A_186 = arith.cmpi sgt, %jit3A_176, %sign3A_185 : i32
          %sign3A_187 = arith.extui %sign3A_186 : i1 to i32
          %sign3A_188 = arith.constant 0 : i32
          %sign3A_189 = arith.cmpi slt, %jit3A_176, %sign3A_188 : i32
          %sign3A_190 = arith.extui %sign3A_189 : i1 to i32
          %sign3A_191 = arith.subi %sign3A_187, %sign3A_190 : i32
          %ne3A_192 = arith.cmpi ne, %sign3A_184, %sign3A_191 : i32
          %rem3A_193 = arith.remsi %add3A_175, %jit3A_176 : i32
          %ne3A_194 = arith.constant 0 : i32
          %ne3A_195 = arith.cmpi ne, %rem3A_193, %ne3A_194 : i32
          %and3A_196 = arith.andi %ne3A_192, %ne3A_195 : i1
          %sub3A_197 = arith.constant 1 : i32
          %sub3A_198 = arith.subi %div3A_177, %sub3A_197 : i32
          %select_n3A_199 = arith.select %and3A_196, %sub3A_198, %div3A_177 : i32
          %dma_start3A_200 = arith.constant 0 : i32
          %dma_start3A_201 = tpu.memref_slice %arg7[%select_n3A_199, %dma_start3A_200] : memref<120x128xi32, #tpu.memory_space<vmem>> -> memref<1x64xi32, #tpu.memory_space<vmem>>
          %dma_start3A_202 = tpu.memref_squeeze %dma_start3A_201 : memref<1x64xi32, #tpu.memory_space<vmem>> -> memref<64xi32, #tpu.memory_space<vmem>>
          %dma_start3A_203 = arith.constant 0 : i32
          %dma_start3A_204 = arith.constant 0 : i32
          %dma_start3A_205 = tpu.memref_slice %arg2[%dma_start3A_203, %dma_start3A_204] : memref<10240x128xf32, #tpu.memory_space<hbm>> -> memref<10240x128xf32, #tpu.memory_space<hbm>>
          tpu.enqueue_indirect_dma source(%dma_start3A_205 : memref<10240x128xf32, #tpu.memory_space<hbm>>) target(%arg9 : memref<64x128xf32, #tpu.memory_space<vmem>>) offsets(%dma_start3A_202 : memref<64xi32, #tpu.memory_space<vmem>>) semaphore(%arg12 : memref<!tpu.dma_semaphore, #tpu.memory_space<semaphore_mem>>)
        } else {
        }
        %jit3A_114 = arith.constant 2 : i32
        %div3A_115 = arith.divsi %add3A_101, %jit3A_114 : i32
        %sign3A_116 = arith.constant 0 : i32
        %sign3A_117 = arith.cmpi sgt, %add3A_101, %sign3A_116 : i32
        %sign3A_118 = arith.extui %sign3A_117 : i1 to i32
        %sign3A_119 = arith.constant 0 : i32
        %sign3A_120 = arith.cmpi slt, %add3A_101, %sign3A_119 : i32
        %sign3A_121 = arith.extui %sign3A_120 : i1 to i32
        %sign3A_122 = arith.subi %sign3A_118, %sign3A_121 : i32
        %sign3A_123 = arith.constant 0 : i32
        %sign3A_124 = arith.cmpi sgt, %jit3A_114, %sign3A_123 : i32
        %sign3A_125 = arith.extui %sign3A_124 : i1 to i32
        %sign3A_126 = arith.constant 0 : i32
        %sign3A_127 = arith.cmpi slt, %jit3A_114, %sign3A_126 : i32
        %sign3A_128 = arith.extui %sign3A_127 : i1 to i32
        %sign3A_129 = arith.subi %sign3A_125, %sign3A_128 : i32
        %ne3A_130 = arith.cmpi ne, %sign3A_122, %sign3A_129 : i32
        %rem3A_131 = arith.remsi %add3A_101, %jit3A_114 : i32
        %ne3A_132 = arith.constant 0 : i32
        %ne3A_133 = arith.cmpi ne, %rem3A_131, %ne3A_132 : i32
        %and3A_134 = arith.andi %ne3A_130, %ne3A_133 : i1
        %sub3A_135 = arith.constant 1 : i32
        %sub3A_136 = arith.subi %div3A_115, %sub3A_135 : i32
        %select_n3A_137 = arith.select %and3A_134, %sub3A_136, %div3A_115 : i32
        %dma_wait3A_138 = arith.constant 64 : i32
        %dma_wait3A_139 = tpu.memref_slice %arg7[%select_n3A_137, %dma_wait3A_138] : memref<120x128xi32, #tpu.memory_space<vmem>> -> memref<1x64xi32, #tpu.memory_space<vmem>>
        %dma_wait3A_140 = tpu.memref_squeeze %dma_wait3A_139 : memref<1x64xi32, #tpu.memory_space<vmem>> -> memref<64xi32, #tpu.memory_space<vmem>>
        %dma_wait3A_141 = arith.constant 0 : i32
        %dma_wait3A_142 = arith.constant 0 : i32
        %dma_wait3A_143 = tpu.memref_slice %arg2[%dma_wait3A_141, %dma_wait3A_142] : memref<10240x128xf32, #tpu.memory_space<hbm>> -> memref<10240x128xf32, #tpu.memory_space<hbm>>
        tpu.wait_indirect_dma semaphore(%arg13 : memref<!tpu.dma_semaphore, #tpu.memory_space<semaphore_mem>>) src(%dma_wait3A_143 : memref<10240x128xf32, #tpu.memory_space<hbm>>) dst(%arg10 : memref<64x128xf32, #tpu.memory_space<vmem>>)
        %jit3A_144 = arith.constant 2 : i32
        %div3A_145 = arith.divsi %add3A_101, %jit3A_144 : i32
        %sign3A_146 = arith.constant 0 : i32
        %sign3A_147 = arith.cmpi sgt, %add3A_101, %sign3A_146 : i32
        %sign3A_148 = arith.extui %sign3A_147 : i1 to i32
        %sign3A_149 = arith.constant 0 : i32
        %sign3A_150 = arith.cmpi slt, %add3A_101, %sign3A_149 : i32
        %sign3A_151 = arith.extui %sign3A_150 : i1 to i32
        %sign3A_152 = arith.subi %sign3A_148, %sign3A_151 : i32
        %sign3A_153 = arith.constant 0 : i32
        %sign3A_154 = arith.cmpi sgt, %jit3A_144, %sign3A_153 : i32
        %sign3A_155 = arith.extui %sign3A_154 : i1 to i32
        %sign3A_156 = arith.constant 0 : i32
        %sign3A_157 = arith.cmpi slt, %jit3A_144, %sign3A_156 : i32
        %sign3A_158 = arith.extui %sign3A_157 : i1 to i32
        %sign3A_159 = arith.subi %sign3A_155, %sign3A_158 : i32
        %ne3A_160 = arith.cmpi ne, %sign3A_152, %sign3A_159 : i32
        %rem3A_161 = arith.remsi %add3A_101, %jit3A_144 : i32
        %ne3A_162 = arith.constant 0 : i32
        %ne3A_163 = arith.cmpi ne, %rem3A_161, %ne3A_162 : i32
        %and3A_164 = arith.andi %ne3A_160, %ne3A_163 : i1
        %sub3A_165 = arith.constant 1 : i32
        %sub3A_166 = arith.subi %div3A_145, %sub3A_165 : i32
        %select_n3A_167 = arith.select %and3A_164, %sub3A_166, %div3A_145 : i32
        %dma_start3A_168 = arith.constant 64 : i32
        %dma_start3A_169 = tpu.memref_slice %arg8[%select_n3A_167, %dma_start3A_168] : memref<120x128xi32, #tpu.memory_space<vmem>> -> memref<1x64xi32, #tpu.memory_space<vmem>>
        %dma_start3A_170 = tpu.memref_squeeze %dma_start3A_169 : memref<1x64xi32, #tpu.memory_space<vmem>> -> memref<64xi32, #tpu.memory_space<vmem>>
        %dma_start3A_171 = arith.constant 0 : i32
        %dma_start3A_172 = arith.constant 0 : i32
        %dma_start3A_173 = tpu.memref_slice %arg11[%dma_start3A_171, %dma_start3A_172] : memref<10240x128xf32, #tpu.memory_space<vmem_shared>> -> memref<10240x128xf32, #tpu.memory_space<vmem_shared>>
        tpu.enqueue_indirect_dma source(%arg10 : memref<64x128xf32, #tpu.memory_space<vmem>>) target(%dma_start3A_173 : memref<10240x128xf32, #tpu.memory_space<vmem_shared>>) offsets(%dma_start3A_170 : memref<64xi32, #tpu.memory_space<vmem>>) semaphore(%arg15 : memref<!tpu.dma_semaphore, #tpu.memory_space<semaphore_mem>>) {add = true}
      }
      %scan3A_25 = arith.constant 120 : i32
      %dma_wait3A = arith.constant 119 : i32
      %dma_wait3A_26 = arith.constant 64 : i32
      %dma_wait3A_27 = tpu.memref_slice %arg8[%dma_wait3A, %dma_wait3A_26] : memref<120x128xi32, #tpu.memory_space<vmem>> -> memref<1x64xi32, #tpu.memory_space<vmem>>
      %dma_wait3A_28 = tpu.memref_squeeze %dma_wait3A_27 : memref<1x64xi32, #tpu.memory_space<vmem>> -> memref<64xi32, #tpu.memory_space<vmem>>
      %dma_wait3A_29 = arith.constant 0 : i32
      %dma_wait3A_30 = arith.constant 0 : i32
      %dma_wait3A_31 = tpu.memref_slice %arg11[%dma_wait3A_29, %dma_wait3A_30] : memref<10240x128xf32, #tpu.memory_space<vmem_shared>> -> memref<10240x128xf32, #tpu.memory_space<vmem_shared>>
      tpu.wait_indirect_dma semaphore(%arg15 : memref<!tpu.dma_semaphore, #tpu.memory_space<semaphore_mem>>) src(%arg10 : memref<64x128xf32, #tpu.memory_space<vmem>>) dst(%dma_wait3A_31 : memref<10240x128xf32, #tpu.memory_space<vmem_shared>>)
    } else {
    }
    %eq3A_5 = arith.constant 1 : i32
    %eq3A_6 = arith.cmpi eq, %arg0, %eq3A_5 : i32
    %convert_element_type3A_7 = arith.extui %eq3A_6 : i1 to i32
    %cond3A_8 = arith.constant 0 : i32
    %cond3A_9 = arith.cmpi ne, %convert_element_type3A_7, %cond3A_8 : i32
    scf.if %cond3A_9 {
      %mul3A_14 = arith.constant 40 : i32
      %mul3A_15 = arith.muli %arg1, %mul3A_14 : i32
      %add3A = arith.constant 1920 : i32
      %add3A_16 = arith.addi %add3A, %mul3A_15 : i32
      "tpu.region"() ({
        %run_scoped3A = tpu.sem_alloc : memref<!tpu.dma_semaphore, #tpu.memory_space<semaphore_mem>>
        %dma_start3A_33 = arith.constant 0 : i32
        %dma_start3A_34 = arith.constant 0 : i32
        %dma_start3A_35 = tpu.memref_slice %arg7[%dma_start3A_33, %dma_start3A_34] : memref<120x128xi32, #tpu.memory_space<vmem>> -> memref<40x128xi32, #tpu.memory_space<vmem>>
        %dma_start3A_36 = arith.constant 0 : i32
        %dma_start3A_37 = tpu.memref_slice %arg3[%add3A_16, %dma_start3A_36] : memref<2560x128xi32, #tpu.memory_space<hbm>> -> memref<40x128xi32, #tpu.memory_space<hbm>>
        %dma_start3A_38 = arith.constant 0 : i32
        %dma_start3A_39 = arith.constant 0 : i32
        %dma_start3A_40 = tpu.memref_slice %arg7[%dma_start3A_38, %dma_start3A_39] : memref<120x128xi32, #tpu.memory_space<vmem>> -> memref<40x128xi32, #tpu.memory_space<vmem>>
        %dma_start3A_41 = arith.constant 0 : i32
        %dma_start3A_42 = tpu.memref_slice %arg3[%add3A_16, %dma_start3A_41] : memref<2560x128xi32, #tpu.memory_space<hbm>> -> memref<40x128xi32, #tpu.memory_space<hbm>>
        tpu.enqueue_dma source(%dma_start3A_42 : memref<40x128xi32, #tpu.memory_space<hbm>>) target(%dma_start3A_40 : memref<40x128xi32, #tpu.memory_space<vmem>>) target_semaphore(%run_scoped3A : memref<!tpu.dma_semaphore, #tpu.memory_space<semaphore_mem>>)
        %dma_wait3A_43 = arith.constant 0 : i32
        %dma_wait3A_44 = arith.constant 0 : i32
        %dma_wait3A_45 = tpu.memref_slice %arg7[%dma_wait3A_43, %dma_wait3A_44] : memref<120x128xi32, #tpu.memory_space<vmem>> -> memref<40x128xi32, #tpu.memory_space<vmem>>
        %dma_wait3A_46 = arith.constant 0 : i32
        %dma_wait3A_47 = tpu.memref_slice %arg3[%add3A_16, %dma_wait3A_46] : memref<2560x128xi32, #tpu.memory_space<hbm>> -> memref<40x128xi32, #tpu.memory_space<hbm>>
        %dma_wait3A_48 = arith.constant 0 : i32
        %dma_wait3A_49 = arith.constant 0 : i32
        %dma_wait3A_50 = tpu.memref_slice %arg7[%dma_wait3A_48, %dma_wait3A_49] : memref<120x128xi32, #tpu.memory_space<vmem>> -> memref<40x128xi32, #tpu.memory_space<vmem>>
        %dma_wait3A_51 = arith.constant 0 : i32
        %dma_wait3A_52 = tpu.memref_slice %arg3[%add3A_16, %dma_wait3A_51] : memref<2560x128xi32, #tpu.memory_space<hbm>> -> memref<40x128xi32, #tpu.memory_space<hbm>>
        tpu.wait_dma2 semaphore(%run_scoped3A : memref<!tpu.dma_semaphore, #tpu.memory_space<semaphore_mem>>) src(%dma_wait3A_52 : memref<40x128xi32, #tpu.memory_space<hbm>>) dst(%dma_wait3A_50 : memref<40x128xi32, #tpu.memory_space<vmem>>)
        tpu.yield
      }) : () -> ()
      "tpu.region"() ({
        %run_scoped3A = tpu.sem_alloc : memref<!tpu.dma_semaphore, #tpu.memory_space<semaphore_mem>>
        %dma_start3A_33 = arith.constant 0 : i32
        %dma_start3A_34 = arith.constant 0 : i32
        %dma_start3A_35 = tpu.memref_slice %arg8[%dma_start3A_33, %dma_start3A_34] : memref<120x128xi32, #tpu.memory_space<vmem>> -> memref<40x128xi32, #tpu.memory_space<vmem>>
        %dma_start3A_36 = arith.constant 0 : i32
        %dma_start3A_37 = tpu.memref_slice %arg4[%add3A_16, %dma_start3A_36] : memref<2560x128xi32, #tpu.memory_space<hbm>> -> memref<40x128xi32, #tpu.memory_space<hbm>>
        %dma_start3A_38 = arith.constant 0 : i32
        %dma_start3A_39 = arith.constant 0 : i32
        %dma_start3A_40 = tpu.memref_slice %arg8[%dma_start3A_38, %dma_start3A_39] : memref<120x128xi32, #tpu.memory_space<vmem>> -> memref<40x128xi32, #tpu.memory_space<vmem>>
        %dma_start3A_41 = arith.constant 0 : i32
        %dma_start3A_42 = tpu.memref_slice %arg4[%add3A_16, %dma_start3A_41] : memref<2560x128xi32, #tpu.memory_space<hbm>> -> memref<40x128xi32, #tpu.memory_space<hbm>>
        tpu.enqueue_dma source(%dma_start3A_42 : memref<40x128xi32, #tpu.memory_space<hbm>>) target(%dma_start3A_40 : memref<40x128xi32, #tpu.memory_space<vmem>>) target_semaphore(%run_scoped3A : memref<!tpu.dma_semaphore, #tpu.memory_space<semaphore_mem>>)
        %dma_wait3A_43 = arith.constant 0 : i32
        %dma_wait3A_44 = arith.constant 0 : i32
        %dma_wait3A_45 = tpu.memref_slice %arg8[%dma_wait3A_43, %dma_wait3A_44] : memref<120x128xi32, #tpu.memory_space<vmem>> -> memref<40x128xi32, #tpu.memory_space<vmem>>
        %dma_wait3A_46 = arith.constant 0 : i32
        %dma_wait3A_47 = tpu.memref_slice %arg4[%add3A_16, %dma_wait3A_46] : memref<2560x128xi32, #tpu.memory_space<hbm>> -> memref<40x128xi32, #tpu.memory_space<hbm>>
        %dma_wait3A_48 = arith.constant 0 : i32
        %dma_wait3A_49 = arith.constant 0 : i32
        %dma_wait3A_50 = tpu.memref_slice %arg8[%dma_wait3A_48, %dma_wait3A_49] : memref<120x128xi32, #tpu.memory_space<vmem>> -> memref<40x128xi32, #tpu.memory_space<vmem>>
        %dma_wait3A_51 = arith.constant 0 : i32
        %dma_wait3A_52 = tpu.memref_slice %arg4[%add3A_16, %dma_wait3A_51] : memref<2560x128xi32, #tpu.memory_space<hbm>> -> memref<40x128xi32, #tpu.memory_space<hbm>>
        tpu.wait_dma2 semaphore(%run_scoped3A : memref<!tpu.dma_semaphore, #tpu.memory_space<semaphore_mem>>) src(%dma_wait3A_52 : memref<40x128xi32, #tpu.memory_space<hbm>>) dst(%dma_wait3A_50 : memref<40x128xi32, #tpu.memory_space<vmem>>)
        tpu.yield
      }) : () -> ()
      %dma_start3A = arith.constant 0 : i32
      %dma_start3A_17 = arith.constant 0 : i32
      %dma_start3A_18 = tpu.memref_slice %arg7[%dma_start3A, %dma_start3A_17] : memref<120x128xi32, #tpu.memory_space<vmem>> -> memref<1x64xi32, #tpu.memory_space<vmem>>
      %dma_start3A_19 = tpu.memref_squeeze %dma_start3A_18 : memref<1x64xi32, #tpu.memory_space<vmem>> -> memref<64xi32, #tpu.memory_space<vmem>>
      %dma_start3A_20 = arith.constant 0 : i32
      %dma_start3A_21 = arith.constant 0 : i32
      %dma_start3A_22 = tpu.memref_slice %arg2[%dma_start3A_20, %dma_start3A_21] : memref<10240x128xf32, #tpu.memory_space<hbm>> -> memref<10240x128xf32, #tpu.memory_space<hbm>>
      tpu.enqueue_indirect_dma source(%dma_start3A_22 : memref<10240x128xf32, #tpu.memory_space<hbm>>) target(%arg9 : memref<64x128xf32, #tpu.memory_space<vmem>>) offsets(%dma_start3A_19 : memref<64xi32, #tpu.memory_space<vmem>>) semaphore(%arg12 : memref<!tpu.dma_semaphore, #tpu.memory_space<semaphore_mem>>)
      %scan3A = arith.constant 0 : i32
      %scan3A_23 = arith.constant 40 : i32
      %scan3A_24 = arith.addi %scan3A, %scan3A_23 : i32
      %scan3A_25 = arith.constant 1 : i32
      scf.for %scan3A_33 = %scan3A to %scan3A_24 step %scan3A_25  : i32 {
        %mul3A_34 = arith.constant 2 : i32
        %mul3A_35 = arith.muli %scan3A_33, %mul3A_34 : i32
        %add3A_36 = arith.constant 0 : i32
        %add3A_37 = arith.addi %add3A_36, %mul3A_35 : i32
        %add3A_38 = arith.constant 0 : i32
        %add3A_39 = arith.addi %add3A_37, %add3A_38 : i32
        %ge3A = arith.constant 1 : i32
        %ge3A_40 = arith.cmpi sge, %add3A_39, %ge3A : i32
        %convert_element_type3A_41 = arith.extui %ge3A_40 : i1 to i32
        %cond3A_42 = arith.constant 0 : i32
        %cond3A_43 = arith.cmpi ne, %convert_element_type3A_41, %cond3A_42 : i32
        scf.if %cond3A_43 {
          %sub3A_176 = arith.constant 1 : i32
          %sub3A_177 = arith.subi %add3A_39, %sub3A_176 : i32
          %jit3A_178 = arith.constant 2 : i32
          %div3A_179 = arith.divsi %sub3A_177, %jit3A_178 : i32
          %sign3A_180 = arith.constant 0 : i32
          %sign3A_181 = arith.cmpi sgt, %sub3A_177, %sign3A_180 : i32
          %sign3A_182 = arith.extui %sign3A_181 : i1 to i32
          %sign3A_183 = arith.constant 0 : i32
          %sign3A_184 = arith.cmpi slt, %sub3A_177, %sign3A_183 : i32
          %sign3A_185 = arith.extui %sign3A_184 : i1 to i32
          %sign3A_186 = arith.subi %sign3A_182, %sign3A_185 : i32
          %sign3A_187 = arith.constant 0 : i32
          %sign3A_188 = arith.cmpi sgt, %jit3A_178, %sign3A_187 : i32
          %sign3A_189 = arith.extui %sign3A_188 : i1 to i32
          %sign3A_190 = arith.constant 0 : i32
          %sign3A_191 = arith.cmpi slt, %jit3A_178, %sign3A_190 : i32
          %sign3A_192 = arith.extui %sign3A_191 : i1 to i32
          %sign3A_193 = arith.subi %sign3A_189, %sign3A_192 : i32
          %ne3A_194 = arith.cmpi ne, %sign3A_186, %sign3A_193 : i32
          %rem3A_195 = arith.remsi %sub3A_177, %jit3A_178 : i32
          %ne3A_196 = arith.constant 0 : i32
          %ne3A_197 = arith.cmpi ne, %rem3A_195, %ne3A_196 : i32
          %and3A_198 = arith.andi %ne3A_194, %ne3A_197 : i1
          %sub3A_199 = arith.constant 1 : i32
          %sub3A_200 = arith.subi %div3A_179, %sub3A_199 : i32
          %select_n3A_201 = arith.select %and3A_198, %sub3A_200, %div3A_179 : i32
          %dma_wait3A_202 = arith.constant 64 : i32
          %dma_wait3A_203 = tpu.memref_slice %arg8[%select_n3A_201, %dma_wait3A_202] : memref<120x128xi32, #tpu.memory_space<vmem>> -> memref<1x64xi32, #tpu.memory_space<vmem>>
          %dma_wait3A_204 = tpu.memref_squeeze %dma_wait3A_203 : memref<1x64xi32, #tpu.memory_space<vmem>> -> memref<64xi32, #tpu.memory_space<vmem>>
          %dma_wait3A_205 = arith.constant 0 : i32
          %dma_wait3A_206 = arith.constant 0 : i32
          %dma_wait3A_207 = tpu.memref_slice %arg11[%dma_wait3A_205, %dma_wait3A_206] : memref<10240x128xf32, #tpu.memory_space<vmem_shared>> -> memref<10240x128xf32, #tpu.memory_space<vmem_shared>>
          tpu.wait_indirect_dma semaphore(%arg15 : memref<!tpu.dma_semaphore, #tpu.memory_space<semaphore_mem>>) src(%arg10 : memref<64x128xf32, #tpu.memory_space<vmem>>) dst(%dma_wait3A_207 : memref<10240x128xf32, #tpu.memory_space<vmem_shared>>)
        } else {
        }
        %add3A_44 = arith.constant 1 : i32
        %add3A_45 = arith.addi %add3A_39, %add3A_44 : i32
        %lt3A = arith.constant 80 : i32
        %lt3A_46 = arith.cmpi slt, %add3A_45, %lt3A : i32
        %convert_element_type3A_47 = arith.extui %lt3A_46 : i1 to i32
        %cond3A_48 = arith.constant 0 : i32
        %cond3A_49 = arith.cmpi ne, %convert_element_type3A_47, %cond3A_48 : i32
        scf.if %cond3A_49 {
          %add3A_176 = arith.constant 1 : i32
          %add3A_177 = arith.addi %add3A_39, %add3A_176 : i32
          %jit3A_178 = arith.constant 2 : i32
          %div3A_179 = arith.divsi %add3A_177, %jit3A_178 : i32
          %sign3A_180 = arith.constant 0 : i32
          %sign3A_181 = arith.cmpi sgt, %add3A_177, %sign3A_180 : i32
          %sign3A_182 = arith.extui %sign3A_181 : i1 to i32
          %sign3A_183 = arith.constant 0 : i32
          %sign3A_184 = arith.cmpi slt, %add3A_177, %sign3A_183 : i32
          %sign3A_185 = arith.extui %sign3A_184 : i1 to i32
          %sign3A_186 = arith.subi %sign3A_182, %sign3A_185 : i32
          %sign3A_187 = arith.constant 0 : i32
          %sign3A_188 = arith.cmpi sgt, %jit3A_178, %sign3A_187 : i32
          %sign3A_189 = arith.extui %sign3A_188 : i1 to i32
          %sign3A_190 = arith.constant 0 : i32
          %sign3A_191 = arith.cmpi slt, %jit3A_178, %sign3A_190 : i32
          %sign3A_192 = arith.extui %sign3A_191 : i1 to i32
          %sign3A_193 = arith.subi %sign3A_189, %sign3A_192 : i32
          %ne3A_194 = arith.cmpi ne, %sign3A_186, %sign3A_193 : i32
          %rem3A_195 = arith.remsi %add3A_177, %jit3A_178 : i32
          %ne3A_196 = arith.constant 0 : i32
          %ne3A_197 = arith.cmpi ne, %rem3A_195, %ne3A_196 : i32
          %and3A_198 = arith.andi %ne3A_194, %ne3A_197 : i1
          %sub3A_199 = arith.constant 1 : i32
          %sub3A_200 = arith.subi %div3A_179, %sub3A_199 : i32
          %select_n3A_201 = arith.select %and3A_198, %sub3A_200, %div3A_179 : i32
          %dma_start3A_202 = arith.constant 64 : i32
          %dma_start3A_203 = tpu.memref_slice %arg7[%select_n3A_201, %dma_start3A_202] : memref<120x128xi32, #tpu.memory_space<vmem>> -> memref<1x64xi32, #tpu.memory_space<vmem>>
          %dma_start3A_204 = tpu.memref_squeeze %dma_start3A_203 : memref<1x64xi32, #tpu.memory_space<vmem>> -> memref<64xi32, #tpu.memory_space<vmem>>
          %dma_start3A_205 = arith.constant 0 : i32
          %dma_start3A_206 = arith.constant 0 : i32
          %dma_start3A_207 = tpu.memref_slice %arg2[%dma_start3A_205, %dma_start3A_206] : memref<10240x128xf32, #tpu.memory_space<hbm>> -> memref<10240x128xf32, #tpu.memory_space<hbm>>
          tpu.enqueue_indirect_dma source(%dma_start3A_207 : memref<10240x128xf32, #tpu.memory_space<hbm>>) target(%arg10 : memref<64x128xf32, #tpu.memory_space<vmem>>) offsets(%dma_start3A_204 : memref<64xi32, #tpu.memory_space<vmem>>) semaphore(%arg13 : memref<!tpu.dma_semaphore, #tpu.memory_space<semaphore_mem>>)
        } else {
        }
        %jit3A = arith.constant 2 : i32
        %div3A = arith.divsi %add3A_39, %jit3A : i32
        %sign3A = arith.constant 0 : i32
        %sign3A_50 = arith.cmpi sgt, %add3A_39, %sign3A : i32
        %sign3A_51 = arith.extui %sign3A_50 : i1 to i32
        %sign3A_52 = arith.constant 0 : i32
        %sign3A_53 = arith.cmpi slt, %add3A_39, %sign3A_52 : i32
        %sign3A_54 = arith.extui %sign3A_53 : i1 to i32
        %sign3A_55 = arith.subi %sign3A_51, %sign3A_54 : i32
        %sign3A_56 = arith.constant 0 : i32
        %sign3A_57 = arith.cmpi sgt, %jit3A, %sign3A_56 : i32
        %sign3A_58 = arith.extui %sign3A_57 : i1 to i32
        %sign3A_59 = arith.constant 0 : i32
        %sign3A_60 = arith.cmpi slt, %jit3A, %sign3A_59 : i32
        %sign3A_61 = arith.extui %sign3A_60 : i1 to i32
        %sign3A_62 = arith.subi %sign3A_58, %sign3A_61 : i32
        %ne3A = arith.cmpi ne, %sign3A_55, %sign3A_62 : i32
        %rem3A = arith.remsi %add3A_39, %jit3A : i32
        %ne3A_63 = arith.constant 0 : i32
        %ne3A_64 = arith.cmpi ne, %rem3A, %ne3A_63 : i32
        %and3A = arith.andi %ne3A, %ne3A_64 : i1
        %sub3A = arith.constant 1 : i32
        %sub3A_65 = arith.subi %div3A, %sub3A : i32
        %select_n3A = arith.select %and3A, %sub3A_65, %div3A : i32
        %dma_wait3A_66 = arith.constant 0 : i32
        %dma_wait3A_67 = tpu.memref_slice %arg7[%select_n3A, %dma_wait3A_66] : memref<120x128xi32, #tpu.memory_space<vmem>> -> memref<1x64xi32, #tpu.memory_space<vmem>>
        %dma_wait3A_68 = tpu.memref_squeeze %dma_wait3A_67 : memref<1x64xi32, #tpu.memory_space<vmem>> -> memref<64xi32, #tpu.memory_space<vmem>>
        %dma_wait3A_69 = arith.constant 0 : i32
        %dma_wait3A_70 = arith.constant 0 : i32
        %dma_wait3A_71 = tpu.memref_slice %arg2[%dma_wait3A_69, %dma_wait3A_70] : memref<10240x128xf32, #tpu.memory_space<hbm>> -> memref<10240x128xf32, #tpu.memory_space<hbm>>
        tpu.wait_indirect_dma semaphore(%arg12 : memref<!tpu.dma_semaphore, #tpu.memory_space<semaphore_mem>>) src(%dma_wait3A_71 : memref<10240x128xf32, #tpu.memory_space<hbm>>) dst(%arg9 : memref<64x128xf32, #tpu.memory_space<vmem>>)
        %jit3A_72 = arith.constant 2 : i32
        %div3A_73 = arith.divsi %add3A_39, %jit3A_72 : i32
        %sign3A_74 = arith.constant 0 : i32
        %sign3A_75 = arith.cmpi sgt, %add3A_39, %sign3A_74 : i32
        %sign3A_76 = arith.extui %sign3A_75 : i1 to i32
        %sign3A_77 = arith.constant 0 : i32
        %sign3A_78 = arith.cmpi slt, %add3A_39, %sign3A_77 : i32
        %sign3A_79 = arith.extui %sign3A_78 : i1 to i32
        %sign3A_80 = arith.subi %sign3A_76, %sign3A_79 : i32
        %sign3A_81 = arith.constant 0 : i32
        %sign3A_82 = arith.cmpi sgt, %jit3A_72, %sign3A_81 : i32
        %sign3A_83 = arith.extui %sign3A_82 : i1 to i32
        %sign3A_84 = arith.constant 0 : i32
        %sign3A_85 = arith.cmpi slt, %jit3A_72, %sign3A_84 : i32
        %sign3A_86 = arith.extui %sign3A_85 : i1 to i32
        %sign3A_87 = arith.subi %sign3A_83, %sign3A_86 : i32
        %ne3A_88 = arith.cmpi ne, %sign3A_80, %sign3A_87 : i32
        %rem3A_89 = arith.remsi %add3A_39, %jit3A_72 : i32
        %ne3A_90 = arith.constant 0 : i32
        %ne3A_91 = arith.cmpi ne, %rem3A_89, %ne3A_90 : i32
        %and3A_92 = arith.andi %ne3A_88, %ne3A_91 : i1
        %sub3A_93 = arith.constant 1 : i32
        %sub3A_94 = arith.subi %div3A_73, %sub3A_93 : i32
        %select_n3A_95 = arith.select %and3A_92, %sub3A_94, %div3A_73 : i32
        %dma_start3A_96 = arith.constant 0 : i32
        %dma_start3A_97 = tpu.memref_slice %arg8[%select_n3A_95, %dma_start3A_96] : memref<120x128xi32, #tpu.memory_space<vmem>> -> memref<1x64xi32, #tpu.memory_space<vmem>>
        %dma_start3A_98 = tpu.memref_squeeze %dma_start3A_97 : memref<1x64xi32, #tpu.memory_space<vmem>> -> memref<64xi32, #tpu.memory_space<vmem>>
        %dma_start3A_99 = arith.constant 0 : i32
        %dma_start3A_100 = arith.constant 0 : i32
        %dma_start3A_101 = tpu.memref_slice %arg11[%dma_start3A_99, %dma_start3A_100] : memref<10240x128xf32, #tpu.memory_space<vmem_shared>> -> memref<10240x128xf32, #tpu.memory_space<vmem_shared>>
        tpu.enqueue_indirect_dma source(%arg9 : memref<64x128xf32, #tpu.memory_space<vmem>>) target(%dma_start3A_101 : memref<10240x128xf32, #tpu.memory_space<vmem_shared>>) offsets(%dma_start3A_98 : memref<64xi32, #tpu.memory_space<vmem>>) semaphore(%arg14 : memref<!tpu.dma_semaphore, #tpu.memory_space<semaphore_mem>>) {add = true}
        %add3A_102 = arith.constant 1 : i32
        %add3A_103 = arith.addi %add3A_37, %add3A_102 : i32
        %ge3A_104 = arith.constant 1 : i32
        %ge3A_105 = arith.cmpi sge, %add3A_103, %ge3A_104 : i32
        %convert_element_type3A_106 = arith.extui %ge3A_105 : i1 to i32
        %cond3A_107 = arith.constant 0 : i32
        %cond3A_108 = arith.cmpi ne, %convert_element_type3A_106, %cond3A_107 : i32
        scf.if %cond3A_108 {
          %sub3A_176 = arith.constant 1 : i32
          %sub3A_177 = arith.subi %add3A_103, %sub3A_176 : i32
          %jit3A_178 = arith.constant 2 : i32
          %div3A_179 = arith.divsi %sub3A_177, %jit3A_178 : i32
          %sign3A_180 = arith.constant 0 : i32
          %sign3A_181 = arith.cmpi sgt, %sub3A_177, %sign3A_180 : i32
          %sign3A_182 = arith.extui %sign3A_181 : i1 to i32
          %sign3A_183 = arith.constant 0 : i32
          %sign3A_184 = arith.cmpi slt, %sub3A_177, %sign3A_183 : i32
          %sign3A_185 = arith.extui %sign3A_184 : i1 to i32
          %sign3A_186 = arith.subi %sign3A_182, %sign3A_185 : i32
          %sign3A_187 = arith.constant 0 : i32
          %sign3A_188 = arith.cmpi sgt, %jit3A_178, %sign3A_187 : i32
          %sign3A_189 = arith.extui %sign3A_188 : i1 to i32
          %sign3A_190 = arith.constant 0 : i32
          %sign3A_191 = arith.cmpi slt, %jit3A_178, %sign3A_190 : i32
          %sign3A_192 = arith.extui %sign3A_191 : i1 to i32
          %sign3A_193 = arith.subi %sign3A_189, %sign3A_192 : i32
          %ne3A_194 = arith.cmpi ne, %sign3A_186, %sign3A_193 : i32
          %rem3A_195 = arith.remsi %sub3A_177, %jit3A_178 : i32
          %ne3A_196 = arith.constant 0 : i32
          %ne3A_197 = arith.cmpi ne, %rem3A_195, %ne3A_196 : i32
          %and3A_198 = arith.andi %ne3A_194, %ne3A_197 : i1
          %sub3A_199 = arith.constant 1 : i32
          %sub3A_200 = arith.subi %div3A_179, %sub3A_199 : i32
          %select_n3A_201 = arith.select %and3A_198, %sub3A_200, %div3A_179 : i32
          %dma_wait3A_202 = arith.constant 0 : i32
          %dma_wait3A_203 = tpu.memref_slice %arg8[%select_n3A_201, %dma_wait3A_202] : memref<120x128xi32, #tpu.memory_space<vmem>> -> memref<1x64xi32, #tpu.memory_space<vmem>>
          %dma_wait3A_204 = tpu.memref_squeeze %dma_wait3A_203 : memref<1x64xi32, #tpu.memory_space<vmem>> -> memref<64xi32, #tpu.memory_space<vmem>>
          %dma_wait3A_205 = arith.constant 0 : i32
          %dma_wait3A_206 = arith.constant 0 : i32
          %dma_wait3A_207 = tpu.memref_slice %arg11[%dma_wait3A_205, %dma_wait3A_206] : memref<10240x128xf32, #tpu.memory_space<vmem_shared>> -> memref<10240x128xf32, #tpu.memory_space<vmem_shared>>
          tpu.wait_indirect_dma semaphore(%arg14 : memref<!tpu.dma_semaphore, #tpu.memory_space<semaphore_mem>>) src(%arg9 : memref<64x128xf32, #tpu.memory_space<vmem>>) dst(%dma_wait3A_207 : memref<10240x128xf32, #tpu.memory_space<vmem_shared>>)
        } else {
        }
        %add3A_109 = arith.constant 1 : i32
        %add3A_110 = arith.addi %add3A_103, %add3A_109 : i32
        %lt3A_111 = arith.constant 80 : i32
        %lt3A_112 = arith.cmpi slt, %add3A_110, %lt3A_111 : i32
        %convert_element_type3A_113 = arith.extui %lt3A_112 : i1 to i32
        %cond3A_114 = arith.constant 0 : i32
        %cond3A_115 = arith.cmpi ne, %convert_element_type3A_113, %cond3A_114 : i32
        scf.if %cond3A_115 {
          %add3A_176 = arith.constant 1 : i32
          %add3A_177 = arith.addi %add3A_103, %add3A_176 : i32
          %jit3A_178 = arith.constant 2 : i32
          %div3A_179 = arith.divsi %add3A_177, %jit3A_178 : i32
          %sign3A_180 = arith.constant 0 : i32
          %sign3A_181 = arith.cmpi sgt, %add3A_177, %sign3A_180 : i32
          %sign3A_182 = arith.extui %sign3A_181 : i1 to i32
          %sign3A_183 = arith.constant 0 : i32
          %sign3A_184 = arith.cmpi slt, %add3A_177, %sign3A_183 : i32
          %sign3A_185 = arith.extui %sign3A_184 : i1 to i32
          %sign3A_186 = arith.subi %sign3A_182, %sign3A_185 : i32
          %sign3A_187 = arith.constant 0 : i32
          %sign3A_188 = arith.cmpi sgt, %jit3A_178, %sign3A_187 : i32
          %sign3A_189 = arith.extui %sign3A_188 : i1 to i32
          %sign3A_190 = arith.constant 0 : i32
          %sign3A_191 = arith.cmpi slt, %jit3A_178, %sign3A_190 : i32
          %sign3A_192 = arith.extui %sign3A_191 : i1 to i32
          %sign3A_193 = arith.subi %sign3A_189, %sign3A_192 : i32
          %ne3A_194 = arith.cmpi ne, %sign3A_186, %sign3A_193 : i32
          %rem3A_195 = arith.remsi %add3A_177, %jit3A_178 : i32
          %ne3A_196 = arith.constant 0 : i32
          %ne3A_197 = arith.cmpi ne, %rem3A_195, %ne3A_196 : i32
          %and3A_198 = arith.andi %ne3A_194, %ne3A_197 : i1
          %sub3A_199 = arith.constant 1 : i32
          %sub3A_200 = arith.subi %div3A_179, %sub3A_199 : i32
          %select_n3A_201 = arith.select %and3A_198, %sub3A_200, %div3A_179 : i32
          %dma_start3A_202 = arith.constant 0 : i32
          %dma_start3A_203 = tpu.memref_slice %arg7[%select_n3A_201, %dma_start3A_202] : memref<120x128xi32, #tpu.memory_space<vmem>> -> memref<1x64xi32, #tpu.memory_space<vmem>>
          %dma_start3A_204 = tpu.memref_squeeze %dma_start3A_203 : memref<1x64xi32, #tpu.memory_space<vmem>> -> memref<64xi32, #tpu.memory_space<vmem>>
          %dma_start3A_205 = arith.constant 0 : i32
          %dma_start3A_206 = arith.constant 0 : i32
          %dma_start3A_207 = tpu.memref_slice %arg2[%dma_start3A_205, %dma_start3A_206] : memref<10240x128xf32, #tpu.memory_space<hbm>> -> memref<10240x128xf32, #tpu.memory_space<hbm>>
          tpu.enqueue_indirect_dma source(%dma_start3A_207 : memref<10240x128xf32, #tpu.memory_space<hbm>>) target(%arg9 : memref<64x128xf32, #tpu.memory_space<vmem>>) offsets(%dma_start3A_204 : memref<64xi32, #tpu.memory_space<vmem>>) semaphore(%arg12 : memref<!tpu.dma_semaphore, #tpu.memory_space<semaphore_mem>>)
        } else {
        }
        %jit3A_116 = arith.constant 2 : i32
        %div3A_117 = arith.divsi %add3A_103, %jit3A_116 : i32
        %sign3A_118 = arith.constant 0 : i32
        %sign3A_119 = arith.cmpi sgt, %add3A_103, %sign3A_118 : i32
        %sign3A_120 = arith.extui %sign3A_119 : i1 to i32
        %sign3A_121 = arith.constant 0 : i32
        %sign3A_122 = arith.cmpi slt, %add3A_103, %sign3A_121 : i32
        %sign3A_123 = arith.extui %sign3A_122 : i1 to i32
        %sign3A_124 = arith.subi %sign3A_120, %sign3A_123 : i32
        %sign3A_125 = arith.constant 0 : i32
        %sign3A_126 = arith.cmpi sgt, %jit3A_116, %sign3A_125 : i32
        %sign3A_127 = arith.extui %sign3A_126 : i1 to i32
        %sign3A_128 = arith.constant 0 : i32
        %sign3A_129 = arith.cmpi slt, %jit3A_116, %sign3A_128 : i32
        %sign3A_130 = arith.extui %sign3A_129 : i1 to i32
        %sign3A_131 = arith.subi %sign3A_127, %sign3A_130 : i32
        %ne3A_132 = arith.cmpi ne, %sign3A_124, %sign3A_131 : i32
        %rem3A_133 = arith.remsi %add3A_103, %jit3A_116 : i32
        %ne3A_134 = arith.constant 0 : i32
        %ne3A_135 = arith.cmpi ne, %rem3A_133, %ne3A_134 : i32
        %and3A_136 = arith.andi %ne3A_132, %ne3A_135 : i1
        %sub3A_137 = arith.constant 1 : i32
        %sub3A_138 = arith.subi %div3A_117, %sub3A_137 : i32
        %select_n3A_139 = arith.select %and3A_136, %sub3A_138, %div3A_117 : i32
        %dma_wait3A_140 = arith.constant 64 : i32
        %dma_wait3A_141 = tpu.memref_slice %arg7[%select_n3A_139, %dma_wait3A_140] : memref<120x128xi32, #tpu.memory_space<vmem>> -> memref<1x64xi32, #tpu.memory_space<vmem>>
        %dma_wait3A_142 = tpu.memref_squeeze %dma_wait3A_141 : memref<1x64xi32, #tpu.memory_space<vmem>> -> memref<64xi32, #tpu.memory_space<vmem>>
        %dma_wait3A_143 = arith.constant 0 : i32
        %dma_wait3A_144 = arith.constant 0 : i32
        %dma_wait3A_145 = tpu.memref_slice %arg2[%dma_wait3A_143, %dma_wait3A_144] : memref<10240x128xf32, #tpu.memory_space<hbm>> -> memref<10240x128xf32, #tpu.memory_space<hbm>>
        tpu.wait_indirect_dma semaphore(%arg13 : memref<!tpu.dma_semaphore, #tpu.memory_space<semaphore_mem>>) src(%dma_wait3A_145 : memref<10240x128xf32, #tpu.memory_space<hbm>>) dst(%arg10 : memref<64x128xf32, #tpu.memory_space<vmem>>)
        %jit3A_146 = arith.constant 2 : i32
        %div3A_147 = arith.divsi %add3A_103, %jit3A_146 : i32
        %sign3A_148 = arith.constant 0 : i32
        %sign3A_149 = arith.cmpi sgt, %add3A_103, %sign3A_148 : i32
        %sign3A_150 = arith.extui %sign3A_149 : i1 to i32
        %sign3A_151 = arith.constant 0 : i32
        %sign3A_152 = arith.cmpi slt, %add3A_103, %sign3A_151 : i32
        %sign3A_153 = arith.extui %sign3A_152 : i1 to i32
        %sign3A_154 = arith.subi %sign3A_150, %sign3A_153 : i32
        %sign3A_155 = arith.constant 0 : i32
        %sign3A_156 = arith.cmpi sgt, %jit3A_146, %sign3A_155 : i32
        %sign3A_157 = arith.extui %sign3A_156 : i1 to i32
        %sign3A_158 = arith.constant 0 : i32
        %sign3A_159 = arith.cmpi slt, %jit3A_146, %sign3A_158 : i32
        %sign3A_160 = arith.extui %sign3A_159 : i1 to i32
        %sign3A_161 = arith.subi %sign3A_157, %sign3A_160 : i32
        %ne3A_162 = arith.cmpi ne, %sign3A_154, %sign3A_161 : i32
        %rem3A_163 = arith.remsi %add3A_103, %jit3A_146 : i32
        %ne3A_164 = arith.constant 0 : i32
        %ne3A_165 = arith.cmpi ne, %rem3A_163, %ne3A_164 : i32
        %and3A_166 = arith.andi %ne3A_162, %ne3A_165 : i1
        %sub3A_167 = arith.constant 1 : i32
        %sub3A_168 = arith.subi %div3A_147, %sub3A_167 : i32
        %select_n3A_169 = arith.select %and3A_166, %sub3A_168, %div3A_147 : i32
        %dma_start3A_170 = arith.constant 64 : i32
        %dma_start3A_171 = tpu.memref_slice %arg8[%select_n3A_169, %dma_start3A_170] : memref<120x128xi32, #tpu.memory_space<vmem>> -> memref<1x64xi32, #tpu.memory_space<vmem>>
        %dma_start3A_172 = tpu.memref_squeeze %dma_start3A_171 : memref<1x64xi32, #tpu.memory_space<vmem>> -> memref<64xi32, #tpu.memory_space<vmem>>
        %dma_start3A_173 = arith.constant 0 : i32
        %dma_start3A_174 = arith.constant 0 : i32
        %dma_start3A_175 = tpu.memref_slice %arg11[%dma_start3A_173, %dma_start3A_174] : memref<10240x128xf32, #tpu.memory_space<vmem_shared>> -> memref<10240x128xf32, #tpu.memory_space<vmem_shared>>
        tpu.enqueue_indirect_dma source(%arg10 : memref<64x128xf32, #tpu.memory_space<vmem>>) target(%dma_start3A_175 : memref<10240x128xf32, #tpu.memory_space<vmem_shared>>) offsets(%dma_start3A_172 : memref<64xi32, #tpu.memory_space<vmem>>) semaphore(%arg15 : memref<!tpu.dma_semaphore, #tpu.memory_space<semaphore_mem>>) {add = true}
      }
      %scan3A_26 = arith.constant 40 : i32
      %dma_wait3A = arith.constant 39 : i32
      %dma_wait3A_27 = arith.constant 64 : i32
      %dma_wait3A_28 = tpu.memref_slice %arg8[%dma_wait3A, %dma_wait3A_27] : memref<120x128xi32, #tpu.memory_space<vmem>> -> memref<1x64xi32, #tpu.memory_space<vmem>>
      %dma_wait3A_29 = tpu.memref_squeeze %dma_wait3A_28 : memref<1x64xi32, #tpu.memory_space<vmem>> -> memref<64xi32, #tpu.memory_space<vmem>>
      %dma_wait3A_30 = arith.constant 0 : i32
      %dma_wait3A_31 = arith.constant 0 : i32
      %dma_wait3A_32 = tpu.memref_slice %arg11[%dma_wait3A_30, %dma_wait3A_31] : memref<10240x128xf32, #tpu.memory_space<vmem_shared>> -> memref<10240x128xf32, #tpu.memory_space<vmem_shared>>
      tpu.wait_indirect_dma semaphore(%arg15 : memref<!tpu.dma_semaphore, #tpu.memory_space<semaphore_mem>>) src(%arg10 : memref<64x128xf32, #tpu.memory_space<vmem>>) dst(%dma_wait3A_32 : memref<10240x128xf32, #tpu.memory_space<vmem_shared>>)
    } else {
    }
    %barrier3A = arith.constant 0 : index
    tpu.barrier barrier_id(%barrier3A)
    %mul3A_10 = arith.constant 640 : i32
    %mul3A_11 = arith.muli %arg1, %mul3A_10 : i32
    %mul3A_12 = arith.constant 640 : i32
    %mul3A_13 = arith.muli %arg1, %mul3A_12 : i32
    "tpu.region"() ({
      %run_scoped3A = tpu.sem_alloc : memref<!tpu.dma_semaphore, #tpu.memory_space<semaphore_mem>>
      %dma_start3A = arith.constant 0 : i32
      %dma_start3A_14 = tpu.memref_slice %arg6[%arg0, %mul3A_13, %dma_start3A] : memref<2x10240x128xf32, #tpu.memory_space<hbm>> -> memref<1x640x128xf32, #tpu.memory_space<hbm>>
      %dma_start3A_15 = tpu.memref_squeeze %dma_start3A_14 : memref<1x640x128xf32, #tpu.memory_space<hbm>> -> memref<640x128xf32, #tpu.memory_space<hbm>>
      %dma_start3A_16 = arith.constant 0 : i32
      %dma_start3A_17 = tpu.memref_slice %arg11[%mul3A_11, %dma_start3A_16] : memref<10240x128xf32, #tpu.memory_space<vmem_shared>> -> memref<640x128xf32, #tpu.memory_space<vmem_shared>>
      tpu.enqueue_dma source(%dma_start3A_17 : memref<640x128xf32, #tpu.memory_space<vmem_shared>>) target(%dma_start3A_15 : memref<640x128xf32, #tpu.memory_space<hbm>>) target_semaphore(%run_scoped3A : memref<!tpu.dma_semaphore, #tpu.memory_space<semaphore_mem>>)
      %dma_wait3A = arith.constant 0 : i32
      %dma_wait3A_18 = tpu.memref_slice %arg6[%arg0, %mul3A_13, %dma_wait3A] : memref<2x10240x128xf32, #tpu.memory_space<hbm>> -> memref<1x640x128xf32, #tpu.memory_space<hbm>>
      %dma_wait3A_19 = tpu.memref_squeeze %dma_wait3A_18 : memref<1x640x128xf32, #tpu.memory_space<hbm>> -> memref<640x128xf32, #tpu.memory_space<hbm>>
      %dma_wait3A_20 = arith.constant 0 : i32
      %dma_wait3A_21 = tpu.memref_slice %arg11[%mul3A_11, %dma_wait3A_20] : memref<10240x128xf32, #tpu.memory_space<vmem_shared>> -> memref<640x128xf32, #tpu.memory_space<vmem_shared>>
      tpu.wait_dma2 semaphore(%run_scoped3A : memref<!tpu.dma_semaphore, #tpu.memory_space<semaphore_mem>>) src(%dma_wait3A_21 : memref<640x128xf32, #tpu.memory_space<vmem_shared>>) dst(%dma_wait3A_19 : memref<640x128xf32, #tpu.memory_space<hbm>>)
      tpu.yield
    }) : () -> ()
    return
  }
}

module attributes {stable_mosaic.version = 14 : i64} {
  func.func @_embed_body(%arg0: i32, %arg1: memref<2x512x128xf32, #tpu.memory_space<vmem>>, %arg2: memref<512x128xf32, #tpu.memory_space<vmem>>, %arg3: memref<128x128xf32, #tpu.memory_space<vmem>>, %arg4: memref<128x128xf32, #tpu.memory_space<vmem>>, %arg5: memref<512x128xf32, #tpu.memory_space<vmem>>, %arg6: memref<512x128xf32, #tpu.memory_space<vmem>>, %arg7: memref<512x16xf32, #tpu.memory_space<vmem>>, %arg8: memref<512x16xf32, #tpu.memory_space<vmem>>) attributes {dimension_semantics = [#tpu.dimension_semantics<arbitrary>], iteration_bounds = array<i64: 20>, scalar_prefetch = 0 : i64, scratch_operands = 0 : i64, tpu.core_type = #tpu.core_type<tc>, window_params = [{transform_indices = @transform_0, window_bounds = array<i64: 2, 512, 128>}, {transform_indices = @transform_1, window_bounds = array<i64: 512, 128>}, {pipeline_mode = #tpu.pipeline_mode<synchronous>, transform_indices = @transform_2, window_bounds = array<i64: 128, 128>}, {pipeline_mode = #tpu.pipeline_mode<synchronous>, transform_indices = @transform_3, window_bounds = array<i64: 128, 128>}, {transform_indices = @transform_4, window_bounds = array<i64: 512, 128>}, {transform_indices = @transform_5, window_bounds = array<i64: 512, 128>}, {transform_indices = @transform_6, window_bounds = array<i64: 512, 16>}, {transform_indices = @transform_7, window_bounds = array<i64: 512, 16>}]} {
    %get3A = arith.constant 0 : index
    %get3A_0 = arith.constant 0 : index
    %get3A_1 = arith.constant 0 : index
    %get3A_2 = vector.load %arg1[%get3A, %get3A_0, %get3A_1] : memref<2x512x128xf32, #tpu.memory_space<vmem>>, vector<1x512x16xf32>
    %get3A_3 = vector.shape_cast %get3A_2 : vector<1x512x16xf32> to vector<512x16xf32>
    %max3A = arith.constant 1.000000e+00 : f32
    %max3A_4 = vector.broadcast %max3A : f32 to vector<512x16xf32>
    %max3A_5 = arith.maximumf %get3A_3, %max3A_4 : vector<512x16xf32>
    %get3A_6 = arith.constant 1 : index
    %get3A_7 = arith.constant 0 : index
    %get3A_8 = arith.constant 0 : index
    %get3A_9 = vector.load %arg1[%get3A_6, %get3A_7, %get3A_8] : memref<2x512x128xf32, #tpu.memory_space<vmem>>, vector<1x512x16xf32>
    %get3A_10 = vector.shape_cast %get3A_9 : vector<1x512x16xf32> to vector<512x16xf32>
    %max3A_11 = arith.constant 1.000000e+00 : f32
    %max3A_12 = vector.broadcast %max3A_11 : f32 to vector<512x16xf32>
    %max3A_13 = arith.maximumf %get3A_10, %max3A_12 : vector<512x16xf32>
    %rsqrt3A = math.rsqrt %max3A_5 : vector<512x16xf32>
    %swap3A = arith.constant 0 : index
    %swap3A_14 = arith.constant 0 : index
    %swap3A_15 = vector.load %arg7[%swap3A, %swap3A_14] : memref<512x16xf32, #tpu.memory_space<vmem>>, vector<512x16xf32>
    tpu.vector_store %arg7[%swap3A, %swap3A_14], %rsqrt3A {strides = array<i32>} : memref<512x16xf32, #tpu.memory_space<vmem>>, vector<512x16xf32>,
    %rsqrt3A_16 = math.rsqrt %max3A_13 : vector<512x16xf32>
    %swap3A_17 = arith.constant 0 : index
    %swap3A_18 = arith.constant 0 : index
    %swap3A_19 = vector.load %arg8[%swap3A_17, %swap3A_18] : memref<512x16xf32, #tpu.memory_space<vmem>>, vector<512x16xf32>
    tpu.vector_store %arg8[%swap3A_17, %swap3A_18], %rsqrt3A_16 {strides = array<i32>} : memref<512x16xf32, #tpu.memory_space<vmem>>, vector<512x16xf32>,
    %get3A_20 = arith.constant 0 : index
    %get3A_21 = arith.constant 0 : index
    %get3A_22 = vector.load %arg2[%get3A_20, %get3A_21] : memref<512x128xf32, #tpu.memory_space<vmem>>, vector<512x128xf32>
    %get3A_23 = arith.constant 0 : index
    %get3A_24 = arith.constant 0 : index
    %get3A_25 = vector.load %arg3[%get3A_23, %get3A_24] : memref<128x128xf32, #tpu.memory_space<vmem>>, vector<128x128xf32>
    %dot_general3A = arith.constant dense<0.000000e+00> : vector<512x128xf32>
    %dot_general3A_26 = tpu.matmul %get3A_22, %get3A_25, %dot_general3A {dimension_numbers = #tpu.dot_dimension_numbers<[1], [0], [0], [1], [0, 0, 1, 1], [], []>, transpose_lhs_hint = false} : vector<512x128xf32>, vector<128x128xf32>, vector<512x128xf32> -> vector<512x128xf32>
    %swap3A_27 = arith.constant 0 : index
    %swap3A_28 = arith.constant 0 : index
    %swap3A_29 = vector.load %arg5[%swap3A_27, %swap3A_28] : memref<512x128xf32, #tpu.memory_space<vmem>>, vector<512x128xf32>
    tpu.vector_store %arg5[%swap3A_27, %swap3A_28], %dot_general3A_26 {strides = array<i32>} : memref<512x128xf32, #tpu.memory_space<vmem>>, vector<512x128xf32>,
    %slice3A = vector.extract_strided_slice %rsqrt3A {offsets = [0, 0], sizes = [512, 1], strides = [1, 1]} : vector<512x16xf32> to vector<512x1xf32>
    %mul3A = vector.broadcast %slice3A : vector<512x1xf32> to vector<512x128xf32>
    %mul3A_30 = arith.mulf %dot_general3A_26, %mul3A : vector<512x128xf32>
    %get3A_31 = arith.constant 0 : index
    %get3A_32 = arith.constant 0 : index
    %get3A_33 = vector.load %arg4[%get3A_31, %get3A_32] : memref<128x128xf32, #tpu.memory_space<vmem>>, vector<128x128xf32>
    %dot_general3A_34 = arith.constant dense<0.000000e+00> : vector<512x128xf32>
    %dot_general3A_35 = tpu.matmul %mul3A_30, %get3A_33, %dot_general3A_34 {dimension_numbers = #tpu.dot_dimension_numbers<[1], [0], [0], [1], [0, 0, 1, 1], [], []>, transpose_lhs_hint = false} : vector<512x128xf32>, vector<128x128xf32>, vector<512x128xf32> -> vector<512x128xf32>
    %swap3A_36 = arith.constant 0 : index
    %swap3A_37 = arith.constant 0 : index
    %swap3A_38 = vector.load %arg6[%swap3A_36, %swap3A_37] : memref<512x128xf32, #tpu.memory_space<vmem>>, vector<512x128xf32>
    tpu.vector_store %arg6[%swap3A_36, %swap3A_37], %dot_general3A_35 {strides = array<i32>} : memref<512x128xf32, #tpu.memory_space<vmem>>, vector<512x128xf32>,
    return
  }
  func.func @transform_0(%arg0: i32) -> (i32, i32, i32) {
    %c0_i32 = arith.constant 0 : i32
    %c0_i32_0 = arith.constant 0 : i32
    %c0_i32_1 = arith.constant 0 : i32
    return %c0_i32, %arg0, %c0_i32_0 : i32, i32, i32
  }
  func.func @transform_1(%arg0: i32) -> (i32, i32) {
    %c0_i32 = arith.constant 0 : i32
    %c0_i32_0 = arith.constant 0 : i32
    return %arg0, %c0_i32 : i32, i32
  }
  func.func @transform_2(%arg0: i32) -> (i32, i32) {
    %c0_i32 = arith.constant 0 : i32
    %c0_i32_0 = arith.constant 0 : i32
    %c0_i32_1 = arith.constant 0 : i32
    return %c0_i32, %c0_i32_0 : i32, i32
  }
  func.func @transform_3(%arg0: i32) -> (i32, i32) {
    %c0_i32 = arith.constant 0 : i32
    %c0_i32_0 = arith.constant 0 : i32
    %c0_i32_1 = arith.constant 0 : i32
    return %c0_i32, %c0_i32_0 : i32, i32
  }
  func.func @transform_4(%arg0: i32) -> (i32, i32) {
    %c0_i32 = arith.constant 0 : i32
    %c0_i32_0 = arith.constant 0 : i32
    return %arg0, %c0_i32 : i32, i32
  }
  func.func @transform_5(%arg0: i32) -> (i32, i32) {
    %c0_i32 = arith.constant 0 : i32
    %c0_i32_0 = arith.constant 0 : i32
    return %arg0, %c0_i32 : i32, i32
  }
  func.func @transform_6(%arg0: i32) -> (i32, i32) {
    %c0_i32 = arith.constant 0 : i32
    %c0_i32_0 = arith.constant 0 : i32
    return %arg0, %c0_i32 : i32, i32
  }
  func.func @transform_7(%arg0: i32) -> (i32, i32) {
    %c0_i32 = arith.constant 0 : i32
    %c0_i32_0 = arith.constant 0 : i32
    return %arg0, %c0_i32 : i32, i32
  }
}

module attributes {stable_mosaic.version = 14 : i64} {
  func.func @_layer_body(%arg0: i32, %arg1: memref<2x512x128xf32, #tpu.memory_space<vmem>>, %arg2: memref<512x16xf32, #tpu.memory_space<vmem>>, %arg3: memref<1x128xf32, #tpu.memory_space<vmem>>, %arg4: memref<512x128xf32, #tpu.memory_space<vmem>>, %arg5: memref<128x128xf32, #tpu.memory_space<vmem>>, %arg6: memref<1x128xf32, #tpu.memory_space<vmem>>, %arg7: memref<512x16xf32, #tpu.memory_space<vmem>>, %arg8: memref<128x128xf32, #tpu.memory_space<vmem>>, %arg9: memref<512x128xf32, #tpu.memory_space<vmem>>, %arg10: memref<512x128xf32, #tpu.memory_space<vmem>>) attributes {dimension_semantics = [#tpu.dimension_semantics<arbitrary>], iteration_bounds = array<i64: 20>, scalar_prefetch = 0 : i64, scratch_operands = 0 : i64, tpu.core_type = #tpu.core_type<tc>, window_params = [{transform_indices = @transform_0, window_bounds = array<i64: 2, 512, 128>}, {transform_indices = @transform_1, window_bounds = array<i64: 512, 16>}, {pipeline_mode = #tpu.pipeline_mode<synchronous>, transform_indices = @transform_2, window_bounds = array<i64: 1, 128>}, {transform_indices = @transform_3, window_bounds = array<i64: 512, 128>}, {pipeline_mode = #tpu.pipeline_mode<synchronous>, transform_indices = @transform_4, window_bounds = array<i64: 128, 128>}, {pipeline_mode = #tpu.pipeline_mode<synchronous>, transform_indices = @transform_5, window_bounds = array<i64: 1, 128>}, {transform_indices = @transform_6, window_bounds = array<i64: 512, 16>}, {pipeline_mode = #tpu.pipeline_mode<synchronous>, transform_indices = @transform_7, window_bounds = array<i64: 128, 128>}, {transform_indices = @transform_8, window_bounds = array<i64: 512, 128>}, {transform_indices = @transform_9, window_bounds = array<i64: 512, 128>}]} {
    %get3A = arith.constant 0 : index
    %get3A_0 = arith.constant 0 : index
    %get3A_1 = arith.constant 0 : index
    %get3A_2 = vector.load %arg1[%get3A, %get3A_0, %get3A_1] : memref<2x512x128xf32, #tpu.memory_space<vmem>>, vector<1x512x128xf32>
    %get3A_3 = vector.shape_cast %get3A_2 : vector<1x512x128xf32> to vector<512x128xf32>
    %get3A_4 = arith.constant 1 : index
    %get3A_5 = arith.constant 0 : index
    %get3A_6 = arith.constant 0 : index
    %get3A_7 = vector.load %arg1[%get3A_4, %get3A_5, %get3A_6] : memref<2x512x128xf32, #tpu.memory_space<vmem>>, vector<1x512x128xf32>
    %get3A_8 = vector.shape_cast %get3A_7 : vector<1x512x128xf32> to vector<512x128xf32>
    %add3A = arith.addf %get3A_3, %get3A_8 : vector<512x128xf32>
    %get3A_9 = arith.constant 0 : index
    %get3A_10 = arith.constant 0 : index
    %get3A_11 = vector.load %arg2[%get3A_9, %get3A_10] : memref<512x16xf32, #tpu.memory_space<vmem>>, vector<512x1xf32>
    %mul3A = vector.broadcast %get3A_11 : vector<512x1xf32> to vector<512x128xf32>
    %mul3A_12 = arith.mulf %add3A, %mul3A : vector<512x128xf32>
    %get3A_13 = arith.constant 0 : index
    %get3A_14 = arith.constant 0 : index
    %get3A_15 = vector.load %arg3[%get3A_13, %get3A_14] : memref<1x128xf32, #tpu.memory_space<vmem>>, vector<1x128xf32>
    %add3A_16 = vector.broadcast %get3A_15 : vector<1x128xf32> to vector<512x128xf32>
    %add3A_17 = arith.addf %mul3A_12, %add3A_16 : vector<512x128xf32>
    %max3A = arith.constant 0.000000e+00 : f32
    %max3A_18 = vector.broadcast %max3A : f32 to vector<512x128xf32>
    %max3A_19 = arith.maximumf %add3A_17, %max3A_18 : vector<512x128xf32>
    %get3A_20 = arith.constant 0 : index
    %get3A_21 = arith.constant 0 : index
    %get3A_22 = vector.load %arg4[%get3A_20, %get3A_21] : memref<512x128xf32, #tpu.memory_space<vmem>>, vector<512x128xf32>
    %get3A_23 = arith.constant 0 : index
    %get3A_24 = arith.constant 0 : index
    %get3A_25 = vector.load %arg5[%get3A_23, %get3A_24] : memref<128x128xf32, #tpu.memory_space<vmem>>, vector<128x128xf32>
    %dot_general3A = arith.constant dense<0.000000e+00> : vector<512x128xf32>
    %dot_general3A_26 = tpu.matmul %get3A_22, %get3A_25, %dot_general3A {dimension_numbers = #tpu.dot_dimension_numbers<[1], [0], [0], [1], [0, 0, 1, 1], [], []>, transpose_lhs_hint = false} : vector<512x128xf32>, vector<128x128xf32>, vector<512x128xf32> -> vector<512x128xf32>
    %get3A_27 = arith.constant 0 : index
    %get3A_28 = arith.constant 0 : index
    %get3A_29 = vector.load %arg6[%get3A_27, %get3A_28] : memref<1x128xf32, #tpu.memory_space<vmem>>, vector<1x128xf32>
    %add3A_30 = vector.broadcast %get3A_29 : vector<1x128xf32> to vector<512x128xf32>
    %add3A_31 = arith.addf %dot_general3A_26, %add3A_30 : vector<512x128xf32>
    %max3A_32 = arith.constant 0.000000e+00 : f32
    %max3A_33 = vector.broadcast %max3A_32 : f32 to vector<512x128xf32>
    %max3A_34 = arith.maximumf %add3A_31, %max3A_33 : vector<512x128xf32>
    %add3A_35 = arith.addf %max3A_19, %max3A_34 : vector<512x128xf32>
    %swap3A = arith.constant 0 : index
    %swap3A_36 = arith.constant 0 : index
    %swap3A_37 = vector.load %arg9[%swap3A, %swap3A_36] : memref<512x128xf32, #tpu.memory_space<vmem>>, vector<512x128xf32>
    tpu.vector_store %arg9[%swap3A, %swap3A_36], %add3A_35 {strides = array<i32>} : memref<512x128xf32, #tpu.memory_space<vmem>>, vector<512x128xf32>,
    %get3A_38 = arith.constant 0 : index
    %get3A_39 = arith.constant 0 : index
    %get3A_40 = vector.load %arg7[%get3A_38, %get3A_39] : memref<512x16xf32, #tpu.memory_space<vmem>>, vector<512x1xf32>
    %mul3A_41 = vector.broadcast %get3A_40 : vector<512x1xf32> to vector<512x128xf32>
    %mul3A_42 = arith.mulf %add3A_35, %mul3A_41 : vector<512x128xf32>
    %get3A_43 = arith.constant 0 : index
    %get3A_44 = arith.constant 0 : index
    %get3A_45 = vector.load %arg8[%get3A_43, %get3A_44] : memref<128x128xf32, #tpu.memory_space<vmem>>, vector<128x128xf32>
    %dot_general3A_46 = arith.constant dense<0.000000e+00> : vector<512x128xf32>
    %dot_general3A_47 = tpu.matmul %mul3A_42, %get3A_45, %dot_general3A_46 {dimension_numbers = #tpu.dot_dimension_numbers<[1], [0], [0], [1], [0, 0, 1, 1], [], []>, transpose_lhs_hint = false} : vector<512x128xf32>, vector<128x128xf32>, vector<512x128xf32> -> vector<512x128xf32>
    %swap3A_48 = arith.constant 0 : index
    %swap3A_49 = arith.constant 0 : index
    %swap3A_50 = vector.load %arg10[%swap3A_48, %swap3A_49] : memref<512x128xf32, #tpu.memory_space<vmem>>, vector<512x128xf32>
    tpu.vector_store %arg10[%swap3A_48, %swap3A_49], %dot_general3A_47 {strides = array<i32>} : memref<512x128xf32, #tpu.memory_space<vmem>>, vector<512x128xf32>,
    return
  }
  func.func @transform_0(%arg0: i32) -> (i32, i32, i32) {
    %c0_i32 = arith.constant 0 : i32
    %c0_i32_0 = arith.constant 0 : i32
    %c0_i32_1 = arith.constant 0 : i32
    return %c0_i32, %arg0, %c0_i32_0 : i32, i32, i32
  }
  func.func @transform_1(%arg0: i32) -> (i32, i32) {
    %c0_i32 = arith.constant 0 : i32
    %c0_i32_0 = arith.constant 0 : i32
    return %arg0, %c0_i32 : i32, i32
  }
  func.func @transform_2(%arg0: i32) -> (i32, i32) {
    %c0_i32 = arith.constant 0 : i32
    %c0_i32_0 = arith.constant 0 : i32
    %c0_i32_1 = arith.constant 0 : i32
    return %c0_i32, %c0_i32_0 : i32, i32
  }
  func.func @transform_3(%arg0: i32) -> (i32, i32) {
    %c0_i32 = arith.constant 0 : i32
    %c0_i32_0 = arith.constant 0 : i32
    return %arg0, %c0_i32 : i32, i32
  }
  func.func @transform_4(%arg0: i32) -> (i32, i32) {
    %c0_i32 = arith.constant 0 : i32
    %c0_i32_0 = arith.constant 0 : i32
    %c0_i32_1 = arith.constant 0 : i32
    return %c0_i32, %c0_i32_0 : i32, i32
  }
  func.func @transform_5(%arg0: i32) -> (i32, i32) {
    %c0_i32 = arith.constant 0 : i32
    %c0_i32_0 = arith.constant 0 : i32
    %c0_i32_1 = arith.constant 0 : i32
    return %c0_i32, %c0_i32_0 : i32, i32
  }
  func.func @transform_6(%arg0: i32) -> (i32, i32) {
    %c0_i32 = arith.constant 0 : i32
    %c0_i32_0 = arith.constant 0 : i32
    return %arg0, %c0_i32 : i32, i32
  }
  func.func @transform_7(%arg0: i32) -> (i32, i32) {
    %c0_i32 = arith.constant 0 : i32
    %c0_i32_0 = arith.constant 0 : i32
    %c0_i32_1 = arith.constant 0 : i32
    return %c0_i32, %c0_i32_0 : i32, i32
  }
  func.func @transform_8(%arg0: i32) -> (i32, i32) {
    %c0_i32 = arith.constant 0 : i32
    %c0_i32_0 = arith.constant 0 : i32
    return %arg0, %c0_i32 : i32, i32
  }
  func.func @transform_9(%arg0: i32) -> (i32, i32) {
    %c0_i32 = arith.constant 0 : i32
    %c0_i32_0 = arith.constant 0 : i32
    return %arg0, %c0_i32 : i32, i32
  }
}

module attributes {stable_mosaic.version = 14 : i64} {
  func.func @_final_body(%arg0: i32, %arg1: memref<2x512x128xf32, #tpu.memory_space<vmem>>, %arg2: memref<512x16xf32, #tpu.memory_space<vmem>>, %arg3: memref<1x128xf32, #tpu.memory_space<vmem>>, %arg4: memref<512x128xf32, #tpu.memory_space<vmem>>, %arg5: memref<128x128xf32, #tpu.memory_space<vmem>>, %arg6: memref<1x128xf32, #tpu.memory_space<vmem>>, %arg7: memref<512x16xi32, #tpu.memory_space<vmem>>, %arg8: memref<256x128xf32, #tpu.memory_space<vmem>>, %arg9: memref<256x128xf32, #tpu.memory_space<vmem>>, %arg10: memref<256x128xf32, #tpu.memory_space<vmem>>) attributes {dimension_semantics = [#tpu.dimension_semantics<arbitrary>], iteration_bounds = array<i64: 20>, scalar_prefetch = 0 : i64, scratch_operands = 2 : i64, tpu.core_type = #tpu.core_type<tc>, window_params = [{transform_indices = @transform_0, window_bounds = array<i64: 2, 512, 128>}, {transform_indices = @transform_1, window_bounds = array<i64: 512, 16>}, {pipeline_mode = #tpu.pipeline_mode<synchronous>, transform_indices = @transform_2, window_bounds = array<i64: 1, 128>}, {transform_indices = @transform_3, window_bounds = array<i64: 512, 128>}, {pipeline_mode = #tpu.pipeline_mode<synchronous>, transform_indices = @transform_4, window_bounds = array<i64: 128, 128>}, {pipeline_mode = #tpu.pipeline_mode<synchronous>, transform_indices = @transform_5, window_bounds = array<i64: 1, 128>}, {transform_indices = @transform_6, window_bounds = array<i64: 512, 16>}, {pipeline_mode = #tpu.pipeline_mode<synchronous>, transform_indices = @transform_7, window_bounds = array<i64: 256, 128>}]} {
    %eq3A = arith.constant 0 : i32
    %eq3A_0 = arith.cmpi eq, %arg0, %eq3A : i32
    %convert_element_type3A = arith.extui %eq3A_0 : i1 to i32
    %cond3A = arith.constant 0 : i32
    %cond3A_1 = arith.cmpi ne, %convert_element_type3A, %cond3A : i32
    scf.if %cond3A_1 {
      %broadcast_in_dim3A_68 = arith.constant 0.000000e+00 : f32
      %broadcast_in_dim3A_69 = vector.broadcast %broadcast_in_dim3A_68 : f32 to vector<256x128xf32>
      %swap3A_70 = arith.constant 0 : index
      %swap3A_71 = arith.constant 0 : index
      %swap3A_72 = vector.load %arg9[%swap3A_70, %swap3A_71] : memref<256x128xf32, #tpu.memory_space<vmem>>, vector<256x128xf32>
      tpu.vector_store %arg9[%swap3A_70, %swap3A_71], %broadcast_in_dim3A_69 {strides = array<i32>} : memref<256x128xf32, #tpu.memory_space<vmem>>, vector<256x128xf32>,
      %broadcast_in_dim3A_73 = arith.constant 0.000000e+00 : f32
      %broadcast_in_dim3A_74 = vector.broadcast %broadcast_in_dim3A_73 : f32 to vector<256x128xf32>
      %swap3A_75 = arith.constant 0 : index
      %swap3A_76 = arith.constant 0 : index
      %swap3A_77 = vector.load %arg10[%swap3A_75, %swap3A_76] : memref<256x128xf32, #tpu.memory_space<vmem>>, vector<256x128xf32>
      tpu.vector_store %arg10[%swap3A_75, %swap3A_76], %broadcast_in_dim3A_74 {strides = array<i32>} : memref<256x128xf32, #tpu.memory_space<vmem>>, vector<256x128xf32>,
    } else {
    }
    %get3A = arith.constant 0 : index
    %get3A_2 = arith.constant 0 : index
    %get3A_3 = arith.constant 0 : index
    %get3A_4 = vector.load %arg1[%get3A, %get3A_2, %get3A_3] : memref<2x512x128xf32, #tpu.memory_space<vmem>>, vector<1x512x128xf32>
    %get3A_5 = vector.shape_cast %get3A_4 : vector<1x512x128xf32> to vector<512x128xf32>
    %get3A_6 = arith.constant 1 : index
    %get3A_7 = arith.constant 0 : index
    %get3A_8 = arith.constant 0 : index
    %get3A_9 = vector.load %arg1[%get3A_6, %get3A_7, %get3A_8] : memref<2x512x128xf32, #tpu.memory_space<vmem>>, vector<1x512x128xf32>
    %get3A_10 = vector.shape_cast %get3A_9 : vector<1x512x128xf32> to vector<512x128xf32>
    %add3A = arith.addf %get3A_5, %get3A_10 : vector<512x128xf32>
    %get3A_11 = arith.constant 0 : index
    %get3A_12 = arith.constant 0 : index
    %get3A_13 = vector.load %arg2[%get3A_11, %get3A_12] : memref<512x16xf32, #tpu.memory_space<vmem>>, vector<512x1xf32>
    %mul3A = vector.broadcast %get3A_13 : vector<512x1xf32> to vector<512x128xf32>
    %mul3A_14 = arith.mulf %add3A, %mul3A : vector<512x128xf32>
    %get3A_15 = arith.constant 0 : index
    %get3A_16 = arith.constant 0 : index
    %get3A_17 = vector.load %arg3[%get3A_15, %get3A_16] : memref<1x128xf32, #tpu.memory_space<vmem>>, vector<1x128xf32>
    %add3A_18 = vector.broadcast %get3A_17 : vector<1x128xf32> to vector<512x128xf32>
    %add3A_19 = arith.addf %mul3A_14, %add3A_18 : vector<512x128xf32>
    %max3A = arith.constant 0.000000e+00 : f32
    %max3A_20 = vector.broadcast %max3A : f32 to vector<512x128xf32>
    %max3A_21 = arith.maximumf %add3A_19, %max3A_20 : vector<512x128xf32>
    %get3A_22 = arith.constant 0 : index
    %get3A_23 = arith.constant 0 : index
    %get3A_24 = vector.load %arg4[%get3A_22, %get3A_23] : memref<512x128xf32, #tpu.memory_space<vmem>>, vector<512x128xf32>
    %get3A_25 = arith.constant 0 : index
    %get3A_26 = arith.constant 0 : index
    %get3A_27 = vector.load %arg5[%get3A_25, %get3A_26] : memref<128x128xf32, #tpu.memory_space<vmem>>, vector<128x128xf32>
    %dot_general3A = arith.constant dense<0.000000e+00> : vector<512x128xf32>
    %dot_general3A_28 = tpu.matmul %get3A_24, %get3A_27, %dot_general3A {dimension_numbers = #tpu.dot_dimension_numbers<[1], [0], [0], [1], [0, 0, 1, 1], [], []>, transpose_lhs_hint = false} : vector<512x128xf32>, vector<128x128xf32>, vector<512x128xf32> -> vector<512x128xf32>
    %get3A_29 = arith.constant 0 : index
    %get3A_30 = arith.constant 0 : index
    %get3A_31 = vector.load %arg6[%get3A_29, %get3A_30] : memref<1x128xf32, #tpu.memory_space<vmem>>, vector<1x128xf32>
    %add3A_32 = vector.broadcast %get3A_31 : vector<1x128xf32> to vector<512x128xf32>
    %add3A_33 = arith.addf %dot_general3A_28, %add3A_32 : vector<512x128xf32>
    %max3A_34 = arith.constant 0.000000e+00 : f32
    %max3A_35 = vector.broadcast %max3A_34 : f32 to vector<512x128xf32>
    %max3A_36 = arith.maximumf %add3A_33, %max3A_35 : vector<512x128xf32>
    %add3A_37 = arith.addf %max3A_21, %max3A_36 : vector<512x128xf32>
    %get3A_38 = arith.constant 0 : index
    %get3A_39 = arith.constant 0 : index
    %get3A_40 = vector.load %arg7[%get3A_38, %get3A_39] : memref<512x16xi32, #tpu.memory_space<vmem>>, vector<512x1xi32>
    %iota3A = tpu.iota {dimensions = array<i32: 1>} : vector<512x256xi32>
    %eq3A_41 = vector.broadcast %get3A_40 : vector<512x1xi32> to vector<512x256xi32>
    %eq3A_42 = arith.cmpi eq, %eq3A_41, %iota3A : vector<512x256xi32>
    %convert_element_type3A_43 = arith.extui %eq3A_42 : vector<512x256xi1> to vector<512x256xi32>
    %convert_element_type3A_44 = arith.sitofp %convert_element_type3A_43 : vector<512x256xi32> to vector<512x256xf32>
    %get3A_45 = arith.constant 0 : index
    %get3A_46 = arith.constant 0 : index
    %get3A_47 = vector.load %arg9[%get3A_45, %get3A_46] : memref<256x128xf32, #tpu.memory_space<vmem>>, vector<256x128xf32>
    %dot_general3A_48 = arith.constant dense<0.000000e+00> : vector<256x128xf32>
    %dot_general3A_49 = tpu.matmul %convert_element_type3A_44, %add3A_37, %dot_general3A_48 {dimension_numbers = #tpu.dot_dimension_numbers<[0], [0], [1], [1], [0, 1, 1, 1], [], []>, precision = #tpu.contract_precision<fp32>, transpose_lhs_hint = false} : vector<512x256xf32>, vector<512x128xf32>, vector<256x128xf32> -> vector<256x128xf32>
    %add3A_50 = arith.addf %get3A_47, %dot_general3A_49 : vector<256x128xf32>
    %swap3A = arith.constant 0 : index
    %swap3A_51 = arith.constant 0 : index
    %swap3A_52 = vector.load %arg9[%swap3A, %swap3A_51] : memref<256x128xf32, #tpu.memory_space<vmem>>, vector<256x128xf32>
    tpu.vector_store %arg9[%swap3A, %swap3A_51], %add3A_50 {strides = array<i32>} : memref<256x128xf32, #tpu.memory_space<vmem>>, vector<256x128xf32>,
    %get3A_53 = arith.constant 0 : index
    %get3A_54 = arith.constant 0 : index
    %get3A_55 = vector.load %arg10[%get3A_53, %get3A_54] : memref<256x128xf32, #tpu.memory_space<vmem>>, vector<256x128xf32>
    %broadcast_in_dim3A = arith.constant 1.000000e+00 : f32
    %broadcast_in_dim3A_56 = vector.broadcast %broadcast_in_dim3A : f32 to vector<512x128xf32>
    %dot_general3A_57 = arith.constant dense<0.000000e+00> : vector<256x128xf32>
    %dot_general3A_58 = tpu.matmul %convert_element_type3A_44, %broadcast_in_dim3A_56, %dot_general3A_57 {dimension_numbers = #tpu.dot_dimension_numbers<[0], [0], [1], [1], [0, 1, 1, 1], [], []>, precision = #tpu.contract_precision<fp32>, transpose_lhs_hint = false} : vector<512x256xf32>, vector<512x128xf32>, vector<256x128xf32> -> vector<256x128xf32>
    %add3A_59 = arith.addf %get3A_55, %dot_general3A_58 : vector<256x128xf32>
    %swap3A_60 = arith.constant 0 : index
    %swap3A_61 = arith.constant 0 : index
    %swap3A_62 = vector.load %arg10[%swap3A_60, %swap3A_61] : memref<256x128xf32, #tpu.memory_space<vmem>>, vector<256x128xf32>
    tpu.vector_store %arg10[%swap3A_60, %swap3A_61], %add3A_59 {strides = array<i32>} : memref<256x128xf32, #tpu.memory_space<vmem>>, vector<256x128xf32>,
    %eq3A_63 = arith.constant 19 : i32
    %eq3A_64 = arith.cmpi eq, %arg0, %eq3A_63 : i32
    %convert_element_type3A_65 = arith.extui %eq3A_64 : i1 to i32
    %cond3A_66 = arith.constant 0 : i32
    %cond3A_67 = arith.cmpi ne, %convert_element_type3A_65, %cond3A_66 : i32
    scf.if %cond3A_67 {
      %get3A_68 = arith.constant 0 : index
      %get3A_69 = arith.constant 0 : index
      %get3A_70 = vector.load %arg9[%get3A_68, %get3A_69] : memref<256x128xf32, #tpu.memory_space<vmem>>, vector<256x128xf32>
      %get3A_71 = arith.constant 0 : index
      %get3A_72 = arith.constant 0 : index
      %get3A_73 = vector.load %arg10[%get3A_71, %get3A_72] : memref<256x128xf32, #tpu.memory_space<vmem>>, vector<256x128xf32>
      %max3A_74 = arith.constant 1.000000e+00 : f32
      %max3A_75 = vector.broadcast %max3A_74 : f32 to vector<256x128xf32>
      %max3A_76 = arith.maximumf %get3A_73, %max3A_75 : vector<256x128xf32>
      %div3A = arith.divf %get3A_70, %max3A_76 : vector<256x128xf32>
      %swap3A_77 = arith.constant 0 : index
      %swap3A_78 = arith.constant 0 : index
      %swap3A_79 = vector.load %arg8[%swap3A_77, %swap3A_78] : memref<256x128xf32, #tpu.memory_space<vmem>>, vector<256x128xf32>
      tpu.vector_store %arg8[%swap3A_77, %swap3A_78], %div3A {strides = array<i32>} : memref<256x128xf32, #tpu.memory_space<vmem>>, vector<256x128xf32>,
    } else {
    }
    return
  }
  func.func @transform_0(%arg0: i32) -> (i32, i32, i32) {
    %c0_i32 = arith.constant 0 : i32
    %c0_i32_0 = arith.constant 0 : i32
    %c0_i32_1 = arith.constant 0 : i32
    return %c0_i32, %arg0, %c0_i32_0 : i32, i32, i32
  }
  func.func @transform_1(%arg0: i32) -> (i32, i32) {
    %c0_i32 = arith.constant 0 : i32
    %c0_i32_0 = arith.constant 0 : i32
    return %arg0, %c0_i32 : i32, i32
  }
  func.func @transform_2(%arg0: i32) -> (i32, i32) {
    %c0_i32 = arith.constant 0 : i32
    %c0_i32_0 = arith.constant 0 : i32
    %c0_i32_1 = arith.constant 0 : i32
    return %c0_i32, %c0_i32_0 : i32, i32
  }
  func.func @transform_3(%arg0: i32) -> (i32, i32) {
    %c0_i32 = arith.constant 0 : i32
    %c0_i32_0 = arith.constant 0 : i32
    return %arg0, %c0_i32 : i32, i32
  }
  func.func @transform_4(%arg0: i32) -> (i32, i32) {
    %c0_i32 = arith.constant 0 : i32
    %c0_i32_0 = arith.constant 0 : i32
    %c0_i32_1 = arith.constant 0 : i32
    return %c0_i32, %c0_i32_0 : i32, i32
  }
  func.func @transform_5(%arg0: i32) -> (i32, i32) {
    %c0_i32 = arith.constant 0 : i32
    %c0_i32_0 = arith.constant 0 : i32
    %c0_i32_1 = arith.constant 0 : i32
    return %c0_i32, %c0_i32_0 : i32, i32
  }
  func.func @transform_6(%arg0: i32) -> (i32, i32) {
    %c0_i32 = arith.constant 0 : i32
    %c0_i32_0 = arith.constant 0 : i32
    return %arg0, %c0_i32 : i32, i32
  }
  func.func @transform_7(%arg0: i32) -> (i32, i32) {
    %c0_i32 = arith.constant 0 : i32
    %c0_i32_0 = arith.constant 0 : i32
    %c0_i32_1 = arith.constant 0 : i32
    return %c0_i32, %c0_i32_0 : i32, i32
  }
}

</mosaic_0001>

<sc_bundles>
// kernel: kernel.10.cloned.1.call-start
scs
__scs_entry_jumppad:
0x0: {  	(pc) =	sbr.rel $0x88, $3  }
0x1: {  	(tag) =	ssettag $0x0;
	lr =	simm.s32 $0x1  }
0x2: {  	[smem:$0x3F91] =	sst lr;
	_ =	strace $0xD0000000  }
0x3: {  	_ = 	snop  }
0x4: {  	_ = 	snop  }
0x5: {  	_ = 	snop  }
0x6: {  	_ = 	snop  }
0x7: {  	_ = 	snop  }
__scs_overlays_trampoline_lowered:
0x8: {  	[smem:$0x3FA0] =	sst s0  }
0x9: {  	[smem:$0x3FA1] =	sst s1  }
0xa: {  	[smem:$0x3FA2] =	sst s2  }
0xb: {  	[smem:$0x3FA3] =	sst s3  }
0xc: {  	[smem:$0x3FA4] =	sst s4  }
0xd: {  	[smem:$0x3FA5] =	sst s5  }
0xe: {  	[smem:$0x3FA6] =	sst s6  }
0xf: {  	[smem:$0x3FA7] =	sst s7  }
0x10: {  	[smem:$0x3FA8] =	sst s8  }
0x11: {  	[smem:$0x3FA9] =	sst s9;
	s0 =	simm.s32 @!p0 $0x0  }
0x12: {  	s1 =	sld [smem:$0x3F8F];
	s0 =	simm.s32 @p0 $0x1  }
0x13: {  	[smem:$0x3FAA] =	sst s0;
	s0 =	simm.s32 @!p1 $0x0  }
0x14: {  	s2 =	sld [smem:$0x3F8E];
	s0 =	simm.s32 @p1 $0x1  }
0x15: {  	[smem:$0x3FAB] =	sst s0;
	s0 =	simm.s32 @!p2 $0x0  }
0x16: {  	s3 =	sld [smem:$0x3FDB];
	s0 =	simm.s32 @p2 $0x1  }
0x17: {  	s4 =	simm.s32 $0x1BF5;
	[smem:$0x3FAD] =	sst s0  }
0x18: {  	s0 =	sld [smem:$0x3F90];
	_ =	swait.ge [sflag:s4], $0x0  }
0x19: {  	s7 =	sld [smem:$0x3F91]  }
0x1a: {  	s8 =	sadd.s32 $0xFFFFE003, lr  }
0x1b: {  	s9 =	sadd.s32 $0xFFFFFEF7, lr;
	s5 =	simm.s32 $0xFFFFFFFF;
	p2 =	slt.u32 s8, $0xFFFFF086  }
0x1c: {  	p1 =	slt.u32 s9, $0xF7A;
	s5 =	simm.s32 @!p2 $0x0  }
0x1d: {  	s5 =	simm.s32 @p1 $0x1;
	p0 =	seq.s32 s7, s2  }
0x1e: {  	s7 =	smul.u32 @!p0 $0xF7A, s2;
	p2 =	seq.s32 @!p0 s5, $0x0  }
0x1f: {  	s9 =	smul.u32 $0xF7A, s1;
	s8 =	simm.s32 @!p0 $0x1BF5;
	p2 =	por !p2, p0  }
0x20: {  	[sflag:s8] =	ssyncset.s32 @!p0 $0xFFFFF086;
	s6 =	sadd.s32 @!p0 s3, s7;
	s7 =	simm.s32 @!p0 $0x108  }
0x21: {  	s3 =	sadd.s32 s3, s9;
	s6 =	sadd.s32 @!p0 $0x88, s6;
	s7 =	simm.s32 @p2 $0x1082  }
0x22: {  	[simem:s7], [sflag:s8] =	dma.local @!p0 [hbm:s6], $0xF7A  }
0x23: {  	s9 =	sor.u32 $0xD0000000, s2;
	s6 =	simm.s32 $0x108;
	_ =	swait.ge @!p0 [sflag:s8], $0x0  }
0x24: {  	s3 =	sadd.s32 $0x88, s3;
	s6 =	simm.s32 @!p1 $0x1082;
	[sflag:s4] =	ssyncset.s32 $0xFFFFF086  }
0x25: {  	[simem:s6], [sflag:s4] =	dma.local [hbm:s3], $0xF7A  }
0x26: {  	[smem:$0x3F91] =	sst s1;
	(tag) =	ssettag s2;
	_ =	strace s9  }
0x27: {  	s1 =	sld [smem:$0x3FA1]  }
0x28: {  	s2 =	sld [smem:$0x3FA2]  }
0x29: {  	s4 =	sld [smem:$0x3FA4]  }
0x2a: {  	p0 =	seq.s32 s5, $0x0;
	s5 =	sld [smem:$0x3FA5]  }
0x2b: {  	s6 =	sld [smem:$0x3FA6]  }
0x2c: {  	s7 =	sld [smem:$0x3FA7]  }
0x2d: {  	s3 =	simm.s32 $0x108;
	s8 =	sld [smem:$0x3FA8]  }
0x2e: {  	s3 =	simm.s32 @!p0 $0x1082;
	s9 =	sld [smem:$0x3FA9]  }
0x2f: {  	lr =	sadd.s32 s0, s3;
	s0 =	sld [smem:$0x3FA0]  }
0x30: {  	s3 =	sld [smem:$0x3FA3]  }
0x31: {  	[smem:$0x3FAC] =	sst s10  }
0x32: {  	s10 =	sld [smem:$0x3FAA];
	_ =	sdelay $0x3  }
0x33: {  	p0 =	seq.s32 s10, $0x1;
	s10 =	sld [smem:$0x3FAC];
	_ =	sdelay $0x3  }
0x34: {  	[smem:$0x3FAC] =	sst s10  }
0x35: {  	s10 =	sld [smem:$0x3FAB];
	_ =	sdelay $0x3  }
0x36: {  	p1 =	seq.s32 s10, $0x1;
	s10 =	sld [smem:$0x3FAC];
	_ =	sdelay $0x3  }
0x37: {  	[smem:$0x3FAC] =	sst s10  }
0x38: {  	s10 =	sld [smem:$0x3FAD]  }
0x39: {  	_ = 	snop;
	(pc) =	sbr.ind lr, $3  }
0x3a: {  	_ = 	snop  }
0x3b: {  	_ = 	snop  }
0x3c: {  	p2 =	seq.s32 s10, $0x1;
	s10 =	sld [smem:$0x3FAC]  }
0x3d: {  	_ =	shalt  }
0x3e: {  	_ =	shalt  }
0x3f: {  	_ =	shalt  }
0x40: {  	_ =	shalt  }
0x41: {  	_ =	shalt  }
0x42: {  	_ =	shalt  }
0x43: {  	_ =	shalt  }
0x44: {  	_ =	shalt  }
0x45: {  	_ =	shalt  }
0x46: {  	_ =	shalt  }
0x47: {  	_ =	shalt  }
0x48: {  	_ =	shalt  }
0x49: {  	_ =	shalt  }
0x4a: {  	_ =	shalt  }
0x4b: {  	_ =	shalt  }
0x4c: {  	_ =	shalt  }
0x4d: {  	_ =	shalt  }
0x4e: {  	_ =	shalt  }
0x4f: {  	_ =	shalt  }
0x50: {  	_ =	shalt  }
0x51: {  	_ =	shalt  }
0x52: {  	_ =	shalt  }
0x53: {  	_ =	shalt  }
0x54: {  	_ =	shalt  }
0x55: {  	_ =	shalt  }
0x56: {  	_ =	shalt  }
0x57: {  	_ =	shalt  }
0x58: {  	_ =	shalt  }
0x59: {  	_ =	shalt  }
0x5a: {  	_ =	shalt  }
0x5b: {  	_ =	shalt  }
0x5c: {  	_ =	shalt  }
0x5d: {  	_ =	shalt  }
0x5e: {  	_ =	shalt  }
0x5f: {  	_ =	shalt  }
0x60: {  	_ =	shalt  }
0x61: {  	_ =	shalt  }
0x62: {  	_ =	shalt  }
0x63: {  	_ =	shalt  }
0x64: {  	_ =	shalt  }
0x65: {  	_ =	shalt  }
0x66: {  	_ =	shalt  }
0x67: {  	_ =	shalt  }
0x68: {  	_ =	shalt  }
0x69: {  	_ =	shalt  }
0x6a: {  	_ =	shalt  }
0x6b: {  	_ =	shalt  }
0x6c: {  	_ =	shalt  }
0x6d: {  	_ =	shalt  }
0x6e: {  	_ =	shalt  }
0x6f: {  	_ =	shalt  }
0x70: {  	_ =	shalt  }
0x71: {  	_ =	shalt  }
0x72: {  	_ =	shalt  }
0x73: {  	_ =	shalt  }
0x74: {  	_ =	shalt  }
0x75: {  	_ =	shalt  }
0x76: {  	_ =	shalt  }
0x77: {  	_ =	shalt  }
0x78: {  	_ =	shalt  }
0x79: {  	_ =	shalt  }
0x7a: {  	_ =	shalt  }
0x7b: {  	_ =	shalt  }
0x7c: {  	_ =	shalt  }
0x7d: {  	_ =	shalt  }
0x7e: {  	_ =	shalt  }
0x7f: {  	_ =	shalt  }
0x80: {  	_ =	shalt  }
0x81: {  	_ =	shalt  }
0x82: {  	_ =	shalt  }
0x83: {  	_ =	shalt  }
0x84: {  	_ =	shalt  }
0x85: {  	_ =	shalt  }
0x86: {  	_ =	shalt  }
0x87: {  	_ =	shalt  }
.Lfunc_end0:
.L_simem_size_0:
called_computation_lowered:
.L_overlay_start_0:
0x88: {  	s2 =	sld [smem:$0x3FD9]  }
0x89: {  	s3 =	sld [smem:$0x3FFE];
	_ =	sdelay $0x1  }
0x8a: {  	s1 =	srdreg.scid  }
0x8b: {  	s0 =	sand.u32 $0x1, s1  }
0x8c: {  	s17 =	sshll.u32 s0, $0xA;
	s2 =	sadd.s32 s3, s2  }
0x8d: {  	s2 =	sadd.s32 s2, s17  }
0x8e: {  	[smem:$0x3FB8] =	sst s2  }
0x8f: {  	_ = 	snop  }
0x90: {  	s2 =	sld [smem:$0x3FD0];
	(tm) =	ssettm $0x1  }
0x91: {  	s18 =	sld [smem:$0x3FFB];
	_ =	sdelay $0x3  }
0x92: {  	_ =	strace s18  }
0x93: {  	s3 =	sld [smem:$0x3FFC];
	_ =	sdelay $0x3  }
0x94: {  	_ =	strace s3  }
0x95: {  	s3 =	sld [smem:$0x3FFD];
	_ =	sdelay $0x3  }
0x96: {  	_ =	strace s3  }
0x97: {  	_ =	strace $0x8FFFFFFF  }
0x98: {  	s19 =	sld [smem:$0x3FDB];
	_ =	sdelay $0x1  }
0x99: {  	s4 =	simm.s32 $_scs_section_size  }
0x9a: {  	s5 =	simm.s32 $_size__tile_overlayer_lowered;
	s6 =	simm.s32 $_tile_overlayer_lowered  }
0x9b: {  	s22 =	simm.s32 $0x1BFF;
	s21 =	sshll.u32 s6, $0x1;
	s3 =	sadd.s32 s4, s19  }
0x9c: {  	s7 =	simm.s32 $0x0;
	s20 =	sshll.u32 s5, $0x1;
	s5 =	sadd.s32 s21, s3  }
0x9d: {  	[timem:s7], [sflag:s22] =	dma.local [hbm:s5], s20  }
0x9e: {  	_ =	swait.ge [sflag:s22], s20  }
0x9f: {  	s4 =	ssub.s32 $0x0, s20;
	[sflag:s22] =	ssyncset.done $0x0  }
0xa0: {  	[sflag:s22] =	ssyncadd.s32 s4;
	_ =	sdelay $0x1  }
0xa1: {  	s23 =	simm.s32 $0x1B8B  }
0xa2: {  	_ =	swait.ge [sflag:s23], $0x1  }
0xa3: {  	[sflag:s23] =	ssyncset.done $0x0  }
0xa4: {  	s25 =	simm.s32 $0x1B8E;
	s24 =	sld [smem:$0x3FFE];
	[sflag:s23] =	ssyncadd.s32 $0xFFFFFFFF  }
0xa5: {  	s26 =	simm.s32 $execute0_lowered;
	[smem:$0x3FD2] =	sst s25  }
0xa6: {  	s5 =	sshll.u32 s26, $0x1;
	_ =	strace $0x80000046;
	[dreg:$0x1] =	wrdreg $0xFFFFFFFF  }
0xa7: {  	s28 =	simm.s32 $_size_execute0_lowered;
	s3 =	sadd.s32 s3, s5;
	[dreg:$0x0] =	wrdreg $0x0  }
0xa8: {  	s5 =	sshll.u32 s28, $0x1;
	[dreg:$0x2] =	wrdreg s3  }
0xa9: {  	[dreg:$0x3] =	wrdreg s5  }
0xaa: {  	[dreg:$0x4] =	wrdreg $0xC0  }
0xab: {  	_ =	task [dreg:s7], $0x5FFFF  }
0xac: {  	[dreg:$0x1] =	wrdreg $0xFFFFFFFF  }
0xad: {  	[dreg:$0x0] =	wrdreg $0x60  }
0xae: {  	[dreg:$0x2] =	wrdreg s24  }
0xaf: {  	[dreg:$0x3] =	wrdreg s2  }
0xb0: {  	[dreg:$0x4] =	wrdreg $0x90000  }
0xb1: {  	[dreg:$0x5] =	wrdreg $0x9  }
0xb2: {  	_ =	task.clear_ibuf [dreg:s7], $0x6FFFF;
	_ =	strace $0x90000046  }
0xb3: {  	s29 =	simm.s32 $0x9;
	_ =	strace $0x80000048  }
0xb4: {  	_ =	swait.ge [sflag:s29], $0x1  }
0xb5: {  	[sflag:s29] =	ssyncadd.s32 $0xFFFFFFFF  }
0xb6: {  	_ =	strace $0x90000048  }
0xb7: {  	_ =	sfence  }
0xb8: {  	s30 =	sld [smem:$0x0];
	_ =	sdelay $0x2  }
0xb9: {  	s31 =	sshll.u32 s1, $0xD;
	s1 =	sshrl.u32 s1, $0x2  }
0xba: {  	s3 =	sand.u32 $0x4000, s31;
	s1 =	sadd.s32 s1, s30  }
0xbb: {  	s0 =	sor.u32 s3, s0;
	s1 =	sshll.u32 s1, $0x11  }
0xbc: {  	s0 =	sor.u32 s1, s0  }
0xbd: {  	s0 =	sadd.s32 $0x8F2B, s0  }
0xbe: {  	[sflag:s0] =	ssyncadd.remote.s32 $0x1  }
0xbf: {  	_ =	sfence.sel $0xFFFF  }
0xc0: {  	[dreg:$0x0] =	wrdreg $0xFFFFFFFF;
	(pc) =	sbr.abs _section_cstart, $3  }
0xc1: {  	[dreg:$0x1] =	wrdreg $0xFFFFFFFF  }
0xc2: {  	_ =	task.clear_ibuf [dreg:s7], $0x2FFFF;
	_ =	strace $0x9FFFFFFF  }
0xc3: {  	(tm) =	ssettm $0x7FFFFFFF  }
tec
execute0_lowered:
.L_overlay_start_1:
0x0: {  	(tag) =	ssettag $0x1  }
0x1: {  	s5 =	rddreg [dreg:$0x0]  }
0x2: {  	s0 =	srdreg.scid;
	s2 =	rddreg [dreg:$0x1]  }
0x3: {  	s3 =	rddreg [dreg:$0x2];
	s6 =	sand.u32 $0x1, s0  }
0x4: {  	s0 =	stileid.u32;
	s7 =	smul.u32 $0x50000, s6  }
0x5: {  	s1 =	rddreg [dreg:$0x3];
	s4 =	simm.s32 $0x0;
	s8 =	smul.u32 $0x5000, s0  }
0x6: {  	s13 =	simm.s32 $0x80;
	s14 =	simm.s32 $0x1;
	s9 =	smul.u32 $0x14000, s0  }
0x7: {  	s15 =	simm.s32 $0x0;
	[smem:$0x7FF] =	sst s4;
	s26 =	smul.u32 $0x140000, s6  }
0x8: {  	_ =	strace $0x80000047;
	s6 =	ssub.s32 $0x2, s6;
	s28 =	smul.u32 $0x50000, s0  }
0x9: {  	s31 =	sshll.u32 s0, $0x6;
	s29 =	sshrl.u32 s6, $0x1;
	s7 =	sadd.s32 s8, s7  }
0xa: {  	s10 =	sshrl.u32 s9, $0x3;
	s8 =	sadd.s32 s9, s26;
	s11 =	ssub.s32 s6, s29  }
0xb: {  	s30 =	sshrl.u32 s28, $0x2;
	s6 =	sor.u32 $0x1C02, s31;
	s7 =	sshrl.u32 s7, $0x3  }
0xc: {  	s8 =	sshrl.u32 s8, $0x3;
	s10 =	sadd.s32 s10, s5;
	s12 =	sadd.s32 s30, s3  }
0xd: {  	s9 =	smax.u32 s11, $0x1;
	s11 =	simm.s32 $0x2;
	s7 =	sadd.s32 s7, s5  }
0xe: {  	s8 =	sadd.s32 s8, s5;
	s5 =	sadd.s32 $0x2BC00, s10;
	s10 =	sshrl.u32 s12, $0x3  }
0xf: {  	s12 =	simm.s32 $0x5000;
	s7 =	sadd.s32 $0x17C00, s7;
	s8 =	sadd.s32 $0x53C00, s8  }
.LBB2_1:
0x10: {  	[spmem:s10], [sflag:s6] =	dma.local [hbm:s5], $0x2800  }
0x11: {  	_ =	swait.ge [sflag:s11], $0x2800  }
0x12: {  	[sflag:s11] =	ssyncset.done $0x0  }
0x13: {  	[sflag:s11] =	ssyncadd.s32 $0xFFFFD800  }
0x14: {  	[tilespmem:s12], [sflag:$0x2] =	stream.linear.gather [hbm4b:s2+s4], $0x4000, $0x38;
	[tilespmem:$0x1D000] =	vst v63  }
0x15: {  	_ =	swait.ge [sflag:s11], $0x4000  }
0x16: {  	[sflag:s11] =	ssyncset.done $0x0  }
0x17: {  	[sflag:s11] =	ssyncadd.s32 $0xFFFFC000  }
0x18: {  	[tilespmem:s4], [sflag:$0x2] =	stream.linear.gather [hbm4b:s7+s4], $0x5000, $0x38;
	[tilespmem:$0x1D000] =	vst v63  }
0x19: {  	_ =	swait.ge [sflag:s11], $0x5000  }
0x1a: {  	[sflag:s11] =	ssyncset.done $0x0  }
0x1b: {  	[sflag:s11] =	ssyncadd.s32 $0xFFFFB000  }
0x1c: {  	s16 =	simm.s32 $0x0;
	[bflag:$0x0] =	sbarrier.arrive $0xFFFF  }
0x1d: {  	[spmem:s3] =	stream.indirect.scatter.add.f32 [tilespmem:s12], [sflag:$0x1], $0x80, s16, s13, $0xb8;
	[tilespmem:$0x1D000] =	vst v63  }
0x1e: {  	s24 =	simm.s32 $0x80  }
0x1f: {  	[spmem:s3] =	stream.indirect.scatter.add.f32 [tilespmem:s12], [sflag:$0x1], $0x80, s24, s13, $0xb8;
	[tilespmem:$0x1D000] =	vst v63  }
0x20: {  	s25 =	simm.s32 $0x100  }
0x21: {  	[spmem:s3] =	stream.indirect.scatter.add.f32 [tilespmem:s12], [sflag:$0x1], $0x80, s25, s13, $0xb8;
	[tilespmem:$0x1D000] =	vst v63  }
0x22: {  	s26 =	simm.s32 $0x180  }
0x23: {  	[spmem:s3] =	stream.indirect.scatter.add.f32 [tilespmem:s12], [sflag:$0x1], $0x80, s26, s13, $0xb8;
	[tilespmem:$0x1D000] =	vst v63  }
0x24: {  	s28 =	simm.s32 $0x200  }
0x25: {  	[spmem:s3] =	stream.indirect.scatter.add.f32 [tilespmem:s12], [sflag:$0x1], $0x80, s28, s13, $0xb8;
	[tilespmem:$0x1D000] =	vst v63  }
0x26: {  	s29 =	simm.s32 $0x280  }
0x27: {  	[spmem:s3] =	stream.indirect.scatter.add.f32 [tilespmem:s12], [sflag:$0x1], $0x80, s29, s13, $0xb8;
	[tilespmem:$0x1D000] =	vst v63  }
0x28: {  	s30 =	simm.s32 $0x300  }
0x29: {  	[spmem:s3] =	stream.indirect.scatter.add.f32 [tilespmem:s12], [sflag:$0x1], $0x80, s30, s13, $0xb8;
	[tilespmem:$0x1D000] =	vst v63  }
0x2a: {  	s31 =	simm.s32 $0x380  }
0x2b: {  	[spmem:s3] =	stream.indirect.scatter.add.f32 [tilespmem:s12], [sflag:$0x1], $0x80, s31, s13, $0xb8;
	[tilespmem:$0x1D000] =	vst v63  }
0x2c: {  	_ =	swait.ge [sflag:s14], $0x4000  }
0x2d: {  	[sflag:s14] =	ssyncset.done $0x0  }
0x2e: {  	[sflag:s14] =	ssyncadd.s32 $0xFFFFC000  }
0x2f: {  	_ =	swait.ge [sflag:s14], $0x4000  }
0x30: {  	[sflag:s14] =	ssyncset.done $0x0  }
0x31: {  	[sflag:s14] =	ssyncadd.s32 $0xFFFFC000  }
0x32: {  	_ =	swait.ge [sflag:s14], $0x4000  }
0x33: {  	[sflag:s14] =	ssyncset.done $0x0  }
0x34: {  	[sflag:s14] =	ssyncadd.s32 $0xFFFFC000  }
0x35: {  	_ =	swait.ge [sflag:s14], $0x4000  }
0x36: {  	[sflag:s14] =	ssyncset.done $0x0  }
0x37: {  	[sflag:s14] =	ssyncadd.s32 $0xFFFFC000  }
0x38: {  	_ =	swait.ge [sflag:s14], $0x4000  }
0x39: {  	[sflag:s14] =	ssyncset.done $0x0  }
0x3a: {  	[sflag:s14] =	ssyncadd.s32 $0xFFFFC000  }
0x3b: {  	_ =	swait.ge [sflag:s14], $0x4000  }
0x3c: {  	[sflag:s14] =	ssyncset.done $0x0  }
0x3d: {  	[sflag:s14] =	ssyncadd.s32 $0xFFFFC000  }
0x3e: {  	_ =	swait.ge [sflag:s14], $0x4000  }
0x3f: {  	[sflag:s14] =	ssyncset.done $0x0  }
0x40: {  	[sflag:s14] =	ssyncadd.s32 $0xFFFFC000  }
0x41: {  	_ =	swait.ge [sflag:s14], $0x4000  }
0x42: {  	s18 =	simm.s32 $0x2000;
	s16 =	simm.s32 $0x1000;
	[sflag:s14] =	ssyncset.done $0x0  }
.LBB2_2:
0x43: {  	s19 =	sshra.s32 s16, $0x2  }
0x44: {  	[sflag:s14] =	ssyncadd.s32 $0xFFFFC000;
	s16 =	smov.u32 s18;
	s17 =	sadd.s32 $0x1000, s18  }
0x45: {  	[spmem:s3] =	stream.indirect.scatter.add.f32 [tilespmem:s12], [sflag:$0x1], $0x80, s19, s13, $0xb8;
	[tilespmem:$0x1D000] =	vst v63  }
0x46: {  	p0 =	sne.s32 s18, $0x13000;
	s18 =	sadd.s32 $0x80, s19  }
0x47: {  	[spmem:s3] =	stream.indirect.scatter.add.f32 [tilespmem:s12], [sflag:$0x1], $0x80, s18, s13, $0xb8;
	[tilespmem:$0x1D000] =	vst v63  }
0x48: {  	s18 =	sadd.s32 $0x100, s19  }
0x49: {  	[spmem:s3] =	stream.indirect.scatter.add.f32 [tilespmem:s12], [sflag:$0x1], $0x80, s18, s13, $0xb8;
	[tilespmem:$0x1D000] =	vst v63  }
0x4a: {  	s18 =	sadd.s32 $0x180, s19  }
0x4b: {  	[spmem:s3] =	stream.indirect.scatter.add.f32 [tilespmem:s12], [sflag:$0x1], $0x80, s18, s13, $0xb8;
	[tilespmem:$0x1D000] =	vst v63  }
0x4c: {  	s18 =	sadd.s32 $0x200, s19  }
0x4d: {  	[spmem:s3] =	stream.indirect.scatter.add.f32 [tilespmem:s12], [sflag:$0x1], $0x80, s18, s13, $0xb8;
	[tilespmem:$0x1D000] =	vst v63  }
0x4e: {  	s18 =	sadd.s32 $0x280, s19  }
0x4f: {  	[spmem:s3] =	stream.indirect.scatter.add.f32 [tilespmem:s12], [sflag:$0x1], $0x80, s18, s13, $0xb8;
	[tilespmem:$0x1D000] =	vst v63  }
0x50: {  	s18 =	sadd.s32 $0x300, s19  }
0x51: {  	[spmem:s3] =	stream.indirect.scatter.add.f32 [tilespmem:s12], [sflag:$0x1], $0x80, s18, s13, $0xb8;
	[tilespmem:$0x1D000] =	vst v63  }
0x52: {  	s18 =	sadd.s32 $0x380, s19  }
0x53: {  	[spmem:s3] =	stream.indirect.scatter.add.f32 [tilespmem:s12], [sflag:$0x1], $0x80, s18, s13, $0xb8;
	[tilespmem:$0x1D000] =	vst v63  }
0x54: {  	_ =	swait.ge [sflag:s14], $0x4000  }
0x55: {  	[sflag:s14] =	ssyncset.done $0x0  }
0x56: {  	[sflag:s14] =	ssyncadd.s32 $0xFFFFC000  }
0x57: {  	_ =	swait.ge [sflag:s14], $0x4000  }
0x58: {  	[sflag:s14] =	ssyncset.done $0x0  }
0x59: {  	[sflag:s14] =	ssyncadd.s32 $0xFFFFC000  }
0x5a: {  	_ =	swait.ge [sflag:s14], $0x4000  }
0x5b: {  	[sflag:s14] =	ssyncset.done $0x0  }
0x5c: {  	[sflag:s14] =	ssyncadd.s32 $0xFFFFC000  }
0x5d: {  	_ =	swait.ge [sflag:s14], $0x4000  }
0x5e: {  	[sflag:s14] =	ssyncset.done $0x0  }
0x5f: {  	[sflag:s14] =	ssyncadd.s32 $0xFFFFC000  }
0x60: {  	_ =	swait.ge [sflag:s14], $0x4000  }
0x61: {  	[sflag:s14] =	ssyncset.done $0x0  }
0x62: {  	[sflag:s14] =	ssyncadd.s32 $0xFFFFC000  }
0x63: {  	_ =	swait.ge [sflag:s14], $0x4000  }
0x64: {  	[sflag:s14] =	ssyncset.done $0x0  }
0x65: {  	[sflag:s14] =	ssyncadd.s32 $0xFFFFC000  }
.Ltmp0:
0x66: {  	_ =	swait.ge [sflag:s14], $0x4000;
	(pc) =	sbr.rel @p0 .LBB2_2-.Ltmp0, $4  }
0x67: {  	[sflag:s14] =	ssyncset.done $0x0  }
0x68: {  	[sflag:s14] =	ssyncadd.s32 $0xFFFFC000  }
0x69: {  	_ =	swait.ge [sflag:s14], $0x4000  }
0x6a: {  	s18 =	smov.u32 s17;
	[sflag:s14] =	ssyncset.done $0x0  }
0x6b: {  	s16 =	sshra.s32 s16, $0x2;
	[sflag:s14] =	ssyncadd.s32 $0xFFFFC000  }
0x6c: {  	[spmem:s3] =	stream.indirect.scatter.add.f32 [tilespmem:s12], [sflag:$0x1], $0x80, s16, s13, $0xb8;
	[tilespmem:$0x1D000] =	vst v63  }
0x6d: {  	s17 =	sadd.s32 $0x80, s16  }
0x6e: {  	[spmem:s3] =	stream.indirect.scatter.add.f32 [tilespmem:s12], [sflag:$0x1], $0x80, s17, s13, $0xb8;
	[tilespmem:$0x1D000] =	vst v63  }
0x6f: {  	s26 =	sadd.s32 $0x100, s16  }
0x70: {  	[spmem:s3] =	stream.indirect.scatter.add.f32 [tilespmem:s12], [sflag:$0x1], $0x80, s26, s13, $0xb8;
	[tilespmem:$0x1D000] =	vst v63  }
0x71: {  	s28 =	sadd.s32 $0x180, s16  }
0x72: {  	[spmem:s3] =	stream.indirect.scatter.add.f32 [tilespmem:s12], [sflag:$0x1], $0x80, s28, s13, $0xb8;
	[tilespmem:$0x1D000] =	vst v63  }
0x73: {  	s29 =	sadd.s32 $0x200, s16  }
0x74: {  	[spmem:s3] =	stream.indirect.scatter.add.f32 [tilespmem:s12], [sflag:$0x1], $0x80, s29, s13, $0xb8;
	[tilespmem:$0x1D000] =	vst v63  }
0x75: {  	s30 =	sadd.s32 $0x280, s16  }
0x76: {  	[spmem:s3] =	stream.indirect.scatter.add.f32 [tilespmem:s12], [sflag:$0x1], $0x80, s30, s13, $0xb8;
	[tilespmem:$0x1D000] =	vst v63  }
0x77: {  	s31 =	sadd.s32 $0x300, s16  }
0x78: {  	[spmem:s3] =	stream.indirect.scatter.add.f32 [tilespmem:s12], [sflag:$0x1], $0x80, s31, s13, $0xb8;
	[tilespmem:$0x1D000] =	vst v63  }
0x79: {  	s16 =	sadd.s32 $0x380, s16  }
0x7a: {  	[spmem:s3] =	stream.indirect.scatter.add.f32 [tilespmem:s12], [sflag:$0x1], $0x80, s16, s13, $0xb8;
	[tilespmem:$0x1D000] =	vst v63  }
0x7b: {  	_ =	swait.ge [sflag:s14], $0x4000  }
0x7c: {  	[sflag:s14] =	ssyncset.done $0x0  }
0x7d: {  	[sflag:s14] =	ssyncadd.s32 $0xFFFFC000  }
0x7e: {  	_ =	swait.ge [sflag:s14], $0x4000  }
0x7f: {  	[sflag:s14] =	ssyncset.done $0x0  }
0x80: {  	[sflag:s14] =	ssyncadd.s32 $0xFFFFC000  }
0x81: {  	_ =	swait.ge [sflag:s14], $0x4000  }
0x82: {  	[sflag:s14] =	ssyncset.done $0x0  }
0x83: {  	[sflag:s14] =	ssyncadd.s32 $0xFFFFC000  }
0x84: {  	_ =	swait.ge [sflag:s14], $0x4000  }
0x85: {  	[sflag:s14] =	ssyncset.done $0x0  }
0x86: {  	[sflag:s14] =	ssyncadd.s32 $0xFFFFC000  }
0x87: {  	_ =	swait.ge [sflag:s14], $0x4000  }
0x88: {  	[sflag:s14] =	ssyncset.done $0x0  }
0x89: {  	[sflag:s14] =	ssyncadd.s32 $0xFFFFC000  }
0x8a: {  	_ =	swait.ge [sflag:s14], $0x4000  }
0x8b: {  	[sflag:s14] =	ssyncset.done $0x0  }
0x8c: {  	[sflag:s14] =	ssyncadd.s32 $0xFFFFC000  }
0x8d: {  	_ =	swait.ge [sflag:s14], $0x4000  }
0x8e: {  	[sflag:s14] =	ssyncset.done $0x0  }
0x8f: {  	[sflag:s14] =	ssyncadd.s32 $0xFFFFC000  }
0x90: {  	_ =	swait.ge [sflag:s14], $0x4000  }
0x91: {  	s15 =	sadd.s32 $0x1, s15;
	[sflag:s14] =	ssyncset.done $0x0  }
0x92: {  	p0 =	sne.s32 s15, s9;
	[sflag:s14] =	ssyncadd.s32 $0xFFFFC000  }
.Ltmp1:
0x93: {  	[bflag:$0x0] =	sbarrier.arrive $0xFFFF;
	(pc) =	sbr.rel @p0 .LBB2_1-.Ltmp1, $4  }
0x94: {  	[hbm:s8], [sflag:s6] =	dma.local [spmem:s10], $0x2800  }
0x95: {  	_ =	swait.ge [sflag:s11], $0x2800  }
0x96: {  	[sflag:s11] =	ssyncset.done $0x0  }
0x97: {  	[sflag:s11] =	ssyncadd.s32 $0xFFFFD800  }
0x98: {  	_ =	sfence.sel $0x180000  }
0x99: {  	[bflag:$0x0] =	sbarrier.arrive $0xFFFF  }
0x9a: {  	p0 =	sne.s32 s0, $0x0;
	_ =	strace $0x90000047  }
0x9b: {  	s0 =	sadd.s32 @!p0 $0x100000, s1;
	[bflag:$0x2] =	sbarrier.arrive $0xFFFF  }
0x9c: {  	[sflag:s0] =	ssyncadd.tile.s32 @!p0 $0x1;
	_ =	shalt  }
.Lfunc_end2:
_tile_overlayer_lowered:
.L_overlay_start_2:
0x9d: {  	(tag) =	ssettag $0x2  }
0x9e: {  	s0 =	rddreg [dreg:$0x0];
	s2 =	stileid.u32  }
0x9f: {  	s1 =	rddreg [dreg:$0x1];
	p0 =	sne.s32 s2, $0x0  }
0xa0: {  	s3 =	rddreg [dreg:$0x2];
	[bflag:$0x3] =	sbarrier.arrive $0xFFFF;
	s2 =	simm.s32 @!p0 $0x1C02  }
0xa1: {  	[timem:s3], [sflag:s2] =	dma.local @!p0 [hbm:s0], s1  }
0xa2: {  	s0 =	simm.s32 @!p0 $0x2  }
0xa3: {  	_ =	swait.ge @!p0 [sflag:s0], s1  }
0xa4: {  	s1 =	ssub.s32 @!p0 $0x0, s1;
	[sflag:s0] =	ssyncset.done @!p0 $0x0  }
0xa5: {  	[sflag:s0] =	ssyncadd.s32 @!p0 s1  }
0xa6: {  	[bflag:$0x3] =	sbarrier.arrive $0xFFFF  }
0xa7: {  	_ =	shalt  }

// kernel: kernel.13.cloned.1.call-start
scs
__scs_entry_jumppad:
0x0: {  	(pc) =	sbr.rel $0x88, $3  }
0x1: {  	(tag) =	ssettag $0x0;
	lr =	simm.s32 $0x1  }
0x2: {  	[smem:$0x3F91] =	sst lr;
	_ =	strace $0xD0000000  }
0x3: {  	_ = 	snop  }
0x4: {  	_ = 	snop  }
0x5: {  	_ = 	snop  }
0x6: {  	_ = 	snop  }
0x7: {  	_ = 	snop  }
__scs_overlays_trampoline_lowered:
0x8: {  	[smem:$0x3FA0] =	sst s0  }
0x9: {  	[smem:$0x3FA1] =	sst s1  }
0xa: {  	[smem:$0x3FA2] =	sst s2  }
0xb: {  	[smem:$0x3FA3] =	sst s3  }
0xc: {  	[smem:$0x3FA4] =	sst s4  }
0xd: {  	[smem:$0x3FA5] =	sst s5  }
0xe: {  	[smem:$0x3FA6] =	sst s6  }
0xf: {  	[smem:$0x3FA7] =	sst s7  }
0x10: {  	[smem:$0x3FA8] =	sst s8  }
0x11: {  	[smem:$0x3FA9] =	sst s9;
	s0 =	simm.s32 @!p0 $0x0  }
0x12: {  	s1 =	sld [smem:$0x3F8F];
	s0 =	simm.s32 @p0 $0x1  }
0x13: {  	[smem:$0x3FAA] =	sst s0;
	s0 =	simm.s32 @!p1 $0x0  }
0x14: {  	s2 =	sld [smem:$0x3F8E];
	s0 =	simm.s32 @p1 $0x1  }
0x15: {  	[smem:$0x3FAB] =	sst s0;
	s0 =	simm.s32 @!p2 $0x0  }
0x16: {  	s3 =	sld [smem:$0x3FDB];
	s0 =	simm.s32 @p2 $0x1  }
0x17: {  	s4 =	simm.s32 $0x1BF5;
	[smem:$0x3FAD] =	sst s0  }
0x18: {  	s0 =	sld [smem:$0x3F90];
	_ =	swait.ge [sflag:s4], $0x0  }
0x19: {  	s7 =	sld [smem:$0x3F91]  }
0x1a: {  	s8 =	sadd.s32 $0xFFFFE003, lr  }
0x1b: {  	s9 =	sadd.s32 $0xFFFFFEF7, lr;
	s5 =	simm.s32 $0xFFFFFFFF;
	p2 =	slt.u32 s8, $0xFFFFF086  }
0x1c: {  	p1 =	slt.u32 s9, $0xF7A;
	s5 =	simm.s32 @!p2 $0x0  }
0x1d: {  	s5 =	simm.s32 @p1 $0x1;
	p0 =	seq.s32 s7, s2  }
0x1e: {  	s7 =	smul.u32 @!p0 $0xF7A, s2;
	p2 =	seq.s32 @!p0 s5, $0x0  }
0x1f: {  	s9 =	smul.u32 $0xF7A, s1;
	s8 =	simm.s32 @!p0 $0x1BF5;
	p2 =	por !p2, p0  }
0x20: {  	[sflag:s8] =	ssyncset.s32 @!p0 $0xFFFFF086;
	s6 =	sadd.s32 @!p0 s3, s7;
	s7 =	simm.s32 @!p0 $0x108  }
0x21: {  	s3 =	sadd.s32 s3, s9;
	s6 =	sadd.s32 @!p0 $0x88, s6;
	s7 =	simm.s32 @p2 $0x1082  }
0x22: {  	[simem:s7], [sflag:s8] =	dma.local @!p0 [hbm:s6], $0xF7A  }
0x23: {  	s9 =	sor.u32 $0xD0000000, s2;
	s6 =	simm.s32 $0x108;
	_ =	swait.ge @!p0 [sflag:s8], $0x0  }
0x24: {  	s3 =	sadd.s32 $0x88, s3;
	s6 =	simm.s32 @!p1 $0x1082;
	[sflag:s4] =	ssyncset.s32 $0xFFFFF086  }
0x25: {  	[simem:s6], [sflag:s4] =	dma.local [hbm:s3], $0xF7A  }
0x26: {  	[smem:$0x3F91] =	sst s1;
	(tag) =	ssettag s2;
	_ =	strace s9  }
0x27: {  	s1 =	sld [smem:$0x3FA1]  }
0x28: {  	s2 =	sld [smem:$0x3FA2]  }
0x29: {  	s4 =	sld [smem:$0x3FA4]  }
0x2a: {  	p0 =	seq.s32 s5, $0x0;
	s5 =	sld [smem:$0x3FA5]  }
0x2b: {  	s6 =	sld [smem:$0x3FA6]  }
0x2c: {  	s7 =	sld [smem:$0x3FA7]  }
0x2d: {  	s3 =	simm.s32 $0x108;
	s8 =	sld [smem:$0x3FA8]  }
0x2e: {  	s3 =	simm.s32 @!p0 $0x1082;
	s9 =	sld [smem:$0x3FA9]  }
0x2f: {  	lr =	sadd.s32 s0, s3;
	s0 =	sld [smem:$0x3FA0]  }
0x30: {  	s3 =	sld [smem:$0x3FA3]  }
0x31: {  	[smem:$0x3FAC] =	sst s10  }
0x32: {  	s10 =	sld [smem:$0x3FAA];
	_ =	sdelay $0x3  }
0x33: {  	p0 =	seq.s32 s10, $0x1;
	s10 =	sld [smem:$0x3FAC];
	_ =	sdelay $0x3  }
0x34: {  	[smem:$0x3FAC] =	sst s10  }
0x35: {  	s10 =	sld [smem:$0x3FAB];
	_ =	sdelay $0x3  }
0x36: {  	p1 =	seq.s32 s10, $0x1;
	s10 =	sld [smem:$0x3FAC];
	_ =	sdelay $0x3  }
0x37: {  	[smem:$0x3FAC] =	sst s10  }
0x38: {  	s10 =	sld [smem:$0x3FAD]  }
0x39: {  	_ = 	snop;
	(pc) =	sbr.ind lr, $3  }
0x3a: {  	_ = 	snop  }
0x3b: {  	_ = 	snop  }
0x3c: {  	p2 =	seq.s32 s10, $0x1;
	s10 =	sld [smem:$0x3FAC]  }
0x3d: {  	_ =	shalt  }
0x3e: {  	_ =	shalt  }
0x3f: {  	_ =	shalt  }
0x40: {  	_ =	shalt  }
0x41: {  	_ =	shalt  }
0x42: {  	_ =	shalt  }
0x43: {  	_ =	shalt  }
0x44: {  	_ =	shalt  }
0x45: {  	_ =	shalt  }
0x46: {  	_ =	shalt  }
0x47: {  	_ =	shalt  }
0x48: {  	_ =	shalt  }
0x49: {  	_ =	shalt  }
0x4a: {  	_ =	shalt  }
0x4b: {  	_ =	shalt  }
0x4c: {  	_ =	shalt  }
0x4d: {  	_ =	shalt  }
0x4e: {  	_ =	shalt  }
0x4f: {  	_ =	shalt  }
0x50: {  	_ =	shalt  }
0x51: {  	_ =	shalt  }
0x52: {  	_ =	shalt  }
0x53: {  	_ =	shalt  }
0x54: {  	_ =	shalt  }
0x55: {  	_ =	shalt  }
0x56: {  	_ =	shalt  }
0x57: {  	_ =	shalt  }
0x58: {  	_ =	shalt  }
0x59: {  	_ =	shalt  }
0x5a: {  	_ =	shalt  }
0x5b: {  	_ =	shalt  }
0x5c: {  	_ =	shalt  }
0x5d: {  	_ =	shalt  }
0x5e: {  	_ =	shalt  }
0x5f: {  	_ =	shalt  }
0x60: {  	_ =	shalt  }
0x61: {  	_ =	shalt  }
0x62: {  	_ =	shalt  }
0x63: {  	_ =	shalt  }
0x64: {  	_ =	shalt  }
0x65: {  	_ =	shalt  }
0x66: {  	_ =	shalt  }
0x67: {  	_ =	shalt  }
0x68: {  	_ =	shalt  }
0x69: {  	_ =	shalt  }
0x6a: {  	_ =	shalt  }
0x6b: {  	_ =	shalt  }
0x6c: {  	_ =	shalt  }
0x6d: {  	_ =	shalt  }
0x6e: {  	_ =	shalt  }
0x6f: {  	_ =	shalt  }
0x70: {  	_ =	shalt  }
0x71: {  	_ =	shalt  }
0x72: {  	_ =	shalt  }
0x73: {  	_ =	shalt  }
0x74: {  	_ =	shalt  }
0x75: {  	_ =	shalt  }
0x76: {  	_ =	shalt  }
0x77: {  	_ =	shalt  }
0x78: {  	_ =	shalt  }
0x79: {  	_ =	shalt  }
0x7a: {  	_ =	shalt  }
0x7b: {  	_ =	shalt  }
0x7c: {  	_ =	shalt  }
0x7d: {  	_ =	shalt  }
0x7e: {  	_ =	shalt  }
0x7f: {  	_ =	shalt  }
0x80: {  	_ =	shalt  }
0x81: {  	_ =	shalt  }
0x82: {  	_ =	shalt  }
0x83: {  	_ =	shalt  }
0x84: {  	_ =	shalt  }
0x85: {  	_ =	shalt  }
0x86: {  	_ =	shalt  }
0x87: {  	_ =	shalt  }
.Lfunc_end0:
.L_simem_size_0:
called_computation.1_lowered:
.L_overlay_start_0:
0x88: {  	s2 =	sld [smem:$0x3FD9]  }
0x89: {  	s3 =	sld [smem:$0x3FFE];
	_ =	sdelay $0x1  }
0x8a: {  	s1 =	srdreg.scid  }
0x8b: {  	s0 =	sand.u32 $0x1, s1  }
0x8c: {  	s16 =	sshll.u32 s0, $0xA;
	s2 =	sadd.s32 s3, s2  }
0x8d: {  	s2 =	sadd.s32 s2, s16  }
0x8e: {  	[smem:$0x3FB8] =	sst s2  }
0x8f: {  	_ = 	snop  }
0x90: {  	(tm) =	ssettm $0x1  }
0x91: {  	s17 =	sld [smem:$0x3FFB];
	_ =	sdelay $0x3  }
0x92: {  	_ =	strace s17  }
0x93: {  	s2 =	sld [smem:$0x3FFC];
	_ =	sdelay $0x3  }
0x94: {  	_ =	strace s2  }
0x95: {  	s2 =	sld [smem:$0x3FFD];
	_ =	sdelay $0x3  }
0x96: {  	_ =	strace s2  }
0x97: {  	_ =	strace $0x8FFFFFFF  }
0x98: {  	s18 =	sld [smem:$0x3FDB];
	_ =	sdelay $0x1  }
0x99: {  	s19 =	simm.s32 $_scs_section_size  }
0x9a: {  	s4 =	simm.s32 $_size__tile_overlayer_lowered;
	s5 =	simm.s32 $_tile_overlayer_lowered  }
0x9b: {  	s22 =	simm.s32 $0x1BFF;
	s21 =	sshll.u32 s5, $0x1;
	s2 =	sadd.s32 s19, s18  }
0x9c: {  	s6 =	simm.s32 $0x0;
	s20 =	sshll.u32 s4, $0x1;
	s4 =	sadd.s32 s21, s2  }
0x9d: {  	[timem:s6], [sflag:s22] =	dma.local [hbm:s4], s20  }
0x9e: {  	_ =	swait.ge [sflag:s22], s20  }
0x9f: {  	s3 =	ssub.s32 $0x0, s20;
	[sflag:s22] =	ssyncset.done $0x0  }
0xa0: {  	[sflag:s22] =	ssyncadd.s32 s3;
	_ =	sdelay $0x1  }
0xa1: {  	s23 =	simm.s32 $0x1B8B  }
0xa2: {  	_ =	swait.ge [sflag:s23], $0x1  }
0xa3: {  	[sflag:s23] =	ssyncset.done $0x0  }
0xa4: {  	s25 =	simm.s32 $0x1B8E;
	s24 =	sld [smem:$0x3FFE];
	[sflag:s23] =	ssyncadd.s32 $0xFFFFFFFF  }
0xa5: {  	s26 =	simm.s32 $execute0_lowered;
	[smem:$0x3FD2] =	sst s25  }
0xa6: {  	s4 =	sshll.u32 s26, $0x1;
	_ =	strace $0x80000049;
	[dreg:$0x1] =	wrdreg $0xFFFFFFFF  }
0xa7: {  	s28 =	simm.s32 $_size_execute0_lowered;
	s2 =	sadd.s32 s2, s4;
	[dreg:$0x0] =	wrdreg $0x0  }
0xa8: {  	s4 =	sshll.u32 s28, $0x1;
	[dreg:$0x2] =	wrdreg s2  }
0xa9: {  	[dreg:$0x3] =	wrdreg s4  }
0xaa: {  	[dreg:$0x4] =	wrdreg $0xC0  }
0xab: {  	_ =	task [dreg:s6], $0x5FFFF  }
0xac: {  	[dreg:$0x1] =	wrdreg $0xFFFFFFFF  }
0xad: {  	[dreg:$0x0] =	wrdreg $0x60  }
0xae: {  	[dreg:$0x2] =	wrdreg s24  }
0xaf: {  	[dreg:$0x3] =	wrdreg $0xB8000  }
0xb0: {  	[dreg:$0x4] =	wrdreg $0x9  }
0xb1: {  	_ =	task.clear_ibuf [dreg:s6], $0x5FFFF;
	_ =	strace $0x90000049  }
0xb2: {  	s29 =	simm.s32 $0x9;
	_ =	strace $0x8000004B  }
0xb3: {  	_ =	swait.ge [sflag:s29], $0x1  }
0xb4: {  	[sflag:s29] =	ssyncadd.s32 $0xFFFFFFFF  }
0xb5: {  	_ =	strace $0x9000004B  }
0xb6: {  	_ =	sfence  }
0xb7: {  	s30 =	sld [smem:$0x0];
	_ =	sdelay $0x2  }
0xb8: {  	s31 =	sshll.u32 s1, $0xD;
	s1 =	sshrl.u32 s1, $0x2  }
0xb9: {  	s3 =	sand.u32 $0x4000, s31;
	s1 =	sadd.s32 s1, s30  }
0xba: {  	s0 =	sor.u32 s3, s0;
	s1 =	sshll.u32 s1, $0x11  }
0xbb: {  	s0 =	sor.u32 s1, s0  }
0xbc: {  	s0 =	sadd.s32 $0x8F2B, s0  }
0xbd: {  	[sflag:s0] =	ssyncadd.remote.s32 $0x1  }
0xbe: {  	_ =	sfence.sel $0xFFFF  }
0xbf: {  	[dreg:$0x0] =	wrdreg $0xFFFFFFFF;
	(pc) =	sbr.abs _section_cstart, $3  }
0xc0: {  	[dreg:$0x1] =	wrdreg $0xFFFFFFFF  }
0xc1: {  	_ =	task.clear_ibuf [dreg:s6], $0x2FFFF;
	_ =	strace $0x9FFFFFFF  }
0xc2: {  	(tm) =	ssettm $0x7FFFFFFF  }
0xc3: {  	_ =	shalt  }
tec
execute0_lowered:
.L_overlay_start_1:
0x0: {  	(tag) =	ssettag $0x1  }
0x1: {  	s0 =	rddreg [dreg:$0x0]  }
0x2: {  	s2 =	rddreg [dreg:$0x1]  }
0x3: {  	s11 =	stileid.u32;
	s1 =	srdreg.scid;
	s3 =	simm.s32 $0x0  }
0x4: {  	s14 =	simm.s32 $0x5;
	s15 =	simm.s32 $0x3C00;
	s16 =	simm.s32 $0x40  }
0x5: {  	s17 =	simm.s32 $0x7800;
	s18 =	simm.s32 $0x9800;
	s19 =	simm.s32 $0x1  }
0x6: {  	s20 =	simm.s32 $0x3;
	s28 =	simm.s32 $0x4FC0;
	s29 =	simm.s32 $0x3BC0  }
0x7: {  	s30 =	simm.s32 $0x7780;
	s31 =	simm.s32 $0x77C0;
	s5 =	smul.u32 $0x14000, s11  }
0x8: {  	s1 =	sand.u32 $0x1, s1;
	[smem:$0x7FF] =	sst s3;
	s8 =	smul.u32 $0x50000, s11  }
0x9: {  	s4 =	sadd.s32 $0x53C00, s0;
	s9 =	sadd.s32 $0xDC00, s0;
	s24 =	smul.u32 $0x1400, s11  }
0xa: {  	s10 =	sadd.s32 $0x3C00, s0;
	s25 =	sshll.u32 s11, $0x6;
	s11 =	smul.u32 $0x780, s11  }
0xb: {  	s6 =	smul.u32 $0x140000, s1;
	_ =	strace $0x8000004A;
	s21 =	ssub.s32 $0x2, s1  }
0xc: {  	p0 =	seq.s32 s1, $0x1;
	s7 =	sshrl.u32 s5, $0x3;
	s22 =	sshrl.u32 s21, $0x1  }
0xd: {  	s23 =	sshrl.u32 s8, $0x2;
	s8 =	sshrl.u32 s24, $0x3;
	s24 =	simm.s32 $0x4  }
0xe: {  	s5 =	sadd.s32 s5, s6;
	s7 =	sadd.s32 s7, s0;
	s12 =	ssub.s32 s21, s22  }
0xf: {  	s13 =	sadd.s32 s23, s2;
	s6 =	sor.u32 $0x1C05, s25;
	s26 =	sadd.s32 $0x7800, s8  }
.Ltmp0:
0x10: {  	s8 =	sadd.s32 s10, s11;
	s21 =	simm.s32 $0x80;
	(pc) =	sbr.rel .LBB2_1-.Ltmp0, $4  }
0x11: {  	s22 =	simm.s32 $0x2;
	s23 =	simm.s32 $0x3C40;
	s5 =	sshrl.u32 s5, $0x3  }
0x12: {  	s10 =	sadd.s32 s10, s26;
	s12 =	smax.u32 s12, $0x1;
	s13 =	sshrl.u32 s13, $0x3  }
0x13: {  	s0 =	sadd.s32 s5, s0;
	s5 =	sadd.s32 $0x2BC00, s7;
	s7 =	sadd.s32 s9, s11  }
0x14: {  	s9 =	sadd.s32 s9, s26;
	s11 =	sadd.s32 $0xA3C00, s0;
	s0 =	simm.s32 $0x0  }
.LBB2_7:
0x15: {  	[spmem:s2] =	stream.indirect.scatter.add.f32 [tilespmem:s18], [sflag:$0x4], $0x80, s25, s16, $0xb8;
	[tilespmem:$0x1F800] =	vst v63  }
0x16: {  	_ =	swait.ge [sflag:s24], $0x2000  }
0x17: {  	[sflag:s24] =	ssyncset.done $0x0  }
0x18: {  	s1 =	simm.s32 $0x13C0;
	[sflag:s24] =	ssyncadd.s32 $0xFFFFE000  }
0x19: {  	[tilespmem:s18], [sflag:$0x2] =	stream.indirect.gather [hbm4b:s4+s16], $0x80, s1, s16, $0xb8;
	[tilespmem:$0x1F800] =	vst v63  }
0x1a: {  	_ =	swait.ge [sflag:s19], $0x2000  }
0x1b: {  	[sflag:s19] =	ssyncset.done $0x0  }
0x1c: {  	s26 =	simm.s32 $0x4F80;
	[sflag:s19] =	ssyncadd.s32 $0xFFFFE000  }
0x1d: {  	[spmem:s2] =	stream.indirect.scatter.add.f32 [tilespmem:s17], [sflag:$0x3], $0x80, s26, s16, $0xb8;
	[tilespmem:$0x1F800] =	vst v63  }
0x1e: {  	_ =	swait.ge [sflag:s20], $0x2000  }
0x1f: {  	[sflag:s20] =	ssyncset.done $0x0  }
0x20: {  	[sflag:s20] =	ssyncadd.s32 $0xFFFFE000  }
0x21: {  	_ =	swait.ge [sflag:s22], $0x2000  }
0x22: {  	[sflag:s22] =	ssyncset.done $0x0  }
0x23: {  	[sflag:s22] =	ssyncadd.s32 $0xFFFFE000  }
0x24: {  	[spmem:s2] =	stream.indirect.scatter.add.f32 [tilespmem:s18], [sflag:$0x4], $0x80, s28, s16, $0xb8;
	[tilespmem:$0x1F800] =	vst v63  }
.LBB2_8:
0x25: {  	_ =	swait.ge [sflag:s24], $0x2000  }
0x26: {  	s0 =	sadd.s32 $0x1, s0;
	[sflag:s24] =	ssyncset.done $0x0  }
0x27: {  	p1 =	sne.s32 s0, s12;
	[sflag:s24] =	ssyncadd.s32 $0xFFFFE000  }
.Ltmp1:
0x28: {  	[bflag:$0x0] =	sbarrier.arrive $0xFFFF;
	(pc) =	sbr.rel @!p1 .LBB2_9-.Ltmp1, $4  }
0x29: {  	[hbm:s11], [sflag:s6] =	dma.local [spmem:s13], $0x2800  }
0x2a: {  	_ =	swait.ge [sflag:s14], $0x2800  }
0x2b: {  	[sflag:s14] =	ssyncset.done $0x0  }
0x2c: {  	[sflag:s14] =	ssyncadd.s32 $0xFFFFD800  }
.LBB2_1:
.Ltmp2:
0x2d: {  	(pc) =	sbr.rel @!p0 .LBB2_2-.Ltmp2, $4  }
0x2e: {  	[spmem:s13], [sflag:s6] =	dma.local [hbm:s5], $0x2800  }
0x2f: {  	_ =	swait.ge [sflag:s14], $0x2800  }
0x30: {  	[sflag:s14] =	ssyncset.done $0x0  }
0x31: {  	[sflag:s14] =	ssyncadd.s32 $0xFFFFD800  }
0x32: {  	[tilespmem:s3], [sflag:$0x5] =	stream.linear.gather [hbm4b:s9+s3], $0x1400, $0x38;
	[tilespmem:$0x1F800] =	vst v63  }
0x33: {  	_ =	swait.ge [sflag:s14], $0x1400  }
0x34: {  	[sflag:s14] =	ssyncset.done $0x0  }
0x35: {  	[sflag:s14] =	ssyncadd.s32 $0xFFFFEC00  }
0x36: {  	[tilespmem:s15], [sflag:$0x5] =	stream.linear.gather [hbm4b:s10+s3], $0x1400, $0x38;
	[tilespmem:$0x1F800] =	vst v63  }
0x37: {  	_ =	swait.ge [sflag:s14], $0x1400  }
0x38: {  	[sflag:s14] =	ssyncset.done $0x0  }
0x39: {  	[sflag:s14] =	ssyncadd.s32 $0xFFFFEC00  }
0x3a: {  	[tilespmem:s17], [sflag:$0x1] =	stream.indirect.gather [hbm4b:s4+s16], $0x80, s3, s16, $0xb8;
	[tilespmem:$0x1F800] =	vst v63  }
0x3b: {  	_ = 	snop  }
0x3c: {  	[tilespmem:s18], [sflag:$0x2] =	stream.indirect.gather [hbm4b:s4+s16], $0x80, s16, s16, $0xb8;
	[tilespmem:$0x1F800] =	vst v63  }
0x3d: {  	_ =	swait.ge [sflag:s19], $0x2000  }
0x3e: {  	[sflag:s19] =	ssyncset.done $0x0  }
0x3f: {  	[sflag:s19] =	ssyncadd.s32 $0xFFFFE000  }
0x40: {  	[spmem:s2] =	stream.indirect.scatter.add.f32 [tilespmem:s17], [sflag:$0x3], $0x80, s15, s16, $0xb8;
	[tilespmem:$0x1F800] =	vst v63  }
0x41: {  	_ =	swait.ge [sflag:s20], $0x2000  }
0x42: {  	[sflag:s20] =	ssyncset.done $0x0  }
0x43: {  	[sflag:s20] =	ssyncadd.s32 $0xFFFFE000  }
0x44: {  	[tilespmem:s17], [sflag:$0x1] =	stream.indirect.gather [hbm4b:s4+s16], $0x80, s21, s16, $0xb8;
	[tilespmem:$0x1F800] =	vst v63  }
0x45: {  	_ =	swait.ge [sflag:s22], $0x2000  }
0x46: {  	[sflag:s22] =	ssyncset.done $0x0  }
0x47: {  	[sflag:s22] =	ssyncadd.s32 $0xFFFFE000  }
0x48: {  	[spmem:s2] =	stream.indirect.scatter.add.f32 [tilespmem:s18], [sflag:$0x4], $0x80, s23, s16, $0xb8;
	[tilespmem:$0x1F800] =	vst v63  }
0x49: {  	_ =	swait.ge [sflag:s24], $0x2000  }
0x4a: {  	[sflag:s24] =	ssyncset.done $0x0  }
0x4b: {  	s1 =	simm.s32 $0xC0;
	[sflag:s24] =	ssyncadd.s32 $0xFFFFE000  }
0x4c: {  	[tilespmem:s18], [sflag:$0x2] =	stream.indirect.gather [hbm4b:s4+s16], $0x80, s1, s16, $0xb8;
	[tilespmem:$0x1F800] =	vst v63  }
0x4d: {  	_ =	swait.ge [sflag:s19], $0x2000  }
0x4e: {  	[sflag:s19] =	ssyncset.done $0x0  }
0x4f: {  	s25 =	simm.s32 $0x3C80;
	[sflag:s19] =	ssyncadd.s32 $0xFFFFE000  }
0x50: {  	[spmem:s2] =	stream.indirect.scatter.add.f32 [tilespmem:s17], [sflag:$0x3], $0x80, s25, s16, $0xb8;
	[tilespmem:$0x1F800] =	vst v63  }
0x51: {  	_ =	swait.ge [sflag:s20], $0x2000  }
0x52: {  	[sflag:s20] =	ssyncset.done $0x0  }
0x53: {  	s26 =	simm.s32 $0x100;
	[sflag:s20] =	ssyncadd.s32 $0xFFFFE000  }
0x54: {  	[tilespmem:s17], [sflag:$0x1] =	stream.indirect.gather [hbm4b:s4+s16], $0x80, s26, s16, $0xb8;
	[tilespmem:$0x1F800] =	vst v63  }
0x55: {  	_ =	swait.ge [sflag:s22], $0x2000  }
0x56: {  	[sflag:s22] =	ssyncset.done $0x0  }
0x57: {  	s1 =	simm.s32 $0xFFFFB600;
	s25 =	simm.s32 $0x3CC0;
	[sflag:s22] =	ssyncadd.s32 $0xFFFFE000  }
.LBB2_6:
0x58: {  	[spmem:s2] =	stream.indirect.scatter.add.f32 [tilespmem:s18], [sflag:$0x4], $0x80, s25, s16, $0xb8;
	[tilespmem:$0x1F800] =	vst v63  }
0x59: {  	s25 =	smov.u32 s1  }
0x5a: {  	p1 =	sne.s32 s1, $0xFFFFFE00;
	s1 =	sadd.s32 $0x200, s1;
	_ =	swait.ge [sflag:s24], $0x2000  }
0x5b: {  	s25 =	sshra.s32 s25, $0x2;
	[sflag:s24] =	ssyncset.done $0x0  }
0x5c: {  	s26 =	sadd.s32 $0x13C0, s25;
	[sflag:s24] =	ssyncadd.s32 $0xFFFFE000  }
0x5d: {  	[tilespmem:s18], [sflag:$0x2] =	stream.indirect.gather [hbm4b:s4+s16], $0x80, s26, s16, $0xb8;
	[tilespmem:$0x1F800] =	vst v63  }
0x5e: {  	_ =	swait.ge [sflag:s19], $0x2000  }
0x5f: {  	[sflag:s19] =	ssyncset.done $0x0  }
0x60: {  	s26 =	sadd.s32 $0x4F80, s25;
	[sflag:s19] =	ssyncadd.s32 $0xFFFFE000  }
0x61: {  	[spmem:s2] =	stream.indirect.scatter.add.f32 [tilespmem:s17], [sflag:$0x3], $0x80, s26, s16, $0xb8;
	[tilespmem:$0x1F800] =	vst v63  }
0x62: {  	_ =	swait.ge [sflag:s20], $0x2000  }
0x63: {  	[sflag:s20] =	ssyncset.done $0x0  }
.Ltmp3:
0x64: {  	s26 =	sadd.s32 $0x1400, s25;
	[sflag:s20] =	ssyncadd.s32 $0xFFFFE000;
	(pc) =	sbr.rel @p1 .LBB2_6-.Ltmp3, $4  }
0x65: {  	[tilespmem:s17], [sflag:$0x1] =	stream.indirect.gather [hbm4b:s4+s16], $0x80, s26, s16, $0xb8;
	[tilespmem:$0x1F800] =	vst v63  }
0x66: {  	_ =	swait.ge [sflag:s22], $0x2000  }
0x67: {  	[sflag:s22] =	ssyncset.done $0x0  }
0x68: {  	s25 =	sadd.s32 $0x4FC0, s25;
	[sflag:s22] =	ssyncadd.s32 $0xFFFFE000  }
.Ltmp4:
0x69: {  	_ = 	snop;
	(pc) =	sbr.rel .LBB2_7-.Ltmp4, $1  }
0x6a: {  	_ =	sdelay $0x3  }
.LBB2_2:
0x6b: {  	[tilespmem:s3], [sflag:$0x5] =	stream.linear.gather [hbm4b:s7+s3], $0x3C00, $0x38;
	[tilespmem:$0x1F800] =	vst v63  }
0x6c: {  	_ =	swait.ge [sflag:s14], $0x3C00  }
0x6d: {  	[sflag:s14] =	ssyncset.done $0x0  }
0x6e: {  	[sflag:s14] =	ssyncadd.s32 $0xFFFFC400  }
0x6f: {  	[tilespmem:s15], [sflag:$0x5] =	stream.linear.gather [hbm4b:s8+s3], $0x3C00, $0x38;
	[tilespmem:$0x1F800] =	vst v63  }
0x70: {  	_ =	swait.ge [sflag:s14], $0x3C00  }
0x71: {  	[sflag:s14] =	ssyncset.done $0x0  }
0x72: {  	[sflag:s14] =	ssyncadd.s32 $0xFFFFC400  }
0x73: {  	[tilespmem:s17], [sflag:$0x1] =	stream.indirect.gather [hbm4b:s4+s16], $0x80, s3, s16, $0xb8;
	[tilespmem:$0x1F800] =	vst v63  }
0x74: {  	_ = 	snop  }
0x75: {  	[tilespmem:s18], [sflag:$0x2] =	stream.indirect.gather [hbm4b:s4+s16], $0x80, s16, s16, $0xb8;
	[tilespmem:$0x1F800] =	vst v63  }
0x76: {  	_ =	swait.ge [sflag:s19], $0x2000  }
0x77: {  	[sflag:s19] =	ssyncset.done $0x0  }
0x78: {  	[sflag:s19] =	ssyncadd.s32 $0xFFFFE000  }
0x79: {  	[spmem:s2] =	stream.indirect.scatter.add.f32 [tilespmem:s17], [sflag:$0x3], $0x80, s15, s16, $0xb8;
	[tilespmem:$0x1F800] =	vst v63  }
0x7a: {  	_ =	swait.ge [sflag:s20], $0x2000  }
0x7b: {  	[sflag:s20] =	ssyncset.done $0x0  }
0x7c: {  	[sflag:s20] =	ssyncadd.s32 $0xFFFFE000  }
0x7d: {  	[tilespmem:s17], [sflag:$0x1] =	stream.indirect.gather [hbm4b:s4+s16], $0x80, s21, s16, $0xb8;
	[tilespmem:$0x1F800] =	vst v63  }
0x7e: {  	_ =	swait.ge [sflag:s22], $0x2000  }
0x7f: {  	[sflag:s22] =	ssyncset.done $0x0  }
0x80: {  	[sflag:s22] =	ssyncadd.s32 $0xFFFFE000  }
0x81: {  	[spmem:s2] =	stream.indirect.scatter.add.f32 [tilespmem:s18], [sflag:$0x4], $0x80, s23, s16, $0xb8;
	[tilespmem:$0x1F800] =	vst v63  }
0x82: {  	_ =	swait.ge [sflag:s24], $0x2000  }
0x83: {  	[sflag:s24] =	ssyncset.done $0x0  }
0x84: {  	s1 =	simm.s32 $0xC0;
	[sflag:s24] =	ssyncadd.s32 $0xFFFFE000  }
0x85: {  	[tilespmem:s18], [sflag:$0x2] =	stream.indirect.gather [hbm4b:s4+s16], $0x80, s1, s16, $0xb8;
	[tilespmem:$0x1F800] =	vst v63  }
0x86: {  	_ =	swait.ge [sflag:s19], $0x2000  }
0x87: {  	[sflag:s19] =	ssyncset.done $0x0  }
0x88: {  	s25 =	simm.s32 $0x3C80;
	[sflag:s19] =	ssyncadd.s32 $0xFFFFE000  }
0x89: {  	[spmem:s2] =	stream.indirect.scatter.add.f32 [tilespmem:s17], [sflag:$0x3], $0x80, s25, s16, $0xb8;
	[tilespmem:$0x1F800] =	vst v63  }
0x8a: {  	_ =	swait.ge [sflag:s20], $0x2000  }
0x8b: {  	[sflag:s20] =	ssyncset.done $0x0  }
0x8c: {  	s26 =	simm.s32 $0x100;
	[sflag:s20] =	ssyncadd.s32 $0xFFFFE000  }
0x8d: {  	[tilespmem:s17], [sflag:$0x1] =	stream.indirect.gather [hbm4b:s4+s16], $0x80, s26, s16, $0xb8;
	[tilespmem:$0x1F800] =	vst v63  }
0x8e: {  	_ =	swait.ge [sflag:s22], $0x2000  }
0x8f: {  	[sflag:s22] =	ssyncset.done $0x0  }
0x90: {  	s1 =	simm.s32 $0xFFFF1600;
	s25 =	simm.s32 $0x3CC0;
	[sflag:s22] =	ssyncadd.s32 $0xFFFFE000  }
.LBB2_3:
0x91: {  	[spmem:s2] =	stream.indirect.scatter.add.f32 [tilespmem:s18], [sflag:$0x4], $0x80, s25, s16, $0xb8;
	[tilespmem:$0x1F800] =	vst v63  }
0x92: {  	s25 =	smov.u32 s1  }
0x93: {  	p1 =	seq.s32 s1, $0xFFFFFE00;
	s1 =	sadd.s32 $0x200, s1;
	_ =	swait.ge [sflag:s24], $0x2000  }
0x94: {  	s25 =	sshra.s32 s25, $0x2;
	[sflag:s24] =	ssyncset.done $0x0  }
0x95: {  	s26 =	sadd.s32 $0x3BC0, s25;
	[sflag:s24] =	ssyncadd.s32 $0xFFFFE000  }
0x96: {  	[tilespmem:s18], [sflag:$0x2] =	stream.indirect.gather [hbm4b:s4+s16], $0x80, s26, s16, $0xb8;
	[tilespmem:$0x1F800] =	vst v63  }
0x97: {  	_ =	swait.ge [sflag:s19], $0x2000  }
0x98: {  	[sflag:s19] =	ssyncset.done $0x0  }
0x99: {  	s26 =	sadd.s32 $0x7780, s25;
	[sflag:s19] =	ssyncadd.s32 $0xFFFFE000  }
0x9a: {  	[spmem:s2] =	stream.indirect.scatter.add.f32 [tilespmem:s17], [sflag:$0x3], $0x80, s26, s16, $0xb8;
	[tilespmem:$0x1F800] =	vst v63  }
0x9b: {  	_ =	swait.ge [sflag:s20], $0x2000  }
0x9c: {  	[sflag:s20] =	ssyncset.done $0x0  }
.Ltmp5:
0x9d: {  	s26 =	sadd.s32 $0x3C00, s25;
	[sflag:s20] =	ssyncadd.s32 $0xFFFFE000;
	(pc) =	sbr.rel @!p1 .LBB2_3-.Ltmp5, $4  }
0x9e: {  	[tilespmem:s17], [sflag:$0x1] =	stream.indirect.gather [hbm4b:s4+s16], $0x80, s26, s16, $0xb8;
	[tilespmem:$0x1F800] =	vst v63  }
0x9f: {  	_ =	swait.ge [sflag:s22], $0x2000  }
0xa0: {  	[sflag:s22] =	ssyncset.done $0x0  }
0xa1: {  	s25 =	sadd.s32 $0x77C0, s25;
	[sflag:s22] =	ssyncadd.s32 $0xFFFFE000  }
0xa2: {  	[spmem:s2] =	stream.indirect.scatter.add.f32 [tilespmem:s18], [sflag:$0x4], $0x80, s25, s16, $0xb8;
	[tilespmem:$0x1F800] =	vst v63  }
0xa3: {  	_ =	swait.ge [sflag:s24], $0x2000  }
0xa4: {  	[sflag:s24] =	ssyncset.done $0x0  }
0xa5: {  	[sflag:s24] =	ssyncadd.s32 $0xFFFFE000  }
0xa6: {  	[tilespmem:s18], [sflag:$0x2] =	stream.indirect.gather [hbm4b:s4+s16], $0x80, s29, s16, $0xb8;
	[tilespmem:$0x1F800] =	vst v63  }
0xa7: {  	_ =	swait.ge [sflag:s19], $0x2000  }
0xa8: {  	[sflag:s19] =	ssyncset.done $0x0  }
0xa9: {  	[sflag:s19] =	ssyncadd.s32 $0xFFFFE000  }
0xaa: {  	[spmem:s2] =	stream.indirect.scatter.add.f32 [tilespmem:s17], [sflag:$0x3], $0x80, s30, s16, $0xb8;
	[tilespmem:$0x1F800] =	vst v63  }
0xab: {  	_ =	swait.ge [sflag:s20], $0x2000  }
0xac: {  	[sflag:s20] =	ssyncset.done $0x0  }
.Ltmp6:
0xad: {  	[sflag:s20] =	ssyncadd.s32 $0xFFFFE000;
	(pc) =	sbr.rel .LBB2_8-.Ltmp6, $4  }
0xae: {  	_ =	swait.ge [sflag:s22], $0x2000  }
0xaf: {  	[sflag:s22] =	ssyncset.done $0x0  }
0xb0: {  	[sflag:s22] =	ssyncadd.s32 $0xFFFFE000  }
0xb1: {  	[spmem:s2] =	stream.indirect.scatter.add.f32 [tilespmem:s18], [sflag:$0x4], $0x80, s31, s16, $0xb8;
	[tilespmem:$0x1F800] =	vst v63  }
.LBB2_9:
0xb2: {  	_ =	sfence.sel $0x180000  }
0xb3: {  	[bflag:$0x0] =	sbarrier.arrive $0xFFFF  }
0xb4: {  	_ =	strace $0x9000004A  }
0xb5: {  	s0 =	stileid.u32;
	[bflag:$0x2] =	sbarrier.arrive $0xFFFF  }
0xb6: {  	p0 =	sne.s32 s0, $0x0;
	s0 =	rddreg [dreg:$0x2]  }
0xb7: {  	s0 =	sadd.s32 @!p0 $0x100000, s0  }
0xb8: {  	[sflag:s0] =	ssyncadd.tile.s32 @!p0 $0x1;
	_ =	shalt  }
.Lfunc_end2:
_tile_overlayer_lowered:
.L_overlay_start_2:
0xb9: {  	(tag) =	ssettag $0x2  }
0xba: {  	s0 =	rddreg [dreg:$0x0];
	s2 =	stileid.u32  }
0xbb: {  	s1 =	rddreg [dreg:$0x1];
	p0 =	sne.s32 s2, $0x0  }
0xbc: {  	s3 =	rddreg [dreg:$0x2];
	[bflag:$0x3] =	sbarrier.arrive $0xFFFF;
	s2 =	simm.s32 @!p0 $0x1C05  }
0xbd: {  	[timem:s3], [sflag:s2] =	dma.local @!p0 [hbm:s0], s1  }
0xbe: {  	s0 =	simm.s32 @!p0 $0x5  }
0xbf: {  	_ =	swait.ge @!p0 [sflag:s0], s1  }
0xc0: {  	s1 =	ssub.s32 @!p0 $0x0, s1;
	[sflag:s0] =	ssyncset.done @!p0 $0x0  }
0xc1: {  	[sflag:s0] =	ssyncadd.s32 @!p0 s1  }
0xc2: {  	[bflag:$0x3] =	sbarrier.arrive $0xFFFF  }
0xc3: {  	_ =	shalt  }

// kernel: kernel.16.cloned.1.call-start
scs
__scs_entry_jumppad:
0x0: {  	(pc) =	sbr.rel $0x88, $3  }
0x1: {  	(tag) =	ssettag $0x0;
	lr =	simm.s32 $0x1  }
0x2: {  	[smem:$0x3F91] =	sst lr;
	_ =	strace $0xD0000000  }
0x3: {  	_ = 	snop  }
0x4: {  	_ = 	snop  }
0x5: {  	_ = 	snop  }
0x6: {  	_ = 	snop  }
0x7: {  	_ = 	snop  }
__scs_overlays_trampoline_lowered:
0x8: {  	[smem:$0x3FA0] =	sst s0  }
0x9: {  	[smem:$0x3FA1] =	sst s1  }
0xa: {  	[smem:$0x3FA2] =	sst s2  }
0xb: {  	[smem:$0x3FA3] =	sst s3  }
0xc: {  	[smem:$0x3FA4] =	sst s4  }
0xd: {  	[smem:$0x3FA5] =	sst s5  }
0xe: {  	[smem:$0x3FA6] =	sst s6  }
0xf: {  	[smem:$0x3FA7] =	sst s7  }
0x10: {  	[smem:$0x3FA8] =	sst s8  }
0x11: {  	[smem:$0x3FA9] =	sst s9;
	s0 =	simm.s32 @!p0 $0x0  }
0x12: {  	s1 =	sld [smem:$0x3F8F];
	s0 =	simm.s32 @p0 $0x1  }
0x13: {  	[smem:$0x3FAA] =	sst s0;
	s0 =	simm.s32 @!p1 $0x0  }
0x14: {  	s2 =	sld [smem:$0x3F8E];
	s0 =	simm.s32 @p1 $0x1  }
0x15: {  	[smem:$0x3FAB] =	sst s0;
	s0 =	simm.s32 @!p2 $0x0  }
0x16: {  	s3 =	sld [smem:$0x3FDB];
	s0 =	simm.s32 @p2 $0x1  }
0x17: {  	s4 =	simm.s32 $0x1BF5;
	[smem:$0x3FAD] =	sst s0  }
0x18: {  	s0 =	sld [smem:$0x3F90];
	_ =	swait.ge [sflag:s4], $0x0  }
0x19: {  	s7 =	sld [smem:$0x3F91]  }
0x1a: {  	s8 =	sadd.s32 $0xFFFFE003, lr  }
0x1b: {  	s9 =	sadd.s32 $0xFFFFFEF7, lr;
	s5 =	simm.s32 $0xFFFFFFFF;
	p2 =	slt.u32 s8, $0xFFFFF086  }
0x1c: {  	p1 =	slt.u32 s9, $0xF7A;
	s5 =	simm.s32 @!p2 $0x0  }
0x1d: {  	s5 =	simm.s32 @p1 $0x1;
	p0 =	seq.s32 s7, s2  }
0x1e: {  	s7 =	smul.u32 @!p0 $0xF7A, s2;
	p2 =	seq.s32 @!p0 s5, $0x0  }
0x1f: {  	s9 =	smul.u32 $0xF7A, s1;
	s8 =	simm.s32 @!p0 $0x1BF5;
	p2 =	por !p2, p0  }
0x20: {  	[sflag:s8] =	ssyncset.s32 @!p0 $0xFFFFF086;
	s6 =	sadd.s32 @!p0 s3, s7;
	s7 =	simm.s32 @!p0 $0x108  }
0x21: {  	s3 =	sadd.s32 s3, s9;
	s6 =	sadd.s32 @!p0 $0x88, s6;
	s7 =	simm.s32 @p2 $0x1082  }
0x22: {  	[simem:s7], [sflag:s8] =	dma.local @!p0 [hbm:s6], $0xF7A  }
0x23: {  	s9 =	sor.u32 $0xD0000000, s2;
	s6 =	simm.s32 $0x108;
	_ =	swait.ge @!p0 [sflag:s8], $0x0  }
0x24: {  	s3 =	sadd.s32 $0x88, s3;
	s6 =	simm.s32 @!p1 $0x1082;
	[sflag:s4] =	ssyncset.s32 $0xFFFFF086  }
0x25: {  	[simem:s6], [sflag:s4] =	dma.local [hbm:s3], $0xF7A  }
0x26: {  	[smem:$0x3F91] =	sst s1;
	(tag) =	ssettag s2;
	_ =	strace s9  }
0x27: {  	s1 =	sld [smem:$0x3FA1]  }
0x28: {  	s2 =	sld [smem:$0x3FA2]  }
0x29: {  	s4 =	sld [smem:$0x3FA4]  }
0x2a: {  	p0 =	seq.s32 s5, $0x0;
	s5 =	sld [smem:$0x3FA5]  }
0x2b: {  	s6 =	sld [smem:$0x3FA6]  }
0x2c: {  	s7 =	sld [smem:$0x3FA7]  }
0x2d: {  	s3 =	simm.s32 $0x108;
	s8 =	sld [smem:$0x3FA8]  }
0x2e: {  	s3 =	simm.s32 @!p0 $0x1082;
	s9 =	sld [smem:$0x3FA9]  }
0x2f: {  	lr =	sadd.s32 s0, s3;
	s0 =	sld [smem:$0x3FA0]  }
0x30: {  	s3 =	sld [smem:$0x3FA3]  }
0x31: {  	[smem:$0x3FAC] =	sst s10  }
0x32: {  	s10 =	sld [smem:$0x3FAA];
	_ =	sdelay $0x3  }
0x33: {  	p0 =	seq.s32 s10, $0x1;
	s10 =	sld [smem:$0x3FAC];
	_ =	sdelay $0x3  }
0x34: {  	[smem:$0x3FAC] =	sst s10  }
0x35: {  	s10 =	sld [smem:$0x3FAB];
	_ =	sdelay $0x3  }
0x36: {  	p1 =	seq.s32 s10, $0x1;
	s10 =	sld [smem:$0x3FAC];
	_ =	sdelay $0x3  }
0x37: {  	[smem:$0x3FAC] =	sst s10  }
0x38: {  	s10 =	sld [smem:$0x3FAD]  }
0x39: {  	_ = 	snop;
	(pc) =	sbr.ind lr, $3  }
0x3a: {  	_ = 	snop  }
0x3b: {  	_ = 	snop  }
0x3c: {  	p2 =	seq.s32 s10, $0x1;
	s10 =	sld [smem:$0x3FAC]  }
0x3d: {  	_ =	shalt  }
0x3e: {  	_ =	shalt  }
0x3f: {  	_ =	shalt  }
0x40: {  	_ =	shalt  }
0x41: {  	_ =	shalt  }
0x42: {  	_ =	shalt  }
0x43: {  	_ =	shalt  }
0x44: {  	_ =	shalt  }
0x45: {  	_ =	shalt  }
0x46: {  	_ =	shalt  }
0x47: {  	_ =	shalt  }
0x48: {  	_ =	shalt  }
0x49: {  	_ =	shalt  }
0x4a: {  	_ =	shalt  }
0x4b: {  	_ =	shalt  }
0x4c: {  	_ =	shalt  }
0x4d: {  	_ =	shalt  }
0x4e: {  	_ =	shalt  }
0x4f: {  	_ =	shalt  }
0x50: {  	_ =	shalt  }
0x51: {  	_ =	shalt  }
0x52: {  	_ =	shalt  }
0x53: {  	_ =	shalt  }
0x54: {  	_ =	shalt  }
0x55: {  	_ =	shalt  }
0x56: {  	_ =	shalt  }
0x57: {  	_ =	shalt  }
0x58: {  	_ =	shalt  }
0x59: {  	_ =	shalt  }
0x5a: {  	_ =	shalt  }
0x5b: {  	_ =	shalt  }
0x5c: {  	_ =	shalt  }
0x5d: {  	_ =	shalt  }
0x5e: {  	_ =	shalt  }
0x5f: {  	_ =	shalt  }
0x60: {  	_ =	shalt  }
0x61: {  	_ =	shalt  }
0x62: {  	_ =	shalt  }
0x63: {  	_ =	shalt  }
0x64: {  	_ =	shalt  }
0x65: {  	_ =	shalt  }
0x66: {  	_ =	shalt  }
0x67: {  	_ =	shalt  }
0x68: {  	_ =	shalt  }
0x69: {  	_ =	shalt  }
0x6a: {  	_ =	shalt  }
0x6b: {  	_ =	shalt  }
0x6c: {  	_ =	shalt  }
0x6d: {  	_ =	shalt  }
0x6e: {  	_ =	shalt  }
0x6f: {  	_ =	shalt  }
0x70: {  	_ =	shalt  }
0x71: {  	_ =	shalt  }
0x72: {  	_ =	shalt  }
0x73: {  	_ =	shalt  }
0x74: {  	_ =	shalt  }
0x75: {  	_ =	shalt  }
0x76: {  	_ =	shalt  }
0x77: {  	_ =	shalt  }
0x78: {  	_ =	shalt  }
0x79: {  	_ =	shalt  }
0x7a: {  	_ =	shalt  }
0x7b: {  	_ =	shalt  }
0x7c: {  	_ =	shalt  }
0x7d: {  	_ =	shalt  }
0x7e: {  	_ =	shalt  }
0x7f: {  	_ =	shalt  }
0x80: {  	_ =	shalt  }
0x81: {  	_ =	shalt  }
0x82: {  	_ =	shalt  }
0x83: {  	_ =	shalt  }
0x84: {  	_ =	shalt  }
0x85: {  	_ =	shalt  }
0x86: {  	_ =	shalt  }
0x87: {  	_ =	shalt  }
.Lfunc_end0:
.L_simem_size_0:
called_computation.2_lowered:
.L_overlay_start_0:
0x88: {  	s2 =	sld [smem:$0x3FD9]  }
0x89: {  	s3 =	sld [smem:$0x3FFE];
	_ =	sdelay $0x1  }
0x8a: {  	s1 =	srdreg.scid  }
0x8b: {  	s0 =	sand.u32 $0x1, s1  }
0x8c: {  	s16 =	sshll.u32 s0, $0xA;
	s2 =	sadd.s32 s3, s2  }
0x8d: {  	s2 =	sadd.s32 s2, s16  }
0x8e: {  	[smem:$0x3FB8] =	sst s2  }
0x8f: {  	_ = 	snop  }
0x90: {  	(tm) =	ssettm $0x1  }
0x91: {  	s17 =	sld [smem:$0x3FFB];
	_ =	sdelay $0x3  }
0x92: {  	_ =	strace s17  }
0x93: {  	s2 =	sld [smem:$0x3FFC];
	_ =	sdelay $0x3  }
0x94: {  	_ =	strace s2  }
0x95: {  	s2 =	sld [smem:$0x3FFD];
	_ =	sdelay $0x3  }
0x96: {  	_ =	strace s2  }
0x97: {  	_ =	strace $0x8FFFFFFF  }
0x98: {  	s18 =	sld [smem:$0x3FDB];
	_ =	sdelay $0x1  }
0x99: {  	s19 =	simm.s32 $_scs_section_size  }
0x9a: {  	s4 =	simm.s32 $_size__tile_overlayer_lowered;
	s5 =	simm.s32 $_tile_overlayer_lowered  }
0x9b: {  	s22 =	simm.s32 $0x1BFF;
	s21 =	sshll.u32 s5, $0x1;
	s2 =	sadd.s32 s19, s18  }
0x9c: {  	s6 =	simm.s32 $0x0;
	s20 =	sshll.u32 s4, $0x1;
	s4 =	sadd.s32 s21, s2  }
0x9d: {  	[timem:s6], [sflag:s22] =	dma.local [hbm:s4], s20  }
0x9e: {  	_ =	swait.ge [sflag:s22], s20  }
0x9f: {  	s3 =	ssub.s32 $0x0, s20;
	[sflag:s22] =	ssyncset.done $0x0  }
0xa0: {  	[sflag:s22] =	ssyncadd.s32 s3;
	_ =	sdelay $0x1  }
0xa1: {  	s23 =	simm.s32 $0x1B8B  }
0xa2: {  	_ =	swait.ge [sflag:s23], $0x1  }
0xa3: {  	[sflag:s23] =	ssyncset.done $0x0  }
0xa4: {  	s25 =	simm.s32 $0x1B8E;
	s24 =	sld [smem:$0x3FFE];
	[sflag:s23] =	ssyncadd.s32 $0xFFFFFFFF  }
0xa5: {  	s26 =	simm.s32 $execute0_lowered;
	[smem:$0x3FD2] =	sst s25  }
0xa6: {  	s4 =	sshll.u32 s26, $0x1;
	_ =	strace $0x8000004C;
	[dreg:$0x1] =	wrdreg $0xFFFFFFFF  }
0xa7: {  	s28 =	simm.s32 $_size_execute0_lowered;
	s2 =	sadd.s32 s2, s4;
	[dreg:$0x0] =	wrdreg $0x0  }
0xa8: {  	s4 =	sshll.u32 s28, $0x1;
	[dreg:$0x2] =	wrdreg s2  }
0xa9: {  	[dreg:$0x3] =	wrdreg s4  }
0xaa: {  	[dreg:$0x4] =	wrdreg $0xC0  }
0xab: {  	_ =	task [dreg:s6], $0x5FFFF  }
0xac: {  	[dreg:$0x1] =	wrdreg $0xFFFFFFFF  }
0xad: {  	[dreg:$0x0] =	wrdreg $0x60  }
0xae: {  	[dreg:$0x2] =	wrdreg s24  }
0xaf: {  	[dreg:$0x3] =	wrdreg $0xB8000  }
0xb0: {  	[dreg:$0x4] =	wrdreg $0x9  }
0xb1: {  	_ =	task.clear_ibuf [dreg:s6], $0x5FFFF;
	_ =	strace $0x9000004C  }
0xb2: {  	s29 =	simm.s32 $0x9;
	_ =	strace $0x8000004E  }
0xb3: {  	_ =	swait.ge [sflag:s29], $0x1  }
0xb4: {  	[sflag:s29] =	ssyncadd.s32 $0xFFFFFFFF  }
0xb5: {  	_ =	strace $0x9000004E  }
0xb6: {  	_ =	sfence  }
0xb7: {  	s30 =	sld [smem:$0x0];
	_ =	sdelay $0x2  }
0xb8: {  	s31 =	sshll.u32 s1, $0xD;
	s1 =	sshrl.u32 s1, $0x2  }
0xb9: {  	s3 =	sand.u32 $0x4000, s31;
	s1 =	sadd.s32 s1, s30  }
0xba: {  	s0 =	sor.u32 s3, s0;
	s1 =	sshll.u32 s1, $0x11  }
0xbb: {  	s0 =	sor.u32 s1, s0  }
0xbc: {  	s0 =	sadd.s32 $0x8F2B, s0  }
0xbd: {  	[sflag:s0] =	ssyncadd.remote.s32 $0x1  }
0xbe: {  	_ =	sfence.sel $0xFFFF  }
0xbf: {  	[dreg:$0x0] =	wrdreg $0xFFFFFFFF;
	(pc) =	sbr.abs _section_cstart, $3  }
0xc0: {  	[dreg:$0x1] =	wrdreg $0xFFFFFFFF  }
0xc1: {  	_ =	task.clear_ibuf [dreg:s6], $0x2FFFF;
	_ =	strace $0x9FFFFFFF  }
0xc2: {  	(tm) =	ssettm $0x7FFFFFFF  }
0xc3: {  	_ =	shalt  }
tec
execute0_lowered:
.L_overlay_start_1:
0x0: {  	(tag) =	ssettag $0x1  }
0x1: {  	s0 =	rddreg [dreg:$0x0]  }
0x2: {  	s2 =	rddreg [dreg:$0x1]  }
0x3: {  	s11 =	stileid.u32;
	s1 =	srdreg.scid;
	s3 =	simm.s32 $0x0  }
0x4: {  	s14 =	simm.s32 $0x5;
	s15 =	simm.s32 $0x3C00;
	s16 =	simm.s32 $0x40  }
0x5: {  	s17 =	simm.s32 $0x7800;
	s18 =	simm.s32 $0x9800;
	s19 =	simm.s32 $0x1  }
0x6: {  	s20 =	simm.s32 $0x3;
	s28 =	simm.s32 $0x4FC0;
	s29 =	simm.s32 $0x3BC0  }
0x7: {  	s30 =	simm.s32 $0x7780;
	s31 =	simm.s32 $0x77C0;
	s5 =	smul.u32 $0x14000, s11  }
0x8: {  	s1 =	sand.u32 $0x1, s1;
	[smem:$0x7FF] =	sst s3;
	s8 =	smul.u32 $0x50000, s11  }
0x9: {  	s4 =	sadd.s32 $0x53C00, s0;
	s9 =	sadd.s32 $0xDC00, s0;
	s24 =	smul.u32 $0x1400, s11  }
0xa: {  	s10 =	sadd.s32 $0x3C00, s0;
	s25 =	sshll.u32 s11, $0x6;
	s11 =	smul.u32 $0x780, s11  }
0xb: {  	s6 =	smul.u32 $0x140000, s1;
	_ =	strace $0x8000004D;
	s21 =	ssub.s32 $0x2, s1  }
0xc: {  	p0 =	seq.s32 s1, $0x1;
	s7 =	sshrl.u32 s5, $0x3;
	s22 =	sshrl.u32 s21, $0x1  }
0xd: {  	s23 =	sshrl.u32 s8, $0x2;
	s8 =	sshrl.u32 s24, $0x3;
	s24 =	simm.s32 $0x4  }
0xe: {  	s5 =	sadd.s32 s5, s6;
	s7 =	sadd.s32 s7, s0;
	s12 =	ssub.s32 s21, s22  }
0xf: {  	s13 =	sadd.s32 s23, s2;
	s6 =	sor.u32 $0x1C05, s25;
	s26 =	sadd.s32 $0x7800, s8  }
.Ltmp0:
0x10: {  	s8 =	sadd.s32 s10, s11;
	s21 =	simm.s32 $0x80;
	(pc) =	sbr.rel .LBB2_1-.Ltmp0, $4  }
0x11: {  	s22 =	simm.s32 $0x2;
	s23 =	simm.s32 $0x3C40;
	s5 =	sshrl.u32 s5, $0x3  }
0x12: {  	s10 =	sadd.s32 s10, s26;
	s12 =	smax.u32 s12, $0x1;
	s13 =	sshrl.u32 s13, $0x3  }
0x13: {  	s0 =	sadd.s32 s5, s0;
	s5 =	sadd.s32 $0x2BC00, s7;
	s7 =	sadd.s32 s9, s11  }
0x14: {  	s9 =	sadd.s32 s9, s26;
	s11 =	sadd.s32 $0xA3C00, s0;
	s0 =	simm.s32 $0x0  }
.LBB2_7:
0x15: {  	[spmem:s2] =	stream.indirect.scatter.add.f32 [tilespmem:s18], [sflag:$0x4], $0x80, s25, s16, $0xb8;
	[tilespmem:$0x1F800] =	vst v63  }
0x16: {  	_ =	swait.ge [sflag:s24], $0x2000  }
0x17: {  	[sflag:s24] =	ssyncset.done $0x0  }
0x18: {  	s1 =	simm.s32 $0x13C0;
	[sflag:s24] =	ssyncadd.s32 $0xFFFFE000  }
0x19: {  	[tilespmem:s18], [sflag:$0x2] =	stream.indirect.gather [hbm4b:s4+s16], $0x80, s1, s16, $0xb8;
	[tilespmem:$0x1F800] =	vst v63  }
0x1a: {  	_ =	swait.ge [sflag:s19], $0x2000  }
0x1b: {  	[sflag:s19] =	ssyncset.done $0x0  }
0x1c: {  	s26 =	simm.s32 $0x4F80;
	[sflag:s19] =	ssyncadd.s32 $0xFFFFE000  }
0x1d: {  	[spmem:s2] =	stream.indirect.scatter.add.f32 [tilespmem:s17], [sflag:$0x3], $0x80, s26, s16, $0xb8;
	[tilespmem:$0x1F800] =	vst v63  }
0x1e: {  	_ =	swait.ge [sflag:s20], $0x2000  }
0x1f: {  	[sflag:s20] =	ssyncset.done $0x0  }
0x20: {  	[sflag:s20] =	ssyncadd.s32 $0xFFFFE000  }
0x21: {  	_ =	swait.ge [sflag:s22], $0x2000  }
0x22: {  	[sflag:s22] =	ssyncset.done $0x0  }
0x23: {  	[sflag:s22] =	ssyncadd.s32 $0xFFFFE000  }
0x24: {  	[spmem:s2] =	stream.indirect.scatter.add.f32 [tilespmem:s18], [sflag:$0x4], $0x80, s28, s16, $0xb8;
	[tilespmem:$0x1F800] =	vst v63  }
.LBB2_8:
0x25: {  	_ =	swait.ge [sflag:s24], $0x2000  }
0x26: {  	s0 =	sadd.s32 $0x1, s0;
	[sflag:s24] =	ssyncset.done $0x0  }
0x27: {  	p1 =	sne.s32 s0, s12;
	[sflag:s24] =	ssyncadd.s32 $0xFFFFE000  }
.Ltmp1:
0x28: {  	[bflag:$0x0] =	sbarrier.arrive $0xFFFF;
	(pc) =	sbr.rel @!p1 .LBB2_9-.Ltmp1, $4  }
0x29: {  	[hbm:s11], [sflag:s6] =	dma.local [spmem:s13], $0x2800  }
0x2a: {  	_ =	swait.ge [sflag:s14], $0x2800  }
0x2b: {  	[sflag:s14] =	ssyncset.done $0x0  }
0x2c: {  	[sflag:s14] =	ssyncadd.s32 $0xFFFFD800  }
.LBB2_1:
.Ltmp2:
0x2d: {  	(pc) =	sbr.rel @!p0 .LBB2_2-.Ltmp2, $4  }
0x2e: {  	[spmem:s13], [sflag:s6] =	dma.local [hbm:s5], $0x2800  }
0x2f: {  	_ =	swait.ge [sflag:s14], $0x2800  }
0x30: {  	[sflag:s14] =	ssyncset.done $0x0  }
0x31: {  	[sflag:s14] =	ssyncadd.s32 $0xFFFFD800  }
0x32: {  	[tilespmem:s3], [sflag:$0x5] =	stream.linear.gather [hbm4b:s9+s3], $0x1400, $0x38;
	[tilespmem:$0x1F800] =	vst v63  }
0x33: {  	_ =	swait.ge [sflag:s14], $0x1400  }
0x34: {  	[sflag:s14] =	ssyncset.done $0x0  }
0x35: {  	[sflag:s14] =	ssyncadd.s32 $0xFFFFEC00  }
0x36: {  	[tilespmem:s15], [sflag:$0x5] =	stream.linear.gather [hbm4b:s10+s3], $0x1400, $0x38;
	[tilespmem:$0x1F800] =	vst v63  }
0x37: {  	_ =	swait.ge [sflag:s14], $0x1400  }
0x38: {  	[sflag:s14] =	ssyncset.done $0x0  }
0x39: {  	[sflag:s14] =	ssyncadd.s32 $0xFFFFEC00  }
0x3a: {  	[tilespmem:s17], [sflag:$0x1] =	stream.indirect.gather [hbm4b:s4+s16], $0x80, s3, s16, $0xb8;
	[tilespmem:$0x1F800] =	vst v63  }
0x3b: {  	_ = 	snop  }
0x3c: {  	[tilespmem:s18], [sflag:$0x2] =	stream.indirect.gather [hbm4b:s4+s16], $0x80, s16, s16, $0xb8;
	[tilespmem:$0x1F800] =	vst v63  }
0x3d: {  	_ =	swait.ge [sflag:s19], $0x2000  }
0x3e: {  	[sflag:s19] =	ssyncset.done $0x0  }
0x3f: {  	[sflag:s19] =	ssyncadd.s32 $0xFFFFE000  }
0x40: {  	[spmem:s2] =	stream.indirect.scatter.add.f32 [tilespmem:s17], [sflag:$0x3], $0x80, s15, s16, $0xb8;
	[tilespmem:$0x1F800] =	vst v63  }
0x41: {  	_ =	swait.ge [sflag:s20], $0x2000  }
0x42: {  	[sflag:s20] =	ssyncset.done $0x0  }
0x43: {  	[sflag:s20] =	ssyncadd.s32 $0xFFFFE000  }
0x44: {  	[tilespmem:s17], [sflag:$0x1] =	stream.indirect.gather [hbm4b:s4+s16], $0x80, s21, s16, $0xb8;
	[tilespmem:$0x1F800] =	vst v63  }
0x45: {  	_ =	swait.ge [sflag:s22], $0x2000  }
0x46: {  	[sflag:s22] =	ssyncset.done $0x0  }
0x47: {  	[sflag:s22] =	ssyncadd.s32 $0xFFFFE000  }
0x48: {  	[spmem:s2] =	stream.indirect.scatter.add.f32 [tilespmem:s18], [sflag:$0x4], $0x80, s23, s16, $0xb8;
	[tilespmem:$0x1F800] =	vst v63  }
0x49: {  	_ =	swait.ge [sflag:s24], $0x2000  }
0x4a: {  	[sflag:s24] =	ssyncset.done $0x0  }
0x4b: {  	s1 =	simm.s32 $0xC0;
	[sflag:s24] =	ssyncadd.s32 $0xFFFFE000  }
0x4c: {  	[tilespmem:s18], [sflag:$0x2] =	stream.indirect.gather [hbm4b:s4+s16], $0x80, s1, s16, $0xb8;
	[tilespmem:$0x1F800] =	vst v63  }
0x4d: {  	_ =	swait.ge [sflag:s19], $0x2000  }
0x4e: {  	[sflag:s19] =	ssyncset.done $0x0  }
0x4f: {  	s25 =	simm.s32 $0x3C80;
	[sflag:s19] =	ssyncadd.s32 $0xFFFFE000  }
0x50: {  	[spmem:s2] =	stream.indirect.scatter.add.f32 [tilespmem:s17], [sflag:$0x3], $0x80, s25, s16, $0xb8;
	[tilespmem:$0x1F800] =	vst v63  }
0x51: {  	_ =	swait.ge [sflag:s20], $0x2000  }
0x52: {  	[sflag:s20] =	ssyncset.done $0x0  }
0x53: {  	s26 =	simm.s32 $0x100;
	[sflag:s20] =	ssyncadd.s32 $0xFFFFE000  }
0x54: {  	[tilespmem:s17], [sflag:$0x1] =	stream.indirect.gather [hbm4b:s4+s16], $0x80, s26, s16, $0xb8;
	[tilespmem:$0x1F800] =	vst v63  }
0x55: {  	_ =	swait.ge [sflag:s22], $0x2000  }
0x56: {  	[sflag:s22] =	ssyncset.done $0x0  }
0x57: {  	s1 =	simm.s32 $0xFFFFB600;
	s25 =	simm.s32 $0x3CC0;
	[sflag:s22] =	ssyncadd.s32 $0xFFFFE000  }
.LBB2_6:
0x58: {  	[spmem:s2] =	stream.indirect.scatter.add.f32 [tilespmem:s18], [sflag:$0x4], $0x80, s25, s16, $0xb8;
	[tilespmem:$0x1F800] =	vst v63  }
0x59: {  	s25 =	smov.u32 s1  }
0x5a: {  	p1 =	sne.s32 s1, $0xFFFFFE00;
	s1 =	sadd.s32 $0x200, s1;
	_ =	swait.ge [sflag:s24], $0x2000  }
0x5b: {  	s25 =	sshra.s32 s25, $0x2;
	[sflag:s24] =	ssyncset.done $0x0  }
0x5c: {  	s26 =	sadd.s32 $0x13C0, s25;
	[sflag:s24] =	ssyncadd.s32 $0xFFFFE000  }
0x5d: {  	[tilespmem:s18], [sflag:$0x2] =	stream.indirect.gather [hbm4b:s4+s16], $0x80, s26, s16, $0xb8;
	[tilespmem:$0x1F800] =	vst v63  }
0x5e: {  	_ =	swait.ge [sflag:s19], $0x2000  }
0x5f: {  	[sflag:s19] =	ssyncset.done $0x0  }
0x60: {  	s26 =	sadd.s32 $0x4F80, s25;
	[sflag:s19] =	ssyncadd.s32 $0xFFFFE000  }
0x61: {  	[spmem:s2] =	stream.indirect.scatter.add.f32 [tilespmem:s17], [sflag:$0x3], $0x80, s26, s16, $0xb8;
	[tilespmem:$0x1F800] =	vst v63  }
0x62: {  	_ =	swait.ge [sflag:s20], $0x2000  }
0x63: {  	[sflag:s20] =	ssyncset.done $0x0  }
.Ltmp3:
0x64: {  	s26 =	sadd.s32 $0x1400, s25;
	[sflag:s20] =	ssyncadd.s32 $0xFFFFE000;
	(pc) =	sbr.rel @p1 .LBB2_6-.Ltmp3, $4  }
0x65: {  	[tilespmem:s17], [sflag:$0x1] =	stream.indirect.gather [hbm4b:s4+s16], $0x80, s26, s16, $0xb8;
	[tilespmem:$0x1F800] =	vst v63  }
0x66: {  	_ =	swait.ge [sflag:s22], $0x2000  }
0x67: {  	[sflag:s22] =	ssyncset.done $0x0  }
0x68: {  	s25 =	sadd.s32 $0x4FC0, s25;
	[sflag:s22] =	ssyncadd.s32 $0xFFFFE000  }
.Ltmp4:
0x69: {  	_ = 	snop;
	(pc) =	sbr.rel .LBB2_7-.Ltmp4, $1  }
0x6a: {  	_ =	sdelay $0x3  }
.LBB2_2:
0x6b: {  	[tilespmem:s3], [sflag:$0x5] =	stream.linear.gather [hbm4b:s7+s3], $0x3C00, $0x38;
	[tilespmem:$0x1F800] =	vst v63  }
0x6c: {  	_ =	swait.ge [sflag:s14], $0x3C00  }
0x6d: {  	[sflag:s14] =	ssyncset.done $0x0  }
0x6e: {  	[sflag:s14] =	ssyncadd.s32 $0xFFFFC400  }
0x6f: {  	[tilespmem:s15], [sflag:$0x5] =	stream.linear.gather [hbm4b:s8+s3], $0x3C00, $0x38;
	[tilespmem:$0x1F800] =	vst v63  }
0x70: {  	_ =	swait.ge [sflag:s14], $0x3C00  }
0x71: {  	[sflag:s14] =	ssyncset.done $0x0  }
0x72: {  	[sflag:s14] =	ssyncadd.s32 $0xFFFFC400  }
0x73: {  	[tilespmem:s17], [sflag:$0x1] =	stream.indirect.gather [hbm4b:s4+s16], $0x80, s3, s16, $0xb8;
	[tilespmem:$0x1F800] =	vst v63  }
0x74: {  	_ = 	snop  }
0x75: {  	[tilespmem:s18], [sflag:$0x2] =	stream.indirect.gather [hbm4b:s4+s16], $0x80, s16, s16, $0xb8;
	[tilespmem:$0x1F800] =	vst v63  }
0x76: {  	_ =	swait.ge [sflag:s19], $0x2000  }
0x77: {  	[sflag:s19] =	ssyncset.done $0x0  }
0x78: {  	[sflag:s19] =	ssyncadd.s32 $0xFFFFE000  }
0x79: {  	[spmem:s2] =	stream.indirect.scatter.add.f32 [tilespmem:s17], [sflag:$0x3], $0x80, s15, s16, $0xb8;
	[tilespmem:$0x1F800] =	vst v63  }
0x7a: {  	_ =	swait.ge [sflag:s20], $0x2000  }
0x7b: {  	[sflag:s20] =	ssyncset.done $0x0  }
0x7c: {  	[sflag:s20] =	ssyncadd.s32 $0xFFFFE000  }
0x7d: {  	[tilespmem:s17], [sflag:$0x1] =	stream.indirect.gather [hbm4b:s4+s16], $0x80, s21, s16, $0xb8;
	[tilespmem:$0x1F800] =	vst v63  }
0x7e: {  	_ =	swait.ge [sflag:s22], $0x2000  }
0x7f: {  	[sflag:s22] =	ssyncset.done $0x0  }
0x80: {  	[sflag:s22] =	ssyncadd.s32 $0xFFFFE000  }
0x81: {  	[spmem:s2] =	stream.indirect.scatter.add.f32 [tilespmem:s18], [sflag:$0x4], $0x80, s23, s16, $0xb8;
	[tilespmem:$0x1F800] =	vst v63  }
0x82: {  	_ =	swait.ge [sflag:s24], $0x2000  }
0x83: {  	[sflag:s24] =	ssyncset.done $0x0  }
0x84: {  	s1 =	simm.s32 $0xC0;
	[sflag:s24] =	ssyncadd.s32 $0xFFFFE000  }
0x85: {  	[tilespmem:s18], [sflag:$0x2] =	stream.indirect.gather [hbm4b:s4+s16], $0x80, s1, s16, $0xb8;
	[tilespmem:$0x1F800] =	vst v63  }
0x86: {  	_ =	swait.ge [sflag:s19], $0x2000  }
0x87: {  	[sflag:s19] =	ssyncset.done $0x0  }
0x88: {  	s25 =	simm.s32 $0x3C80;
	[sflag:s19] =	ssyncadd.s32 $0xFFFFE000  }
0x89: {  	[spmem:s2] =	stream.indirect.scatter.add.f32 [tilespmem:s17], [sflag:$0x3], $0x80, s25, s16, $0xb8;
	[tilespmem:$0x1F800] =	vst v63  }
0x8a: {  	_ =	swait.ge [sflag:s20], $0x2000  }
0x8b: {  	[sflag:s20] =	ssyncset.done $0x0  }
0x8c: {  	s26 =	simm.s32 $0x100;
	[sflag:s20] =	ssyncadd.s32 $0xFFFFE000  }
0x8d: {  	[tilespmem:s17], [sflag:$0x1] =	stream.indirect.gather [hbm4b:s4+s16], $0x80, s26, s16, $0xb8;
	[tilespmem:$0x1F800] =	vst v63  }
0x8e: {  	_ =	swait.ge [sflag:s22], $0x2000  }
0x8f: {  	[sflag:s22] =	ssyncset.done $0x0  }
0x90: {  	s1 =	simm.s32 $0xFFFF1600;
	s25 =	simm.s32 $0x3CC0;
	[sflag:s22] =	ssyncadd.s32 $0xFFFFE000  }
.LBB2_3:
0x91: {  	[spmem:s2] =	stream.indirect.scatter.add.f32 [tilespmem:s18], [sflag:$0x4], $0x80, s25, s16, $0xb8;
	[tilespmem:$0x1F800] =	vst v63  }
0x92: {  	s25 =	smov.u32 s1  }
0x93: {  	p1 =	seq.s32 s1, $0xFFFFFE00;
	s1 =	sadd.s32 $0x200, s1;
	_ =	swait.ge [sflag:s24], $0x2000  }
0x94: {  	s25 =	sshra.s32 s25, $0x2;
	[sflag:s24] =	ssyncset.done $0x0  }
0x95: {  	s26 =	sadd.s32 $0x3BC0, s25;
	[sflag:s24] =	ssyncadd.s32 $0xFFFFE000  }
0x96: {  	[tilespmem:s18], [sflag:$0x2] =	stream.indirect.gather [hbm4b:s4+s16], $0x80, s26, s16, $0xb8;
	[tilespmem:$0x1F800] =	vst v63  }
0x97: {  	_ =	swait.ge [sflag:s19], $0x2000  }
0x98: {  	[sflag:s19] =	ssyncset.done $0x0  }
0x99: {  	s26 =	sadd.s32 $0x7780, s25;
	[sflag:s19] =	ssyncadd.s32 $0xFFFFE000  }
0x9a: {  	[spmem:s2] =	stream.indirect.scatter.add.f32 [tilespmem:s17], [sflag:$0x3], $0x80, s26, s16, $0xb8;
	[tilespmem:$0x1F800] =	vst v63  }
0x9b: {  	_ =	swait.ge [sflag:s20], $0x2000  }
0x9c: {  	[sflag:s20] =	ssyncset.done $0x0  }
.Ltmp5:
0x9d: {  	s26 =	sadd.s32 $0x3C00, s25;
	[sflag:s20] =	ssyncadd.s32 $0xFFFFE000;
	(pc) =	sbr.rel @!p1 .LBB2_3-.Ltmp5, $4  }
0x9e: {  	[tilespmem:s17], [sflag:$0x1] =	stream.indirect.gather [hbm4b:s4+s16], $0x80, s26, s16, $0xb8;
	[tilespmem:$0x1F800] =	vst v63  }
0x9f: {  	_ =	swait.ge [sflag:s22], $0x2000  }
0xa0: {  	[sflag:s22] =	ssyncset.done $0x0  }
0xa1: {  	s25 =	sadd.s32 $0x77C0, s25;
	[sflag:s22] =	ssyncadd.s32 $0xFFFFE000  }
0xa2: {  	[spmem:s2] =	stream.indirect.scatter.add.f32 [tilespmem:s18], [sflag:$0x4], $0x80, s25, s16, $0xb8;
	[tilespmem:$0x1F800] =	vst v63  }
0xa3: {  	_ =	swait.ge [sflag:s24], $0x2000  }
0xa4: {  	[sflag:s24] =	ssyncset.done $0x0  }
0xa5: {  	[sflag:s24] =	ssyncadd.s32 $0xFFFFE000  }
0xa6: {  	[tilespmem:s18], [sflag:$0x2] =	stream.indirect.gather [hbm4b:s4+s16], $0x80, s29, s16, $0xb8;
	[tilespmem:$0x1F800] =	vst v63  }
0xa7: {  	_ =	swait.ge [sflag:s19], $0x2000  }
0xa8: {  	[sflag:s19] =	ssyncset.done $0x0  }
0xa9: {  	[sflag:s19] =	ssyncadd.s32 $0xFFFFE000  }
0xaa: {  	[spmem:s2] =	stream.indirect.scatter.add.f32 [tilespmem:s17], [sflag:$0x3], $0x80, s30, s16, $0xb8;
	[tilespmem:$0x1F800] =	vst v63  }
0xab: {  	_ =	swait.ge [sflag:s20], $0x2000  }
0xac: {  	[sflag:s20] =	ssyncset.done $0x0  }
.Ltmp6:
0xad: {  	[sflag:s20] =	ssyncadd.s32 $0xFFFFE000;
	(pc) =	sbr.rel .LBB2_8-.Ltmp6, $4  }
0xae: {  	_ =	swait.ge [sflag:s22], $0x2000  }
0xaf: {  	[sflag:s22] =	ssyncset.done $0x0  }
0xb0: {  	[sflag:s22] =	ssyncadd.s32 $0xFFFFE000  }
0xb1: {  	[spmem:s2] =	stream.indirect.scatter.add.f32 [tilespmem:s18], [sflag:$0x4], $0x80, s31, s16, $0xb8;
	[tilespmem:$0x1F800] =	vst v63  }
.LBB2_9:
0xb2: {  	_ =	sfence.sel $0x180000  }
0xb3: {  	[bflag:$0x0] =	sbarrier.arrive $0xFFFF  }
0xb4: {  	_ =	strace $0x9000004D  }
0xb5: {  	s0 =	stileid.u32;
	[bflag:$0x2] =	sbarrier.arrive $0xFFFF  }
0xb6: {  	p0 =	sne.s32 s0, $0x0;
	s0 =	rddreg [dreg:$0x2]  }
0xb7: {  	s0 =	sadd.s32 @!p0 $0x100000, s0  }
0xb8: {  	[sflag:s0] =	ssyncadd.tile.s32 @!p0 $0x1;
	_ =	shalt  }
.Lfunc_end2:
_tile_overlayer_lowered:
.L_overlay_start_2:
0xb9: {  	(tag) =	ssettag $0x2  }
0xba: {  	s0 =	rddreg [dreg:$0x0];
	s2 =	stileid.u32  }
0xbb: {  	s1 =	rddreg [dreg:$0x1];
	p0 =	sne.s32 s2, $0x0  }
0xbc: {  	s3 =	rddreg [dreg:$0x2];
	[bflag:$0x3] =	sbarrier.arrive $0xFFFF;
	s2 =	simm.s32 @!p0 $0x1C05  }
0xbd: {  	[timem:s3], [sflag:s2] =	dma.local @!p0 [hbm:s0], s1  }
0xbe: {  	s0 =	simm.s32 @!p0 $0x5  }
0xbf: {  	_ =	swait.ge @!p0 [sflag:s0], s1  }
0xc0: {  	s1 =	ssub.s32 @!p0 $0x0, s1;
	[sflag:s0] =	ssyncset.done @!p0 $0x0  }
0xc1: {  	[sflag:s0] =	ssyncadd.s32 @!p0 s1  }
0xc2: {  	[bflag:$0x3] =	sbarrier.arrive $0xFFFF  }
0xc3: {  	_ =	shalt  }

// kernel: kernel.19.cloned.1.call-start
scs
__scs_entry_jumppad:
0x0: {  	(pc) =	sbr.rel $0x88, $3  }
0x1: {  	(tag) =	ssettag $0x0;
	lr =	simm.s32 $0x1  }
0x2: {  	[smem:$0x3F91] =	sst lr;
	_ =	strace $0xD0000000  }
0x3: {  	_ = 	snop  }
0x4: {  	_ = 	snop  }
0x5: {  	_ = 	snop  }
0x6: {  	_ = 	snop  }
0x7: {  	_ = 	snop  }
__scs_overlays_trampoline_lowered:
0x8: {  	[smem:$0x3FA0] =	sst s0  }
0x9: {  	[smem:$0x3FA1] =	sst s1  }
0xa: {  	[smem:$0x3FA2] =	sst s2  }
0xb: {  	[smem:$0x3FA3] =	sst s3  }
0xc: {  	[smem:$0x3FA4] =	sst s4  }
0xd: {  	[smem:$0x3FA5] =	sst s5  }
0xe: {  	[smem:$0x3FA6] =	sst s6  }
0xf: {  	[smem:$0x3FA7] =	sst s7  }
0x10: {  	[smem:$0x3FA8] =	sst s8  }
0x11: {  	[smem:$0x3FA9] =	sst s9;
	s0 =	simm.s32 @!p0 $0x0  }
0x12: {  	s1 =	sld [smem:$0x3F8F];
	s0 =	simm.s32 @p0 $0x1  }
0x13: {  	[smem:$0x3FAA] =	sst s0;
	s0 =	simm.s32 @!p1 $0x0  }
0x14: {  	s2 =	sld [smem:$0x3F8E];
	s0 =	simm.s32 @p1 $0x1  }
0x15: {  	[smem:$0x3FAB] =	sst s0;
	s0 =	simm.s32 @!p2 $0x0  }
0x16: {  	s3 =	sld [smem:$0x3FDB];
	s0 =	simm.s32 @p2 $0x1  }
0x17: {  	s4 =	simm.s32 $0x1BF5;
	[smem:$0x3FAD] =	sst s0  }
0x18: {  	s0 =	sld [smem:$0x3F90];
	_ =	swait.ge [sflag:s4], $0x0  }
0x19: {  	s7 =	sld [smem:$0x3F91]  }
0x1a: {  	s8 =	sadd.s32 $0xFFFFE003, lr  }
0x1b: {  	s9 =	sadd.s32 $0xFFFFFEF7, lr;
	s5 =	simm.s32 $0xFFFFFFFF;
	p2 =	slt.u32 s8, $0xFFFFF086  }
0x1c: {  	p1 =	slt.u32 s9, $0xF7A;
	s5 =	simm.s32 @!p2 $0x0  }
0x1d: {  	s5 =	simm.s32 @p1 $0x1;
	p0 =	seq.s32 s7, s2  }
0x1e: {  	s7 =	smul.u32 @!p0 $0xF7A, s2;
	p2 =	seq.s32 @!p0 s5, $0x0  }
0x1f: {  	s9 =	smul.u32 $0xF7A, s1;
	s8 =	simm.s32 @!p0 $0x1BF5;
	p2 =	por !p2, p0  }
0x20: {  	[sflag:s8] =	ssyncset.s32 @!p0 $0xFFFFF086;
	s6 =	sadd.s32 @!p0 s3, s7;
	s7 =	simm.s32 @!p0 $0x108  }
0x21: {  	s3 =	sadd.s32 s3, s9;
	s6 =	sadd.s32 @!p0 $0x88, s6;
	s7 =	simm.s32 @p2 $0x1082  }
0x22: {  	[simem:s7], [sflag:s8] =	dma.local @!p0 [hbm:s6], $0xF7A  }
0x23: {  	s9 =	sor.u32 $0xD0000000, s2;
	s6 =	simm.s32 $0x108;
	_ =	swait.ge @!p0 [sflag:s8], $0x0  }
0x24: {  	s3 =	sadd.s32 $0x88, s3;
	s6 =	simm.s32 @!p1 $0x1082;
	[sflag:s4] =	ssyncset.s32 $0xFFFFF086  }
0x25: {  	[simem:s6], [sflag:s4] =	dma.local [hbm:s3], $0xF7A  }
0x26: {  	[smem:$0x3F91] =	sst s1;
	(tag) =	ssettag s2;
	_ =	strace s9  }
0x27: {  	s1 =	sld [smem:$0x3FA1]  }
0x28: {  	s2 =	sld [smem:$0x3FA2]  }
0x29: {  	s4 =	sld [smem:$0x3FA4]  }
0x2a: {  	p0 =	seq.s32 s5, $0x0;
	s5 =	sld [smem:$0x3FA5]  }
0x2b: {  	s6 =	sld [smem:$0x3FA6]  }
0x2c: {  	s7 =	sld [smem:$0x3FA7]  }
0x2d: {  	s3 =	simm.s32 $0x108;
	s8 =	sld [smem:$0x3FA8]  }
0x2e: {  	s3 =	simm.s32 @!p0 $0x1082;
	s9 =	sld [smem:$0x3FA9]  }
0x2f: {  	lr =	sadd.s32 s0, s3;
	s0 =	sld [smem:$0x3FA0]  }
0x30: {  	s3 =	sld [smem:$0x3FA3]  }
0x31: {  	[smem:$0x3FAC] =	sst s10  }
0x32: {  	s10 =	sld [smem:$0x3FAA];
	_ =	sdelay $0x3  }
0x33: {  	p0 =	seq.s32 s10, $0x1;
	s10 =	sld [smem:$0x3FAC];
	_ =	sdelay $0x3  }
0x34: {  	[smem:$0x3FAC] =	sst s10  }
0x35: {  	s10 =	sld [smem:$0x3FAB];
	_ =	sdelay $0x3  }
0x36: {  	p1 =	seq.s32 s10, $0x1;
	s10 =	sld [smem:$0x3FAC];
	_ =	sdelay $0x3  }
0x37: {  	[smem:$0x3FAC] =	sst s10  }
0x38: {  	s10 =	sld [smem:$0x3FAD]  }
0x39: {  	_ = 	snop;
	(pc) =	sbr.ind lr, $3  }
0x3a: {  	_ = 	snop  }
0x3b: {  	_ = 	snop  }
0x3c: {  	p2 =	seq.s32 s10, $0x1;
	s10 =	sld [smem:$0x3FAC]  }
0x3d: {  	_ =	shalt  }
0x3e: {  	_ =	shalt  }
0x3f: {  	_ =	shalt  }
0x40: {  	_ =	shalt  }
0x41: {  	_ =	shalt  }
0x42: {  	_ =	shalt  }
0x43: {  	_ =	shalt  }
0x44: {  	_ =	shalt  }
0x45: {  	_ =	shalt  }
0x46: {  	_ =	shalt  }
0x47: {  	_ =	shalt  }
0x48: {  	_ =	shalt  }
0x49: {  	_ =	shalt  }
0x4a: {  	_ =	shalt  }
0x4b: {  	_ =	shalt  }
0x4c: {  	_ =	shalt  }
0x4d: {  	_ =	shalt  }
0x4e: {  	_ =	shalt  }
0x4f: {  	_ =	shalt  }
0x50: {  	_ =	shalt  }
0x51: {  	_ =	shalt  }
0x52: {  	_ =	shalt  }
0x53: {  	_ =	shalt  }
0x54: {  	_ =	shalt  }
0x55: {  	_ =	shalt  }
0x56: {  	_ =	shalt  }
0x57: {  	_ =	shalt  }
0x58: {  	_ =	shalt  }
0x59: {  	_ =	shalt  }
0x5a: {  	_ =	shalt  }
0x5b: {  	_ =	shalt  }
0x5c: {  	_ =	shalt  }
0x5d: {  	_ =	shalt  }
0x5e: {  	_ =	shalt  }
0x5f: {  	_ =	shalt  }
0x60: {  	_ =	shalt  }
0x61: {  	_ =	shalt  }
0x62: {  	_ =	shalt  }
0x63: {  	_ =	shalt  }
0x64: {  	_ =	shalt  }
0x65: {  	_ =	shalt  }
0x66: {  	_ =	shalt  }
0x67: {  	_ =	shalt  }
0x68: {  	_ =	shalt  }
0x69: {  	_ =	shalt  }
0x6a: {  	_ =	shalt  }
0x6b: {  	_ =	shalt  }
0x6c: {  	_ =	shalt  }
0x6d: {  	_ =	shalt  }
0x6e: {  	_ =	shalt  }
0x6f: {  	_ =	shalt  }
0x70: {  	_ =	shalt  }
0x71: {  	_ =	shalt  }
0x72: {  	_ =	shalt  }
0x73: {  	_ =	shalt  }
0x74: {  	_ =	shalt  }
0x75: {  	_ =	shalt  }
0x76: {  	_ =	shalt  }
0x77: {  	_ =	shalt  }
0x78: {  	_ =	shalt  }
0x79: {  	_ =	shalt  }
0x7a: {  	_ =	shalt  }
0x7b: {  	_ =	shalt  }
0x7c: {  	_ =	shalt  }
0x7d: {  	_ =	shalt  }
0x7e: {  	_ =	shalt  }
0x7f: {  	_ =	shalt  }
0x80: {  	_ =	shalt  }
0x81: {  	_ =	shalt  }
0x82: {  	_ =	shalt  }
0x83: {  	_ =	shalt  }
0x84: {  	_ =	shalt  }
0x85: {  	_ =	shalt  }
0x86: {  	_ =	shalt  }
0x87: {  	_ =	shalt  }
.Lfunc_end0:
.L_simem_size_0:
called_computation.3_lowered:
.L_overlay_start_0:
0x88: {  	s2 =	sld [smem:$0x3FD9]  }
0x89: {  	s3 =	sld [smem:$0x3FFE];
	_ =	sdelay $0x1  }
0x8a: {  	s1 =	srdreg.scid  }
0x8b: {  	s0 =	sand.u32 $0x1, s1  }
0x8c: {  	s16 =	sshll.u32 s0, $0xA;
	s2 =	sadd.s32 s3, s2  }
0x8d: {  	s2 =	sadd.s32 s2, s16  }
0x8e: {  	[smem:$0x3FB8] =	sst s2  }
0x8f: {  	_ = 	snop  }
0x90: {  	(tm) =	ssettm $0x1  }
0x91: {  	s17 =	sld [smem:$0x3FFB];
	_ =	sdelay $0x3  }
0x92: {  	_ =	strace s17  }
0x93: {  	s2 =	sld [smem:$0x3FFC];
	_ =	sdelay $0x3  }
0x94: {  	_ =	strace s2  }
0x95: {  	s2 =	sld [smem:$0x3FFD];
	_ =	sdelay $0x3  }
0x96: {  	_ =	strace s2  }
0x97: {  	_ =	strace $0x8FFFFFFF  }
0x98: {  	s18 =	sld [smem:$0x3FDB];
	_ =	sdelay $0x1  }
0x99: {  	s19 =	simm.s32 $_scs_section_size  }
0x9a: {  	s4 =	simm.s32 $_size__tile_overlayer_lowered;
	s5 =	simm.s32 $_tile_overlayer_lowered  }
0x9b: {  	s22 =	simm.s32 $0x1BFF;
	s21 =	sshll.u32 s5, $0x1;
	s2 =	sadd.s32 s19, s18  }
0x9c: {  	s6 =	simm.s32 $0x0;
	s20 =	sshll.u32 s4, $0x1;
	s4 =	sadd.s32 s21, s2  }
0x9d: {  	[timem:s6], [sflag:s22] =	dma.local [hbm:s4], s20  }
0x9e: {  	_ =	swait.ge [sflag:s22], s20  }
0x9f: {  	s3 =	ssub.s32 $0x0, s20;
	[sflag:s22] =	ssyncset.done $0x0  }
0xa0: {  	[sflag:s22] =	ssyncadd.s32 s3;
	_ =	sdelay $0x1  }
0xa1: {  	s23 =	simm.s32 $0x1B8B  }
0xa2: {  	_ =	swait.ge [sflag:s23], $0x1  }
0xa3: {  	[sflag:s23] =	ssyncset.done $0x0  }
0xa4: {  	s25 =	simm.s32 $0x1B8E;
	s24 =	sld [smem:$0x3FFE];
	[sflag:s23] =	ssyncadd.s32 $0xFFFFFFFF  }
0xa5: {  	s26 =	simm.s32 $execute0_lowered;
	[smem:$0x3FD2] =	sst s25  }
0xa6: {  	s4 =	sshll.u32 s26, $0x1;
	_ =	strace $0x8000004F;
	[dreg:$0x1] =	wrdreg $0xFFFFFFFF  }
0xa7: {  	s28 =	simm.s32 $_size_execute0_lowered;
	s2 =	sadd.s32 s2, s4;
	[dreg:$0x0] =	wrdreg $0x0  }
0xa8: {  	s4 =	sshll.u32 s28, $0x1;
	[dreg:$0x2] =	wrdreg s2  }
0xa9: {  	[dreg:$0x3] =	wrdreg s4  }
0xaa: {  	[dreg:$0x4] =	wrdreg $0xC0  }
0xab: {  	_ =	task [dreg:s6], $0x5FFFF  }
0xac: {  	[dreg:$0x1] =	wrdreg $0xFFFFFFFF  }
0xad: {  	[dreg:$0x0] =	wrdreg $0x60  }
0xae: {  	[dreg:$0x2] =	wrdreg s24  }
0xaf: {  	[dreg:$0x3] =	wrdreg $0xB8000  }
0xb0: {  	[dreg:$0x4] =	wrdreg $0x9  }
0xb1: {  	_ =	task.clear_ibuf [dreg:s6], $0x5FFFF;
	_ =	strace $0x9000004F  }
0xb2: {  	s29 =	simm.s32 $0x9;
	_ =	strace $0x80000051  }
0xb3: {  	_ =	swait.ge [sflag:s29], $0x1  }
0xb4: {  	[sflag:s29] =	ssyncadd.s32 $0xFFFFFFFF  }
0xb5: {  	_ =	strace $0x90000051  }
0xb6: {  	_ =	sfence  }
0xb7: {  	s30 =	sld [smem:$0x0];
	_ =	sdelay $0x2  }
0xb8: {  	s31 =	sshll.u32 s1, $0xD;
	s1 =	sshrl.u32 s1, $0x2  }
0xb9: {  	s3 =	sand.u32 $0x4000, s31;
	s1 =	sadd.s32 s1, s30  }
0xba: {  	s0 =	sor.u32 s3, s0;
	s1 =	sshll.u32 s1, $0x11  }
0xbb: {  	s0 =	sor.u32 s1, s0  }
0xbc: {  	s0 =	sadd.s32 $0x8F2B, s0  }
0xbd: {  	[sflag:s0] =	ssyncadd.remote.s32 $0x1  }
0xbe: {  	_ =	sfence.sel $0xFFFF  }
0xbf: {  	[dreg:$0x0] =	wrdreg $0xFFFFFFFF;
	(pc) =	sbr.abs _section_cstart, $3  }
0xc0: {  	[dreg:$0x1] =	wrdreg $0xFFFFFFFF  }
0xc1: {  	_ =	task.clear_ibuf [dreg:s6], $0x2FFFF;
	_ =	strace $0x9FFFFFFF  }
0xc2: {  	(tm) =	ssettm $0x7FFFFFFF  }
0xc3: {  	_ =	shalt  }
tec
execute0_lowered:
.L_overlay_start_1:
0x0: {  	(tag) =	ssettag $0x1  }
0x1: {  	s0 =	rddreg [dreg:$0x0]  }
0x2: {  	s2 =	rddreg [dreg:$0x1]  }
0x3: {  	s11 =	stileid.u32;
	s1 =	srdreg.scid;
	s3 =	simm.s32 $0x0  }
0x4: {  	s14 =	simm.s32 $0x5;
	s15 =	simm.s32 $0x3C00;
	s16 =	simm.s32 $0x40  }
0x5: {  	s17 =	simm.s32 $0x7800;
	s18 =	simm.s32 $0x9800;
	s19 =	simm.s32 $0x1  }
0x6: {  	s20 =	simm.s32 $0x3;
	s28 =	simm.s32 $0x4FC0;
	s29 =	simm.s32 $0x3BC0  }
0x7: {  	s30 =	simm.s32 $0x7780;
	s31 =	simm.s32 $0x77C0;
	s5 =	smul.u32 $0x14000, s11  }
0x8: {  	s1 =	sand.u32 $0x1, s1;
	[smem:$0x7FF] =	sst s3;
	s8 =	smul.u32 $0x50000, s11  }
0x9: {  	s4 =	sadd.s32 $0x53C00, s0;
	s9 =	sadd.s32 $0xDC00, s0;
	s24 =	smul.u32 $0x1400, s11  }
0xa: {  	s10 =	sadd.s32 $0x3C00, s0;
	s25 =	sshll.u32 s11, $0x6;
	s11 =	smul.u32 $0x780, s11  }
0xb: {  	s6 =	smul.u32 $0x140000, s1;
	_ =	strace $0x80000050;
	s21 =	ssub.s32 $0x2, s1  }
0xc: {  	p0 =	seq.s32 s1, $0x1;
	s7 =	sshrl.u32 s5, $0x3;
	s22 =	sshrl.u32 s21, $0x1  }
0xd: {  	s23 =	sshrl.u32 s8, $0x2;
	s8 =	sshrl.u32 s24, $0x3;
	s24 =	simm.s32 $0x4  }
0xe: {  	s5 =	sadd.s32 s5, s6;
	s7 =	sadd.s32 s7, s0;
	s12 =	ssub.s32 s21, s22  }
0xf: {  	s13 =	sadd.s32 s23, s2;
	s6 =	sor.u32 $0x1C05, s25;
	s26 =	sadd.s32 $0x7800, s8  }
.Ltmp0:
0x10: {  	s8 =	sadd.s32 s10, s11;
	s21 =	simm.s32 $0x80;
	(pc) =	sbr.rel .LBB2_1-.Ltmp0, $4  }
0x11: {  	s22 =	simm.s32 $0x2;
	s23 =	simm.s32 $0x3C40;
	s5 =	sshrl.u32 s5, $0x3  }
0x12: {  	s10 =	sadd.s32 s10, s26;
	s12 =	smax.u32 s12, $0x1;
	s13 =	sshrl.u32 s13, $0x3  }
0x13: {  	s0 =	sadd.s32 s5, s0;
	s5 =	sadd.s32 $0x2BC00, s7;
	s7 =	sadd.s32 s9, s11  }
0x14: {  	s9 =	sadd.s32 s9, s26;
	s11 =	sadd.s32 $0x7BC00, s0;
	s0 =	simm.s32 $0x0  }
.LBB2_7:
0x15: {  	[spmem:s2] =	stream.indirect.scatter.add.f32 [tilespmem:s18], [sflag:$0x4], $0x80, s25, s16, $0xb8;
	[tilespmem:$0x1F800] =	vst v63  }
0x16: {  	_ =	swait.ge [sflag:s24], $0x2000  }
0x17: {  	[sflag:s24] =	ssyncset.done $0x0  }
0x18: {  	s1 =	simm.s32 $0x13C0;
	[sflag:s24] =	ssyncadd.s32 $0xFFFFE000  }
0x19: {  	[tilespmem:s18], [sflag:$0x2] =	stream.indirect.gather [hbm4b:s4+s16], $0x80, s1, s16, $0xb8;
	[tilespmem:$0x1F800] =	vst v63  }
0x1a: {  	_ =	swait.ge [sflag:s19], $0x2000  }
0x1b: {  	[sflag:s19] =	ssyncset.done $0x0  }
0x1c: {  	s26 =	simm.s32 $0x4F80;
	[sflag:s19] =	ssyncadd.s32 $0xFFFFE000  }
0x1d: {  	[spmem:s2] =	stream.indirect.scatter.add.f32 [tilespmem:s17], [sflag:$0x3], $0x80, s26, s16, $0xb8;
	[tilespmem:$0x1F800] =	vst v63  }
0x1e: {  	_ =	swait.ge [sflag:s20], $0x2000  }
0x1f: {  	[sflag:s20] =	ssyncset.done $0x0  }
0x20: {  	[sflag:s20] =	ssyncadd.s32 $0xFFFFE000  }
0x21: {  	_ =	swait.ge [sflag:s22], $0x2000  }
0x22: {  	[sflag:s22] =	ssyncset.done $0x0  }
0x23: {  	[sflag:s22] =	ssyncadd.s32 $0xFFFFE000  }
0x24: {  	[spmem:s2] =	stream.indirect.scatter.add.f32 [tilespmem:s18], [sflag:$0x4], $0x80, s28, s16, $0xb8;
	[tilespmem:$0x1F800] =	vst v63  }
.LBB2_8:
0x25: {  	_ =	swait.ge [sflag:s24], $0x2000  }
0x26: {  	s0 =	sadd.s32 $0x1, s0;
	[sflag:s24] =	ssyncset.done $0x0  }
0x27: {  	p1 =	sne.s32 s0, s12;
	[sflag:s24] =	ssyncadd.s32 $0xFFFFE000  }
.Ltmp1:
0x28: {  	[bflag:$0x0] =	sbarrier.arrive $0xFFFF;
	(pc) =	sbr.rel @!p1 .LBB2_9-.Ltmp1, $4  }
0x29: {  	[hbm:s11], [sflag:s6] =	dma.local [spmem:s13], $0x2800  }
0x2a: {  	_ =	swait.ge [sflag:s14], $0x2800  }
0x2b: {  	[sflag:s14] =	ssyncset.done $0x0  }
0x2c: {  	[sflag:s14] =	ssyncadd.s32 $0xFFFFD800  }
.LBB2_1:
.Ltmp2:
0x2d: {  	(pc) =	sbr.rel @!p0 .LBB2_2-.Ltmp2, $4  }
0x2e: {  	[spmem:s13], [sflag:s6] =	dma.local [hbm:s5], $0x2800  }
0x2f: {  	_ =	swait.ge [sflag:s14], $0x2800  }
0x30: {  	[sflag:s14] =	ssyncset.done $0x0  }
0x31: {  	[sflag:s14] =	ssyncadd.s32 $0xFFFFD800  }
0x32: {  	[tilespmem:s3], [sflag:$0x5] =	stream.linear.gather [hbm4b:s9+s3], $0x1400, $0x38;
	[tilespmem:$0x1F800] =	vst v63  }
0x33: {  	_ =	swait.ge [sflag:s14], $0x1400  }
0x34: {  	[sflag:s14] =	ssyncset.done $0x0  }
0x35: {  	[sflag:s14] =	ssyncadd.s32 $0xFFFFEC00  }
0x36: {  	[tilespmem:s15], [sflag:$0x5] =	stream.linear.gather [hbm4b:s10+s3], $0x1400, $0x38;
	[tilespmem:$0x1F800] =	vst v63  }
0x37: {  	_ =	swait.ge [sflag:s14], $0x1400  }
0x38: {  	[sflag:s14] =	ssyncset.done $0x0  }
0x39: {  	[sflag:s14] =	ssyncadd.s32 $0xFFFFEC00  }
0x3a: {  	[tilespmem:s17], [sflag:$0x1] =	stream.indirect.gather [hbm4b:s4+s16], $0x80, s3, s16, $0xb8;
	[tilespmem:$0x1F800] =	vst v63  }
0x3b: {  	_ = 	snop  }
0x3c: {  	[tilespmem:s18], [sflag:$0x2] =	stream.indirect.gather [hbm4b:s4+s16], $0x80, s16, s16, $0xb8;
	[tilespmem:$0x1F800] =	vst v63  }
0x3d: {  	_ =	swait.ge [sflag:s19], $0x2000  }
0x3e: {  	[sflag:s19] =	ssyncset.done $0x0  }
0x3f: {  	[sflag:s19] =	ssyncadd.s32 $0xFFFFE000  }
0x40: {  	[spmem:s2] =	stream.indirect.scatter.add.f32 [tilespmem:s17], [sflag:$0x3], $0x80, s15, s16, $0xb8;
	[tilespmem:$0x1F800] =	vst v63  }
0x41: {  	_ =	swait.ge [sflag:s20], $0x2000  }
0x42: {  	[sflag:s20] =	ssyncset.done $0x0  }
0x43: {  	[sflag:s20] =	ssyncadd.s32 $0xFFFFE000  }
0x44: {  	[tilespmem:s17], [sflag:$0x1] =	stream.indirect.gather [hbm4b:s4+s16], $0x80, s21, s16, $0xb8;
	[tilespmem:$0x1F800] =	vst v63  }
0x45: {  	_ =	swait.ge [sflag:s22], $0x2000  }
0x46: {  	[sflag:s22] =	ssyncset.done $0x0  }
0x47: {  	[sflag:s22] =	ssyncadd.s32 $0xFFFFE000  }
0x48: {  	[spmem:s2] =	stream.indirect.scatter.add.f32 [tilespmem:s18], [sflag:$0x4], $0x80, s23, s16, $0xb8;
	[tilespmem:$0x1F800] =	vst v63  }
0x49: {  	_ =	swait.ge [sflag:s24], $0x2000  }
0x4a: {  	[sflag:s24] =	ssyncset.done $0x0  }
0x4b: {  	s1 =	simm.s32 $0xC0;
	[sflag:s24] =	ssyncadd.s32 $0xFFFFE000  }
0x4c: {  	[tilespmem:s18], [sflag:$0x2] =	stream.indirect.gather [hbm4b:s4+s16], $0x80, s1, s16, $0xb8;
	[tilespmem:$0x1F800] =	vst v63  }
0x4d: {  	_ =	swait.ge [sflag:s19], $0x2000  }
0x4e: {  	[sflag:s19] =	ssyncset.done $0x0  }
0x4f: {  	s25 =	simm.s32 $0x3C80;
	[sflag:s19] =	ssyncadd.s32 $0xFFFFE000  }
0x50: {  	[spmem:s2] =	stream.indirect.scatter.add.f32 [tilespmem:s17], [sflag:$0x3], $0x80, s25, s16, $0xb8;
	[tilespmem:$0x1F800] =	vst v63  }
0x51: {  	_ =	swait.ge [sflag:s20], $0x2000  }
0x52: {  	[sflag:s20] =	ssyncset.done $0x0  }
0x53: {  	s26 =	simm.s32 $0x100;
	[sflag:s20] =	ssyncadd.s32 $0xFFFFE000  }
0x54: {  	[tilespmem:s17], [sflag:$0x1] =	stream.indirect.gather [hbm4b:s4+s16], $0x80, s26, s16, $0xb8;
	[tilespmem:$0x1F800] =	vst v63  }
0x55: {  	_ =	swait.ge [sflag:s22], $0x2000  }
0x56: {  	[sflag:s22] =	ssyncset.done $0x0  }
0x57: {  	s1 =	simm.s32 $0xFFFFB600;
	s25 =	simm.s32 $0x3CC0;
	[sflag:s22] =	ssyncadd.s32 $0xFFFFE000  }
.LBB2_6:
0x58: {  	[spmem:s2] =	stream.indirect.scatter.add.f32 [tilespmem:s18], [sflag:$0x4], $0x80, s25, s16, $0xb8;
	[tilespmem:$0x1F800] =	vst v63  }
0x59: {  	s25 =	smov.u32 s1  }
0x5a: {  	p1 =	sne.s32 s1, $0xFFFFFE00;
	s1 =	sadd.s32 $0x200, s1;
	_ =	swait.ge [sflag:s24], $0x2000  }
0x5b: {  	s25 =	sshra.s32 s25, $0x2;
	[sflag:s24] =	ssyncset.done $0x0  }
0x5c: {  	s26 =	sadd.s32 $0x13C0, s25;
	[sflag:s24] =	ssyncadd.s32 $0xFFFFE000  }
0x5d: {  	[tilespmem:s18], [sflag:$0x2] =	stream.indirect.gather [hbm4b:s4+s16], $0x80, s26, s16, $0xb8;
	[tilespmem:$0x1F800] =	vst v63  }
0x5e: {  	_ =	swait.ge [sflag:s19], $0x2000  }
0x5f: {  	[sflag:s19] =	ssyncset.done $0x0  }
0x60: {  	s26 =	sadd.s32 $0x4F80, s25;
	[sflag:s19] =	ssyncadd.s32 $0xFFFFE000  }
0x61: {  	[spmem:s2] =	stream.indirect.scatter.add.f32 [tilespmem:s17], [sflag:$0x3], $0x80, s26, s16, $0xb8;
	[tilespmem:$0x1F800] =	vst v63  }
0x62: {  	_ =	swait.ge [sflag:s20], $0x2000  }
0x63: {  	[sflag:s20] =	ssyncset.done $0x0  }
.Ltmp3:
0x64: {  	s26 =	sadd.s32 $0x1400, s25;
	[sflag:s20] =	ssyncadd.s32 $0xFFFFE000;
	(pc) =	sbr.rel @p1 .LBB2_6-.Ltmp3, $4  }
0x65: {  	[tilespmem:s17], [sflag:$0x1] =	stream.indirect.gather [hbm4b:s4+s16], $0x80, s26, s16, $0xb8;
	[tilespmem:$0x1F800] =	vst v63  }
0x66: {  	_ =	swait.ge [sflag:s22], $0x2000  }
0x67: {  	[sflag:s22] =	ssyncset.done $0x0  }
0x68: {  	s25 =	sadd.s32 $0x4FC0, s25;
	[sflag:s22] =	ssyncadd.s32 $0xFFFFE000  }
.Ltmp4:
0x69: {  	_ = 	snop;
	(pc) =	sbr.rel .LBB2_7-.Ltmp4, $1  }
0x6a: {  	_ =	sdelay $0x3  }
.LBB2_2:
0x6b: {  	[tilespmem:s3], [sflag:$0x5] =	stream.linear.gather [hbm4b:s7+s3], $0x3C00, $0x38;
	[tilespmem:$0x1F800] =	vst v63  }
0x6c: {  	_ =	swait.ge [sflag:s14], $0x3C00  }
0x6d: {  	[sflag:s14] =	ssyncset.done $0x0  }
0x6e: {  	[sflag:s14] =	ssyncadd.s32 $0xFFFFC400  }
0x6f: {  	[tilespmem:s15], [sflag:$0x5] =	stream.linear.gather [hbm4b:s8+s3], $0x3C00, $0x38;
	[tilespmem:$0x1F800] =	vst v63  }
0x70: {  	_ =	swait.ge [sflag:s14], $0x3C00  }
0x71: {  	[sflag:s14] =	ssyncset.done $0x0  }
0x72: {  	[sflag:s14] =	ssyncadd.s32 $0xFFFFC400  }
0x73: {  	[tilespmem:s17], [sflag:$0x1] =	stream.indirect.gather [hbm4b:s4+s16], $0x80, s3, s16, $0xb8;
	[tilespmem:$0x1F800] =	vst v63  }
0x74: {  	_ = 	snop  }
0x75: {  	[tilespmem:s18], [sflag:$0x2] =	stream.indirect.gather [hbm4b:s4+s16], $0x80, s16, s16, $0xb8;
	[tilespmem:$0x1F800] =	vst v63  }
0x76: {  	_ =	swait.ge [sflag:s19], $0x2000  }
0x77: {  	[sflag:s19] =	ssyncset.done $0x0  }
0x78: {  	[sflag:s19] =	ssyncadd.s32 $0xFFFFE000  }
0x79: {  	[spmem:s2] =	stream.indirect.scatter.add.f32 [tilespmem:s17], [sflag:$0x3], $0x80, s15, s16, $0xb8;
	[tilespmem:$0x1F800] =	vst v63  }
0x7a: {  	_ =	swait.ge [sflag:s20], $0x2000  }
0x7b: {  	[sflag:s20] =	ssyncset.done $0x0  }
0x7c: {  	[sflag:s20] =	ssyncadd.s32 $0xFFFFE000  }
0x7d: {  	[tilespmem:s17], [sflag:$0x1] =	stream.indirect.gather [hbm4b:s4+s16], $0x80, s21, s16, $0xb8;
	[tilespmem:$0x1F800] =	vst v63  }
0x7e: {  	_ =	swait.ge [sflag:s22], $0x2000  }
0x7f: {  	[sflag:s22] =	ssyncset.done $0x0  }
0x80: {  	[sflag:s22] =	ssyncadd.s32 $0xFFFFE000  }
0x81: {  	[spmem:s2] =	stream.indirect.scatter.add.f32 [tilespmem:s18], [sflag:$0x4], $0x80, s23, s16, $0xb8;
	[tilespmem:$0x1F800] =	vst v63  }
0x82: {  	_ =	swait.ge [sflag:s24], $0x2000  }
0x83: {  	[sflag:s24] =	ssyncset.done $0x0  }
0x84: {  	s1 =	simm.s32 $0xC0;
	[sflag:s24] =	ssyncadd.s32 $0xFFFFE000  }
0x85: {  	[tilespmem:s18], [sflag:$0x2] =	stream.indirect.gather [hbm4b:s4+s16], $0x80, s1, s16, $0xb8;
	[tilespmem:$0x1F800] =	vst v63  }
0x86: {  	_ =	swait.ge [sflag:s19], $0x2000  }
0x87: {  	[sflag:s19] =	ssyncset.done $0x0  }
0x88: {  	s25 =	simm.s32 $0x3C80;
	[sflag:s19] =	ssyncadd.s32 $0xFFFFE000  }
0x89: {  	[spmem:s2] =	stream.indirect.scatter.add.f32 [tilespmem:s17], [sflag:$0x3], $0x80, s25, s16, $0xb8;
	[tilespmem:$0x1F800] =	vst v63  }
0x8a: {  	_ =	swait.ge [sflag:s20], $0x2000  }
0x8b: {  	[sflag:s20] =	ssyncset.done $0x0  }
0x8c: {  	s26 =	simm.s32 $0x100;
	[sflag:s20] =	ssyncadd.s32 $0xFFFFE000  }
0x8d: {  	[tilespmem:s17], [sflag:$0x1] =	stream.indirect.gather [hbm4b:s4+s16], $0x80, s26, s16, $0xb8;
	[tilespmem:$0x1F800] =	vst v63  }
0x8e: {  	_ =	swait.ge [sflag:s22], $0x2000  }
0x8f: {  	[sflag:s22] =	ssyncset.done $0x0  }
0x90: {  	s1 =	simm.s32 $0xFFFF1600;
	s25 =	simm.s32 $0x3CC0;
	[sflag:s22] =	ssyncadd.s32 $0xFFFFE000  }
.LBB2_3:
0x91: {  	[spmem:s2] =	stream.indirect.scatter.add.f32 [tilespmem:s18], [sflag:$0x4], $0x80, s25, s16, $0xb8;
	[tilespmem:$0x1F800] =	vst v63  }
0x92: {  	s25 =	smov.u32 s1  }
0x93: {  	p1 =	seq.s32 s1, $0xFFFFFE00;
	s1 =	sadd.s32 $0x200, s1;
	_ =	swait.ge [sflag:s24], $0x2000  }
0x94: {  	s25 =	sshra.s32 s25, $0x2;
	[sflag:s24] =	ssyncset.done $0x0  }
0x95: {  	s26 =	sadd.s32 $0x3BC0, s25;
	[sflag:s24] =	ssyncadd.s32 $0xFFFFE000  }
0x96: {  	[tilespmem:s18], [sflag:$0x2] =	stream.indirect.gather [hbm4b:s4+s16], $0x80, s26, s16, $0xb8;
	[tilespmem:$0x1F800] =	vst v63  }
0x97: {  	_ =	swait.ge [sflag:s19], $0x2000  }
0x98: {  	[sflag:s19] =	ssyncset.done $0x0  }
0x99: {  	s26 =	sadd.s32 $0x7780, s25;
	[sflag:s19] =	ssyncadd.s32 $0xFFFFE000  }
0x9a: {  	[spmem:s2] =	stream.indirect.scatter.add.f32 [tilespmem:s17], [sflag:$0x3], $0x80, s26, s16, $0xb8;
	[tilespmem:$0x1F800] =	vst v63  }
0x9b: {  	_ =	swait.ge [sflag:s20], $0x2000  }
0x9c: {  	[sflag:s20] =	ssyncset.done $0x0  }
.Ltmp5:
0x9d: {  	s26 =	sadd.s32 $0x3C00, s25;
	[sflag:s20] =	ssyncadd.s32 $0xFFFFE000;
	(pc) =	sbr.rel @!p1 .LBB2_3-.Ltmp5, $4  }
0x9e: {  	[tilespmem:s17], [sflag:$0x1] =	stream.indirect.gather [hbm4b:s4+s16], $0x80, s26, s16, $0xb8;
	[tilespmem:$0x1F800] =	vst v63  }
0x9f: {  	_ =	swait.ge [sflag:s22], $0x2000  }
0xa0: {  	[sflag:s22] =	ssyncset.done $0x0  }
0xa1: {  	s25 =	sadd.s32 $0x77C0, s25;
	[sflag:s22] =	ssyncadd.s32 $0xFFFFE000  }
0xa2: {  	[spmem:s2] =	stream.indirect.scatter.add.f32 [tilespmem:s18], [sflag:$0x4], $0x80, s25, s16, $0xb8;
	[tilespmem:$0x1F800] =	vst v63  }
0xa3: {  	_ =	swait.ge [sflag:s24], $0x2000  }
0xa4: {  	[sflag:s24] =	ssyncset.done $0x0  }
0xa5: {  	[sflag:s24] =	ssyncadd.s32 $0xFFFFE000  }
0xa6: {  	[tilespmem:s18], [sflag:$0x2] =	stream.indirect.gather [hbm4b:s4+s16], $0x80, s29, s16, $0xb8;
	[tilespmem:$0x1F800] =	vst v63  }
0xa7: {  	_ =	swait.ge [sflag:s19], $0x2000  }
0xa8: {  	[sflag:s19] =	ssyncset.done $0x0  }
0xa9: {  	[sflag:s19] =	ssyncadd.s32 $0xFFFFE000  }
0xaa: {  	[spmem:s2] =	stream.indirect.scatter.add.f32 [tilespmem:s17], [sflag:$0x3], $0x80, s30, s16, $0xb8;
	[tilespmem:$0x1F800] =	vst v63  }
0xab: {  	_ =	swait.ge [sflag:s20], $0x2000  }
0xac: {  	[sflag:s20] =	ssyncset.done $0x0  }
.Ltmp6:
0xad: {  	[sflag:s20] =	ssyncadd.s32 $0xFFFFE000;
	(pc) =	sbr.rel .LBB2_8-.Ltmp6, $4  }
0xae: {  	_ =	swait.ge [sflag:s22], $0x2000  }
0xaf: {  	[sflag:s22] =	ssyncset.done $0x0  }
0xb0: {  	[sflag:s22] =	ssyncadd.s32 $0xFFFFE000  }
0xb1: {  	[spmem:s2] =	stream.indirect.scatter.add.f32 [tilespmem:s18], [sflag:$0x4], $0x80, s31, s16, $0xb8;
	[tilespmem:$0x1F800] =	vst v63  }
.LBB2_9:
0xb2: {  	_ =	sfence.sel $0x180000  }
0xb3: {  	[bflag:$0x0] =	sbarrier.arrive $0xFFFF  }
0xb4: {  	_ =	strace $0x90000050  }
0xb5: {  	s0 =	stileid.u32;
	[bflag:$0x2] =	sbarrier.arrive $0xFFFF  }
0xb6: {  	p0 =	sne.s32 s0, $0x0;
	s0 =	rddreg [dreg:$0x2]  }
0xb7: {  	s0 =	sadd.s32 @!p0 $0x100000, s0  }
0xb8: {  	[sflag:s0] =	ssyncadd.tile.s32 @!p0 $0x1;
	_ =	shalt  }
.Lfunc_end2:
_tile_overlayer_lowered:
.L_overlay_start_2:
0xb9: {  	(tag) =	ssettag $0x2  }
0xba: {  	s0 =	rddreg [dreg:$0x0];
	s2 =	stileid.u32  }
0xbb: {  	s1 =	rddreg [dreg:$0x1];
	p0 =	sne.s32 s2, $0x0  }
0xbc: {  	s3 =	rddreg [dreg:$0x2];
	[bflag:$0x3] =	sbarrier.arrive $0xFFFF;
	s2 =	simm.s32 @!p0 $0x1C05  }
0xbd: {  	[timem:s3], [sflag:s2] =	dma.local @!p0 [hbm:s0], s1  }
0xbe: {  	s0 =	simm.s32 @!p0 $0x5  }
0xbf: {  	_ =	swait.ge @!p0 [sflag:s0], s1  }
0xc0: {  	s1 =	ssub.s32 @!p0 $0x0, s1;
	[sflag:s0] =	ssyncset.done @!p0 $0x0  }
0xc1: {  	[sflag:s0] =	ssyncadd.s32 @!p0 s1  }
0xc2: {  	[bflag:$0x3] =	sbarrier.arrive $0xFFFF  }
0xc3: {  	_ =	shalt  }

</sc_bundles>
